<compile_context>
chip_gen: v7x
topology: tpu7x:2x2x1
jax: 0.10.2.dev20260603
libtpu: 0.0.44.dev20260713+nightly
codegen_flags: <defaults>
</compile_context>

<pallas_src>
import functools
import math

import jax
import jax.numpy as jnp
from jax import lax
from jax.experimental import pallas as pl
from jax.experimental.pallas import tpu as pltpu
from jax.experimental.pallas import tpu_sc as plsc


def _make_sc_gather(E, n_nodes, n_edge_types, n_types):
    info = plsc.get_sparse_core_info()
    NC, NS = info.num_cores, info.num_subcores
    NW = NC * NS
    C = E // NW
    assert E % NW == 0 and C % 8 == 0 and C >= 16, E
    n_groups = (C + 15) // 16
    mesh = plsc.VectorSubcoreMesh(core_axis_name="c", subcore_axis_name="s")

    @functools.partial(
        pl.kernel,
        mesh=mesh,
        compiler_params=pltpu.CompilerParams(needs_layout_passes=False),
        out_type=[
            jax.ShapeDtypeStruct((E,), jnp.float32),
            jax.ShapeDtypeStruct((E,), jnp.float32),
            jax.ShapeDtypeStruct((E,), jnp.float32),
        ],
        scratch_types=[
            pltpu.VMEM((n_nodes,), jnp.float32),
            pltpu.VMEM((n_nodes,), jnp.float32),
            pltpu.VMEM((n_nodes,), jnp.float32),
            pltpu.VMEM((n_nodes,), jnp.int32),
            pltpu.VMEM((n_edge_types,), jnp.float32),
            pltpu.VMEM((n_edge_types,), jnp.float32),
            pltpu.VMEM((C,), jnp.int32),
            pltpu.VMEM((C,), jnp.int32),
            pltpu.VMEM((C,), jnp.float32),
            pltpu.VMEM((C,), jnp.float32),
            pltpu.VMEM((C,), jnp.float32),
            pltpu.SemaphoreType.DMA,
        ],
    )
    def sc_gather(px_h, py_h, pz_h, atom_h, mulw_h, biasw_h, ei_h, ej_h,
                  d2_h, mul_h, bias_h,
                  px_v, py_v, pz_v, atom_v, mulw_v, biasw_v,
                  ei_v, ej_v, d2_v, mul_v, bias_v, sem):
        wid = lax.axis_index("s") * NC + lax.axis_index("c")
        base = wid * C
        copies = [
            pltpu.async_copy(px_h, px_v, sem),
            pltpu.async_copy(py_h, py_v, sem),
            pltpu.async_copy(pz_h, pz_v, sem),
            pltpu.async_copy(atom_h, atom_v, sem),
            pltpu.async_copy(mulw_h, mulw_v, sem),
            pltpu.async_copy(biasw_h, biasw_v, sem),
            pltpu.async_copy(ei_h.at[pl.ds(base, C)], ei_v, sem),
            pltpu.async_copy(ej_h.at[pl.ds(base, C)], ej_v, sem),
        ]
        for cp in copies:
            cp.wait()

        def body(i, carry):
            off = jnp.minimum(i * 16, C - 16)
            ei = ei_v[pl.ds(off, 16)]
            ej = ej_v[pl.ds(off, 16)]
            xi = plsc.load_gather(px_v, [ei])
            yi = plsc.load_gather(py_v, [ei])
            zi = plsc.load_gather(pz_v, [ei])
            xj = plsc.load_gather(px_v, [ej])
            yj = plsc.load_gather(py_v, [ej])
            zj = plsc.load_gather(pz_v, [ej])
            dx = xi - xj
            dy = yi - yj
            dz = zi - zj
            d2 = dx * dx + dy * dy + dz * dz
            ai = plsc.load_gather(atom_v, [ei])
            aj = plsc.load_gather(atom_v, [ej])
            t = ai * n_types + aj
            mul = plsc.load_gather(mulw_v, [t])
            bias = plsc.load_gather(biasw_v, [t])
            d2_v[pl.ds(off, 16)] = d2
            mul_v[pl.ds(off, 16)] = mul
            bias_v[pl.ds(off, 16)] = bias
            return carry

        lax.fori_loop(0, n_groups, body, 0)
        wb = [
            pltpu.async_copy(d2_v, d2_h.at[pl.ds(base, C)], sem),
            pltpu.async_copy(mul_v, mul_h.at[pl.ds(base, C)], sem),
            pltpu.async_copy(bias_v, bias_h.at[pl.ds(base, C)], sem),
        ]
        for cp in wb:
            cp.wait()

    return sc_gather


def _tc_rbf_chunk(d2, mul, bias, means, stds, prev, chunk_idx, n_chunks,
                  E, block_e):
    ch = d2.shape[0]
    G = means.shape[1]
    inv_a = 1.0 / math.sqrt(2.0 * math.pi)
    log2e = math.log2(math.e)
    rows = block_e // G
    nblk = ch // block_e
    nblk_total = E // block_e
    blk0 = chunk_idx * nblk

    def body(d2_ref, mul_ref, bias_ref, means_ref, stds_ref, *rest):
        out_ref, len_ref = rest[-2], rest[-1]
        length_t = jnp.sqrt(d2_ref[0])
        x_t = mul_ref[0] * length_t + bias_ref[0]
        xT = x_t.T
        std = jnp.abs(stds_ref[...]) + 1e-5
        inv = 1.0 / std
        lc = jnp.log2(inv * inv_a)
        neg_half_log2e = -0.5 * log2e
        for r in range(rows):
            col = jax.lax.slice(xT, (0, r), (G, r + 1))
            z = (col - means_ref[...]) * inv
            out_ref[pl.ds(r * G, G), :] = jnp.exp2((z * z) * neg_half_log2e + lc)
        len_ref[0] = length_t

    in_specs = [
        pl.BlockSpec((1, rows, G), lambda i: (i, 0, 0)),
        pl.BlockSpec((1, rows, G), lambda i: (i, 0, 0)),
        pl.BlockSpec((1, rows, G), lambda i: (i, 0, 0)),
        pl.BlockSpec((1, G), lambda i: (0, 0)),
        pl.BlockSpec((1, G), lambda i: (0, 0)),
    ]
    args = [d2.reshape(nblk, rows, G), mul.reshape(nblk, rows, G),
            bias.reshape(nblk, rows, G), means, stds]
    aliases = {}
    if prev is not None:
        in_specs += [pl.BlockSpec(memory_space=pl.ANY),
                     pl.BlockSpec(memory_space=pl.ANY)]
        args += [prev[0], prev[1]]
        aliases = {5: 0, 6: 1}

    return pl.pallas_call(
        body,
        grid=(nblk,),
        in_specs=in_specs,
        out_specs=[
            pl.BlockSpec((block_e, G), lambda i: (i + blk0, 0)),
            pl.BlockSpec((1, rows, G), lambda i: (i + blk0, 0, 0)),
        ],
        out_shape=[
            jax.ShapeDtypeStruct((E, G), jnp.float32),
            jax.ShapeDtypeStruct((nblk_total, rows, G), jnp.float32),
        ],
        input_output_aliases=aliases,
    )(*args)


def kernel(pos, edge_index, atom_ind, means, stds, mul_w, bias_w):
    E = edge_index.shape[1]
    n_nodes = pos.shape[0]
    n_edge_types = mul_w.shape[0]
    n_types = int(round(math.sqrt(n_edge_types)))
    n_chunks = 1
    ch = E // n_chunks
    block_e = 32000

    px, py, pz = pos[:, 0], pos[:, 1], pos[:, 2]
    mw, bw = mul_w.reshape(-1), bias_w.reshape(-1)
    sc = _make_sc_gather(ch, n_nodes, n_edge_types, n_types)

    prev = None
    for c in range(n_chunks):
        lo = c * ch
        d2, mul, bias = sc(px, py, pz, atom_ind, mw, bw,
                           jax.lax.slice(edge_index[0], (lo,), (lo + ch,)),
                           jax.lax.slice(edge_index[1], (lo,), (lo + ch,)))
        prev = _tc_rbf_chunk(d2, mul, bias, means, stds, prev, c, n_chunks,
                             E, block_e)
    out, length = prev
    return out.astype(means.dtype), length.reshape(E, 1)

# --- scband reference (transcript-rebuilt; emitter-appended) ---
"""Pipeline reference for scband-gaussian-layer-59072980189789 (READ-ONLY COPY).

The authoritative reference and input builder live on the scoring server;
editing this copy changes nothing except your own understanding.
"""

import jax, jax.numpy as jnp
import numpy as np

N_NODES = 10000
N_EDGES = 320000
N_TYPES = 100
NUM_GAUSSIANS = 128
N_EDGE_TYPES = N_TYPES * N_TYPES


def setup_inputs(seed: int = 0) -> dict:
    key = jax.random.key(seed)
    k1, k2, k3, k4, k5 = jax.random.split(key, 5)
    pos = jax.random.normal(k1, (N_NODES, 3), dtype=jnp.float32) * 5.0
    edge_index = jax.random.randint(k2, (2, N_EDGES), 0, N_NODES, dtype=jnp.int32)
    atom_ind = jax.random.randint(k3, (N_NODES,), 0, N_TYPES, dtype=jnp.int32)
    # Learned parameters (nn.Embedding weights)
    means = jax.random.uniform(k4, (1, NUM_GAUSSIANS), minval=0.0, maxval=3.0, dtype=jnp.float32)
    stds = jax.random.uniform(k5, (1, NUM_GAUSSIANS), minval=0.0, maxval=3.0, dtype=jnp.float32)
    mul_w = jnp.ones((N_EDGE_TYPES, 1), dtype=jnp.float32)
    bias_w = jnp.zeros((N_EDGE_TYPES, 1), dtype=jnp.float32)
    return {"pos": pos, "edge_index": edge_index, "atom_ind": atom_ind,
            "means": means, "stds": stds, "mul_w": mul_w, "bias_w": bias_w}


def reference(pos, edge_index, atom_ind, means, stds, mul_w, bias_w):
    # gather node positions and atom types for each edge endpoint
    pos_i = jnp.take(pos, edge_index[0], axis=0)
    pos_j = jnp.take(pos, edge_index[1], axis=0)
    atom_i = jnp.take(atom_ind, edge_index[0], axis=0)
    atom_j = jnp.take(atom_ind, edge_index[1], axis=0)
    # directed edge types
    edge_types = atom_i * N_TYPES + atom_j
    x = jnp.linalg.norm(pos_i - pos_j, axis=-1, keepdims=True)  # [E, 1]
    length = x
    mul = jnp.take(mul_w, edge_types, axis=0)   # [E, 1]
    bias = jnp.take(bias_w, edge_types, axis=0)  # [E, 1]
    x = mul * x + bias
    x = jnp.broadcast_to(x, (x.shape[0], NUM_GAUSSIANS))
    mean = means.reshape(-1)
    std = jnp.abs(stds.reshape(-1)) + 1e-05
    a = (2 * np.pi) ** 0.5
    out = jnp.exp(-0.5 * ((x.astype(jnp.float32) - mean) / std) ** 2) / (std * a)
    return (out.astype(means.dtype), length)

if __name__ == "__main__":
    import jax
    _d = setup_inputs()
    print(jax.jit(kernel)(*tuple(_d.values())))

</pallas_src>

<mosaic_0001>
#map = affine_map<(d0, d1) -> (0)>
module attributes {stable_mosaic.version = 14 : i64} {
  func.func @sc_gather(%arg0: i32, %arg1: i32, %arg2: memref<10000xf32, #tpu.memory_space<hbm>>, %arg3: memref<10000xf32, #tpu.memory_space<hbm>>, %arg4: memref<10000xf32, #tpu.memory_space<hbm>>, %arg5: memref<10000xi32, #tpu.memory_space<hbm>>, %arg6: memref<10000xf32, #tpu.memory_space<hbm>>, %arg7: memref<10000xf32, #tpu.memory_space<hbm>>, %arg8: memref<320000xi32, #tpu.memory_space<hbm>>, %arg9: memref<320000xi32, #tpu.memory_space<hbm>>, %arg10: memref<320000xf32, #tpu.memory_space<hbm>>, %arg11: memref<320000xf32, #tpu.memory_space<hbm>>, %arg12: memref<320000xf32, #tpu.memory_space<hbm>>, %arg13: memref<10000xf32, #tpu.memory_space<vmem>>, %arg14: memref<10000xf32, #tpu.memory_space<vmem>>, %arg15: memref<10000xf32, #tpu.memory_space<vmem>>, %arg16: memref<10000xi32, #tpu.memory_space<vmem>>, %arg17: memref<10000xf32, #tpu.memory_space<vmem>>, %arg18: memref<10000xf32, #tpu.memory_space<vmem>>, %arg19: memref<10000xi32, #tpu.memory_space<vmem>>, %arg20: memref<10000xi32, #tpu.memory_space<vmem>>, %arg21: memref<10000xf32, #tpu.memory_space<vmem>>, %arg22: memref<10000xf32, #tpu.memory_space<vmem>>, %arg23: memref<10000xf32, #tpu.memory_space<vmem>>, %arg24: memref<!tpu.dma_semaphore, #tpu.memory_space<semaphore_mem>>) attributes {dimension_semantics = [#tpu.dimension_semantics<core_parallel>, #tpu.dimension_semantics<subcore_parallel>], iteration_bounds = array<i64: 2, 16>, scalar_prefetch = 0 : i64, scratch_operands = 12 : i64, tpu.core_type = #tpu.core_type<sc_vector_subcore>, window_params = [{transform_indices = #map}, {transform_indices = #map}, {transform_indices = #map}, {transform_indices = #map}, {transform_indices = #map}, {transform_indices = #map}, {transform_indices = #map}, {transform_indices = #map}, {transform_indices = #map}, {transform_indices = #map}, {transform_indices = #map}]} {
    %mul3A = arith.constant 2 : i32
    %mul3A_0 = arith.muli %arg1, %mul3A : i32
    %add3A = arith.addi %mul3A_0, %arg0 : i32
    %mul3A_1 = arith.constant 10000 : i32
    %mul3A_2 = arith.muli %add3A, %mul3A_1 : i32
    tpu.enqueue_dma source(%arg2 : memref<10000xf32, #tpu.memory_space<hbm>>) target(%arg13 : memref<10000xf32, #tpu.memory_space<vmem>>) target_semaphore(%arg24 : memref<!tpu.dma_semaphore, #tpu.memory_space<semaphore_mem>>)
    tpu.enqueue_dma source(%arg3 : memref<10000xf32, #tpu.memory_space<hbm>>) target(%arg14 : memref<10000xf32, #tpu.memory_space<vmem>>) target_semaphore(%arg24 : memref<!tpu.dma_semaphore, #tpu.memory_space<semaphore_mem>>)
    tpu.enqueue_dma source(%arg4 : memref<10000xf32, #tpu.memory_space<hbm>>) target(%arg15 : memref<10000xf32, #tpu.memory_space<vmem>>) target_semaphore(%arg24 : memref<!tpu.dma_semaphore, #tpu.memory_space<semaphore_mem>>)
    tpu.enqueue_dma source(%arg5 : memref<10000xi32, #tpu.memory_space<hbm>>) target(%arg16 : memref<10000xi32, #tpu.memory_space<vmem>>) target_semaphore(%arg24 : memref<!tpu.dma_semaphore, #tpu.memory_space<semaphore_mem>>)
    tpu.enqueue_dma source(%arg6 : memref<10000xf32, #tpu.memory_space<hbm>>) target(%arg17 : memref<10000xf32, #tpu.memory_space<vmem>>) target_semaphore(%arg24 : memref<!tpu.dma_semaphore, #tpu.memory_space<semaphore_mem>>)
    tpu.enqueue_dma source(%arg7 : memref<10000xf32, #tpu.memory_space<hbm>>) target(%arg18 : memref<10000xf32, #tpu.memory_space<vmem>>) target_semaphore(%arg24 : memref<!tpu.dma_semaphore, #tpu.memory_space<semaphore_mem>>)
    %dma_start3A = tpu.memref_slice %arg8[%mul3A_2] : memref<320000xi32, #tpu.memory_space<hbm>> -> memref<10000xi32, #tpu.memory_space<hbm>>
    %dma_start3A_3 = tpu.memref_slice %arg8[%mul3A_2] : memref<320000xi32, #tpu.memory_space<hbm>> -> memref<10000xi32, #tpu.memory_space<hbm>>
    tpu.enqueue_dma source(%dma_start3A_3 : memref<10000xi32, #tpu.memory_space<hbm>>) target(%arg19 : memref<10000xi32, #tpu.memory_space<vmem>>) target_semaphore(%arg24 : memref<!tpu.dma_semaphore, #tpu.memory_space<semaphore_mem>>)
    %dma_start3A_4 = tpu.memref_slice %arg9[%mul3A_2] : memref<320000xi32, #tpu.memory_space<hbm>> -> memref<10000xi32, #tpu.memory_space<hbm>>
    %dma_start3A_5 = tpu.memref_slice %arg9[%mul3A_2] : memref<320000xi32, #tpu.memory_space<hbm>> -> memref<10000xi32, #tpu.memory_space<hbm>>
    tpu.enqueue_dma source(%dma_start3A_5 : memref<10000xi32, #tpu.memory_space<hbm>>) target(%arg20 : memref<10000xi32, #tpu.memory_space<vmem>>) target_semaphore(%arg24 : memref<!tpu.dma_semaphore, #tpu.memory_space<semaphore_mem>>)
    tpu.wait_dma2 semaphore(%arg24 : memref<!tpu.dma_semaphore, #tpu.memory_space<semaphore_mem>>) src(%arg2 : memref<10000xf32, #tpu.memory_space<hbm>>) dst(%arg13 : memref<10000xf32, #tpu.memory_space<vmem>>)
    tpu.wait_dma2 semaphore(%arg24 : memref<!tpu.dma_semaphore, #tpu.memory_space<semaphore_mem>>) src(%arg3 : memref<10000xf32, #tpu.memory_space<hbm>>) dst(%arg14 : memref<10000xf32, #tpu.memory_space<vmem>>)
    tpu.wait_dma2 semaphore(%arg24 : memref<!tpu.dma_semaphore, #tpu.memory_space<semaphore_mem>>) src(%arg4 : memref<10000xf32, #tpu.memory_space<hbm>>) dst(%arg15 : memref<10000xf32, #tpu.memory_space<vmem>>)
    tpu.wait_dma2 semaphore(%arg24 : memref<!tpu.dma_semaphore, #tpu.memory_space<semaphore_mem>>) src(%arg5 : memref<10000xi32, #tpu.memory_space<hbm>>) dst(%arg16 : memref<10000xi32, #tpu.memory_space<vmem>>)
    tpu.wait_dma2 semaphore(%arg24 : memref<!tpu.dma_semaphore, #tpu.memory_space<semaphore_mem>>) src(%arg6 : memref<10000xf32, #tpu.memory_space<hbm>>) dst(%arg17 : memref<10000xf32, #tpu.memory_space<vmem>>)
    tpu.wait_dma2 semaphore(%arg24 : memref<!tpu.dma_semaphore, #tpu.memory_space<semaphore_mem>>) src(%arg7 : memref<10000xf32, #tpu.memory_space<hbm>>) dst(%arg18 : memref<10000xf32, #tpu.memory_space<vmem>>)
    %dma_wait3A = tpu.memref_slice %arg8[%mul3A_2] : memref<320000xi32, #tpu.memory_space<hbm>> -> memref<10000xi32, #tpu.memory_space<hbm>>
    %dma_wait3A_6 = tpu.memref_slice %arg8[%mul3A_2] : memref<320000xi32, #tpu.memory_space<hbm>> -> memref<10000xi32, #tpu.memory_space<hbm>>
    tpu.wait_dma2 semaphore(%arg24 : memref<!tpu.dma_semaphore, #tpu.memory_space<semaphore_mem>>) src(%dma_wait3A_6 : memref<10000xi32, #tpu.memory_space<hbm>>) dst(%arg19 : memref<10000xi32, #tpu.memory_space<vmem>>)
    %dma_wait3A_7 = tpu.memref_slice %arg9[%mul3A_2] : memref<320000xi32, #tpu.memory_space<hbm>> -> memref<10000xi32, #tpu.memory_space<hbm>>
    %dma_wait3A_8 = tpu.memref_slice %arg9[%mul3A_2] : memref<320000xi32, #tpu.memory_space<hbm>> -> memref<10000xi32, #tpu.memory_space<hbm>>
    tpu.wait_dma2 semaphore(%arg24 : memref<!tpu.dma_semaphore, #tpu.memory_space<semaphore_mem>>) src(%dma_wait3A_8 : memref<10000xi32, #tpu.memory_space<hbm>>) dst(%arg20 : memref<10000xi32, #tpu.memory_space<vmem>>)
    %scan3A = arith.constant 0 : i32
    %scan3A_9 = arith.constant 0 : i32
    %scan3A_10 = arith.constant 625 : i32
    %scan3A_11 = arith.addi %scan3A_9, %scan3A_10 : i32
    %scan3A_12 = arith.constant 1 : i32
    scf.for %scan3A_26 = %scan3A_9 to %scan3A_11 step %scan3A_12  : i32 {
      %mul3A_27 = arith.constant 16 : i32
      %mul3A_28 = arith.muli %scan3A_26, %mul3A_27 : i32
      %min3A = arith.constant 9984 : i32
      %min3A_29 = arith.minsi %mul3A_28, %min3A : i32
      %get3A = arith.index_cast %min3A_29 : i32 to index
      %get3A_30 = tpu.vector_load %arg19[%get3A] {strides = array<i32>} : memref<10000xi32, #tpu.memory_space<vmem>>, vector<16xi32>,
      %get3A_31 = arith.index_cast %min3A_29 : i32 to index
      %get3A_32 = tpu.vector_load %arg20[%get3A_31] {strides = array<i32>} : memref<10000xi32, #tpu.memory_space<vmem>>, vector<16xi32>,
      %gather3A = tpu.vector_load_idx %arg13[%get3A_30] : memref<10000xf32, #tpu.memory_space<vmem>>[vector<16xi32>], vector<16xf32>,
      %gather3A_33 = tpu.vector_load_idx %arg14[%get3A_30] : memref<10000xf32, #tpu.memory_space<vmem>>[vector<16xi32>], vector<16xf32>,
      %gather3A_34 = tpu.vector_load_idx %arg15[%get3A_30] : memref<10000xf32, #tpu.memory_space<vmem>>[vector<16xi32>], vector<16xf32>,
      %gather3A_35 = tpu.vector_load_idx %arg13[%get3A_32] : memref<10000xf32, #tpu.memory_space<vmem>>[vector<16xi32>], vector<16xf32>,
      %gather3A_36 = tpu.vector_load_idx %arg14[%get3A_32] : memref<10000xf32, #tpu.memory_space<vmem>>[vector<16xi32>], vector<16xf32>,
      %gather3A_37 = tpu.vector_load_idx %arg15[%get3A_32] : memref<10000xf32, #tpu.memory_space<vmem>>[vector<16xi32>], vector<16xf32>,
      %sub3A = arith.subf %gather3A, %gather3A_35 : vector<16xf32>
      %sub3A_38 = arith.subf %gather3A_33, %gather3A_36 : vector<16xf32>
      %sub3A_39 = arith.subf %gather3A_34, %gather3A_37 : vector<16xf32>
      %mul3A_40 = arith.mulf %sub3A, %sub3A : vector<16xf32>
      %mul3A_41 = arith.mulf %sub3A_38, %sub3A_38 : vector<16xf32>
      %add3A_42 = arith.addf %mul3A_40, %mul3A_41 : vector<16xf32>
      %mul3A_43 = arith.mulf %sub3A_39, %sub3A_39 : vector<16xf32>
      %add3A_44 = arith.addf %add3A_42, %mul3A_43 : vector<16xf32>
      %gather3A_45 = tpu.vector_load_idx %arg16[%get3A_30] : memref<10000xi32, #tpu.memory_space<vmem>>[vector<16xi32>], vector<16xi32>,
      %gather3A_46 = tpu.vector_load_idx %arg16[%get3A_32] : memref<10000xi32, #tpu.memory_space<vmem>>[vector<16xi32>], vector<16xi32>,
      %mul3A_47 = arith.constant 100 : i32
      %mul3A_48 = vector.broadcast %mul3A_47 : i32 to vector<16xi32>
      %mul3A_49 = arith.muli %gather3A_45, %mul3A_48 : vector<16xi32>
      %add3A_50 = arith.addi %mul3A_49, %gather3A_46 : vector<16xi32>
      %gather3A_51 = tpu.vector_load_idx %arg17[%add3A_50] : memref<10000xf32, #tpu.memory_space<vmem>>[vector<16xi32>], vector<16xf32>,
      %gather3A_52 = tpu.vector_load_idx %arg18[%add3A_50] : memref<10000xf32, #tpu.memory_space<vmem>>[vector<16xi32>], vector<16xf32>,
      %swap3A = arith.index_cast %min3A_29 : i32 to index
      %swap3A_53 = tpu.vector_load %arg21[%swap3A] {strides = array<i32>} : memref<10000xf32, #tpu.memory_space<vmem>>, vector<16xf32>,
      tpu.vector_store %arg21[%swap3A], %add3A_44 {strides = array<i32>} : memref<10000xf32, #tpu.memory_space<vmem>>, vector<16xf32>,
      %swap3A_54 = arith.index_cast %min3A_29 : i32 to index
      %swap3A_55 = tpu.vector_load %arg22[%swap3A_54] {strides = array<i32>} : memref<10000xf32, #tpu.memory_space<vmem>>, vector<16xf32>,
      tpu.vector_store %arg22[%swap3A_54], %gather3A_51 {strides = array<i32>} : memref<10000xf32, #tpu.memory_space<vmem>>, vector<16xf32>,
      %swap3A_56 = arith.index_cast %min3A_29 : i32 to index
      %swap3A_57 = tpu.vector_load %arg23[%swap3A_56] {strides = array<i32>} : memref<10000xf32, #tpu.memory_space<vmem>>, vector<16xf32>,
      tpu.vector_store %arg23[%swap3A_56], %gather3A_52 {strides = array<i32>} : memref<10000xf32, #tpu.memory_space<vmem>>, vector<16xf32>,
    }
    %scan3A_13 = arith.constant 625 : i32
    %dma_start3A_14 = tpu.memref_slice %arg10[%mul3A_2] : memref<320000xf32, #tpu.memory_space<hbm>> -> memref<10000xf32, #tpu.memory_space<hbm>>
    %dma_start3A_15 = tpu.memref_slice %arg10[%mul3A_2] : memref<320000xf32, #tpu.memory_space<hbm>> -> memref<10000xf32, #tpu.memory_space<hbm>>
    tpu.enqueue_dma source(%arg21 : memref<10000xf32, #tpu.memory_space<vmem>>) target(%dma_start3A_15 : memref<10000xf32, #tpu.memory_space<hbm>>) target_semaphore(%arg24 : memref<!tpu.dma_semaphore, #tpu.memory_space<semaphore_mem>>)
    %dma_start3A_16 = tpu.memref_slice %arg11[%mul3A_2] : memref<320000xf32, #tpu.memory_space<hbm>> -> memref<10000xf32, #tpu.memory_space<hbm>>
    %dma_start3A_17 = tpu.memref_slice %arg11[%mul3A_2] : memref<320000xf32, #tpu.memory_space<hbm>> -> memref<10000xf32, #tpu.memory_space<hbm>>
    tpu.enqueue_dma source(%arg22 : memref<10000xf32, #tpu.memory_space<vmem>>) target(%dma_start3A_17 : memref<10000xf32, #tpu.memory_space<hbm>>) target_semaphore(%arg24 : memref<!tpu.dma_semaphore, #tpu.memory_space<semaphore_mem>>)
    %dma_start3A_18 = tpu.memref_slice %arg12[%mul3A_2] : memref<320000xf32, #tpu.memory_space<hbm>> -> memref<10000xf32, #tpu.memory_space<hbm>>
    %dma_start3A_19 = tpu.memref_slice %arg12[%mul3A_2] : memref<320000xf32, #tpu.memory_space<hbm>> -> memref<10000xf32, #tpu.memory_space<hbm>>
    tpu.enqueue_dma source(%arg23 : memref<10000xf32, #tpu.memory_space<vmem>>) target(%dma_start3A_19 : memref<10000xf32, #tpu.memory_space<hbm>>) target_semaphore(%arg24 : memref<!tpu.dma_semaphore, #tpu.memory_space<semaphore_mem>>)
    %dma_wait3A_20 = tpu.memref_slice %arg10[%mul3A_2] : memref<320000xf32, #tpu.memory_space<hbm>> -> memref<10000xf32, #tpu.memory_space<hbm>>
    %dma_wait3A_21 = tpu.memref_slice %arg10[%mul3A_2] : memref<320000xf32, #tpu.memory_space<hbm>> -> memref<10000xf32, #tpu.memory_space<hbm>>
    tpu.wait_dma2 semaphore(%arg24 : memref<!tpu.dma_semaphore, #tpu.memory_space<semaphore_mem>>) src(%arg21 : memref<10000xf32, #tpu.memory_space<vmem>>) dst(%dma_wait3A_21 : memref<10000xf32, #tpu.memory_space<hbm>>)
    %dma_wait3A_22 = tpu.memref_slice %arg11[%mul3A_2] : memref<320000xf32, #tpu.memory_space<hbm>> -> memref<10000xf32, #tpu.memory_space<hbm>>
    %dma_wait3A_23 = tpu.memref_slice %arg11[%mul3A_2] : memref<320000xf32, #tpu.memory_space<hbm>> -> memref<10000xf32, #tpu.memory_space<hbm>>
    tpu.wait_dma2 semaphore(%arg24 : memref<!tpu.dma_semaphore, #tpu.memory_space<semaphore_mem>>) src(%arg22 : memref<10000xf32, #tpu.memory_space<vmem>>) dst(%dma_wait3A_23 : memref<10000xf32, #tpu.memory_space<hbm>>)
    %dma_wait3A_24 = tpu.memref_slice %arg12[%mul3A_2] : memref<320000xf32, #tpu.memory_space<hbm>> -> memref<10000xf32, #tpu.memory_space<hbm>>
    %dma_wait3A_25 = tpu.memref_slice %arg12[%mul3A_2] : memref<320000xf32, #tpu.memory_space<hbm>> -> memref<10000xf32, #tpu.memory_space<hbm>>
    tpu.wait_dma2 semaphore(%arg24 : memref<!tpu.dma_semaphore, #tpu.memory_space<semaphore_mem>>) src(%arg23 : memref<10000xf32, #tpu.memory_space<vmem>>) dst(%dma_wait3A_25 : memref<10000xf32, #tpu.memory_space<hbm>>)
    return
  }
}

module attributes {stable_mosaic.version = 14 : i64} {
  func.func @body(%arg0: i32, %arg1: memref<1x250x128xf32, #tpu.memory_space<vmem>>, %arg2: memref<1x250x128xf32, #tpu.memory_space<vmem>>, %arg3: memref<1x250x128xf32, #tpu.memory_space<vmem>>, %arg4: memref<1x128xf32, #tpu.memory_space<vmem>>, %arg5: memref<1x128xf32, #tpu.memory_space<vmem>>, %arg6: memref<32000x128xf32, #tpu.memory_space<vmem>>, %arg7: memref<1x250x128xf32, #tpu.memory_space<vmem>>) attributes {dimension_semantics = [#tpu.dimension_semantics<arbitrary>], iteration_bounds = array<i64: 10>, scalar_prefetch = 0 : i64, scratch_operands = 0 : i64, tpu.core_type = #tpu.core_type<tc>, window_params = [{transform_indices = @transform_0, window_bounds = array<i64: 1, 250, 128>}, {transform_indices = @transform_1, window_bounds = array<i64: 1, 250, 128>}, {transform_indices = @transform_2, window_bounds = array<i64: 1, 250, 128>}, {pipeline_mode = #tpu.pipeline_mode<synchronous>, transform_indices = @transform_3, window_bounds = array<i64: 1, 128>}, {pipeline_mode = #tpu.pipeline_mode<synchronous>, transform_indices = @transform_4, window_bounds = array<i64: 1, 128>}, {transform_indices = @transform_5, window_bounds = array<i64: 32000, 128>}, {transform_indices = @transform_6, window_bounds = array<i64: 1, 250, 128>}]} {
    %get3A = arith.constant 0 : index
    %get3A_0 = arith.constant 0 : index
    %get3A_1 = arith.constant 0 : index
    %get3A_2 = vector.load %arg1[%get3A, %get3A_0, %get3A_1] : memref<1x250x128xf32, #tpu.memory_space<vmem>>, vector<1x250x128xf32>
    %get3A_3 = vector.shape_cast %get3A_2 : vector<1x250x128xf32> to vector<250x128xf32>
    %sqrt3A = math.sqrt %get3A_3 : vector<250x128xf32>
    %get3A_4 = arith.constant 0 : index
    %get3A_5 = arith.constant 0 : index
    %get3A_6 = arith.constant 0 : index
    %get3A_7 = vector.load %arg2[%get3A_4, %get3A_5, %get3A_6] : memref<1x250x128xf32, #tpu.memory_space<vmem>>, vector<1x250x128xf32>
    %get3A_8 = vector.shape_cast %get3A_7 : vector<1x250x128xf32> to vector<250x128xf32>
    %mul3A = arith.mulf %get3A_8, %sqrt3A : vector<250x128xf32>
    %get3A_9 = arith.constant 0 : index
    %get3A_10 = arith.constant 0 : index
    %get3A_11 = arith.constant 0 : index
    %get3A_12 = vector.load %arg3[%get3A_9, %get3A_10, %get3A_11] : memref<1x250x128xf32, #tpu.memory_space<vmem>>, vector<1x250x128xf32>
    %get3A_13 = vector.shape_cast %get3A_12 : vector<1x250x128xf32> to vector<250x128xf32>
    %add3A = arith.addf %mul3A, %get3A_13 : vector<250x128xf32>
    %transpose3A = tpu.transpose %add3A, [1, 0] : vector<250x128xf32> -> vector<128x250xf32>
    %get3A_14 = arith.constant 0 : index
    %get3A_15 = arith.constant 0 : index
    %get3A_16 = vector.load %arg5[%get3A_14, %get3A_15] : memref<1x128xf32, #tpu.memory_space<vmem>>, vector<1x128xf32>
    %abs3A = math.absf %get3A_16 : vector<1x128xf32>
    %add3A_17 = arith.constant 9.99999974E-6 : f32
    %add3A_18 = vector.broadcast %add3A_17 : f32 to vector<1x128xf32>
    %add3A_19 = arith.addf %abs3A, %add3A_18 : vector<1x128xf32>
    %div3A = arith.constant 1.000000e+00 : f32
    %div3A_20 = vector.broadcast %div3A : f32 to vector<1x128xf32>
    %div3A_21 = arith.divf %div3A_20, %add3A_19 : vector<1x128xf32>
    %mul3A_22 = arith.constant 0.398942292 : f32
    %mul3A_23 = vector.broadcast %mul3A_22 : f32 to vector<1x128xf32>
    %mul3A_24 = arith.mulf %div3A_21, %mul3A_23 : vector<1x128xf32>
    %log3A = math.log %mul3A_24 : vector<1x128xf32>
    %log3A_25 = arith.constant 2.000000e+00 : f32
    %log3A_26 = math.log %log3A_25 : f32
    %div3A_27 = vector.broadcast %log3A_26 : f32 to vector<1x128xf32>
    %div3A_28 = arith.divf %log3A, %div3A_27 : vector<1x128xf32>
    %slice3A = vector.extract_strided_slice %transpose3A {offsets = [0, 0], sizes = [128, 1], strides = [1, 1]} : vector<128x250xf32> to vector<128x1xf32>
    %get3A_29 = arith.constant 0 : index
    %get3A_30 = arith.constant 0 : index
    %get3A_31 = vector.load %arg4[%get3A_29, %get3A_30] : memref<1x128xf32, #tpu.memory_space<vmem>>, vector<1x128xf32>
    %sub3A = vector.broadcast %slice3A : vector<128x1xf32> to vector<128x128xf32>
    %sub3A_32 = vector.broadcast %get3A_31 : vector<1x128xf32> to vector<128x128xf32>
    %sub3A_33 = arith.subf %sub3A, %sub3A_32 : vector<128x128xf32>
    %mul3A_34 = vector.broadcast %div3A_21 : vector<1x128xf32> to vector<128x128xf32>
    %mul3A_35 = arith.mulf %sub3A_33, %mul3A_34 : vector<128x128xf32>
    %mul3A_36 = arith.mulf %mul3A_35, %mul3A_35 : vector<128x128xf32>
    %mul3A_37 = arith.constant -0.72134751 : f32
    %mul3A_38 = vector.broadcast %mul3A_37 : f32 to vector<128x128xf32>
    %mul3A_39 = arith.mulf %mul3A_36, %mul3A_38 : vector<128x128xf32>
    %add3A_40 = vector.broadcast %div3A_28 : vector<1x128xf32> to vector<128x128xf32>
    %add3A_41 = arith.addf %mul3A_39, %add3A_40 : vector<128x128xf32>
    %exp23A = math.exp2 %add3A_41 : vector<128x128xf32>
    %swap3A = arith.constant 0 : index
    %swap3A_42 = arith.constant 0 : index
    %swap3A_43 = vector.load %arg6[%swap3A, %swap3A_42] : memref<32000x128xf32, #tpu.memory_space<vmem>>, vector<128x128xf32>
    tpu.vector_store %arg6[%swap3A, %swap3A_42], %exp23A {strides = array<i32>} : memref<32000x128xf32, #tpu.memory_space<vmem>>, vector<128x128xf32>,
    %slice3A_44 = vector.extract_strided_slice %transpose3A {offsets = [0, 1], sizes = [128, 1], strides = [1, 1]} : vector<128x250xf32> to vector<128x1xf32>
    %get3A_45 = arith.constant 0 : index
    %get3A_46 = arith.constant 0 : index
    %get3A_47 = vector.load %arg4[%get3A_45, %get3A_46] : memref<1x128xf32, #tpu.memory_space<vmem>>, vector<1x128xf32>
    %sub3A_48 = vector.broadcast %slice3A_44 : vector<128x1xf32> to vector<128x128xf32>
    %sub3A_49 = vector.broadcast %get3A_47 : vector<1x128xf32> to vector<128x128xf32>
    %sub3A_50 = arith.subf %sub3A_48, %sub3A_49 : vector<128x128xf32>
    %mul3A_51 = vector.broadcast %div3A_21 : vector<1x128xf32> to vector<128x128xf32>
    %mul3A_52 = arith.mulf %sub3A_50, %mul3A_51 : vector<128x128xf32>
    %mul3A_53 = arith.mulf %mul3A_52, %mul3A_52 : vector<128x128xf32>
    %mul3A_54 = arith.constant -0.72134751 : f32
    %mul3A_55 = vector.broadcast %mul3A_54 : f32 to vector<128x128xf32>
    %mul3A_56 = arith.mulf %mul3A_53, %mul3A_55 : vector<128x128xf32>
    %add3A_57 = vector.broadcast %div3A_28 : vector<1x128xf32> to vector<128x128xf32>
    %add3A_58 = arith.addf %mul3A_56, %add3A_57 : vector<128x128xf32>
    %exp23A_59 = math.exp2 %add3A_58 : vector<128x128xf32>
    %swap3A_60 = arith.constant 128 : index
    %swap3A_61 = arith.constant 0 : index
    %swap3A_62 = vector.load %arg6[%swap3A_60, %swap3A_61] : memref<32000x128xf32, #tpu.memory_space<vmem>>, vector<128x128xf32>
    tpu.vector_store %arg6[%swap3A_60, %swap3A_61], %exp23A_59 {strides = array<i32>} : memref<32000x128xf32, #tpu.memory_space<vmem>>, vector<128x128xf32>,
    %slice3A_63 = vector.extract_strided_slice %transpose3A {offsets = [0, 2], sizes = [128, 1], strides = [1, 1]} : vector<128x250xf32> to vector<128x1xf32>
    %get3A_64 = arith.constant 0 : index
    %get3A_65 = arith.constant 0 : index
    %get3A_66 = vector.load %arg4[%get3A_64, %get3A_65] : memref<1x128xf32, #tpu.memory_space<vmem>>, vector<1x128xf32>
    %sub3A_67 = vector.broadcast %slice3A_63 : vector<128x1xf32> to vector<128x128xf32>
    %sub3A_68 = vector.broadcast %get3A_66 : vector<1x128xf32> to vector<128x128xf32>
    %sub3A_69 = arith.subf %sub3A_67, %sub3A_68 : vector<128x128xf32>
    %mul3A_70 = vector.broadcast %div3A_21 : vector<1x128xf32> to vector<128x128xf32>
    %mul3A_71 = arith.mulf %sub3A_69, %mul3A_70 : vector<128x128xf32>
    %mul3A_72 = arith.mulf %mul3A_71, %mul3A_71 : vector<128x128xf32>
    %mul3A_73 = arith.constant -0.72134751 : f32
    %mul3A_74 = vector.broadcast %mul3A_73 : f32 to vector<128x128xf32>
    %mul3A_75 = arith.mulf %mul3A_72, %mul3A_74 : vector<128x128xf32>
    %add3A_76 = vector.broadcast %div3A_28 : vector<1x128xf32> to vector<128x128xf32>
    %add3A_77 = arith.addf %mul3A_75, %add3A_76 : vector<128x128xf32>
    %exp23A_78 = math.exp2 %add3A_77 : vector<128x128xf32>
    %swap3A_79 = arith.constant 256 : index
    %swap3A_80 = arith.constant 0 : index
    %swap3A_81 = vector.load %arg6[%swap3A_79, %swap3A_80] : memref<32000x128xf32, #tpu.memory_space<vmem>>, vector<128x128xf32>
    tpu.vector_store %arg6[%swap3A_79, %swap3A_80], %exp23A_78 {strides = array<i32>} : memref<32000x128xf32, #tpu.memory_space<vmem>>, vector<128x128xf32>,
    %slice3A_82 = vector.extract_strided_slice %transpose3A {offsets = [0, 3], sizes = [128, 1], strides = [1, 1]} : vector<128x250xf32> to vector<128x1xf32>
    %get3A_83 = arith.constant 0 : index
    %get3A_84 = arith.constant 0 : index
    %get3A_85 = vector.load %arg4[%get3A_83, %get3A_84] : memref<1x128xf32, #tpu.memory_space<vmem>>, vector<1x128xf32>
    %sub3A_86 = vector.broadcast %slice3A_82 : vector<128x1xf32> to vector<128x128xf32>
    %sub3A_87 = vector.broadcast %get3A_85 : vector<1x128xf32> to vector<128x128xf32>
    %sub3A_88 = arith.subf %sub3A_86, %sub3A_87 : vector<128x128xf32>
    %mul3A_89 = vector.broadcast %div3A_21 : vector<1x128xf32> to vector<128x128xf32>
    %mul3A_90 = arith.mulf %sub3A_88, %mul3A_89 : vector<128x128xf32>
    %mul3A_91 = arith.mulf %mul3A_90, %mul3A_90 : vector<128x128xf32>
    %mul3A_92 = arith.constant -0.72134751 : f32
    %mul3A_93 = vector.broadcast %mul3A_92 : f32 to vector<128x128xf32>
    %mul3A_94 = arith.mulf %mul3A_91, %mul3A_93 : vector<128x128xf32>
    %add3A_95 = vector.broadcast %div3A_28 : vector<1x128xf32> to vector<128x128xf32>
    %add3A_96 = arith.addf %mul3A_94, %add3A_95 : vector<128x128xf32>
    %exp23A_97 = math.exp2 %add3A_96 : vector<128x128xf32>
    %swap3A_98 = arith.constant 384 : index
    %swap3A_99 = arith.constant 0 : index
    %swap3A_100 = vector.load %arg6[%swap3A_98, %swap3A_99] : memref<32000x128xf32, #tpu.memory_space<vmem>>, vector<128x128xf32>
    tpu.vector_store %arg6[%swap3A_98, %swap3A_99], %exp23A_97 {strides = array<i32>} : memref<32000x128xf32, #tpu.memory_space<vmem>>, vector<128x128xf32>,
    %slice3A_101 = vector.extract_strided_slice %transpose3A {offsets = [0, 4], sizes = [128, 1], strides = [1, 1]} : vector<128x250xf32> to vector<128x1xf32>
    %get3A_102 = arith.constant 0 : index
    %get3A_103 = arith.constant 0 : index
    %get3A_104 = vector.load %arg4[%get3A_102, %get3A_103] : memref<1x128xf32, #tpu.memory_space<vmem>>, vector<1x128xf32>
    %sub3A_105 = vector.broadcast %slice3A_101 : vector<128x1xf32> to vector<128x128xf32>
    %sub3A_106 = vector.broadcast %get3A_104 : vector<1x128xf32> to vector<128x128xf32>
    %sub3A_107 = arith.subf %sub3A_105, %sub3A_106 : vector<128x128xf32>
    %mul3A_108 = vector.broadcast %div3A_21 : vector<1x128xf32> to vector<128x128xf32>
    %mul3A_109 = arith.mulf %sub3A_107, %mul3A_108 : vector<128x128xf32>
    %mul3A_110 = arith.mulf %mul3A_109, %mul3A_109 : vector<128x128xf32>
    %mul3A_111 = arith.constant -0.72134751 : f32
    %mul3A_112 = vector.broadcast %mul3A_111 : f32 to vector<128x128xf32>
    %mul3A_113 = arith.mulf %mul3A_110, %mul3A_112 : vector<128x128xf32>
    %add3A_114 = vector.broadcast %div3A_28 : vector<1x128xf32> to vector<128x128xf32>
    %add3A_115 = arith.addf %mul3A_113, %add3A_114 : vector<128x128xf32>
    %exp23A_116 = math.exp2 %add3A_115 : vector<128x128xf32>
    %swap3A_117 = arith.constant 512 : index
    %swap3A_118 = arith.constant 0 : index
    %swap3A_119 = vector.load %arg6[%swap3A_117, %swap3A_118] : memref<32000x128xf32, #tpu.memory_space<vmem>>, vector<128x128xf32>
    tpu.vector_store %arg6[%swap3A_117, %swap3A_118], %exp23A_116 {strides = array<i32>} : memref<32000x128xf32, #tpu.memory_space<vmem>>, vector<128x128xf32>,
    %slice3A_120 = vector.extract_strided_slice %transpose3A {offsets = [0, 5], sizes = [128, 1], strides = [1, 1]} : vector<128x250xf32> to vector<128x1xf32>
    %get3A_121 = arith.constant 0 : index
    %get3A_122 = arith.constant 0 : index
    %get3A_123 = vector.load %arg4[%get3A_121, %get3A_122] : memref<1x128xf32, #tpu.memory_space<vmem>>, vector<1x128xf32>
    %sub3A_124 = vector.broadcast %slice3A_120 : vector<128x1xf32> to vector<128x128xf32>
    %sub3A_125 = vector.broadcast %get3A_123 : vector<1x128xf32> to vector<128x128xf32>
    %sub3A_126 = arith.subf %sub3A_124, %sub3A_125 : vector<128x128xf32>
    %mul3A_127 = vector.broadcast %div3A_21 : vector<1x128xf32> to vector<128x128xf32>
    %mul3A_128 = arith.mulf %sub3A_126, %mul3A_127 : vector<128x128xf32>
    %mul3A_129 = arith.mulf %mul3A_128, %mul3A_128 : vector<128x128xf32>
    %mul3A_130 = arith.constant -0.72134751 : f32
    %mul3A_131 = vector.broadcast %mul3A_130 : f32 to vector<128x128xf32>
    %mul3A_132 = arith.mulf %mul3A_129, %mul3A_131 : vector<128x128xf32>
    %add3A_133 = vector.broadcast %div3A_28 : vector<1x128xf32> to vector<128x128xf32>
    %add3A_134 = arith.addf %mul3A_132, %add3A_133 : vector<128x128xf32>
    %exp23A_135 = math.exp2 %add3A_134 : vector<128x128xf32>
    %swap3A_136 = arith.constant 640 : index
    %swap3A_137 = arith.constant 0 : index
    %swap3A_138 = vector.load %arg6[%swap3A_136, %swap3A_137] : memref<32000x128xf32, #tpu.memory_space<vmem>>, vector<128x128xf32>
    tpu.vector_store %arg6[%swap3A_136, %swap3A_137], %exp23A_135 {strides = array<i32>} : memref<32000x128xf32, #tpu.memory_space<vmem>>, vector<128x128xf32>,
    %slice3A_139 = vector.extract_strided_slice %transpose3A {offsets = [0, 6], sizes = [128, 1], strides = [1, 1]} : vector<128x250xf32> to vector<128x1xf32>
    %get3A_140 = arith.constant 0 : index
    %get3A_141 = arith.constant 0 : index
    %get3A_142 = vector.load %arg4[%get3A_140, %get3A_141] : memref<1x128xf32, #tpu.memory_space<vmem>>, vector<1x128xf32>
    %sub3A_143 = vector.broadcast %slice3A_139 : vector<128x1xf32> to vector<128x128xf32>
    %sub3A_144 = vector.broadcast %get3A_142 : vector<1x128xf32> to vector<128x128xf32>
    %sub3A_145 = arith.subf %sub3A_143, %sub3A_144 : vector<128x128xf32>
    %mul3A_146 = vector.broadcast %div3A_21 : vector<1x128xf32> to vector<128x128xf32>
    %mul3A_147 = arith.mulf %sub3A_145, %mul3A_146 : vector<128x128xf32>
    %mul3A_148 = arith.mulf %mul3A_147, %mul3A_147 : vector<128x128xf32>
    %mul3A_149 = arith.constant -0.72134751 : f32
    %mul3A_150 = vector.broadcast %mul3A_149 : f32 to vector<128x128xf32>
    %mul3A_151 = arith.mulf %mul3A_148, %mul3A_150 : vector<128x128xf32>
    %add3A_152 = vector.broadcast %div3A_28 : vector<1x128xf32> to vector<128x128xf32>
    %add3A_153 = arith.addf %mul3A_151, %add3A_152 : vector<128x128xf32>
    %exp23A_154 = math.exp2 %add3A_153 : vector<128x128xf32>
    %swap3A_155 = arith.constant 768 : index
    %swap3A_156 = arith.constant 0 : index
    %swap3A_157 = vector.load %arg6[%swap3A_155, %swap3A_156] : memref<32000x128xf32, #tpu.memory_space<vmem>>, vector<128x128xf32>
    tpu.vector_store %arg6[%swap3A_155, %swap3A_156], %exp23A_154 {strides = array<i32>} : memref<32000x128xf32, #tpu.memory_space<vmem>>, vector<128x128xf32>,
    %slice3A_158 = vector.extract_strided_slice %transpose3A {offsets = [0, 7], sizes = [128, 1], strides = [1, 1]} : vector<128x250xf32> to vector<128x1xf32>
    %get3A_159 = arith.constant 0 : index
    %get3A_160 = arith.constant 0 : index
    %get3A_161 = vector.load %arg4[%get3A_159, %get3A_160] : memref<1x128xf32, #tpu.memory_space<vmem>>, vector<1x128xf32>
    %sub3A_162 = vector.broadcast %slice3A_158 : vector<128x1xf32> to vector<128x128xf32>
    %sub3A_163 = vector.broadcast %get3A_161 : vector<1x128xf32> to vector<128x128xf32>
    %sub3A_164 = arith.subf %sub3A_162, %sub3A_163 : vector<128x128xf32>
    %mul3A_165 = vector.broadcast %div3A_21 : vector<1x128xf32> to vector<128x128xf32>
    %mul3A_166 = arith.mulf %sub3A_164, %mul3A_165 : vector<128x128xf32>
    %mul3A_167 = arith.mulf %mul3A_166, %mul3A_166 : vector<128x128xf32>
    %mul3A_168 = arith.constant -0.72134751 : f32
    %mul3A_169 = vector.broadcast %mul3A_168 : f32 to vector<128x128xf32>
    %mul3A_170 = arith.mulf %mul3A_167, %mul3A_169 : vector<128x128xf32>
    %add3A_171 = vector.broadcast %div3A_28 : vector<1x128xf32> to vector<128x128xf32>
    %add3A_172 = arith.addf %mul3A_170, %add3A_171 : vector<128x128xf32>
    %exp23A_173 = math.exp2 %add3A_172 : vector<128x128xf32>
    %swap3A_174 = arith.constant 896 : index
    %swap3A_175 = arith.constant 0 : index
    %swap3A_176 = vector.load %arg6[%swap3A_174, %swap3A_175] : memref<32000x128xf32, #tpu.memory_space<vmem>>, vector<128x128xf32>
    tpu.vector_store %arg6[%swap3A_174, %swap3A_175], %exp23A_173 {strides = array<i32>} : memref<32000x128xf32, #tpu.memory_space<vmem>>, vector<128x128xf32>,
    %slice3A_177 = vector.extract_strided_slice %transpose3A {offsets = [0, 8], sizes = [128, 1], strides = [1, 1]} : vector<128x250xf32> to vector<128x1xf32>
    %get3A_178 = arith.constant 0 : index
    %get3A_179 = arith.constant 0 : index
    %get3A_180 = vector.load %arg4[%get3A_178, %get3A_179] : memref<1x128xf32, #tpu.memory_space<vmem>>, vector<1x128xf32>
    %sub3A_181 = vector.broadcast %slice3A_177 : vector<128x1xf32> to vector<128x128xf32>
    %sub3A_182 = vector.broadcast %get3A_180 : vector<1x128xf32> to vector<128x128xf32>
    %sub3A_183 = arith.subf %sub3A_181, %sub3A_182 : vector<128x128xf32>
    %mul3A_184 = vector.broadcast %div3A_21 : vector<1x128xf32> to vector<128x128xf32>
    %mul3A_185 = arith.mulf %sub3A_183, %mul3A_184 : vector<128x128xf32>
    %mul3A_186 = arith.mulf %mul3A_185, %mul3A_185 : vector<128x128xf32>
    %mul3A_187 = arith.constant -0.72134751 : f32
    %mul3A_188 = vector.broadcast %mul3A_187 : f32 to vector<128x128xf32>
    %mul3A_189 = arith.mulf %mul3A_186, %mul3A_188 : vector<128x128xf32>
    %add3A_190 = vector.broadcast %div3A_28 : vector<1x128xf32> to vector<128x128xf32>
    %add3A_191 = arith.addf %mul3A_189, %add3A_190 : vector<128x128xf32>
    %exp23A_192 = math.exp2 %add3A_191 : vector<128x128xf32>
    %swap3A_193 = arith.constant 1024 : index
    %swap3A_194 = arith.constant 0 : index
    %swap3A_195 = vector.load %arg6[%swap3A_193, %swap3A_194] : memref<32000x128xf32, #tpu.memory_space<vmem>>, vector<128x128xf32>
    tpu.vector_store %arg6[%swap3A_193, %swap3A_194], %exp23A_192 {strides = array<i32>} : memref<32000x128xf32, #tpu.memory_space<vmem>>, vector<128x128xf32>,
    %slice3A_196 = vector.extract_strided_slice %transpose3A {offsets = [0, 9], sizes = [128, 1], strides = [1, 1]} : vector<128x250xf32> to vector<128x1xf32>
    %get3A_197 = arith.constant 0 : index
    %get3A_198 = arith.constant 0 : index
    %get3A_199 = vector.load %arg4[%get3A_197, %get3A_198] : memref<1x128xf32, #tpu.memory_space<vmem>>, vector<1x128xf32>
    %sub3A_200 = vector.broadcast %slice3A_196 : vector<128x1xf32> to vector<128x128xf32>
    %sub3A_201 = vector.broadcast %get3A_199 : vector<1x128xf32> to vector<128x128xf32>
    %sub3A_202 = arith.subf %sub3A_200, %sub3A_201 : vector<128x128xf32>
    %mul3A_203 = vector.broadcast %div3A_21 : vector<1x128xf32> to vector<128x128xf32>
    %mul3A_204 = arith.mulf %sub3A_202, %mul3A_203 : vector<128x128xf32>
    %mul3A_205 = arith.mulf %mul3A_204, %mul3A_204 : vector<128x128xf32>
    %mul3A_206 = arith.constant -0.72134751 : f32
    %mul3A_207 = vector.broadcast %mul3A_206 : f32 to vector<128x128xf32>
    %mul3A_208 = arith.mulf %mul3A_205, %mul3A_207 : vector<128x128xf32>
    %add3A_209 = vector.broadcast %div3A_28 : vector<1x128xf32> to vector<128x128xf32>
    %add3A_210 = arith.addf %mul3A_208, %add3A_209 : vector<128x128xf32>
    %exp23A_211 = math.exp2 %add3A_210 : vector<128x128xf32>
    %swap3A_212 = arith.constant 1152 : index
    %swap3A_213 = arith.constant 0 : index
    %swap3A_214 = vector.load %arg6[%swap3A_212, %swap3A_213] : memref<32000x128xf32, #tpu.memory_space<vmem>>, vector<128x128xf32>
    tpu.vector_store %arg6[%swap3A_212, %swap3A_213], %exp23A_211 {strides = array<i32>} : memref<32000x128xf32, #tpu.memory_space<vmem>>, vector<128x128xf32>,
    %slice3A_215 = vector.extract_strided_slice %transpose3A {offsets = [0, 10], sizes = [128, 1], strides = [1, 1]} : vector<128x250xf32> to vector<128x1xf32>
    %get3A_216 = arith.constant 0 : index
    %get3A_217 = arith.constant 0 : index
    %get3A_218 = vector.load %arg4[%get3A_216, %get3A_217] : memref<1x128xf32, #tpu.memory_space<vmem>>, vector<1x128xf32>
    %sub3A_219 = vector.broadcast %slice3A_215 : vector<128x1xf32> to vector<128x128xf32>
    %sub3A_220 = vector.broadcast %get3A_218 : vector<1x128xf32> to vector<128x128xf32>
    %sub3A_221 = arith.subf %sub3A_219, %sub3A_220 : vector<128x128xf32>
    %mul3A_222 = vector.broadcast %div3A_21 : vector<1x128xf32> to vector<128x128xf32>
    %mul3A_223 = arith.mulf %sub3A_221, %mul3A_222 : vector<128x128xf32>
    %mul3A_224 = arith.mulf %mul3A_223, %mul3A_223 : vector<128x128xf32>
    %mul3A_225 = arith.constant -0.72134751 : f32
    %mul3A_226 = vector.broadcast %mul3A_225 : f32 to vector<128x128xf32>
    %mul3A_227 = arith.mulf %mul3A_224, %mul3A_226 : vector<128x128xf32>
    %add3A_228 = vector.broadcast %div3A_28 : vector<1x128xf32> to vector<128x128xf32>
    %add3A_229 = arith.addf %mul3A_227, %add3A_228 : vector<128x128xf32>
    %exp23A_230 = math.exp2 %add3A_229 : vector<128x128xf32>
    %swap3A_231 = arith.constant 1280 : index
    %swap3A_232 = arith.constant 0 : index
    %swap3A_233 = vector.load %arg6[%swap3A_231, %swap3A_232] : memref<32000x128xf32, #tpu.memory_space<vmem>>, vector<128x128xf32>
    tpu.vector_store %arg6[%swap3A_231, %swap3A_232], %exp23A_230 {strides = array<i32>} : memref<32000x128xf32, #tpu.memory_space<vmem>>, vector<128x128xf32>,
    %slice3A_234 = vector.extract_strided_slice %transpose3A {offsets = [0, 11], sizes = [128, 1], strides = [1, 1]} : vector<128x250xf32> to vector<128x1xf32>
    %get3A_235 = arith.constant 0 : index
    %get3A_236 = arith.constant 0 : index
    %get3A_237 = vector.load %arg4[%get3A_235, %get3A_236] : memref<1x128xf32, #tpu.memory_space<vmem>>, vector<1x128xf32>
    %sub3A_238 = vector.broadcast %slice3A_234 : vector<128x1xf32> to vector<128x128xf32>
    %sub3A_239 = vector.broadcast %get3A_237 : vector<1x128xf32> to vector<128x128xf32>
    %sub3A_240 = arith.subf %sub3A_238, %sub3A_239 : vector<128x128xf32>
    %mul3A_241 = vector.broadcast %div3A_21 : vector<1x128xf32> to vector<128x128xf32>
    %mul3A_242 = arith.mulf %sub3A_240, %mul3A_241 : vector<128x128xf32>
    %mul3A_243 = arith.mulf %mul3A_242, %mul3A_242 : vector<128x128xf32>
    %mul3A_244 = arith.constant -0.72134751 : f32
    %mul3A_245 = vector.broadcast %mul3A_244 : f32 to vector<128x128xf32>
    %mul3A_246 = arith.mulf %mul3A_243, %mul3A_245 : vector<128x128xf32>
    %add3A_247 = vector.broadcast %div3A_28 : vector<1x128xf32> to vector<128x128xf32>
    %add3A_248 = arith.addf %mul3A_246, %add3A_247 : vector<128x128xf32>
    %exp23A_249 = math.exp2 %add3A_248 : vector<128x128xf32>
    %swap3A_250 = arith.constant 1408 : index
    %swap3A_251 = arith.constant 0 : index
    %swap3A_252 = vector.load %arg6[%swap3A_250, %swap3A_251] : memref<32000x128xf32, #tpu.memory_space<vmem>>, vector<128x128xf32>
    tpu.vector_store %arg6[%swap3A_250, %swap3A_251], %exp23A_249 {strides = array<i32>} : memref<32000x128xf32, #tpu.memory_space<vmem>>, vector<128x128xf32>,
    %slice3A_253 = vector.extract_strided_slice %transpose3A {offsets = [0, 12], sizes = [128, 1], strides = [1, 1]} : vector<128x250xf32> to vector<128x1xf32>
    %get3A_254 = arith.constant 0 : index
    %get3A_255 = arith.constant 0 : index
    %get3A_256 = vector.load %arg4[%get3A_254, %get3A_255] : memref<1x128xf32, #tpu.memory_space<vmem>>, vector<1x128xf32>
    %sub3A_257 = vector.broadcast %slice3A_253 : vector<128x1xf32> to vector<128x128xf32>
    %sub3A_258 = vector.broadcast %get3A_256 : vector<1x128xf32> to vector<128x128xf32>
    %sub3A_259 = arith.subf %sub3A_257, %sub3A_258 : vector<128x128xf32>
    %mul3A_260 = vector.broadcast %div3A_21 : vector<1x128xf32> to vector<128x128xf32>
    %mul3A_261 = arith.mulf %sub3A_259, %mul3A_260 : vector<128x128xf32>
    %mul3A_262 = arith.mulf %mul3A_261, %mul3A_261 : vector<128x128xf32>
    %mul3A_263 = arith.constant -0.72134751 : f32
    %mul3A_264 = vector.broadcast %mul3A_263 : f32 to vector<128x128xf32>
    %mul3A_265 = arith.mulf %mul3A_262, %mul3A_264 : vector<128x128xf32>
    %add3A_266 = vector.broadcast %div3A_28 : vector<1x128xf32> to vector<128x128xf32>
    %add3A_267 = arith.addf %mul3A_265, %add3A_266 : vector<128x128xf32>
    %exp23A_268 = math.exp2 %add3A_267 : vector<128x128xf32>
    %swap3A_269 = arith.constant 1536 : index
    %swap3A_270 = arith.constant 0 : index
    %swap3A_271 = vector.load %arg6[%swap3A_269, %swap3A_270] : memref<32000x128xf32, #tpu.memory_space<vmem>>, vector<128x128xf32>
    tpu.vector_store %arg6[%swap3A_269, %swap3A_270], %exp23A_268 {strides = array<i32>} : memref<32000x128xf32, #tpu.memory_space<vmem>>, vector<128x128xf32>,
    %slice3A_272 = vector.extract_strided_slice %transpose3A {offsets = [0, 13], sizes = [128, 1], strides = [1, 1]} : vector<128x250xf32> to vector<128x1xf32>
    %get3A_273 = arith.constant 0 : index
    %get3A_274 = arith.constant 0 : index
    %get3A_275 = vector.load %arg4[%get3A_273, %get3A_274] : memref<1x128xf32, #tpu.memory_space<vmem>>, vector<1x128xf32>
    %sub3A_276 = vector.broadcast %slice3A_272 : vector<128x1xf32> to vector<128x128xf32>
    %sub3A_277 = vector.broadcast %get3A_275 : vector<1x128xf32> to vector<128x128xf32>
    %sub3A_278 = arith.subf %sub3A_276, %sub3A_277 : vector<128x128xf32>
    %mul3A_279 = vector.broadcast %div3A_21 : vector<1x128xf32> to vector<128x128xf32>
    %mul3A_280 = arith.mulf %sub3A_278, %mul3A_279 : vector<128x128xf32>
    %mul3A_281 = arith.mulf %mul3A_280, %mul3A_280 : vector<128x128xf32>
    %mul3A_282 = arith.constant -0.72134751 : f32
    %mul3A_283 = vector.broadcast %mul3A_282 : f32 to vector<128x128xf32>
    %mul3A_284 = arith.mulf %mul3A_281, %mul3A_283 : vector<128x128xf32>
    %add3A_285 = vector.broadcast %div3A_28 : vector<1x128xf32> to vector<128x128xf32>
    %add3A_286 = arith.addf %mul3A_284, %add3A_285 : vector<128x128xf32>
    %exp23A_287 = math.exp2 %add3A_286 : vector<128x128xf32>
    %swap3A_288 = arith.constant 1664 : index
    %swap3A_289 = arith.constant 0 : index
    %swap3A_290 = vector.load %arg6[%swap3A_288, %swap3A_289] : memref<32000x128xf32, #tpu.memory_space<vmem>>, vector<128x128xf32>
    tpu.vector_store %arg6[%swap3A_288, %swap3A_289], %exp23A_287 {strides = array<i32>} : memref<32000x128xf32, #tpu.memory_space<vmem>>, vector<128x128xf32>,
    %slice3A_291 = vector.extract_strided_slice %transpose3A {offsets = [0, 14], sizes = [128, 1], strides = [1, 1]} : vector<128x250xf32> to vector<128x1xf32>
    %get3A_292 = arith.constant 0 : index
    %get3A_293 = arith.constant 0 : index
    %get3A_294 = vector.load %arg4[%get3A_292, %get3A_293] : memref<1x128xf32, #tpu.memory_space<vmem>>, vector<1x128xf32>
    %sub3A_295 = vector.broadcast %slice3A_291 : vector<128x1xf32> to vector<128x128xf32>
    %sub3A_296 = vector.broadcast %get3A_294 : vector<1x128xf32> to vector<128x128xf32>
    %sub3A_297 = arith.subf %sub3A_295, %sub3A_296 : vector<128x128xf32>
    %mul3A_298 = vector.broadcast %div3A_21 : vector<1x128xf32> to vector<128x128xf32>
    %mul3A_299 = arith.mulf %sub3A_297, %mul3A_298 : vector<128x128xf32>
    %mul3A_300 = arith.mulf %mul3A_299, %mul3A_299 : vector<128x128xf32>
    %mul3A_301 = arith.constant -0.72134751 : f32
    %mul3A_302 = vector.broadcast %mul3A_301 : f32 to vector<128x128xf32>
    %mul3A_303 = arith.mulf %mul3A_300, %mul3A_302 : vector<128x128xf32>
    %add3A_304 = vector.broadcast %div3A_28 : vector<1x128xf32> to vector<128x128xf32>
    %add3A_305 = arith.addf %mul3A_303, %add3A_304 : vector<128x128xf32>
    %exp23A_306 = math.exp2 %add3A_305 : vector<128x128xf32>
    %swap3A_307 = arith.constant 1792 : index
    %swap3A_308 = arith.constant 0 : index
    %swap3A_309 = vector.load %arg6[%swap3A_307, %swap3A_308] : memref<32000x128xf32, #tpu.memory_space<vmem>>, vector<128x128xf32>
    tpu.vector_store %arg6[%swap3A_307, %swap3A_308], %exp23A_306 {strides = array<i32>} : memref<32000x128xf32, #tpu.memory_space<vmem>>, vector<128x128xf32>,
    %slice3A_310 = vector.extract_strided_slice %transpose3A {offsets = [0, 15], sizes = [128, 1], strides = [1, 1]} : vector<128x250xf32> to vector<128x1xf32>
    %get3A_311 = arith.constant 0 : index
    %get3A_312 = arith.constant 0 : index
    %get3A_313 = vector.load %arg4[%get3A_311, %get3A_312] : memref<1x128xf32, #tpu.memory_space<vmem>>, vector<1x128xf32>
    %sub3A_314 = vector.broadcast %slice3A_310 : vector<128x1xf32> to vector<128x128xf32>
    %sub3A_315 = vector.broadcast %get3A_313 : vector<1x128xf32> to vector<128x128xf32>
    %sub3A_316 = arith.subf %sub3A_314, %sub3A_315 : vector<128x128xf32>
    %mul3A_317 = vector.broadcast %div3A_21 : vector<1x128xf32> to vector<128x128xf32>
    %mul3A_318 = arith.mulf %sub3A_316, %mul3A_317 : vector<128x128xf32>
    %mul3A_319 = arith.mulf %mul3A_318, %mul3A_318 : vector<128x128xf32>
    %mul3A_320 = arith.constant -0.72134751 : f32
    %mul3A_321 = vector.broadcast %mul3A_320 : f32 to vector<128x128xf32>
    %mul3A_322 = arith.mulf %mul3A_319, %mul3A_321 : vector<128x128xf32>
    %add3A_323 = vector.broadcast %div3A_28 : vector<1x128xf32> to vector<128x128xf32>
    %add3A_324 = arith.addf %mul3A_322, %add3A_323 : vector<128x128xf32>
    %exp23A_325 = math.exp2 %add3A_324 : vector<128x128xf32>
    %swap3A_326 = arith.constant 1920 : index
    %swap3A_327 = arith.constant 0 : index
    %swap3A_328 = vector.load %arg6[%swap3A_326, %swap3A_327] : memref<32000x128xf32, #tpu.memory_space<vmem>>, vector<128x128xf32>
    tpu.vector_store %arg6[%swap3A_326, %swap3A_327], %exp23A_325 {strides = array<i32>} : memref<32000x128xf32, #tpu.memory_space<vmem>>, vector<128x128xf32>,
    %slice3A_329 = vector.extract_strided_slice %transpose3A {offsets = [0, 16], sizes = [128, 1], strides = [1, 1]} : vector<128x250xf32> to vector<128x1xf32>
    %get3A_330 = arith.constant 0 : index
    %get3A_331 = arith.constant 0 : index
    %get3A_332 = vector.load %arg4[%get3A_330, %get3A_331] : memref<1x128xf32, #tpu.memory_space<vmem>>, vector<1x128xf32>
    %sub3A_333 = vector.broadcast %slice3A_329 : vector<128x1xf32> to vector<128x128xf32>
    %sub3A_334 = vector.broadcast %get3A_332 : vector<1x128xf32> to vector<128x128xf32>
    %sub3A_335 = arith.subf %sub3A_333, %sub3A_334 : vector<128x128xf32>
    %mul3A_336 = vector.broadcast %div3A_21 : vector<1x128xf32> to vector<128x128xf32>
    %mul3A_337 = arith.mulf %sub3A_335, %mul3A_336 : vector<128x128xf32>
    %mul3A_338 = arith.mulf %mul3A_337, %mul3A_337 : vector<128x128xf32>
    %mul3A_339 = arith.constant -0.72134751 : f32
    %mul3A_340 = vector.broadcast %mul3A_339 : f32 to vector<128x128xf32>
    %mul3A_341 = arith.mulf %mul3A_338, %mul3A_340 : vector<128x128xf32>
    %add3A_342 = vector.broadcast %div3A_28 : vector<1x128xf32> to vector<128x128xf32>
    %add3A_343 = arith.addf %mul3A_341, %add3A_342 : vector<128x128xf32>
    %exp23A_344 = math.exp2 %add3A_343 : vector<128x128xf32>
    %swap3A_345 = arith.constant 2048 : index
    %swap3A_346 = arith.constant 0 : index
    %swap3A_347 = vector.load %arg6[%swap3A_345, %swap3A_346] : memref<32000x128xf32, #tpu.memory_space<vmem>>, vector<128x128xf32>
    tpu.vector_store %arg6[%swap3A_345, %swap3A_346], %exp23A_344 {strides = array<i32>} : memref<32000x128xf32, #tpu.memory_space<vmem>>, vector<128x128xf32>,
    %slice3A_348 = vector.extract_strided_slice %transpose3A {offsets = [0, 17], sizes = [128, 1], strides = [1, 1]} : vector<128x250xf32> to vector<128x1xf32>
    %get3A_349 = arith.constant 0 : index
    %get3A_350 = arith.constant 0 : index
    %get3A_351 = vector.load %arg4[%get3A_349, %get3A_350] : memref<1x128xf32, #tpu.memory_space<vmem>>, vector<1x128xf32>
    %sub3A_352 = vector.broadcast %slice3A_348 : vector<128x1xf32> to vector<128x128xf32>
    %sub3A_353 = vector.broadcast %get3A_351 : vector<1x128xf32> to vector<128x128xf32>
    %sub3A_354 = arith.subf %sub3A_352, %sub3A_353 : vector<128x128xf32>
    %mul3A_355 = vector.broadcast %div3A_21 : vector<1x128xf32> to vector<128x128xf32>
    %mul3A_356 = arith.mulf %sub3A_354, %mul3A_355 : vector<128x128xf32>
    %mul3A_357 = arith.mulf %mul3A_356, %mul3A_356 : vector<128x128xf32>
    %mul3A_358 = arith.constant -0.72134751 : f32
    %mul3A_359 = vector.broadcast %mul3A_358 : f32 to vector<128x128xf32>
    %mul3A_360 = arith.mulf %mul3A_357, %mul3A_359 : vector<128x128xf32>
    %add3A_361 = vector.broadcast %div3A_28 : vector<1x128xf32> to vector<128x128xf32>
    %add3A_362 = arith.addf %mul3A_360, %add3A_361 : vector<128x128xf32>
    %exp23A_363 = math.exp2 %add3A_362 : vector<128x128xf32>
    %swap3A_364 = arith.constant 2176 : index
    %swap3A_365 = arith.constant 0 : index
    %swap3A_366 = vector.load %arg6[%swap3A_364, %swap3A_365] : memref<32000x128xf32, #tpu.memory_space<vmem>>, vector<128x128xf32>
    tpu.vector_store %arg6[%swap3A_364, %swap3A_365], %exp23A_363 {strides = array<i32>} : memref<32000x128xf32, #tpu.memory_space<vmem>>, vector<128x128xf32>,
    %slice3A_367 = vector.extract_strided_slice %transpose3A {offsets = [0, 18], sizes = [128, 1], strides = [1, 1]} : vector<128x250xf32> to vector<128x1xf32>
    %get3A_368 = arith.constant 0 : index
    %get3A_369 = arith.constant 0 : index
    %get3A_370 = vector.load %arg4[%get3A_368, %get3A_369] : memref<1x128xf32, #tpu.memory_space<vmem>>, vector<1x128xf32>
    %sub3A_371 = vector.broadcast %slice3A_367 : vector<128x1xf32> to vector<128x128xf32>
    %sub3A_372 = vector.broadcast %get3A_370 : vector<1x128xf32> to vector<128x128xf32>
    %sub3A_373 = arith.subf %sub3A_371, %sub3A_372 : vector<128x128xf32>
    %mul3A_374 = vector.broadcast %div3A_21 : vector<1x128xf32> to vector<128x128xf32>
    %mul3A_375 = arith.mulf %sub3A_373, %mul3A_374 : vector<128x128xf32>
    %mul3A_376 = arith.mulf %mul3A_375, %mul3A_375 : vector<128x128xf32>
    %mul3A_377 = arith.constant -0.72134751 : f32
    %mul3A_378 = vector.broadcast %mul3A_377 : f32 to vector<128x128xf32>
    %mul3A_379 = arith.mulf %mul3A_376, %mul3A_378 : vector<128x128xf32>
    %add3A_380 = vector.broadcast %div3A_28 : vector<1x128xf32> to vector<128x128xf32>
    %add3A_381 = arith.addf %mul3A_379, %add3A_380 : vector<128x128xf32>
    %exp23A_382 = math.exp2 %add3A_381 : vector<128x128xf32>
    %swap3A_383 = arith.constant 2304 : index
    %swap3A_384 = arith.constant 0 : index
    %swap3A_385 = vector.load %arg6[%swap3A_383, %swap3A_384] : memref<32000x128xf32, #tpu.memory_space<vmem>>, vector<128x128xf32>
    tpu.vector_store %arg6[%swap3A_383, %swap3A_384], %exp23A_382 {strides = array<i32>} : memref<32000x128xf32, #tpu.memory_space<vmem>>, vector<128x128xf32>,
    %slice3A_386 = vector.extract_strided_slice %transpose3A {offsets = [0, 19], sizes = [128, 1], strides = [1, 1]} : vector<128x250xf32> to vector<128x1xf32>
    %get3A_387 = arith.constant 0 : index
    %get3A_388 = arith.constant 0 : index
    %get3A_389 = vector.load %arg4[%get3A_387, %get3A_388] : memref<1x128xf32, #tpu.memory_space<vmem>>, vector<1x128xf32>
    %sub3A_390 = vector.broadcast %slice3A_386 : vector<128x1xf32> to vector<128x128xf32>
    %sub3A_391 = vector.broadcast %get3A_389 : vector<1x128xf32> to vector<128x128xf32>
    %sub3A_392 = arith.subf %sub3A_390, %sub3A_391 : vector<128x128xf32>
    %mul3A_393 = vector.broadcast %div3A_21 : vector<1x128xf32> to vector<128x128xf32>
    %mul3A_394 = arith.mulf %sub3A_392, %mul3A_393 : vector<128x128xf32>
    %mul3A_395 = arith.mulf %mul3A_394, %mul3A_394 : vector<128x128xf32>
    %mul3A_396 = arith.constant -0.72134751 : f32
    %mul3A_397 = vector.broadcast %mul3A_396 : f32 to vector<128x128xf32>
    %mul3A_398 = arith.mulf %mul3A_395, %mul3A_397 : vector<128x128xf32>
    %add3A_399 = vector.broadcast %div3A_28 : vector<1x128xf32> to vector<128x128xf32>
    %add3A_400 = arith.addf %mul3A_398, %add3A_399 : vector<128x128xf32>
    %exp23A_401 = math.exp2 %add3A_400 : vector<128x128xf32>
    %swap3A_402 = arith.constant 2432 : index
    %swap3A_403 = arith.constant 0 : index
    %swap3A_404 = vector.load %arg6[%swap3A_402, %swap3A_403] : memref<32000x128xf32, #tpu.memory_space<vmem>>, vector<128x128xf32>
    tpu.vector_store %arg6[%swap3A_402, %swap3A_403], %exp23A_401 {strides = array<i32>} : memref<32000x128xf32, #tpu.memory_space<vmem>>, vector<128x128xf32>,
    %slice3A_405 = vector.extract_strided_slice %transpose3A {offsets = [0, 20], sizes = [128, 1], strides = [1, 1]} : vector<128x250xf32> to vector<128x1xf32>
    %get3A_406 = arith.constant 0 : index
    %get3A_407 = arith.constant 0 : index
    %get3A_408 = vector.load %arg4[%get3A_406, %get3A_407] : memref<1x128xf32, #tpu.memory_space<vmem>>, vector<1x128xf32>
    %sub3A_409 = vector.broadcast %slice3A_405 : vector<128x1xf32> to vector<128x128xf32>
    %sub3A_410 = vector.broadcast %get3A_408 : vector<1x128xf32> to vector<128x128xf32>
    %sub3A_411 = arith.subf %sub3A_409, %sub3A_410 : vector<128x128xf32>
    %mul3A_412 = vector.broadcast %div3A_21 : vector<1x128xf32> to vector<128x128xf32>
    %mul3A_413 = arith.mulf %sub3A_411, %mul3A_412 : vector<128x128xf32>
    %mul3A_414 = arith.mulf %mul3A_413, %mul3A_413 : vector<128x128xf32>
    %mul3A_415 = arith.constant -0.72134751 : f32
    %mul3A_416 = vector.broadcast %mul3A_415 : f32 to vector<128x128xf32>
    %mul3A_417 = arith.mulf %mul3A_414, %mul3A_416 : vector<128x128xf32>
    %add3A_418 = vector.broadcast %div3A_28 : vector<1x128xf32> to vector<128x128xf32>
    %add3A_419 = arith.addf %mul3A_417, %add3A_418 : vector<128x128xf32>
    %exp23A_420 = math.exp2 %add3A_419 : vector<128x128xf32>
    %swap3A_421 = arith.constant 2560 : index
    %swap3A_422 = arith.constant 0 : index
    %swap3A_423 = vector.load %arg6[%swap3A_421, %swap3A_422] : memref<32000x128xf32, #tpu.memory_space<vmem>>, vector<128x128xf32>
    tpu.vector_store %arg6[%swap3A_421, %swap3A_422], %exp23A_420 {strides = array<i32>} : memref<32000x128xf32, #tpu.memory_space<vmem>>, vector<128x128xf32>,
    %slice3A_424 = vector.extract_strided_slice %transpose3A {offsets = [0, 21], sizes = [128, 1], strides = [1, 1]} : vector<128x250xf32> to vector<128x1xf32>
    %get3A_425 = arith.constant 0 : index
    %get3A_426 = arith.constant 0 : index
    %get3A_427 = vector.load %arg4[%get3A_425, %get3A_426] : memref<1x128xf32, #tpu.memory_space<vmem>>, vector<1x128xf32>
    %sub3A_428 = vector.broadcast %slice3A_424 : vector<128x1xf32> to vector<128x128xf32>
    %sub3A_429 = vector.broadcast %get3A_427 : vector<1x128xf32> to vector<128x128xf32>
    %sub3A_430 = arith.subf %sub3A_428, %sub3A_429 : vector<128x128xf32>
    %mul3A_431 = vector.broadcast %div3A_21 : vector<1x128xf32> to vector<128x128xf32>
    %mul3A_432 = arith.mulf %sub3A_430, %mul3A_431 : vector<128x128xf32>
    %mul3A_433 = arith.mulf %mul3A_432, %mul3A_432 : vector<128x128xf32>
    %mul3A_434 = arith.constant -0.72134751 : f32
    %mul3A_435 = vector.broadcast %mul3A_434 : f32 to vector<128x128xf32>
    %mul3A_436 = arith.mulf %mul3A_433, %mul3A_435 : vector<128x128xf32>
    %add3A_437 = vector.broadcast %div3A_28 : vector<1x128xf32> to vector<128x128xf32>
    %add3A_438 = arith.addf %mul3A_436, %add3A_437 : vector<128x128xf32>
    %exp23A_439 = math.exp2 %add3A_438 : vector<128x128xf32>
    %swap3A_440 = arith.constant 2688 : index
    %swap3A_441 = arith.constant 0 : index
    %swap3A_442 = vector.load %arg6[%swap3A_440, %swap3A_441] : memref<32000x128xf32, #tpu.memory_space<vmem>>, vector<128x128xf32>
    tpu.vector_store %arg6[%swap3A_440, %swap3A_441], %exp23A_439 {strides = array<i32>} : memref<32000x128xf32, #tpu.memory_space<vmem>>, vector<128x128xf32>,
    %slice3A_443 = vector.extract_strided_slice %transpose3A {offsets = [0, 22], sizes = [128, 1], strides = [1, 1]} : vector<128x250xf32> to vector<128x1xf32>
    %get3A_444 = arith.constant 0 : index
    %get3A_445 = arith.constant 0 : index
    %get3A_446 = vector.load %arg4[%get3A_444, %get3A_445] : memref<1x128xf32, #tpu.memory_space<vmem>>, vector<1x128xf32>
    %sub3A_447 = vector.broadcast %slice3A_443 : vector<128x1xf32> to vector<128x128xf32>
    %sub3A_448 = vector.broadcast %get3A_446 : vector<1x128xf32> to vector<128x128xf32>
    %sub3A_449 = arith.subf %sub3A_447, %sub3A_448 : vector<128x128xf32>
    %mul3A_450 = vector.broadcast %div3A_21 : vector<1x128xf32> to vector<128x128xf32>
    %mul3A_451 = arith.mulf %sub3A_449, %mul3A_450 : vector<128x128xf32>
    %mul3A_452 = arith.mulf %mul3A_451, %mul3A_451 : vector<128x128xf32>
    %mul3A_453 = arith.constant -0.72134751 : f32
    %mul3A_454 = vector.broadcast %mul3A_453 : f32 to vector<128x128xf32>
    %mul3A_455 = arith.mulf %mul3A_452, %mul3A_454 : vector<128x128xf32>
    %add3A_456 = vector.broadcast %div3A_28 : vector<1x128xf32> to vector<128x128xf32>
    %add3A_457 = arith.addf %mul3A_455, %add3A_456 : vector<128x128xf32>
    %exp23A_458 = math.exp2 %add3A_457 : vector<128x128xf32>
    %swap3A_459 = arith.constant 2816 : index
    %swap3A_460 = arith.constant 0 : index
    %swap3A_461 = vector.load %arg6[%swap3A_459, %swap3A_460] : memref<32000x128xf32, #tpu.memory_space<vmem>>, vector<128x128xf32>
    tpu.vector_store %arg6[%swap3A_459, %swap3A_460], %exp23A_458 {strides = array<i32>} : memref<32000x128xf32, #tpu.memory_space<vmem>>, vector<128x128xf32>,
    %slice3A_462 = vector.extract_strided_slice %transpose3A {offsets = [0, 23], sizes = [128, 1], strides = [1, 1]} : vector<128x250xf32> to vector<128x1xf32>
    %get3A_463 = arith.constant 0 : index
    %get3A_464 = arith.constant 0 : index
    %get3A_465 = vector.load %arg4[%get3A_463, %get3A_464] : memref<1x128xf32, #tpu.memory_space<vmem>>, vector<1x128xf32>
    %sub3A_466 = vector.broadcast %slice3A_462 : vector<128x1xf32> to vector<128x128xf32>
    %sub3A_467 = vector.broadcast %get3A_465 : vector<1x128xf32> to vector<128x128xf32>
    %sub3A_468 = arith.subf %sub3A_466, %sub3A_467 : vector<128x128xf32>
    %mul3A_469 = vector.broadcast %div3A_21 : vector<1x128xf32> to vector<128x128xf32>
    %mul3A_470 = arith.mulf %sub3A_468, %mul3A_469 : vector<128x128xf32>
    %mul3A_471 = arith.mulf %mul3A_470, %mul3A_470 : vector<128x128xf32>
    %mul3A_472 = arith.constant -0.72134751 : f32
    %mul3A_473 = vector.broadcast %mul3A_472 : f32 to vector<128x128xf32>
    %mul3A_474 = arith.mulf %mul3A_471, %mul3A_473 : vector<128x128xf32>
    %add3A_475 = vector.broadcast %div3A_28 : vector<1x128xf32> to vector<128x128xf32>
    %add3A_476 = arith.addf %mul3A_474, %add3A_475 : vector<128x128xf32>
    %exp23A_477 = math.exp2 %add3A_476 : vector<128x128xf32>
    %swap3A_478 = arith.constant 2944 : index
    %swap3A_479 = arith.constant 0 : index
    %swap3A_480 = vector.load %arg6[%swap3A_478, %swap3A_479] : memref<32000x128xf32, #tpu.memory_space<vmem>>, vector<128x128xf32>
    tpu.vector_store %arg6[%swap3A_478, %swap3A_479], %exp23A_477 {strides = array<i32>} : memref<32000x128xf32, #tpu.memory_space<vmem>>, vector<128x128xf32>,
    %slice3A_481 = vector.extract_strided_slice %transpose3A {offsets = [0, 24], sizes = [128, 1], strides = [1, 1]} : vector<128x250xf32> to vector<128x1xf32>
    %get3A_482 = arith.constant 0 : index
    %get3A_483 = arith.constant 0 : index
    %get3A_484 = vector.load %arg4[%get3A_482, %get3A_483] : memref<1x128xf32, #tpu.memory_space<vmem>>, vector<1x128xf32>
    %sub3A_485 = vector.broadcast %slice3A_481 : vector<128x1xf32> to vector<128x128xf32>
    %sub3A_486 = vector.broadcast %get3A_484 : vector<1x128xf32> to vector<128x128xf32>
    %sub3A_487 = arith.subf %sub3A_485, %sub3A_486 : vector<128x128xf32>
    %mul3A_488 = vector.broadcast %div3A_21 : vector<1x128xf32> to vector<128x128xf32>
    %mul3A_489 = arith.mulf %sub3A_487, %mul3A_488 : vector<128x128xf32>
    %mul3A_490 = arith.mulf %mul3A_489, %mul3A_489 : vector<128x128xf32>
    %mul3A_491 = arith.constant -0.72134751 : f32
    %mul3A_492 = vector.broadcast %mul3A_491 : f32 to vector<128x128xf32>
    %mul3A_493 = arith.mulf %mul3A_490, %mul3A_492 : vector<128x128xf32>
    %add3A_494 = vector.broadcast %div3A_28 : vector<1x128xf32> to vector<128x128xf32>
    %add3A_495 = arith.addf %mul3A_493, %add3A_494 : vector<128x128xf32>
    %exp23A_496 = math.exp2 %add3A_495 : vector<128x128xf32>
    %swap3A_497 = arith.constant 3072 : index
    %swap3A_498 = arith.constant 0 : index
    %swap3A_499 = vector.load %arg6[%swap3A_497, %swap3A_498] : memref<32000x128xf32, #tpu.memory_space<vmem>>, vector<128x128xf32>
    tpu.vector_store %arg6[%swap3A_497, %swap3A_498], %exp23A_496 {strides = array<i32>} : memref<32000x128xf32, #tpu.memory_space<vmem>>, vector<128x128xf32>,
    %slice3A_500 = vector.extract_strided_slice %transpose3A {offsets = [0, 25], sizes = [128, 1], strides = [1, 1]} : vector<128x250xf32> to vector<128x1xf32>
    %get3A_501 = arith.constant 0 : index
    %get3A_502 = arith.constant 0 : index
    %get3A_503 = vector.load %arg4[%get3A_501, %get3A_502] : memref<1x128xf32, #tpu.memory_space<vmem>>, vector<1x128xf32>
    %sub3A_504 = vector.broadcast %slice3A_500 : vector<128x1xf32> to vector<128x128xf32>
    %sub3A_505 = vector.broadcast %get3A_503 : vector<1x128xf32> to vector<128x128xf32>
    %sub3A_506 = arith.subf %sub3A_504, %sub3A_505 : vector<128x128xf32>
    %mul3A_507 = vector.broadcast %div3A_21 : vector<1x128xf32> to vector<128x128xf32>
    %mul3A_508 = arith.mulf %sub3A_506, %mul3A_507 : vector<128x128xf32>
    %mul3A_509 = arith.mulf %mul3A_508, %mul3A_508 : vector<128x128xf32>
    %mul3A_510 = arith.constant -0.72134751 : f32
    %mul3A_511 = vector.broadcast %mul3A_510 : f32 to vector<128x128xf32>
    %mul3A_512 = arith.mulf %mul3A_509, %mul3A_511 : vector<128x128xf32>
    %add3A_513 = vector.broadcast %div3A_28 : vector<1x128xf32> to vector<128x128xf32>
    %add3A_514 = arith.addf %mul3A_512, %add3A_513 : vector<128x128xf32>
    %exp23A_515 = math.exp2 %add3A_514 : vector<128x128xf32>
    %swap3A_516 = arith.constant 3200 : index
    %swap3A_517 = arith.constant 0 : index
    %swap3A_518 = vector.load %arg6[%swap3A_516, %swap3A_517] : memref<32000x128xf32, #tpu.memory_space<vmem>>, vector<128x128xf32>
    tpu.vector_store %arg6[%swap3A_516, %swap3A_517], %exp23A_515 {strides = array<i32>} : memref<32000x128xf32, #tpu.memory_space<vmem>>, vector<128x128xf32>,
    %slice3A_519 = vector.extract_strided_slice %transpose3A {offsets = [0, 26], sizes = [128, 1], strides = [1, 1]} : vector<128x250xf32> to vector<128x1xf32>
    %get3A_520 = arith.constant 0 : index
    %get3A_521 = arith.constant 0 : index
    %get3A_522 = vector.load %arg4[%get3A_520, %get3A_521] : memref<1x128xf32, #tpu.memory_space<vmem>>, vector<1x128xf32>
    %sub3A_523 = vector.broadcast %slice3A_519 : vector<128x1xf32> to vector<128x128xf32>
    %sub3A_524 = vector.broadcast %get3A_522 : vector<1x128xf32> to vector<128x128xf32>
    %sub3A_525 = arith.subf %sub3A_523, %sub3A_524 : vector<128x128xf32>
    %mul3A_526 = vector.broadcast %div3A_21 : vector<1x128xf32> to vector<128x128xf32>
    %mul3A_527 = arith.mulf %sub3A_525, %mul3A_526 : vector<128x128xf32>
    %mul3A_528 = arith.mulf %mul3A_527, %mul3A_527 : vector<128x128xf32>
    %mul3A_529 = arith.constant -0.72134751 : f32
    %mul3A_530 = vector.broadcast %mul3A_529 : f32 to vector<128x128xf32>
    %mul3A_531 = arith.mulf %mul3A_528, %mul3A_530 : vector<128x128xf32>
    %add3A_532 = vector.broadcast %div3A_28 : vector<1x128xf32> to vector<128x128xf32>
    %add3A_533 = arith.addf %mul3A_531, %add3A_532 : vector<128x128xf32>
    %exp23A_534 = math.exp2 %add3A_533 : vector<128x128xf32>
    %swap3A_535 = arith.constant 3328 : index
    %swap3A_536 = arith.constant 0 : index
    %swap3A_537 = vector.load %arg6[%swap3A_535, %swap3A_536] : memref<32000x128xf32, #tpu.memory_space<vmem>>, vector<128x128xf32>
    tpu.vector_store %arg6[%swap3A_535, %swap3A_536], %exp23A_534 {strides = array<i32>} : memref<32000x128xf32, #tpu.memory_space<vmem>>, vector<128x128xf32>,
    %slice3A_538 = vector.extract_strided_slice %transpose3A {offsets = [0, 27], sizes = [128, 1], strides = [1, 1]} : vector<128x250xf32> to vector<128x1xf32>
    %get3A_539 = arith.constant 0 : index
    %get3A_540 = arith.constant 0 : index
    %get3A_541 = vector.load %arg4[%get3A_539, %get3A_540] : memref<1x128xf32, #tpu.memory_space<vmem>>, vector<1x128xf32>
    %sub3A_542 = vector.broadcast %slice3A_538 : vector<128x1xf32> to vector<128x128xf32>
    %sub3A_543 = vector.broadcast %get3A_541 : vector<1x128xf32> to vector<128x128xf32>
    %sub3A_544 = arith.subf %sub3A_542, %sub3A_543 : vector<128x128xf32>
    %mul3A_545 = vector.broadcast %div3A_21 : vector<1x128xf32> to vector<128x128xf32>
    %mul3A_546 = arith.mulf %sub3A_544, %mul3A_545 : vector<128x128xf32>
    %mul3A_547 = arith.mulf %mul3A_546, %mul3A_546 : vector<128x128xf32>
    %mul3A_548 = arith.constant -0.72134751 : f32
    %mul3A_549 = vector.broadcast %mul3A_548 : f32 to vector<128x128xf32>
    %mul3A_550 = arith.mulf %mul3A_547, %mul3A_549 : vector<128x128xf32>
    %add3A_551 = vector.broadcast %div3A_28 : vector<1x128xf32> to vector<128x128xf32>
    %add3A_552 = arith.addf %mul3A_550, %add3A_551 : vector<128x128xf32>
    %exp23A_553 = math.exp2 %add3A_552 : vector<128x128xf32>
    %swap3A_554 = arith.constant 3456 : index
    %swap3A_555 = arith.constant 0 : index
    %swap3A_556 = vector.load %arg6[%swap3A_554, %swap3A_555] : memref<32000x128xf32, #tpu.memory_space<vmem>>, vector<128x128xf32>
    tpu.vector_store %arg6[%swap3A_554, %swap3A_555], %exp23A_553 {strides = array<i32>} : memref<32000x128xf32, #tpu.memory_space<vmem>>, vector<128x128xf32>,
    %slice3A_557 = vector.extract_strided_slice %transpose3A {offsets = [0, 28], sizes = [128, 1], strides = [1, 1]} : vector<128x250xf32> to vector<128x1xf32>
    %get3A_558 = arith.constant 0 : index
    %get3A_559 = arith.constant 0 : index
    %get3A_560 = vector.load %arg4[%get3A_558, %get3A_559] : memref<1x128xf32, #tpu.memory_space<vmem>>, vector<1x128xf32>
    %sub3A_561 = vector.broadcast %slice3A_557 : vector<128x1xf32> to vector<128x128xf32>
    %sub3A_562 = vector.broadcast %get3A_560 : vector<1x128xf32> to vector<128x128xf32>
    %sub3A_563 = arith.subf %sub3A_561, %sub3A_562 : vector<128x128xf32>
    %mul3A_564 = vector.broadcast %div3A_21 : vector<1x128xf32> to vector<128x128xf32>
    %mul3A_565 = arith.mulf %sub3A_563, %mul3A_564 : vector<128x128xf32>
    %mul3A_566 = arith.mulf %mul3A_565, %mul3A_565 : vector<128x128xf32>
    %mul3A_567 = arith.constant -0.72134751 : f32
    %mul3A_568 = vector.broadcast %mul3A_567 : f32 to vector<128x128xf32>
    %mul3A_569 = arith.mulf %mul3A_566, %mul3A_568 : vector<128x128xf32>
    %add3A_570 = vector.broadcast %div3A_28 : vector<1x128xf32> to vector<128x128xf32>
    %add3A_571 = arith.addf %mul3A_569, %add3A_570 : vector<128x128xf32>
    %exp23A_572 = math.exp2 %add3A_571 : vector<128x128xf32>
    %swap3A_573 = arith.constant 3584 : index
    %swap3A_574 = arith.constant 0 : index
    %swap3A_575 = vector.load %arg6[%swap3A_573, %swap3A_574] : memref<32000x128xf32, #tpu.memory_space<vmem>>, vector<128x128xf32>
    tpu.vector_store %arg6[%swap3A_573, %swap3A_574], %exp23A_572 {strides = array<i32>} : memref<32000x128xf32, #tpu.memory_space<vmem>>, vector<128x128xf32>,
    %slice3A_576 = vector.extract_strided_slice %transpose3A {offsets = [0, 29], sizes = [128, 1], strides = [1, 1]} : vector<128x250xf32> to vector<128x1xf32>
    %get3A_577 = arith.constant 0 : index
    %get3A_578 = arith.constant 0 : index
    %get3A_579 = vector.load %arg4[%get3A_577, %get3A_578] : memref<1x128xf32, #tpu.memory_space<vmem>>, vector<1x128xf32>
    %sub3A_580 = vector.broadcast %slice3A_576 : vector<128x1xf32> to vector<128x128xf32>
    %sub3A_581 = vector.broadcast %get3A_579 : vector<1x128xf32> to vector<128x128xf32>
    %sub3A_582 = arith.subf %sub3A_580, %sub3A_581 : vector<128x128xf32>
    %mul3A_583 = vector.broadcast %div3A_21 : vector<1x128xf32> to vector<128x128xf32>
    %mul3A_584 = arith.mulf %sub3A_582, %mul3A_583 : vector<128x128xf32>
    %mul3A_585 = arith.mulf %mul3A_584, %mul3A_584 : vector<128x128xf32>
    %mul3A_586 = arith.constant -0.72134751 : f32
    %mul3A_587 = vector.broadcast %mul3A_586 : f32 to vector<128x128xf32>
    %mul3A_588 = arith.mulf %mul3A_585, %mul3A_587 : vector<128x128xf32>
    %add3A_589 = vector.broadcast %div3A_28 : vector<1x128xf32> to vector<128x128xf32>
    %add3A_590 = arith.addf %mul3A_588, %add3A_589 : vector<128x128xf32>
    %exp23A_591 = math.exp2 %add3A_590 : vector<128x128xf32>
    %swap3A_592 = arith.constant 3712 : index
    %swap3A_593 = arith.constant 0 : index
    %swap3A_594 = vector.load %arg6[%swap3A_592, %swap3A_593] : memref<32000x128xf32, #tpu.memory_space<vmem>>, vector<128x128xf32>
    tpu.vector_store %arg6[%swap3A_592, %swap3A_593], %exp23A_591 {strides = array<i32>} : memref<32000x128xf32, #tpu.memory_space<vmem>>, vector<128x128xf32>,
    %slice3A_595 = vector.extract_strided_slice %transpose3A {offsets = [0, 30], sizes = [128, 1], strides = [1, 1]} : vector<128x250xf32> to vector<128x1xf32>
    %get3A_596 = arith.constant 0 : index
    %get3A_597 = arith.constant 0 : index
    %get3A_598 = vector.load %arg4[%get3A_596, %get3A_597] : memref<1x128xf32, #tpu.memory_space<vmem>>, vector<1x128xf32>
    %sub3A_599 = vector.broadcast %slice3A_595 : vector<128x1xf32> to vector<128x128xf32>
    %sub3A_600 = vector.broadcast %get3A_598 : vector<1x128xf32> to vector<128x128xf32>
    %sub3A_601 = arith.subf %sub3A_599, %sub3A_600 : vector<128x128xf32>
    %mul3A_602 = vector.broadcast %div3A_21 : vector<1x128xf32> to vector<128x128xf32>
    %mul3A_603 = arith.mulf %sub3A_601, %mul3A_602 : vector<128x128xf32>
    %mul3A_604 = arith.mulf %mul3A_603, %mul3A_603 : vector<128x128xf32>
    %mul3A_605 = arith.constant -0.72134751 : f32
    %mul3A_606 = vector.broadcast %mul3A_605 : f32 to vector<128x128xf32>
    %mul3A_607 = arith.mulf %mul3A_604, %mul3A_606 : vector<128x128xf32>
    %add3A_608 = vector.broadcast %div3A_28 : vector<1x128xf32> to vector<128x128xf32>
    %add3A_609 = arith.addf %mul3A_607, %add3A_608 : vector<128x128xf32>
    %exp23A_610 = math.exp2 %add3A_609 : vector<128x128xf32>
    %swap3A_611 = arith.constant 3840 : index
    %swap3A_612 = arith.constant 0 : index
    %swap3A_613 = vector.load %arg6[%swap3A_611, %swap3A_612] : memref<32000x128xf32, #tpu.memory_space<vmem>>, vector<128x128xf32>
    tpu.vector_store %arg6[%swap3A_611, %swap3A_612], %exp23A_610 {strides = array<i32>} : memref<32000x128xf32, #tpu.memory_space<vmem>>, vector<128x128xf32>,
    %slice3A_614 = vector.extract_strided_slice %transpose3A {offsets = [0, 31], sizes = [128, 1], strides = [1, 1]} : vector<128x250xf32> to vector<128x1xf32>
    %get3A_615 = arith.constant 0 : index
    %get3A_616 = arith.constant 0 : index
    %get3A_617 = vector.load %arg4[%get3A_615, %get3A_616] : memref<1x128xf32, #tpu.memory_space<vmem>>, vector<1x128xf32>
    %sub3A_618 = vector.broadcast %slice3A_614 : vector<128x1xf32> to vector<128x128xf32>
    %sub3A_619 = vector.broadcast %get3A_617 : vector<1x128xf32> to vector<128x128xf32>
    %sub3A_620 = arith.subf %sub3A_618, %sub3A_619 : vector<128x128xf32>
    %mul3A_621 = vector.broadcast %div3A_21 : vector<1x128xf32> to vector<128x128xf32>
    %mul3A_622 = arith.mulf %sub3A_620, %mul3A_621 : vector<128x128xf32>
    %mul3A_623 = arith.mulf %mul3A_622, %mul3A_622 : vector<128x128xf32>
    %mul3A_624 = arith.constant -0.72134751 : f32
    %mul3A_625 = vector.broadcast %mul3A_624 : f32 to vector<128x128xf32>
    %mul3A_626 = arith.mulf %mul3A_623, %mul3A_625 : vector<128x128xf32>
    %add3A_627 = vector.broadcast %div3A_28 : vector<1x128xf32> to vector<128x128xf32>
    %add3A_628 = arith.addf %mul3A_626, %add3A_627 : vector<128x128xf32>
    %exp23A_629 = math.exp2 %add3A_628 : vector<128x128xf32>
    %swap3A_630 = arith.constant 3968 : index
    %swap3A_631 = arith.constant 0 : index
    %swap3A_632 = vector.load %arg6[%swap3A_630, %swap3A_631] : memref<32000x128xf32, #tpu.memory_space<vmem>>, vector<128x128xf32>
    tpu.vector_store %arg6[%swap3A_630, %swap3A_631], %exp23A_629 {strides = array<i32>} : memref<32000x128xf32, #tpu.memory_space<vmem>>, vector<128x128xf32>,
    %slice3A_633 = vector.extract_strided_slice %transpose3A {offsets = [0, 32], sizes = [128, 1], strides = [1, 1]} : vector<128x250xf32> to vector<128x1xf32>
    %get3A_634 = arith.constant 0 : index
    %get3A_635 = arith.constant 0 : index
    %get3A_636 = vector.load %arg4[%get3A_634, %get3A_635] : memref<1x128xf32, #tpu.memory_space<vmem>>, vector<1x128xf32>
    %sub3A_637 = vector.broadcast %slice3A_633 : vector<128x1xf32> to vector<128x128xf32>
    %sub3A_638 = vector.broadcast %get3A_636 : vector<1x128xf32> to vector<128x128xf32>
    %sub3A_639 = arith.subf %sub3A_637, %sub3A_638 : vector<128x128xf32>
    %mul3A_640 = vector.broadcast %div3A_21 : vector<1x128xf32> to vector<128x128xf32>
    %mul3A_641 = arith.mulf %sub3A_639, %mul3A_640 : vector<128x128xf32>
    %mul3A_642 = arith.mulf %mul3A_641, %mul3A_641 : vector<128x128xf32>
    %mul3A_643 = arith.constant -0.72134751 : f32
    %mul3A_644 = vector.broadcast %mul3A_643 : f32 to vector<128x128xf32>
    %mul3A_645 = arith.mulf %mul3A_642, %mul3A_644 : vector<128x128xf32>
    %add3A_646 = vector.broadcast %div3A_28 : vector<1x128xf32> to vector<128x128xf32>
    %add3A_647 = arith.addf %mul3A_645, %add3A_646 : vector<128x128xf32>
    %exp23A_648 = math.exp2 %add3A_647 : vector<128x128xf32>
    %swap3A_649 = arith.constant 4096 : index
    %swap3A_650 = arith.constant 0 : index
    %swap3A_651 = vector.load %arg6[%swap3A_649, %swap3A_650] : memref<32000x128xf32, #tpu.memory_space<vmem>>, vector<128x128xf32>
    tpu.vector_store %arg6[%swap3A_649, %swap3A_650], %exp23A_648 {strides = array<i32>} : memref<32000x128xf32, #tpu.memory_space<vmem>>, vector<128x128xf32>,
    %slice3A_652 = vector.extract_strided_slice %transpose3A {offsets = [0, 33], sizes = [128, 1], strides = [1, 1]} : vector<128x250xf32> to vector<128x1xf32>
    %get3A_653 = arith.constant 0 : index
    %get3A_654 = arith.constant 0 : index
    %get3A_655 = vector.load %arg4[%get3A_653, %get3A_654] : memref<1x128xf32, #tpu.memory_space<vmem>>, vector<1x128xf32>
    %sub3A_656 = vector.broadcast %slice3A_652 : vector<128x1xf32> to vector<128x128xf32>
    %sub3A_657 = vector.broadcast %get3A_655 : vector<1x128xf32> to vector<128x128xf32>
    %sub3A_658 = arith.subf %sub3A_656, %sub3A_657 : vector<128x128xf32>
    %mul3A_659 = vector.broadcast %div3A_21 : vector<1x128xf32> to vector<128x128xf32>
    %mul3A_660 = arith.mulf %sub3A_658, %mul3A_659 : vector<128x128xf32>
    %mul3A_661 = arith.mulf %mul3A_660, %mul3A_660 : vector<128x128xf32>
    %mul3A_662 = arith.constant -0.72134751 : f32
    %mul3A_663 = vector.broadcast %mul3A_662 : f32 to vector<128x128xf32>
    %mul3A_664 = arith.mulf %mul3A_661, %mul3A_663 : vector<128x128xf32>
    %add3A_665 = vector.broadcast %div3A_28 : vector<1x128xf32> to vector<128x128xf32>
    %add3A_666 = arith.addf %mul3A_664, %add3A_665 : vector<128x128xf32>
    %exp23A_667 = math.exp2 %add3A_666 : vector<128x128xf32>
    %swap3A_668 = arith.constant 4224 : index
    %swap3A_669 = arith.constant 0 : index
    %swap3A_670 = vector.load %arg6[%swap3A_668, %swap3A_669] : memref<32000x128xf32, #tpu.memory_space<vmem>>, vector<128x128xf32>
    tpu.vector_store %arg6[%swap3A_668, %swap3A_669], %exp23A_667 {strides = array<i32>} : memref<32000x128xf32, #tpu.memory_space<vmem>>, vector<128x128xf32>,
    %slice3A_671 = vector.extract_strided_slice %transpose3A {offsets = [0, 34], sizes = [128, 1], strides = [1, 1]} : vector<128x250xf32> to vector<128x1xf32>
    %get3A_672 = arith.constant 0 : index
    %get3A_673 = arith.constant 0 : index
    %get3A_674 = vector.load %arg4[%get3A_672, %get3A_673] : memref<1x128xf32, #tpu.memory_space<vmem>>, vector<1x128xf32>
    %sub3A_675 = vector.broadcast %slice3A_671 : vector<128x1xf32> to vector<128x128xf32>
    %sub3A_676 = vector.broadcast %get3A_674 : vector<1x128xf32> to vector<128x128xf32>
    %sub3A_677 = arith.subf %sub3A_675, %sub3A_676 : vector<128x128xf32>
    %mul3A_678 = vector.broadcast %div3A_21 : vector<1x128xf32> to vector<128x128xf32>
    %mul3A_679 = arith.mulf %sub3A_677, %mul3A_678 : vector<128x128xf32>
    %mul3A_680 = arith.mulf %mul3A_679, %mul3A_679 : vector<128x128xf32>
    %mul3A_681 = arith.constant -0.72134751 : f32
    %mul3A_682 = vector.broadcast %mul3A_681 : f32 to vector<128x128xf32>
    %mul3A_683 = arith.mulf %mul3A_680, %mul3A_682 : vector<128x128xf32>
    %add3A_684 = vector.broadcast %div3A_28 : vector<1x128xf32> to vector<128x128xf32>
    %add3A_685 = arith.addf %mul3A_683, %add3A_684 : vector<128x128xf32>
    %exp23A_686 = math.exp2 %add3A_685 : vector<128x128xf32>
    %swap3A_687 = arith.constant 4352 : index
    %swap3A_688 = arith.constant 0 : index
    %swap3A_689 = vector.load %arg6[%swap3A_687, %swap3A_688] : memref<32000x128xf32, #tpu.memory_space<vmem>>, vector<128x128xf32>
    tpu.vector_store %arg6[%swap3A_687, %swap3A_688], %exp23A_686 {strides = array<i32>} : memref<32000x128xf32, #tpu.memory_space<vmem>>, vector<128x128xf32>,
    %slice3A_690 = vector.extract_strided_slice %transpose3A {offsets = [0, 35], sizes = [128, 1], strides = [1, 1]} : vector<128x250xf32> to vector<128x1xf32>
    %get3A_691 = arith.constant 0 : index
    %get3A_692 = arith.constant 0 : index
    %get3A_693 = vector.load %arg4[%get3A_691, %get3A_692] : memref<1x128xf32, #tpu.memory_space<vmem>>, vector<1x128xf32>
    %sub3A_694 = vector.broadcast %slice3A_690 : vector<128x1xf32> to vector<128x128xf32>
    %sub3A_695 = vector.broadcast %get3A_693 : vector<1x128xf32> to vector<128x128xf32>
    %sub3A_696 = arith.subf %sub3A_694, %sub3A_695 : vector<128x128xf32>
    %mul3A_697 = vector.broadcast %div3A_21 : vector<1x128xf32> to vector<128x128xf32>
    %mul3A_698 = arith.mulf %sub3A_696, %mul3A_697 : vector<128x128xf32>
    %mul3A_699 = arith.mulf %mul3A_698, %mul3A_698 : vector<128x128xf32>
    %mul3A_700 = arith.constant -0.72134751 : f32
    %mul3A_701 = vector.broadcast %mul3A_700 : f32 to vector<128x128xf32>
    %mul3A_702 = arith.mulf %mul3A_699, %mul3A_701 : vector<128x128xf32>
    %add3A_703 = vector.broadcast %div3A_28 : vector<1x128xf32> to vector<128x128xf32>
    %add3A_704 = arith.addf %mul3A_702, %add3A_703 : vector<128x128xf32>
    %exp23A_705 = math.exp2 %add3A_704 : vector<128x128xf32>
    %swap3A_706 = arith.constant 4480 : index
    %swap3A_707 = arith.constant 0 : index
    %swap3A_708 = vector.load %arg6[%swap3A_706, %swap3A_707] : memref<32000x128xf32, #tpu.memory_space<vmem>>, vector<128x128xf32>
    tpu.vector_store %arg6[%swap3A_706, %swap3A_707], %exp23A_705 {strides = array<i32>} : memref<32000x128xf32, #tpu.memory_space<vmem>>, vector<128x128xf32>,
    %slice3A_709 = vector.extract_strided_slice %transpose3A {offsets = [0, 36], sizes = [128, 1], strides = [1, 1]} : vector<128x250xf32> to vector<128x1xf32>
    %get3A_710 = arith.constant 0 : index
    %get3A_711 = arith.constant 0 : index
    %get3A_712 = vector.load %arg4[%get3A_710, %get3A_711] : memref<1x128xf32, #tpu.memory_space<vmem>>, vector<1x128xf32>
    %sub3A_713 = vector.broadcast %slice3A_709 : vector<128x1xf32> to vector<128x128xf32>
    %sub3A_714 = vector.broadcast %get3A_712 : vector<1x128xf32> to vector<128x128xf32>
    %sub3A_715 = arith.subf %sub3A_713, %sub3A_714 : vector<128x128xf32>
    %mul3A_716 = vector.broadcast %div3A_21 : vector<1x128xf32> to vector<128x128xf32>
    %mul3A_717 = arith.mulf %sub3A_715, %mul3A_716 : vector<128x128xf32>
    %mul3A_718 = arith.mulf %mul3A_717, %mul3A_717 : vector<128x128xf32>
    %mul3A_719 = arith.constant -0.72134751 : f32
    %mul3A_720 = vector.broadcast %mul3A_719 : f32 to vector<128x128xf32>
    %mul3A_721 = arith.mulf %mul3A_718, %mul3A_720 : vector<128x128xf32>
    %add3A_722 = vector.broadcast %div3A_28 : vector<1x128xf32> to vector<128x128xf32>
    %add3A_723 = arith.addf %mul3A_721, %add3A_722 : vector<128x128xf32>
    %exp23A_724 = math.exp2 %add3A_723 : vector<128x128xf32>
    %swap3A_725 = arith.constant 4608 : index
    %swap3A_726 = arith.constant 0 : index
    %swap3A_727 = vector.load %arg6[%swap3A_725, %swap3A_726] : memref<32000x128xf32, #tpu.memory_space<vmem>>, vector<128x128xf32>
    tpu.vector_store %arg6[%swap3A_725, %swap3A_726], %exp23A_724 {strides = array<i32>} : memref<32000x128xf32, #tpu.memory_space<vmem>>, vector<128x128xf32>,
    %slice3A_728 = vector.extract_strided_slice %transpose3A {offsets = [0, 37], sizes = [128, 1], strides = [1, 1]} : vector<128x250xf32> to vector<128x1xf32>
    %get3A_729 = arith.constant 0 : index
    %get3A_730 = arith.constant 0 : index
    %get3A_731 = vector.load %arg4[%get3A_729, %get3A_730] : memref<1x128xf32, #tpu.memory_space<vmem>>, vector<1x128xf32>
    %sub3A_732 = vector.broadcast %slice3A_728 : vector<128x1xf32> to vector<128x128xf32>
    %sub3A_733 = vector.broadcast %get3A_731 : vector<1x128xf32> to vector<128x128xf32>
    %sub3A_734 = arith.subf %sub3A_732, %sub3A_733 : vector<128x128xf32>
    %mul3A_735 = vector.broadcast %div3A_21 : vector<1x128xf32> to vector<128x128xf32>
    %mul3A_736 = arith.mulf %sub3A_734, %mul3A_735 : vector<128x128xf32>
    %mul3A_737 = arith.mulf %mul3A_736, %mul3A_736 : vector<128x128xf32>
    %mul3A_738 = arith.constant -0.72134751 : f32
    %mul3A_739 = vector.broadcast %mul3A_738 : f32 to vector<128x128xf32>
    %mul3A_740 = arith.mulf %mul3A_737, %mul3A_739 : vector<128x128xf32>
    %add3A_741 = vector.broadcast %div3A_28 : vector<1x128xf32> to vector<128x128xf32>
    %add3A_742 = arith.addf %mul3A_740, %add3A_741 : vector<128x128xf32>
    %exp23A_743 = math.exp2 %add3A_742 : vector<128x128xf32>
    %swap3A_744 = arith.constant 4736 : index
    %swap3A_745 = arith.constant 0 : index
    %swap3A_746 = vector.load %arg6[%swap3A_744, %swap3A_745] : memref<32000x128xf32, #tpu.memory_space<vmem>>, vector<128x128xf32>
    tpu.vector_store %arg6[%swap3A_744, %swap3A_745], %exp23A_743 {strides = array<i32>} : memref<32000x128xf32, #tpu.memory_space<vmem>>, vector<128x128xf32>,
    %slice3A_747 = vector.extract_strided_slice %transpose3A {offsets = [0, 38], sizes = [128, 1], strides = [1, 1]} : vector<128x250xf32> to vector<128x1xf32>
    %get3A_748 = arith.constant 0 : index
    %get3A_749 = arith.constant 0 : index
    %get3A_750 = vector.load %arg4[%get3A_748, %get3A_749] : memref<1x128xf32, #tpu.memory_space<vmem>>, vector<1x128xf32>
    %sub3A_751 = vector.broadcast %slice3A_747 : vector<128x1xf32> to vector<128x128xf32>
    %sub3A_752 = vector.broadcast %get3A_750 : vector<1x128xf32> to vector<128x128xf32>
    %sub3A_753 = arith.subf %sub3A_751, %sub3A_752 : vector<128x128xf32>
    %mul3A_754 = vector.broadcast %div3A_21 : vector<1x128xf32> to vector<128x128xf32>
    %mul3A_755 = arith.mulf %sub3A_753, %mul3A_754 : vector<128x128xf32>
    %mul3A_756 = arith.mulf %mul3A_755, %mul3A_755 : vector<128x128xf32>
    %mul3A_757 = arith.constant -0.72134751 : f32
    %mul3A_758 = vector.broadcast %mul3A_757 : f32 to vector<128x128xf32>
    %mul3A_759 = arith.mulf %mul3A_756, %mul3A_758 : vector<128x128xf32>
    %add3A_760 = vector.broadcast %div3A_28 : vector<1x128xf32> to vector<128x128xf32>
    %add3A_761 = arith.addf %mul3A_759, %add3A_760 : vector<128x128xf32>
    %exp23A_762 = math.exp2 %add3A_761 : vector<128x128xf32>
    %swap3A_763 = arith.constant 4864 : index
    %swap3A_764 = arith.constant 0 : index
    %swap3A_765 = vector.load %arg6[%swap3A_763, %swap3A_764] : memref<32000x128xf32, #tpu.memory_space<vmem>>, vector<128x128xf32>
    tpu.vector_store %arg6[%swap3A_763, %swap3A_764], %exp23A_762 {strides = array<i32>} : memref<32000x128xf32, #tpu.memory_space<vmem>>, vector<128x128xf32>,
    %slice3A_766 = vector.extract_strided_slice %transpose3A {offsets = [0, 39], sizes = [128, 1], strides = [1, 1]} : vector<128x250xf32> to vector<128x1xf32>
    %get3A_767 = arith.constant 0 : index
    %get3A_768 = arith.constant 0 : index
    %get3A_769 = vector.load %arg4[%get3A_767, %get3A_768] : memref<1x128xf32, #tpu.memory_space<vmem>>, vector<1x128xf32>
    %sub3A_770 = vector.broadcast %slice3A_766 : vector<128x1xf32> to vector<128x128xf32>
    %sub3A_771 = vector.broadcast %get3A_769 : vector<1x128xf32> to vector<128x128xf32>
    %sub3A_772 = arith.subf %sub3A_770, %sub3A_771 : vector<128x128xf32>
    %mul3A_773 = vector.broadcast %div3A_21 : vector<1x128xf32> to vector<128x128xf32>
    %mul3A_774 = arith.mulf %sub3A_772, %mul3A_773 : vector<128x128xf32>
    %mul3A_775 = arith.mulf %mul3A_774, %mul3A_774 : vector<128x128xf32>
    %mul3A_776 = arith.constant -0.72134751 : f32
    %mul3A_777 = vector.broadcast %mul3A_776 : f32 to vector<128x128xf32>
    %mul3A_778 = arith.mulf %mul3A_775, %mul3A_777 : vector<128x128xf32>
    %add3A_779 = vector.broadcast %div3A_28 : vector<1x128xf32> to vector<128x128xf32>
    %add3A_780 = arith.addf %mul3A_778, %add3A_779 : vector<128x128xf32>
    %exp23A_781 = math.exp2 %add3A_780 : vector<128x128xf32>
    %swap3A_782 = arith.constant 4992 : index
    %swap3A_783 = arith.constant 0 : index
    %swap3A_784 = vector.load %arg6[%swap3A_782, %swap3A_783] : memref<32000x128xf32, #tpu.memory_space<vmem>>, vector<128x128xf32>
    tpu.vector_store %arg6[%swap3A_782, %swap3A_783], %exp23A_781 {strides = array<i32>} : memref<32000x128xf32, #tpu.memory_space<vmem>>, vector<128x128xf32>,
    %slice3A_785 = vector.extract_strided_slice %transpose3A {offsets = [0, 40], sizes = [128, 1], strides = [1, 1]} : vector<128x250xf32> to vector<128x1xf32>
    %get3A_786 = arith.constant 0 : index
    %get3A_787 = arith.constant 0 : index
    %get3A_788 = vector.load %arg4[%get3A_786, %get3A_787] : memref<1x128xf32, #tpu.memory_space<vmem>>, vector<1x128xf32>
    %sub3A_789 = vector.broadcast %slice3A_785 : vector<128x1xf32> to vector<128x128xf32>
    %sub3A_790 = vector.broadcast %get3A_788 : vector<1x128xf32> to vector<128x128xf32>
    %sub3A_791 = arith.subf %sub3A_789, %sub3A_790 : vector<128x128xf32>
    %mul3A_792 = vector.broadcast %div3A_21 : vector<1x128xf32> to vector<128x128xf32>
    %mul3A_793 = arith.mulf %sub3A_791, %mul3A_792 : vector<128x128xf32>
    %mul3A_794 = arith.mulf %mul3A_793, %mul3A_793 : vector<128x128xf32>
    %mul3A_795 = arith.constant -0.72134751 : f32
    %mul3A_796 = vector.broadcast %mul3A_795 : f32 to vector<128x128xf32>
    %mul3A_797 = arith.mulf %mul3A_794, %mul3A_796 : vector<128x128xf32>
    %add3A_798 = vector.broadcast %div3A_28 : vector<1x128xf32> to vector<128x128xf32>
    %add3A_799 = arith.addf %mul3A_797, %add3A_798 : vector<128x128xf32>
    %exp23A_800 = math.exp2 %add3A_799 : vector<128x128xf32>
    %swap3A_801 = arith.constant 5120 : index
    %swap3A_802 = arith.constant 0 : index
    %swap3A_803 = vector.load %arg6[%swap3A_801, %swap3A_802] : memref<32000x128xf32, #tpu.memory_space<vmem>>, vector<128x128xf32>
    tpu.vector_store %arg6[%swap3A_801, %swap3A_802], %exp23A_800 {strides = array<i32>} : memref<32000x128xf32, #tpu.memory_space<vmem>>, vector<128x128xf32>,
    %slice3A_804 = vector.extract_strided_slice %transpose3A {offsets = [0, 41], sizes = [128, 1], strides = [1, 1]} : vector<128x250xf32> to vector<128x1xf32>
    %get3A_805 = arith.constant 0 : index
    %get3A_806 = arith.constant 0 : index
    %get3A_807 = vector.load %arg4[%get3A_805, %get3A_806] : memref<1x128xf32, #tpu.memory_space<vmem>>, vector<1x128xf32>
    %sub3A_808 = vector.broadcast %slice3A_804 : vector<128x1xf32> to vector<128x128xf32>
    %sub3A_809 = vector.broadcast %get3A_807 : vector<1x128xf32> to vector<128x128xf32>
    %sub3A_810 = arith.subf %sub3A_808, %sub3A_809 : vector<128x128xf32>
    %mul3A_811 = vector.broadcast %div3A_21 : vector<1x128xf32> to vector<128x128xf32>
    %mul3A_812 = arith.mulf %sub3A_810, %mul3A_811 : vector<128x128xf32>
    %mul3A_813 = arith.mulf %mul3A_812, %mul3A_812 : vector<128x128xf32>
    %mul3A_814 = arith.constant -0.72134751 : f32
    %mul3A_815 = vector.broadcast %mul3A_814 : f32 to vector<128x128xf32>
    %mul3A_816 = arith.mulf %mul3A_813, %mul3A_815 : vector<128x128xf32>
    %add3A_817 = vector.broadcast %div3A_28 : vector<1x128xf32> to vector<128x128xf32>
    %add3A_818 = arith.addf %mul3A_816, %add3A_817 : vector<128x128xf32>
    %exp23A_819 = math.exp2 %add3A_818 : vector<128x128xf32>
    %swap3A_820 = arith.constant 5248 : index
    %swap3A_821 = arith.constant 0 : index
    %swap3A_822 = vector.load %arg6[%swap3A_820, %swap3A_821] : memref<32000x128xf32, #tpu.memory_space<vmem>>, vector<128x128xf32>
    tpu.vector_store %arg6[%swap3A_820, %swap3A_821], %exp23A_819 {strides = array<i32>} : memref<32000x128xf32, #tpu.memory_space<vmem>>, vector<128x128xf32>,
    %slice3A_823 = vector.extract_strided_slice %transpose3A {offsets = [0, 42], sizes = [128, 1], strides = [1, 1]} : vector<128x250xf32> to vector<128x1xf32>
    %get3A_824 = arith.constant 0 : index
    %get3A_825 = arith.constant 0 : index
    %get3A_826 = vector.load %arg4[%get3A_824, %get3A_825] : memref<1x128xf32, #tpu.memory_space<vmem>>, vector<1x128xf32>
    %sub3A_827 = vector.broadcast %slice3A_823 : vector<128x1xf32> to vector<128x128xf32>
    %sub3A_828 = vector.broadcast %get3A_826 : vector<1x128xf32> to vector<128x128xf32>
    %sub3A_829 = arith.subf %sub3A_827, %sub3A_828 : vector<128x128xf32>
    %mul3A_830 = vector.broadcast %div3A_21 : vector<1x128xf32> to vector<128x128xf32>
    %mul3A_831 = arith.mulf %sub3A_829, %mul3A_830 : vector<128x128xf32>
    %mul3A_832 = arith.mulf %mul3A_831, %mul3A_831 : vector<128x128xf32>
    %mul3A_833 = arith.constant -0.72134751 : f32
    %mul3A_834 = vector.broadcast %mul3A_833 : f32 to vector<128x128xf32>
    %mul3A_835 = arith.mulf %mul3A_832, %mul3A_834 : vector<128x128xf32>
    %add3A_836 = vector.broadcast %div3A_28 : vector<1x128xf32> to vector<128x128xf32>
    %add3A_837 = arith.addf %mul3A_835, %add3A_836 : vector<128x128xf32>
    %exp23A_838 = math.exp2 %add3A_837 : vector<128x128xf32>
    %swap3A_839 = arith.constant 5376 : index
    %swap3A_840 = arith.constant 0 : index
    %swap3A_841 = vector.load %arg6[%swap3A_839, %swap3A_840] : memref<32000x128xf32, #tpu.memory_space<vmem>>, vector<128x128xf32>
    tpu.vector_store %arg6[%swap3A_839, %swap3A_840], %exp23A_838 {strides = array<i32>} : memref<32000x128xf32, #tpu.memory_space<vmem>>, vector<128x128xf32>,
    %slice3A_842 = vector.extract_strided_slice %transpose3A {offsets = [0, 43], sizes = [128, 1], strides = [1, 1]} : vector<128x250xf32> to vector<128x1xf32>
    %get3A_843 = arith.constant 0 : index
    %get3A_844 = arith.constant 0 : index
    %get3A_845 = vector.load %arg4[%get3A_843, %get3A_844] : memref<1x128xf32, #tpu.memory_space<vmem>>, vector<1x128xf32>
    %sub3A_846 = vector.broadcast %slice3A_842 : vector<128x1xf32> to vector<128x128xf32>
    %sub3A_847 = vector.broadcast %get3A_845 : vector<1x128xf32> to vector<128x128xf32>
    %sub3A_848 = arith.subf %sub3A_846, %sub3A_847 : vector<128x128xf32>
    %mul3A_849 = vector.broadcast %div3A_21 : vector<1x128xf32> to vector<128x128xf32>
    %mul3A_850 = arith.mulf %sub3A_848, %mul3A_849 : vector<128x128xf32>
    %mul3A_851 = arith.mulf %mul3A_850, %mul3A_850 : vector<128x128xf32>
    %mul3A_852 = arith.constant -0.72134751 : f32
    %mul3A_853 = vector.broadcast %mul3A_852 : f32 to vector<128x128xf32>
    %mul3A_854 = arith.mulf %mul3A_851, %mul3A_853 : vector<128x128xf32>
    %add3A_855 = vector.broadcast %div3A_28 : vector<1x128xf32> to vector<128x128xf32>
    %add3A_856 = arith.addf %mul3A_854, %add3A_855 : vector<128x128xf32>
    %exp23A_857 = math.exp2 %add3A_856 : vector<128x128xf32>
    %swap3A_858 = arith.constant 5504 : index
    %swap3A_859 = arith.constant 0 : index
    %swap3A_860 = vector.load %arg6[%swap3A_858, %swap3A_859] : memref<32000x128xf32, #tpu.memory_space<vmem>>, vector<128x128xf32>
    tpu.vector_store %arg6[%swap3A_858, %swap3A_859], %exp23A_857 {strides = array<i32>} : memref<32000x128xf32, #tpu.memory_space<vmem>>, vector<128x128xf32>,
    %slice3A_861 = vector.extract_strided_slice %transpose3A {offsets = [0, 44], sizes = [128, 1], strides = [1, 1]} : vector<128x250xf32> to vector<128x1xf32>
    %get3A_862 = arith.constant 0 : index
    %get3A_863 = arith.constant 0 : index
    %get3A_864 = vector.load %arg4[%get3A_862, %get3A_863] : memref<1x128xf32, #tpu.memory_space<vmem>>, vector<1x128xf32>
    %sub3A_865 = vector.broadcast %slice3A_861 : vector<128x1xf32> to vector<128x128xf32>
    %sub3A_866 = vector.broadcast %get3A_864 : vector<1x128xf32> to vector<128x128xf32>
    %sub3A_867 = arith.subf %sub3A_865, %sub3A_866 : vector<128x128xf32>
    %mul3A_868 = vector.broadcast %div3A_21 : vector<1x128xf32> to vector<128x128xf32>
    %mul3A_869 = arith.mulf %sub3A_867, %mul3A_868 : vector<128x128xf32>
    %mul3A_870 = arith.mulf %mul3A_869, %mul3A_869 : vector<128x128xf32>
    %mul3A_871 = arith.constant -0.72134751 : f32
    %mul3A_872 = vector.broadcast %mul3A_871 : f32 to vector<128x128xf32>
    %mul3A_873 = arith.mulf %mul3A_870, %mul3A_872 : vector<128x128xf32>
    %add3A_874 = vector.broadcast %div3A_28 : vector<1x128xf32> to vector<128x128xf32>
    %add3A_875 = arith.addf %mul3A_873, %add3A_874 : vector<128x128xf32>
    %exp23A_876 = math.exp2 %add3A_875 : vector<128x128xf32>
    %swap3A_877 = arith.constant 5632 : index
    %swap3A_878 = arith.constant 0 : index
    %swap3A_879 = vector.load %arg6[%swap3A_877, %swap3A_878] : memref<32000x128xf32, #tpu.memory_space<vmem>>, vector<128x128xf32>
    tpu.vector_store %arg6[%swap3A_877, %swap3A_878], %exp23A_876 {strides = array<i32>} : memref<32000x128xf32, #tpu.memory_space<vmem>>, vector<128x128xf32>,
    %slice3A_880 = vector.extract_strided_slice %transpose3A {offsets = [0, 45], sizes = [128, 1], strides = [1, 1]} : vector<128x250xf32> to vector<128x1xf32>
    %get3A_881 = arith.constant 0 : index
    %get3A_882 = arith.constant 0 : index
    %get3A_883 = vector.load %arg4[%get3A_881, %get3A_882] : memref<1x128xf32, #tpu.memory_space<vmem>>, vector<1x128xf32>
    %sub3A_884 = vector.broadcast %slice3A_880 : vector<128x1xf32> to vector<128x128xf32>
    %sub3A_885 = vector.broadcast %get3A_883 : vector<1x128xf32> to vector<128x128xf32>
    %sub3A_886 = arith.subf %sub3A_884, %sub3A_885 : vector<128x128xf32>
    %mul3A_887 = vector.broadcast %div3A_21 : vector<1x128xf32> to vector<128x128xf32>
    %mul3A_888 = arith.mulf %sub3A_886, %mul3A_887 : vector<128x128xf32>
    %mul3A_889 = arith.mulf %mul3A_888, %mul3A_888 : vector<128x128xf32>
    %mul3A_890 = arith.constant -0.72134751 : f32
    %mul3A_891 = vector.broadcast %mul3A_890 : f32 to vector<128x128xf32>
    %mul3A_892 = arith.mulf %mul3A_889, %mul3A_891 : vector<128x128xf32>
    %add3A_893 = vector.broadcast %div3A_28 : vector<1x128xf32> to vector<128x128xf32>
    %add3A_894 = arith.addf %mul3A_892, %add3A_893 : vector<128x128xf32>
    %exp23A_895 = math.exp2 %add3A_894 : vector<128x128xf32>
    %swap3A_896 = arith.constant 5760 : index
    %swap3A_897 = arith.constant 0 : index
    %swap3A_898 = vector.load %arg6[%swap3A_896, %swap3A_897] : memref<32000x128xf32, #tpu.memory_space<vmem>>, vector<128x128xf32>
    tpu.vector_store %arg6[%swap3A_896, %swap3A_897], %exp23A_895 {strides = array<i32>} : memref<32000x128xf32, #tpu.memory_space<vmem>>, vector<128x128xf32>,
    %slice3A_899 = vector.extract_strided_slice %transpose3A {offsets = [0, 46], sizes = [128, 1], strides = [1, 1]} : vector<128x250xf32> to vector<128x1xf32>
    %get3A_900 = arith.constant 0 : index
    %get3A_901 = arith.constant 0 : index
    %get3A_902 = vector.load %arg4[%get3A_900, %get3A_901] : memref<1x128xf32, #tpu.memory_space<vmem>>, vector<1x128xf32>
    %sub3A_903 = vector.broadcast %slice3A_899 : vector<128x1xf32> to vector<128x128xf32>
    %sub3A_904 = vector.broadcast %get3A_902 : vector<1x128xf32> to vector<128x128xf32>
    %sub3A_905 = arith.subf %sub3A_903, %sub3A_904 : vector<128x128xf32>
    %mul3A_906 = vector.broadcast %div3A_21 : vector<1x128xf32> to vector<128x128xf32>
    %mul3A_907 = arith.mulf %sub3A_905, %mul3A_906 : vector<128x128xf32>
    %mul3A_908 = arith.mulf %mul3A_907, %mul3A_907 : vector<128x128xf32>
    %mul3A_909 = arith.constant -0.72134751 : f32
    %mul3A_910 = vector.broadcast %mul3A_909 : f32 to vector<128x128xf32>
    %mul3A_911 = arith.mulf %mul3A_908, %mul3A_910 : vector<128x128xf32>
    %add3A_912 = vector.broadcast %div3A_28 : vector<1x128xf32> to vector<128x128xf32>
    %add3A_913 = arith.addf %mul3A_911, %add3A_912 : vector<128x128xf32>
    %exp23A_914 = math.exp2 %add3A_913 : vector<128x128xf32>
    %swap3A_915 = arith.constant 5888 : index
    %swap3A_916 = arith.constant 0 : index
    %swap3A_917 = vector.load %arg6[%swap3A_915, %swap3A_916] : memref<32000x128xf32, #tpu.memory_space<vmem>>, vector<128x128xf32>
    tpu.vector_store %arg6[%swap3A_915, %swap3A_916], %exp23A_914 {strides = array<i32>} : memref<32000x128xf32, #tpu.memory_space<vmem>>, vector<128x128xf32>,
    %slice3A_918 = vector.extract_strided_slice %transpose3A {offsets = [0, 47], sizes = [128, 1], strides = [1, 1]} : vector<128x250xf32> to vector<128x1xf32>
    %get3A_919 = arith.constant 0 : index
    %get3A_920 = arith.constant 0 : index
    %get3A_921 = vector.load %arg4[%get3A_919, %get3A_920] : memref<1x128xf32, #tpu.memory_space<vmem>>, vector<1x128xf32>
    %sub3A_922 = vector.broadcast %slice3A_918 : vector<128x1xf32> to vector<128x128xf32>
    %sub3A_923 = vector.broadcast %get3A_921 : vector<1x128xf32> to vector<128x128xf32>
    %sub3A_924 = arith.subf %sub3A_922, %sub3A_923 : vector<128x128xf32>
    %mul3A_925 = vector.broadcast %div3A_21 : vector<1x128xf32> to vector<128x128xf32>
    %mul3A_926 = arith.mulf %sub3A_924, %mul3A_925 : vector<128x128xf32>
    %mul3A_927 = arith.mulf %mul3A_926, %mul3A_926 : vector<128x128xf32>
    %mul3A_928 = arith.constant -0.72134751 : f32
    %mul3A_929 = vector.broadcast %mul3A_928 : f32 to vector<128x128xf32>
    %mul3A_930 = arith.mulf %mul3A_927, %mul3A_929 : vector<128x128xf32>
    %add3A_931 = vector.broadcast %div3A_28 : vector<1x128xf32> to vector<128x128xf32>
    %add3A_932 = arith.addf %mul3A_930, %add3A_931 : vector<128x128xf32>
    %exp23A_933 = math.exp2 %add3A_932 : vector<128x128xf32>
    %swap3A_934 = arith.constant 6016 : index
    %swap3A_935 = arith.constant 0 : index
    %swap3A_936 = vector.load %arg6[%swap3A_934, %swap3A_935] : memref<32000x128xf32, #tpu.memory_space<vmem>>, vector<128x128xf32>
    tpu.vector_store %arg6[%swap3A_934, %swap3A_935], %exp23A_933 {strides = array<i32>} : memref<32000x128xf32, #tpu.memory_space<vmem>>, vector<128x128xf32>,
    %slice3A_937 = vector.extract_strided_slice %transpose3A {offsets = [0, 48], sizes = [128, 1], strides = [1, 1]} : vector<128x250xf32> to vector<128x1xf32>
    %get3A_938 = arith.constant 0 : index
    %get3A_939 = arith.constant 0 : index
    %get3A_940 = vector.load %arg4[%get3A_938, %get3A_939] : memref<1x128xf32, #tpu.memory_space<vmem>>, vector<1x128xf32>
    %sub3A_941 = vector.broadcast %slice3A_937 : vector<128x1xf32> to vector<128x128xf32>
    %sub3A_942 = vector.broadcast %get3A_940 : vector<1x128xf32> to vector<128x128xf32>
    %sub3A_943 = arith.subf %sub3A_941, %sub3A_942 : vector<128x128xf32>
    %mul3A_944 = vector.broadcast %div3A_21 : vector<1x128xf32> to vector<128x128xf32>
    %mul3A_945 = arith.mulf %sub3A_943, %mul3A_944 : vector<128x128xf32>
    %mul3A_946 = arith.mulf %mul3A_945, %mul3A_945 : vector<128x128xf32>
    %mul3A_947 = arith.constant -0.72134751 : f32
    %mul3A_948 = vector.broadcast %mul3A_947 : f32 to vector<128x128xf32>
    %mul3A_949 = arith.mulf %mul3A_946, %mul3A_948 : vector<128x128xf32>
    %add3A_950 = vector.broadcast %div3A_28 : vector<1x128xf32> to vector<128x128xf32>
    %add3A_951 = arith.addf %mul3A_949, %add3A_950 : vector<128x128xf32>
    %exp23A_952 = math.exp2 %add3A_951 : vector<128x128xf32>
    %swap3A_953 = arith.constant 6144 : index
    %swap3A_954 = arith.constant 0 : index
    %swap3A_955 = vector.load %arg6[%swap3A_953, %swap3A_954] : memref<32000x128xf32, #tpu.memory_space<vmem>>, vector<128x128xf32>
    tpu.vector_store %arg6[%swap3A_953, %swap3A_954], %exp23A_952 {strides = array<i32>} : memref<32000x128xf32, #tpu.memory_space<vmem>>, vector<128x128xf32>,
    %slice3A_956 = vector.extract_strided_slice %transpose3A {offsets = [0, 49], sizes = [128, 1], strides = [1, 1]} : vector<128x250xf32> to vector<128x1xf32>
    %get3A_957 = arith.constant 0 : index
    %get3A_958 = arith.constant 0 : index
    %get3A_959 = vector.load %arg4[%get3A_957, %get3A_958] : memref<1x128xf32, #tpu.memory_space<vmem>>, vector<1x128xf32>
    %sub3A_960 = vector.broadcast %slice3A_956 : vector<128x1xf32> to vector<128x128xf32>
    %sub3A_961 = vector.broadcast %get3A_959 : vector<1x128xf32> to vector<128x128xf32>
    %sub3A_962 = arith.subf %sub3A_960, %sub3A_961 : vector<128x128xf32>
    %mul3A_963 = vector.broadcast %div3A_21 : vector<1x128xf32> to vector<128x128xf32>
    %mul3A_964 = arith.mulf %sub3A_962, %mul3A_963 : vector<128x128xf32>
    %mul3A_965 = arith.mulf %mul3A_964, %mul3A_964 : vector<128x128xf32>
    %mul3A_966 = arith.constant -0.72134751 : f32
    %mul3A_967 = vector.broadcast %mul3A_966 : f32 to vector<128x128xf32>
    %mul3A_968 = arith.mulf %mul3A_965, %mul3A_967 : vector<128x128xf32>
    %add3A_969 = vector.broadcast %div3A_28 : vector<1x128xf32> to vector<128x128xf32>
    %add3A_970 = arith.addf %mul3A_968, %add3A_969 : vector<128x128xf32>
    %exp23A_971 = math.exp2 %add3A_970 : vector<128x128xf32>
    %swap3A_972 = arith.constant 6272 : index
    %swap3A_973 = arith.constant 0 : index
    %swap3A_974 = vector.load %arg6[%swap3A_972, %swap3A_973] : memref<32000x128xf32, #tpu.memory_space<vmem>>, vector<128x128xf32>
    tpu.vector_store %arg6[%swap3A_972, %swap3A_973], %exp23A_971 {strides = array<i32>} : memref<32000x128xf32, #tpu.memory_space<vmem>>, vector<128x128xf32>,
    %slice3A_975 = vector.extract_strided_slice %transpose3A {offsets = [0, 50], sizes = [128, 1], strides = [1, 1]} : vector<128x250xf32> to vector<128x1xf32>
    %get3A_976 = arith.constant 0 : index
    %get3A_977 = arith.constant 0 : index
    %get3A_978 = vector.load %arg4[%get3A_976, %get3A_977] : memref<1x128xf32, #tpu.memory_space<vmem>>, vector<1x128xf32>
    %sub3A_979 = vector.broadcast %slice3A_975 : vector<128x1xf32> to vector<128x128xf32>
    %sub3A_980 = vector.broadcast %get3A_978 : vector<1x128xf32> to vector<128x128xf32>
    %sub3A_981 = arith.subf %sub3A_979, %sub3A_980 : vector<128x128xf32>
    %mul3A_982 = vector.broadcast %div3A_21 : vector<1x128xf32> to vector<128x128xf32>
    %mul3A_983 = arith.mulf %sub3A_981, %mul3A_982 : vector<128x128xf32>
    %mul3A_984 = arith.mulf %mul3A_983, %mul3A_983 : vector<128x128xf32>
    %mul3A_985 = arith.constant -0.72134751 : f32
    %mul3A_986 = vector.broadcast %mul3A_985 : f32 to vector<128x128xf32>
    %mul3A_987 = arith.mulf %mul3A_984, %mul3A_986 : vector<128x128xf32>
    %add3A_988 = vector.broadcast %div3A_28 : vector<1x128xf32> to vector<128x128xf32>
    %add3A_989 = arith.addf %mul3A_987, %add3A_988 : vector<128x128xf32>
    %exp23A_990 = math.exp2 %add3A_989 : vector<128x128xf32>
    %swap3A_991 = arith.constant 6400 : index
    %swap3A_992 = arith.constant 0 : index
    %swap3A_993 = vector.load %arg6[%swap3A_991, %swap3A_992] : memref<32000x128xf32, #tpu.memory_space<vmem>>, vector<128x128xf32>
    tpu.vector_store %arg6[%swap3A_991, %swap3A_992], %exp23A_990 {strides = array<i32>} : memref<32000x128xf32, #tpu.memory_space<vmem>>, vector<128x128xf32>,
    %slice3A_994 = vector.extract_strided_slice %transpose3A {offsets = [0, 51], sizes = [128, 1], strides = [1, 1]} : vector<128x250xf32> to vector<128x1xf32>
    %get3A_995 = arith.constant 0 : index
    %get3A_996 = arith.constant 0 : index
    %get3A_997 = vector.load %arg4[%get3A_995, %get3A_996] : memref<1x128xf32, #tpu.memory_space<vmem>>, vector<1x128xf32>
    %sub3A_998 = vector.broadcast %slice3A_994 : vector<128x1xf32> to vector<128x128xf32>
    %sub3A_999 = vector.broadcast %get3A_997 : vector<1x128xf32> to vector<128x128xf32>
    %sub3A_1000 = arith.subf %sub3A_998, %sub3A_999 : vector<128x128xf32>
    %mul3A_1001 = vector.broadcast %div3A_21 : vector<1x128xf32> to vector<128x128xf32>
    %mul3A_1002 = arith.mulf %sub3A_1000, %mul3A_1001 : vector<128x128xf32>
    %mul3A_1003 = arith.mulf %mul3A_1002, %mul3A_1002 : vector<128x128xf32>
    %mul3A_1004 = arith.constant -0.72134751 : f32
    %mul3A_1005 = vector.broadcast %mul3A_1004 : f32 to vector<128x128xf32>
    %mul3A_1006 = arith.mulf %mul3A_1003, %mul3A_1005 : vector<128x128xf32>
    %add3A_1007 = vector.broadcast %div3A_28 : vector<1x128xf32> to vector<128x128xf32>
    %add3A_1008 = arith.addf %mul3A_1006, %add3A_1007 : vector<128x128xf32>
    %exp23A_1009 = math.exp2 %add3A_1008 : vector<128x128xf32>
    %swap3A_1010 = arith.constant 6528 : index
    %swap3A_1011 = arith.constant 0 : index
    %swap3A_1012 = vector.load %arg6[%swap3A_1010, %swap3A_1011] : memref<32000x128xf32, #tpu.memory_space<vmem>>, vector<128x128xf32>
    tpu.vector_store %arg6[%swap3A_1010, %swap3A_1011], %exp23A_1009 {strides = array<i32>} : memref<32000x128xf32, #tpu.memory_space<vmem>>, vector<128x128xf32>,
    %slice3A_1013 = vector.extract_strided_slice %transpose3A {offsets = [0, 52], sizes = [128, 1], strides = [1, 1]} : vector<128x250xf32> to vector<128x1xf32>
    %get3A_1014 = arith.constant 0 : index
    %get3A_1015 = arith.constant 0 : index
    %get3A_1016 = vector.load %arg4[%get3A_1014, %get3A_1015] : memref<1x128xf32, #tpu.memory_space<vmem>>, vector<1x128xf32>
    %sub3A_1017 = vector.broadcast %slice3A_1013 : vector<128x1xf32> to vector<128x128xf32>
    %sub3A_1018 = vector.broadcast %get3A_1016 : vector<1x128xf32> to vector<128x128xf32>
    %sub3A_1019 = arith.subf %sub3A_1017, %sub3A_1018 : vector<128x128xf32>
    %mul3A_1020 = vector.broadcast %div3A_21 : vector<1x128xf32> to vector<128x128xf32>
    %mul3A_1021 = arith.mulf %sub3A_1019, %mul3A_1020 : vector<128x128xf32>
    %mul3A_1022 = arith.mulf %mul3A_1021, %mul3A_1021 : vector<128x128xf32>
    %mul3A_1023 = arith.constant -0.72134751 : f32
    %mul3A_1024 = vector.broadcast %mul3A_1023 : f32 to vector<128x128xf32>
    %mul3A_1025 = arith.mulf %mul3A_1022, %mul3A_1024 : vector<128x128xf32>
    %add3A_1026 = vector.broadcast %div3A_28 : vector<1x128xf32> to vector<128x128xf32>
    %add3A_1027 = arith.addf %mul3A_1025, %add3A_1026 : vector<128x128xf32>
    %exp23A_1028 = math.exp2 %add3A_1027 : vector<128x128xf32>
    %swap3A_1029 = arith.constant 6656 : index
    %swap3A_1030 = arith.constant 0 : index
    %swap3A_1031 = vector.load %arg6[%swap3A_1029, %swap3A_1030] : memref<32000x128xf32, #tpu.memory_space<vmem>>, vector<128x128xf32>
    tpu.vector_store %arg6[%swap3A_1029, %swap3A_1030], %exp23A_1028 {strides = array<i32>} : memref<32000x128xf32, #tpu.memory_space<vmem>>, vector<128x128xf32>,
    %slice3A_1032 = vector.extract_strided_slice %transpose3A {offsets = [0, 53], sizes = [128, 1], strides = [1, 1]} : vector<128x250xf32> to vector<128x1xf32>
    %get3A_1033 = arith.constant 0 : index
    %get3A_1034 = arith.constant 0 : index
    %get3A_1035 = vector.load %arg4[%get3A_1033, %get3A_1034] : memref<1x128xf32, #tpu.memory_space<vmem>>, vector<1x128xf32>
    %sub3A_1036 = vector.broadcast %slice3A_1032 : vector<128x1xf32> to vector<128x128xf32>
    %sub3A_1037 = vector.broadcast %get3A_1035 : vector<1x128xf32> to vector<128x128xf32>
    %sub3A_1038 = arith.subf %sub3A_1036, %sub3A_1037 : vector<128x128xf32>
    %mul3A_1039 = vector.broadcast %div3A_21 : vector<1x128xf32> to vector<128x128xf32>
    %mul3A_1040 = arith.mulf %sub3A_1038, %mul3A_1039 : vector<128x128xf32>
    %mul3A_1041 = arith.mulf %mul3A_1040, %mul3A_1040 : vector<128x128xf32>
    %mul3A_1042 = arith.constant -0.72134751 : f32
    %mul3A_1043 = vector.broadcast %mul3A_1042 : f32 to vector<128x128xf32>
    %mul3A_1044 = arith.mulf %mul3A_1041, %mul3A_1043 : vector<128x128xf32>
    %add3A_1045 = vector.broadcast %div3A_28 : vector<1x128xf32> to vector<128x128xf32>
    %add3A_1046 = arith.addf %mul3A_1044, %add3A_1045 : vector<128x128xf32>
    %exp23A_1047 = math.exp2 %add3A_1046 : vector<128x128xf32>
    %swap3A_1048 = arith.constant 6784 : index
    %swap3A_1049 = arith.constant 0 : index
    %swap3A_1050 = vector.load %arg6[%swap3A_1048, %swap3A_1049] : memref<32000x128xf32, #tpu.memory_space<vmem>>, vector<128x128xf32>
    tpu.vector_store %arg6[%swap3A_1048, %swap3A_1049], %exp23A_1047 {strides = array<i32>} : memref<32000x128xf32, #tpu.memory_space<vmem>>, vector<128x128xf32>,
    %slice3A_1051 = vector.extract_strided_slice %transpose3A {offsets = [0, 54], sizes = [128, 1], strides = [1, 1]} : vector<128x250xf32> to vector<128x1xf32>
    %get3A_1052 = arith.constant 0 : index
    %get3A_1053 = arith.constant 0 : index
    %get3A_1054 = vector.load %arg4[%get3A_1052, %get3A_1053] : memref<1x128xf32, #tpu.memory_space<vmem>>, vector<1x128xf32>
    %sub3A_1055 = vector.broadcast %slice3A_1051 : vector<128x1xf32> to vector<128x128xf32>
    %sub3A_1056 = vector.broadcast %get3A_1054 : vector<1x128xf32> to vector<128x128xf32>
    %sub3A_1057 = arith.subf %sub3A_1055, %sub3A_1056 : vector<128x128xf32>
    %mul3A_1058 = vector.broadcast %div3A_21 : vector<1x128xf32> to vector<128x128xf32>
    %mul3A_1059 = arith.mulf %sub3A_1057, %mul3A_1058 : vector<128x128xf32>
    %mul3A_1060 = arith.mulf %mul3A_1059, %mul3A_1059 : vector<128x128xf32>
    %mul3A_1061 = arith.constant -0.72134751 : f32
    %mul3A_1062 = vector.broadcast %mul3A_1061 : f32 to vector<128x128xf32>
    %mul3A_1063 = arith.mulf %mul3A_1060, %mul3A_1062 : vector<128x128xf32>
    %add3A_1064 = vector.broadcast %div3A_28 : vector<1x128xf32> to vector<128x128xf32>
    %add3A_1065 = arith.addf %mul3A_1063, %add3A_1064 : vector<128x128xf32>
    %exp23A_1066 = math.exp2 %add3A_1065 : vector<128x128xf32>
    %swap3A_1067 = arith.constant 6912 : index
    %swap3A_1068 = arith.constant 0 : index
    %swap3A_1069 = vector.load %arg6[%swap3A_1067, %swap3A_1068] : memref<32000x128xf32, #tpu.memory_space<vmem>>, vector<128x128xf32>
    tpu.vector_store %arg6[%swap3A_1067, %swap3A_1068], %exp23A_1066 {strides = array<i32>} : memref<32000x128xf32, #tpu.memory_space<vmem>>, vector<128x128xf32>,
    %slice3A_1070 = vector.extract_strided_slice %transpose3A {offsets = [0, 55], sizes = [128, 1], strides = [1, 1]} : vector<128x250xf32> to vector<128x1xf32>
    %get3A_1071 = arith.constant 0 : index
    %get3A_1072 = arith.constant 0 : index
    %get3A_1073 = vector.load %arg4[%get3A_1071, %get3A_1072] : memref<1x128xf32, #tpu.memory_space<vmem>>, vector<1x128xf32>
    %sub3A_1074 = vector.broadcast %slice3A_1070 : vector<128x1xf32> to vector<128x128xf32>
    %sub3A_1075 = vector.broadcast %get3A_1073 : vector<1x128xf32> to vector<128x128xf32>
    %sub3A_1076 = arith.subf %sub3A_1074, %sub3A_1075 : vector<128x128xf32>
    %mul3A_1077 = vector.broadcast %div3A_21 : vector<1x128xf32> to vector<128x128xf32>
    %mul3A_1078 = arith.mulf %sub3A_1076, %mul3A_1077 : vector<128x128xf32>
    %mul3A_1079 = arith.mulf %mul3A_1078, %mul3A_1078 : vector<128x128xf32>
    %mul3A_1080 = arith.constant -0.72134751 : f32
    %mul3A_1081 = vector.broadcast %mul3A_1080 : f32 to vector<128x128xf32>
    %mul3A_1082 = arith.mulf %mul3A_1079, %mul3A_1081 : vector<128x128xf32>
    %add3A_1083 = vector.broadcast %div3A_28 : vector<1x128xf32> to vector<128x128xf32>
    %add3A_1084 = arith.addf %mul3A_1082, %add3A_1083 : vector<128x128xf32>
    %exp23A_1085 = math.exp2 %add3A_1084 : vector<128x128xf32>
    %swap3A_1086 = arith.constant 7040 : index
    %swap3A_1087 = arith.constant 0 : index
    %swap3A_1088 = vector.load %arg6[%swap3A_1086, %swap3A_1087] : memref<32000x128xf32, #tpu.memory_space<vmem>>, vector<128x128xf32>
    tpu.vector_store %arg6[%swap3A_1086, %swap3A_1087], %exp23A_1085 {strides = array<i32>} : memref<32000x128xf32, #tpu.memory_space<vmem>>, vector<128x128xf32>,
    %slice3A_1089 = vector.extract_strided_slice %transpose3A {offsets = [0, 56], sizes = [128, 1], strides = [1, 1]} : vector<128x250xf32> to vector<128x1xf32>
    %get3A_1090 = arith.constant 0 : index
    %get3A_1091 = arith.constant 0 : index
    %get3A_1092 = vector.load %arg4[%get3A_1090, %get3A_1091] : memref<1x128xf32, #tpu.memory_space<vmem>>, vector<1x128xf32>
    %sub3A_1093 = vector.broadcast %slice3A_1089 : vector<128x1xf32> to vector<128x128xf32>
    %sub3A_1094 = vector.broadcast %get3A_1092 : vector<1x128xf32> to vector<128x128xf32>
    %sub3A_1095 = arith.subf %sub3A_1093, %sub3A_1094 : vector<128x128xf32>
    %mul3A_1096 = vector.broadcast %div3A_21 : vector<1x128xf32> to vector<128x128xf32>
    %mul3A_1097 = arith.mulf %sub3A_1095, %mul3A_1096 : vector<128x128xf32>
    %mul3A_1098 = arith.mulf %mul3A_1097, %mul3A_1097 : vector<128x128xf32>
    %mul3A_1099 = arith.constant -0.72134751 : f32
    %mul3A_1100 = vector.broadcast %mul3A_1099 : f32 to vector<128x128xf32>
    %mul3A_1101 = arith.mulf %mul3A_1098, %mul3A_1100 : vector<128x128xf32>
    %add3A_1102 = vector.broadcast %div3A_28 : vector<1x128xf32> to vector<128x128xf32>
    %add3A_1103 = arith.addf %mul3A_1101, %add3A_1102 : vector<128x128xf32>
    %exp23A_1104 = math.exp2 %add3A_1103 : vector<128x128xf32>
    %swap3A_1105 = arith.constant 7168 : index
    %swap3A_1106 = arith.constant 0 : index
    %swap3A_1107 = vector.load %arg6[%swap3A_1105, %swap3A_1106] : memref<32000x128xf32, #tpu.memory_space<vmem>>, vector<128x128xf32>
    tpu.vector_store %arg6[%swap3A_1105, %swap3A_1106], %exp23A_1104 {strides = array<i32>} : memref<32000x128xf32, #tpu.memory_space<vmem>>, vector<128x128xf32>,
    %slice3A_1108 = vector.extract_strided_slice %transpose3A {offsets = [0, 57], sizes = [128, 1], strides = [1, 1]} : vector<128x250xf32> to vector<128x1xf32>
    %get3A_1109 = arith.constant 0 : index
    %get3A_1110 = arith.constant 0 : index
    %get3A_1111 = vector.load %arg4[%get3A_1109, %get3A_1110] : memref<1x128xf32, #tpu.memory_space<vmem>>, vector<1x128xf32>
    %sub3A_1112 = vector.broadcast %slice3A_1108 : vector<128x1xf32> to vector<128x128xf32>
    %sub3A_1113 = vector.broadcast %get3A_1111 : vector<1x128xf32> to vector<128x128xf32>
    %sub3A_1114 = arith.subf %sub3A_1112, %sub3A_1113 : vector<128x128xf32>
    %mul3A_1115 = vector.broadcast %div3A_21 : vector<1x128xf32> to vector<128x128xf32>
    %mul3A_1116 = arith.mulf %sub3A_1114, %mul3A_1115 : vector<128x128xf32>
    %mul3A_1117 = arith.mulf %mul3A_1116, %mul3A_1116 : vector<128x128xf32>
    %mul3A_1118 = arith.constant -0.72134751 : f32
    %mul3A_1119 = vector.broadcast %mul3A_1118 : f32 to vector<128x128xf32>
    %mul3A_1120 = arith.mulf %mul3A_1117, %mul3A_1119 : vector<128x128xf32>
    %add3A_1121 = vector.broadcast %div3A_28 : vector<1x128xf32> to vector<128x128xf32>
    %add3A_1122 = arith.addf %mul3A_1120, %add3A_1121 : vector<128x128xf32>
    %exp23A_1123 = math.exp2 %add3A_1122 : vector<128x128xf32>
    %swap3A_1124 = arith.constant 7296 : index
    %swap3A_1125 = arith.constant 0 : index
    %swap3A_1126 = vector.load %arg6[%swap3A_1124, %swap3A_1125] : memref<32000x128xf32, #tpu.memory_space<vmem>>, vector<128x128xf32>
    tpu.vector_store %arg6[%swap3A_1124, %swap3A_1125], %exp23A_1123 {strides = array<i32>} : memref<32000x128xf32, #tpu.memory_space<vmem>>, vector<128x128xf32>,
    %slice3A_1127 = vector.extract_strided_slice %transpose3A {offsets = [0, 58], sizes = [128, 1], strides = [1, 1]} : vector<128x250xf32> to vector<128x1xf32>
    %get3A_1128 = arith.constant 0 : index
    %get3A_1129 = arith.constant 0 : index
    %get3A_1130 = vector.load %arg4[%get3A_1128, %get3A_1129] : memref<1x128xf32, #tpu.memory_space<vmem>>, vector<1x128xf32>
    %sub3A_1131 = vector.broadcast %slice3A_1127 : vector<128x1xf32> to vector<128x128xf32>
    %sub3A_1132 = vector.broadcast %get3A_1130 : vector<1x128xf32> to vector<128x128xf32>
    %sub3A_1133 = arith.subf %sub3A_1131, %sub3A_1132 : vector<128x128xf32>
    %mul3A_1134 = vector.broadcast %div3A_21 : vector<1x128xf32> to vector<128x128xf32>
    %mul3A_1135 = arith.mulf %sub3A_1133, %mul3A_1134 : vector<128x128xf32>
    %mul3A_1136 = arith.mulf %mul3A_1135, %mul3A_1135 : vector<128x128xf32>
    %mul3A_1137 = arith.constant -0.72134751 : f32
    %mul3A_1138 = vector.broadcast %mul3A_1137 : f32 to vector<128x128xf32>
    %mul3A_1139 = arith.mulf %mul3A_1136, %mul3A_1138 : vector<128x128xf32>
    %add3A_1140 = vector.broadcast %div3A_28 : vector<1x128xf32> to vector<128x128xf32>
    %add3A_1141 = arith.addf %mul3A_1139, %add3A_1140 : vector<128x128xf32>
    %exp23A_1142 = math.exp2 %add3A_1141 : vector<128x128xf32>
    %swap3A_1143 = arith.constant 7424 : index
    %swap3A_1144 = arith.constant 0 : index
    %swap3A_1145 = vector.load %arg6[%swap3A_1143, %swap3A_1144] : memref<32000x128xf32, #tpu.memory_space<vmem>>, vector<128x128xf32>
    tpu.vector_store %arg6[%swap3A_1143, %swap3A_1144], %exp23A_1142 {strides = array<i32>} : memref<32000x128xf32, #tpu.memory_space<vmem>>, vector<128x128xf32>,
    %slice3A_1146 = vector.extract_strided_slice %transpose3A {offsets = [0, 59], sizes = [128, 1], strides = [1, 1]} : vector<128x250xf32> to vector<128x1xf32>
    %get3A_1147 = arith.constant 0 : index
    %get3A_1148 = arith.constant 0 : index
    %get3A_1149 = vector.load %arg4[%get3A_1147, %get3A_1148] : memref<1x128xf32, #tpu.memory_space<vmem>>, vector<1x128xf32>
    %sub3A_1150 = vector.broadcast %slice3A_1146 : vector<128x1xf32> to vector<128x128xf32>
    %sub3A_1151 = vector.broadcast %get3A_1149 : vector<1x128xf32> to vector<128x128xf32>
    %sub3A_1152 = arith.subf %sub3A_1150, %sub3A_1151 : vector<128x128xf32>
    %mul3A_1153 = vector.broadcast %div3A_21 : vector<1x128xf32> to vector<128x128xf32>
    %mul3A_1154 = arith.mulf %sub3A_1152, %mul3A_1153 : vector<128x128xf32>
    %mul3A_1155 = arith.mulf %mul3A_1154, %mul3A_1154 : vector<128x128xf32>
    %mul3A_1156 = arith.constant -0.72134751 : f32
    %mul3A_1157 = vector.broadcast %mul3A_1156 : f32 to vector<128x128xf32>
    %mul3A_1158 = arith.mulf %mul3A_1155, %mul3A_1157 : vector<128x128xf32>
    %add3A_1159 = vector.broadcast %div3A_28 : vector<1x128xf32> to vector<128x128xf32>
    %add3A_1160 = arith.addf %mul3A_1158, %add3A_1159 : vector<128x128xf32>
    %exp23A_1161 = math.exp2 %add3A_1160 : vector<128x128xf32>
    %swap3A_1162 = arith.constant 7552 : index
    %swap3A_1163 = arith.constant 0 : index
    %swap3A_1164 = vector.load %arg6[%swap3A_1162, %swap3A_1163] : memref<32000x128xf32, #tpu.memory_space<vmem>>, vector<128x128xf32>
    tpu.vector_store %arg6[%swap3A_1162, %swap3A_1163], %exp23A_1161 {strides = array<i32>} : memref<32000x128xf32, #tpu.memory_space<vmem>>, vector<128x128xf32>,
    %slice3A_1165 = vector.extract_strided_slice %transpose3A {offsets = [0, 60], sizes = [128, 1], strides = [1, 1]} : vector<128x250xf32> to vector<128x1xf32>
    %get3A_1166 = arith.constant 0 : index
    %get3A_1167 = arith.constant 0 : index
    %get3A_1168 = vector.load %arg4[%get3A_1166, %get3A_1167] : memref<1x128xf32, #tpu.memory_space<vmem>>, vector<1x128xf32>
    %sub3A_1169 = vector.broadcast %slice3A_1165 : vector<128x1xf32> to vector<128x128xf32>
    %sub3A_1170 = vector.broadcast %get3A_1168 : vector<1x128xf32> to vector<128x128xf32>
    %sub3A_1171 = arith.subf %sub3A_1169, %sub3A_1170 : vector<128x128xf32>
    %mul3A_1172 = vector.broadcast %div3A_21 : vector<1x128xf32> to vector<128x128xf32>
    %mul3A_1173 = arith.mulf %sub3A_1171, %mul3A_1172 : vector<128x128xf32>
    %mul3A_1174 = arith.mulf %mul3A_1173, %mul3A_1173 : vector<128x128xf32>
    %mul3A_1175 = arith.constant -0.72134751 : f32
    %mul3A_1176 = vector.broadcast %mul3A_1175 : f32 to vector<128x128xf32>
    %mul3A_1177 = arith.mulf %mul3A_1174, %mul3A_1176 : vector<128x128xf32>
    %add3A_1178 = vector.broadcast %div3A_28 : vector<1x128xf32> to vector<128x128xf32>
    %add3A_1179 = arith.addf %mul3A_1177, %add3A_1178 : vector<128x128xf32>
    %exp23A_1180 = math.exp2 %add3A_1179 : vector<128x128xf32>
    %swap3A_1181 = arith.constant 7680 : index
    %swap3A_1182 = arith.constant 0 : index
    %swap3A_1183 = vector.load %arg6[%swap3A_1181, %swap3A_1182] : memref<32000x128xf32, #tpu.memory_space<vmem>>, vector<128x128xf32>
    tpu.vector_store %arg6[%swap3A_1181, %swap3A_1182], %exp23A_1180 {strides = array<i32>} : memref<32000x128xf32, #tpu.memory_space<vmem>>, vector<128x128xf32>,
    %slice3A_1184 = vector.extract_strided_slice %transpose3A {offsets = [0, 61], sizes = [128, 1], strides = [1, 1]} : vector<128x250xf32> to vector<128x1xf32>
    %get3A_1185 = arith.constant 0 : index
    %get3A_1186 = arith.constant 0 : index
    %get3A_1187 = vector.load %arg4[%get3A_1185, %get3A_1186] : memref<1x128xf32, #tpu.memory_space<vmem>>, vector<1x128xf32>
    %sub3A_1188 = vector.broadcast %slice3A_1184 : vector<128x1xf32> to vector<128x128xf32>
    %sub3A_1189 = vector.broadcast %get3A_1187 : vector<1x128xf32> to vector<128x128xf32>
    %sub3A_1190 = arith.subf %sub3A_1188, %sub3A_1189 : vector<128x128xf32>
    %mul3A_1191 = vector.broadcast %div3A_21 : vector<1x128xf32> to vector<128x128xf32>
    %mul3A_1192 = arith.mulf %sub3A_1190, %mul3A_1191 : vector<128x128xf32>
    %mul3A_1193 = arith.mulf %mul3A_1192, %mul3A_1192 : vector<128x128xf32>
    %mul3A_1194 = arith.constant -0.72134751 : f32
    %mul3A_1195 = vector.broadcast %mul3A_1194 : f32 to vector<128x128xf32>
    %mul3A_1196 = arith.mulf %mul3A_1193, %mul3A_1195 : vector<128x128xf32>
    %add3A_1197 = vector.broadcast %div3A_28 : vector<1x128xf32> to vector<128x128xf32>
    %add3A_1198 = arith.addf %mul3A_1196, %add3A_1197 : vector<128x128xf32>
    %exp23A_1199 = math.exp2 %add3A_1198 : vector<128x128xf32>
    %swap3A_1200 = arith.constant 7808 : index
    %swap3A_1201 = arith.constant 0 : index
    %swap3A_1202 = vector.load %arg6[%swap3A_1200, %swap3A_1201] : memref<32000x128xf32, #tpu.memory_space<vmem>>, vector<128x128xf32>
    tpu.vector_store %arg6[%swap3A_1200, %swap3A_1201], %exp23A_1199 {strides = array<i32>} : memref<32000x128xf32, #tpu.memory_space<vmem>>, vector<128x128xf32>,
    %slice3A_1203 = vector.extract_strided_slice %transpose3A {offsets = [0, 62], sizes = [128, 1], strides = [1, 1]} : vector<128x250xf32> to vector<128x1xf32>
    %get3A_1204 = arith.constant 0 : index
    %get3A_1205 = arith.constant 0 : index
    %get3A_1206 = vector.load %arg4[%get3A_1204, %get3A_1205] : memref<1x128xf32, #tpu.memory_space<vmem>>, vector<1x128xf32>
    %sub3A_1207 = vector.broadcast %slice3A_1203 : vector<128x1xf32> to vector<128x128xf32>
    %sub3A_1208 = vector.broadcast %get3A_1206 : vector<1x128xf32> to vector<128x128xf32>
    %sub3A_1209 = arith.subf %sub3A_1207, %sub3A_1208 : vector<128x128xf32>
    %mul3A_1210 = vector.broadcast %div3A_21 : vector<1x128xf32> to vector<128x128xf32>
    %mul3A_1211 = arith.mulf %sub3A_1209, %mul3A_1210 : vector<128x128xf32>
    %mul3A_1212 = arith.mulf %mul3A_1211, %mul3A_1211 : vector<128x128xf32>
    %mul3A_1213 = arith.constant -0.72134751 : f32
    %mul3A_1214 = vector.broadcast %mul3A_1213 : f32 to vector<128x128xf32>
    %mul3A_1215 = arith.mulf %mul3A_1212, %mul3A_1214 : vector<128x128xf32>
    %add3A_1216 = vector.broadcast %div3A_28 : vector<1x128xf32> to vector<128x128xf32>
    %add3A_1217 = arith.addf %mul3A_1215, %add3A_1216 : vector<128x128xf32>
    %exp23A_1218 = math.exp2 %add3A_1217 : vector<128x128xf32>
    %swap3A_1219 = arith.constant 7936 : index
    %swap3A_1220 = arith.constant 0 : index
    %swap3A_1221 = vector.load %arg6[%swap3A_1219, %swap3A_1220] : memref<32000x128xf32, #tpu.memory_space<vmem>>, vector<128x128xf32>
    tpu.vector_store %arg6[%swap3A_1219, %swap3A_1220], %exp23A_1218 {strides = array<i32>} : memref<32000x128xf32, #tpu.memory_space<vmem>>, vector<128x128xf32>,
    %slice3A_1222 = vector.extract_strided_slice %transpose3A {offsets = [0, 63], sizes = [128, 1], strides = [1, 1]} : vector<128x250xf32> to vector<128x1xf32>
    %get3A_1223 = arith.constant 0 : index
    %get3A_1224 = arith.constant 0 : index
    %get3A_1225 = vector.load %arg4[%get3A_1223, %get3A_1224] : memref<1x128xf32, #tpu.memory_space<vmem>>, vector<1x128xf32>
    %sub3A_1226 = vector.broadcast %slice3A_1222 : vector<128x1xf32> to vector<128x128xf32>
    %sub3A_1227 = vector.broadcast %get3A_1225 : vector<1x128xf32> to vector<128x128xf32>
    %sub3A_1228 = arith.subf %sub3A_1226, %sub3A_1227 : vector<128x128xf32>
    %mul3A_1229 = vector.broadcast %div3A_21 : vector<1x128xf32> to vector<128x128xf32>
    %mul3A_1230 = arith.mulf %sub3A_1228, %mul3A_1229 : vector<128x128xf32>
    %mul3A_1231 = arith.mulf %mul3A_1230, %mul3A_1230 : vector<128x128xf32>
    %mul3A_1232 = arith.constant -0.72134751 : f32
    %mul3A_1233 = vector.broadcast %mul3A_1232 : f32 to vector<128x128xf32>
    %mul3A_1234 = arith.mulf %mul3A_1231, %mul3A_1233 : vector<128x128xf32>
    %add3A_1235 = vector.broadcast %div3A_28 : vector<1x128xf32> to vector<128x128xf32>
    %add3A_1236 = arith.addf %mul3A_1234, %add3A_1235 : vector<128x128xf32>
    %exp23A_1237 = math.exp2 %add3A_1236 : vector<128x128xf32>
    %swap3A_1238 = arith.constant 8064 : index
    %swap3A_1239 = arith.constant 0 : index
    %swap3A_1240 = vector.load %arg6[%swap3A_1238, %swap3A_1239] : memref<32000x128xf32, #tpu.memory_space<vmem>>, vector<128x128xf32>
    tpu.vector_store %arg6[%swap3A_1238, %swap3A_1239], %exp23A_1237 {strides = array<i32>} : memref<32000x128xf32, #tpu.memory_space<vmem>>, vector<128x128xf32>,
    %slice3A_1241 = vector.extract_strided_slice %transpose3A {offsets = [0, 64], sizes = [128, 1], strides = [1, 1]} : vector<128x250xf32> to vector<128x1xf32>
    %get3A_1242 = arith.constant 0 : index
    %get3A_1243 = arith.constant 0 : index
    %get3A_1244 = vector.load %arg4[%get3A_1242, %get3A_1243] : memref<1x128xf32, #tpu.memory_space<vmem>>, vector<1x128xf32>
    %sub3A_1245 = vector.broadcast %slice3A_1241 : vector<128x1xf32> to vector<128x128xf32>
    %sub3A_1246 = vector.broadcast %get3A_1244 : vector<1x128xf32> to vector<128x128xf32>
    %sub3A_1247 = arith.subf %sub3A_1245, %sub3A_1246 : vector<128x128xf32>
    %mul3A_1248 = vector.broadcast %div3A_21 : vector<1x128xf32> to vector<128x128xf32>
    %mul3A_1249 = arith.mulf %sub3A_1247, %mul3A_1248 : vector<128x128xf32>
    %mul3A_1250 = arith.mulf %mul3A_1249, %mul3A_1249 : vector<128x128xf32>
    %mul3A_1251 = arith.constant -0.72134751 : f32
    %mul3A_1252 = vector.broadcast %mul3A_1251 : f32 to vector<128x128xf32>
    %mul3A_1253 = arith.mulf %mul3A_1250, %mul3A_1252 : vector<128x128xf32>
    %add3A_1254 = vector.broadcast %div3A_28 : vector<1x128xf32> to vector<128x128xf32>
    %add3A_1255 = arith.addf %mul3A_1253, %add3A_1254 : vector<128x128xf32>
    %exp23A_1256 = math.exp2 %add3A_1255 : vector<128x128xf32>
    %swap3A_1257 = arith.constant 8192 : index
    %swap3A_1258 = arith.constant 0 : index
    %swap3A_1259 = vector.load %arg6[%swap3A_1257, %swap3A_1258] : memref<32000x128xf32, #tpu.memory_space<vmem>>, vector<128x128xf32>
    tpu.vector_store %arg6[%swap3A_1257, %swap3A_1258], %exp23A_1256 {strides = array<i32>} : memref<32000x128xf32, #tpu.memory_space<vmem>>, vector<128x128xf32>,
    %slice3A_1260 = vector.extract_strided_slice %transpose3A {offsets = [0, 65], sizes = [128, 1], strides = [1, 1]} : vector<128x250xf32> to vector<128x1xf32>
    %get3A_1261 = arith.constant 0 : index
    %get3A_1262 = arith.constant 0 : index
    %get3A_1263 = vector.load %arg4[%get3A_1261, %get3A_1262] : memref<1x128xf32, #tpu.memory_space<vmem>>, vector<1x128xf32>
    %sub3A_1264 = vector.broadcast %slice3A_1260 : vector<128x1xf32> to vector<128x128xf32>
    %sub3A_1265 = vector.broadcast %get3A_1263 : vector<1x128xf32> to vector<128x128xf32>
    %sub3A_1266 = arith.subf %sub3A_1264, %sub3A_1265 : vector<128x128xf32>
    %mul3A_1267 = vector.broadcast %div3A_21 : vector<1x128xf32> to vector<128x128xf32>
    %mul3A_1268 = arith.mulf %sub3A_1266, %mul3A_1267 : vector<128x128xf32>
    %mul3A_1269 = arith.mulf %mul3A_1268, %mul3A_1268 : vector<128x128xf32>
    %mul3A_1270 = arith.constant -0.72134751 : f32
    %mul3A_1271 = vector.broadcast %mul3A_1270 : f32 to vector<128x128xf32>
    %mul3A_1272 = arith.mulf %mul3A_1269, %mul3A_1271 : vector<128x128xf32>
    %add3A_1273 = vector.broadcast %div3A_28 : vector<1x128xf32> to vector<128x128xf32>
    %add3A_1274 = arith.addf %mul3A_1272, %add3A_1273 : vector<128x128xf32>
    %exp23A_1275 = math.exp2 %add3A_1274 : vector<128x128xf32>
    %swap3A_1276 = arith.constant 8320 : index
    %swap3A_1277 = arith.constant 0 : index
    %swap3A_1278 = vector.load %arg6[%swap3A_1276, %swap3A_1277] : memref<32000x128xf32, #tpu.memory_space<vmem>>, vector<128x128xf32>
    tpu.vector_store %arg6[%swap3A_1276, %swap3A_1277], %exp23A_1275 {strides = array<i32>} : memref<32000x128xf32, #tpu.memory_space<vmem>>, vector<128x128xf32>,
    %slice3A_1279 = vector.extract_strided_slice %transpose3A {offsets = [0, 66], sizes = [128, 1], strides = [1, 1]} : vector<128x250xf32> to vector<128x1xf32>
    %get3A_1280 = arith.constant 0 : index
    %get3A_1281 = arith.constant 0 : index
    %get3A_1282 = vector.load %arg4[%get3A_1280, %get3A_1281] : memref<1x128xf32, #tpu.memory_space<vmem>>, vector<1x128xf32>
    %sub3A_1283 = vector.broadcast %slice3A_1279 : vector<128x1xf32> to vector<128x128xf32>
    %sub3A_1284 = vector.broadcast %get3A_1282 : vector<1x128xf32> to vector<128x128xf32>
    %sub3A_1285 = arith.subf %sub3A_1283, %sub3A_1284 : vector<128x128xf32>
    %mul3A_1286 = vector.broadcast %div3A_21 : vector<1x128xf32> to vector<128x128xf32>
    %mul3A_1287 = arith.mulf %sub3A_1285, %mul3A_1286 : vector<128x128xf32>
    %mul3A_1288 = arith.mulf %mul3A_1287, %mul3A_1287 : vector<128x128xf32>
    %mul3A_1289 = arith.constant -0.72134751 : f32
    %mul3A_1290 = vector.broadcast %mul3A_1289 : f32 to vector<128x128xf32>
    %mul3A_1291 = arith.mulf %mul3A_1288, %mul3A_1290 : vector<128x128xf32>
    %add3A_1292 = vector.broadcast %div3A_28 : vector<1x128xf32> to vector<128x128xf32>
    %add3A_1293 = arith.addf %mul3A_1291, %add3A_1292 : vector<128x128xf32>
    %exp23A_1294 = math.exp2 %add3A_1293 : vector<128x128xf32>
    %swap3A_1295 = arith.constant 8448 : index
    %swap3A_1296 = arith.constant 0 : index
    %swap3A_1297 = vector.load %arg6[%swap3A_1295, %swap3A_1296] : memref<32000x128xf32, #tpu.memory_space<vmem>>, vector<128x128xf32>
    tpu.vector_store %arg6[%swap3A_1295, %swap3A_1296], %exp23A_1294 {strides = array<i32>} : memref<32000x128xf32, #tpu.memory_space<vmem>>, vector<128x128xf32>,
    %slice3A_1298 = vector.extract_strided_slice %transpose3A {offsets = [0, 67], sizes = [128, 1], strides = [1, 1]} : vector<128x250xf32> to vector<128x1xf32>
    %get3A_1299 = arith.constant 0 : index
    %get3A_1300 = arith.constant 0 : index
    %get3A_1301 = vector.load %arg4[%get3A_1299, %get3A_1300] : memref<1x128xf32, #tpu.memory_space<vmem>>, vector<1x128xf32>
    %sub3A_1302 = vector.broadcast %slice3A_1298 : vector<128x1xf32> to vector<128x128xf32>
    %sub3A_1303 = vector.broadcast %get3A_1301 : vector<1x128xf32> to vector<128x128xf32>
    %sub3A_1304 = arith.subf %sub3A_1302, %sub3A_1303 : vector<128x128xf32>
    %mul3A_1305 = vector.broadcast %div3A_21 : vector<1x128xf32> to vector<128x128xf32>
    %mul3A_1306 = arith.mulf %sub3A_1304, %mul3A_1305 : vector<128x128xf32>
    %mul3A_1307 = arith.mulf %mul3A_1306, %mul3A_1306 : vector<128x128xf32>
    %mul3A_1308 = arith.constant -0.72134751 : f32
    %mul3A_1309 = vector.broadcast %mul3A_1308 : f32 to vector<128x128xf32>
    %mul3A_1310 = arith.mulf %mul3A_1307, %mul3A_1309 : vector<128x128xf32>
    %add3A_1311 = vector.broadcast %div3A_28 : vector<1x128xf32> to vector<128x128xf32>
    %add3A_1312 = arith.addf %mul3A_1310, %add3A_1311 : vector<128x128xf32>
    %exp23A_1313 = math.exp2 %add3A_1312 : vector<128x128xf32>
    %swap3A_1314 = arith.constant 8576 : index
    %swap3A_1315 = arith.constant 0 : index
    %swap3A_1316 = vector.load %arg6[%swap3A_1314, %swap3A_1315] : memref<32000x128xf32, #tpu.memory_space<vmem>>, vector<128x128xf32>
    tpu.vector_store %arg6[%swap3A_1314, %swap3A_1315], %exp23A_1313 {strides = array<i32>} : memref<32000x128xf32, #tpu.memory_space<vmem>>, vector<128x128xf32>,
    %slice3A_1317 = vector.extract_strided_slice %transpose3A {offsets = [0, 68], sizes = [128, 1], strides = [1, 1]} : vector<128x250xf32> to vector<128x1xf32>
    %get3A_1318 = arith.constant 0 : index
    %get3A_1319 = arith.constant 0 : index
    %get3A_1320 = vector.load %arg4[%get3A_1318, %get3A_1319] : memref<1x128xf32, #tpu.memory_space<vmem>>, vector<1x128xf32>
    %sub3A_1321 = vector.broadcast %slice3A_1317 : vector<128x1xf32> to vector<128x128xf32>
    %sub3A_1322 = vector.broadcast %get3A_1320 : vector<1x128xf32> to vector<128x128xf32>
    %sub3A_1323 = arith.subf %sub3A_1321, %sub3A_1322 : vector<128x128xf32>
    %mul3A_1324 = vector.broadcast %div3A_21 : vector<1x128xf32> to vector<128x128xf32>
    %mul3A_1325 = arith.mulf %sub3A_1323, %mul3A_1324 : vector<128x128xf32>
    %mul3A_1326 = arith.mulf %mul3A_1325, %mul3A_1325 : vector<128x128xf32>
    %mul3A_1327 = arith.constant -0.72134751 : f32
    %mul3A_1328 = vector.broadcast %mul3A_1327 : f32 to vector<128x128xf32>
    %mul3A_1329 = arith.mulf %mul3A_1326, %mul3A_1328 : vector<128x128xf32>
    %add3A_1330 = vector.broadcast %div3A_28 : vector<1x128xf32> to vector<128x128xf32>
    %add3A_1331 = arith.addf %mul3A_1329, %add3A_1330 : vector<128x128xf32>
    %exp23A_1332 = math.exp2 %add3A_1331 : vector<128x128xf32>
    %swap3A_1333 = arith.constant 8704 : index
    %swap3A_1334 = arith.constant 0 : index
    %swap3A_1335 = vector.load %arg6[%swap3A_1333, %swap3A_1334] : memref<32000x128xf32, #tpu.memory_space<vmem>>, vector<128x128xf32>
    tpu.vector_store %arg6[%swap3A_1333, %swap3A_1334], %exp23A_1332 {strides = array<i32>} : memref<32000x128xf32, #tpu.memory_space<vmem>>, vector<128x128xf32>,
    %slice3A_1336 = vector.extract_strided_slice %transpose3A {offsets = [0, 69], sizes = [128, 1], strides = [1, 1]} : vector<128x250xf32> to vector<128x1xf32>
    %get3A_1337 = arith.constant 0 : index
    %get3A_1338 = arith.constant 0 : index
    %get3A_1339 = vector.load %arg4[%get3A_1337, %get3A_1338] : memref<1x128xf32, #tpu.memory_space<vmem>>, vector<1x128xf32>
    %sub3A_1340 = vector.broadcast %slice3A_1336 : vector<128x1xf32> to vector<128x128xf32>
    %sub3A_1341 = vector.broadcast %get3A_1339 : vector<1x128xf32> to vector<128x128xf32>
    %sub3A_1342 = arith.subf %sub3A_1340, %sub3A_1341 : vector<128x128xf32>
    %mul3A_1343 = vector.broadcast %div3A_21 : vector<1x128xf32> to vector<128x128xf32>
    %mul3A_1344 = arith.mulf %sub3A_1342, %mul3A_1343 : vector<128x128xf32>
    %mul3A_1345 = arith.mulf %mul3A_1344, %mul3A_1344 : vector<128x128xf32>
    %mul3A_1346 = arith.constant -0.72134751 : f32
    %mul3A_1347 = vector.broadcast %mul3A_1346 : f32 to vector<128x128xf32>
    %mul3A_1348 = arith.mulf %mul3A_1345, %mul3A_1347 : vector<128x128xf32>
    %add3A_1349 = vector.broadcast %div3A_28 : vector<1x128xf32> to vector<128x128xf32>
    %add3A_1350 = arith.addf %mul3A_1348, %add3A_1349 : vector<128x128xf32>
    %exp23A_1351 = math.exp2 %add3A_1350 : vector<128x128xf32>
    %swap3A_1352 = arith.constant 8832 : index
    %swap3A_1353 = arith.constant 0 : index
    %swap3A_1354 = vector.load %arg6[%swap3A_1352, %swap3A_1353] : memref<32000x128xf32, #tpu.memory_space<vmem>>, vector<128x128xf32>
    tpu.vector_store %arg6[%swap3A_1352, %swap3A_1353], %exp23A_1351 {strides = array<i32>} : memref<32000x128xf32, #tpu.memory_space<vmem>>, vector<128x128xf32>,
    %slice3A_1355 = vector.extract_strided_slice %transpose3A {offsets = [0, 70], sizes = [128, 1], strides = [1, 1]} : vector<128x250xf32> to vector<128x1xf32>
    %get3A_1356 = arith.constant 0 : index
    %get3A_1357 = arith.constant 0 : index
    %get3A_1358 = vector.load %arg4[%get3A_1356, %get3A_1357] : memref<1x128xf32, #tpu.memory_space<vmem>>, vector<1x128xf32>
    %sub3A_1359 = vector.broadcast %slice3A_1355 : vector<128x1xf32> to vector<128x128xf32>
    %sub3A_1360 = vector.broadcast %get3A_1358 : vector<1x128xf32> to vector<128x128xf32>
    %sub3A_1361 = arith.subf %sub3A_1359, %sub3A_1360 : vector<128x128xf32>
    %mul3A_1362 = vector.broadcast %div3A_21 : vector<1x128xf32> to vector<128x128xf32>
    %mul3A_1363 = arith.mulf %sub3A_1361, %mul3A_1362 : vector<128x128xf32>
    %mul3A_1364 = arith.mulf %mul3A_1363, %mul3A_1363 : vector<128x128xf32>
    %mul3A_1365 = arith.constant -0.72134751 : f32
    %mul3A_1366 = vector.broadcast %mul3A_1365 : f32 to vector<128x128xf32>
    %mul3A_1367 = arith.mulf %mul3A_1364, %mul3A_1366 : vector<128x128xf32>
    %add3A_1368 = vector.broadcast %div3A_28 : vector<1x128xf32> to vector<128x128xf32>
    %add3A_1369 = arith.addf %mul3A_1367, %add3A_1368 : vector<128x128xf32>
    %exp23A_1370 = math.exp2 %add3A_1369 : vector<128x128xf32>
    %swap3A_1371 = arith.constant 8960 : index
    %swap3A_1372 = arith.constant 0 : index
    %swap3A_1373 = vector.load %arg6[%swap3A_1371, %swap3A_1372] : memref<32000x128xf32, #tpu.memory_space<vmem>>, vector<128x128xf32>
    tpu.vector_store %arg6[%swap3A_1371, %swap3A_1372], %exp23A_1370 {strides = array<i32>} : memref<32000x128xf32, #tpu.memory_space<vmem>>, vector<128x128xf32>,
    %slice3A_1374 = vector.extract_strided_slice %transpose3A {offsets = [0, 71], sizes = [128, 1], strides = [1, 1]} : vector<128x250xf32> to vector<128x1xf32>
    %get3A_1375 = arith.constant 0 : index
    %get3A_1376 = arith.constant 0 : index
    %get3A_1377 = vector.load %arg4[%get3A_1375, %get3A_1376] : memref<1x128xf32, #tpu.memory_space<vmem>>, vector<1x128xf32>
    %sub3A_1378 = vector.broadcast %slice3A_1374 : vector<128x1xf32> to vector<128x128xf32>
    %sub3A_1379 = vector.broadcast %get3A_1377 : vector<1x128xf32> to vector<128x128xf32>
    %sub3A_1380 = arith.subf %sub3A_1378, %sub3A_1379 : vector<128x128xf32>
    %mul3A_1381 = vector.broadcast %div3A_21 : vector<1x128xf32> to vector<128x128xf32>
    %mul3A_1382 = arith.mulf %sub3A_1380, %mul3A_1381 : vector<128x128xf32>
    %mul3A_1383 = arith.mulf %mul3A_1382, %mul3A_1382 : vector<128x128xf32>
    %mul3A_1384 = arith.constant -0.72134751 : f32
    %mul3A_1385 = vector.broadcast %mul3A_1384 : f32 to vector<128x128xf32>
    %mul3A_1386 = arith.mulf %mul3A_1383, %mul3A_1385 : vector<128x128xf32>
    %add3A_1387 = vector.broadcast %div3A_28 : vector<1x128xf32> to vector<128x128xf32>
    %add3A_1388 = arith.addf %mul3A_1386, %add3A_1387 : vector<128x128xf32>
    %exp23A_1389 = math.exp2 %add3A_1388 : vector<128x128xf32>
    %swap3A_1390 = arith.constant 9088 : index
    %swap3A_1391 = arith.constant 0 : index
    %swap3A_1392 = vector.load %arg6[%swap3A_1390, %swap3A_1391] : memref<32000x128xf32, #tpu.memory_space<vmem>>, vector<128x128xf32>
    tpu.vector_store %arg6[%swap3A_1390, %swap3A_1391], %exp23A_1389 {strides = array<i32>} : memref<32000x128xf32, #tpu.memory_space<vmem>>, vector<128x128xf32>,
    %slice3A_1393 = vector.extract_strided_slice %transpose3A {offsets = [0, 72], sizes = [128, 1], strides = [1, 1]} : vector<128x250xf32> to vector<128x1xf32>
    %get3A_1394 = arith.constant 0 : index
    %get3A_1395 = arith.constant 0 : index
    %get3A_1396 = vector.load %arg4[%get3A_1394, %get3A_1395] : memref<1x128xf32, #tpu.memory_space<vmem>>, vector<1x128xf32>
    %sub3A_1397 = vector.broadcast %slice3A_1393 : vector<128x1xf32> to vector<128x128xf32>
    %sub3A_1398 = vector.broadcast %get3A_1396 : vector<1x128xf32> to vector<128x128xf32>
    %sub3A_1399 = arith.subf %sub3A_1397, %sub3A_1398 : vector<128x128xf32>
    %mul3A_1400 = vector.broadcast %div3A_21 : vector<1x128xf32> to vector<128x128xf32>
    %mul3A_1401 = arith.mulf %sub3A_1399, %mul3A_1400 : vector<128x128xf32>
    %mul3A_1402 = arith.mulf %mul3A_1401, %mul3A_1401 : vector<128x128xf32>
    %mul3A_1403 = arith.constant -0.72134751 : f32
    %mul3A_1404 = vector.broadcast %mul3A_1403 : f32 to vector<128x128xf32>
    %mul3A_1405 = arith.mulf %mul3A_1402, %mul3A_1404 : vector<128x128xf32>
    %add3A_1406 = vector.broadcast %div3A_28 : vector<1x128xf32> to vector<128x128xf32>
    %add3A_1407 = arith.addf %mul3A_1405, %add3A_1406 : vector<128x128xf32>
    %exp23A_1408 = math.exp2 %add3A_1407 : vector<128x128xf32>
    %swap3A_1409 = arith.constant 9216 : index
    %swap3A_1410 = arith.constant 0 : index
    %swap3A_1411 = vector.load %arg6[%swap3A_1409, %swap3A_1410] : memref<32000x128xf32, #tpu.memory_space<vmem>>, vector<128x128xf32>
    tpu.vector_store %arg6[%swap3A_1409, %swap3A_1410], %exp23A_1408 {strides = array<i32>} : memref<32000x128xf32, #tpu.memory_space<vmem>>, vector<128x128xf32>,
    %slice3A_1412 = vector.extract_strided_slice %transpose3A {offsets = [0, 73], sizes = [128, 1], strides = [1, 1]} : vector<128x250xf32> to vector<128x1xf32>
    %get3A_1413 = arith.constant 0 : index
    %get3A_1414 = arith.constant 0 : index
    %get3A_1415 = vector.load %arg4[%get3A_1413, %get3A_1414] : memref<1x128xf32, #tpu.memory_space<vmem>>, vector<1x128xf32>
    %sub3A_1416 = vector.broadcast %slice3A_1412 : vector<128x1xf32> to vector<128x128xf32>
    %sub3A_1417 = vector.broadcast %get3A_1415 : vector<1x128xf32> to vector<128x128xf32>
    %sub3A_1418 = arith.subf %sub3A_1416, %sub3A_1417 : vector<128x128xf32>
    %mul3A_1419 = vector.broadcast %div3A_21 : vector<1x128xf32> to vector<128x128xf32>
    %mul3A_1420 = arith.mulf %sub3A_1418, %mul3A_1419 : vector<128x128xf32>
    %mul3A_1421 = arith.mulf %mul3A_1420, %mul3A_1420 : vector<128x128xf32>
    %mul3A_1422 = arith.constant -0.72134751 : f32
    %mul3A_1423 = vector.broadcast %mul3A_1422 : f32 to vector<128x128xf32>
    %mul3A_1424 = arith.mulf %mul3A_1421, %mul3A_1423 : vector<128x128xf32>
    %add3A_1425 = vector.broadcast %div3A_28 : vector<1x128xf32> to vector<128x128xf32>
    %add3A_1426 = arith.addf %mul3A_1424, %add3A_1425 : vector<128x128xf32>
    %exp23A_1427 = math.exp2 %add3A_1426 : vector<128x128xf32>
    %swap3A_1428 = arith.constant 9344 : index
    %swap3A_1429 = arith.constant 0 : index
    %swap3A_1430 = vector.load %arg6[%swap3A_1428, %swap3A_1429] : memref<32000x128xf32, #tpu.memory_space<vmem>>, vector<128x128xf32>
    tpu.vector_store %arg6[%swap3A_1428, %swap3A_1429], %exp23A_1427 {strides = array<i32>} : memref<32000x128xf32, #tpu.memory_space<vmem>>, vector<128x128xf32>,
    %slice3A_1431 = vector.extract_strided_slice %transpose3A {offsets = [0, 74], sizes = [128, 1], strides = [1, 1]} : vector<128x250xf32> to vector<128x1xf32>
    %get3A_1432 = arith.constant 0 : index
    %get3A_1433 = arith.constant 0 : index
    %get3A_1434 = vector.load %arg4[%get3A_1432, %get3A_1433] : memref<1x128xf32, #tpu.memory_space<vmem>>, vector<1x128xf32>
    %sub3A_1435 = vector.broadcast %slice3A_1431 : vector<128x1xf32> to vector<128x128xf32>
    %sub3A_1436 = vector.broadcast %get3A_1434 : vector<1x128xf32> to vector<128x128xf32>
    %sub3A_1437 = arith.subf %sub3A_1435, %sub3A_1436 : vector<128x128xf32>
    %mul3A_1438 = vector.broadcast %div3A_21 : vector<1x128xf32> to vector<128x128xf32>
    %mul3A_1439 = arith.mulf %sub3A_1437, %mul3A_1438 : vector<128x128xf32>
    %mul3A_1440 = arith.mulf %mul3A_1439, %mul3A_1439 : vector<128x128xf32>
    %mul3A_1441 = arith.constant -0.72134751 : f32
    %mul3A_1442 = vector.broadcast %mul3A_1441 : f32 to vector<128x128xf32>
    %mul3A_1443 = arith.mulf %mul3A_1440, %mul3A_1442 : vector<128x128xf32>
    %add3A_1444 = vector.broadcast %div3A_28 : vector<1x128xf32> to vector<128x128xf32>
    %add3A_1445 = arith.addf %mul3A_1443, %add3A_1444 : vector<128x128xf32>
    %exp23A_1446 = math.exp2 %add3A_1445 : vector<128x128xf32>
    %swap3A_1447 = arith.constant 9472 : index
    %swap3A_1448 = arith.constant 0 : index
    %swap3A_1449 = vector.load %arg6[%swap3A_1447, %swap3A_1448] : memref<32000x128xf32, #tpu.memory_space<vmem>>, vector<128x128xf32>
    tpu.vector_store %arg6[%swap3A_1447, %swap3A_1448], %exp23A_1446 {strides = array<i32>} : memref<32000x128xf32, #tpu.memory_space<vmem>>, vector<128x128xf32>,
    %slice3A_1450 = vector.extract_strided_slice %transpose3A {offsets = [0, 75], sizes = [128, 1], strides = [1, 1]} : vector<128x250xf32> to vector<128x1xf32>
    %get3A_1451 = arith.constant 0 : index
    %get3A_1452 = arith.constant 0 : index
    %get3A_1453 = vector.load %arg4[%get3A_1451, %get3A_1452] : memref<1x128xf32, #tpu.memory_space<vmem>>, vector<1x128xf32>
    %sub3A_1454 = vector.broadcast %slice3A_1450 : vector<128x1xf32> to vector<128x128xf32>
    %sub3A_1455 = vector.broadcast %get3A_1453 : vector<1x128xf32> to vector<128x128xf32>
    %sub3A_1456 = arith.subf %sub3A_1454, %sub3A_1455 : vector<128x128xf32>
    %mul3A_1457 = vector.broadcast %div3A_21 : vector<1x128xf32> to vector<128x128xf32>
    %mul3A_1458 = arith.mulf %sub3A_1456, %mul3A_1457 : vector<128x128xf32>
    %mul3A_1459 = arith.mulf %mul3A_1458, %mul3A_1458 : vector<128x128xf32>
    %mul3A_1460 = arith.constant -0.72134751 : f32
    %mul3A_1461 = vector.broadcast %mul3A_1460 : f32 to vector<128x128xf32>
    %mul3A_1462 = arith.mulf %mul3A_1459, %mul3A_1461 : vector<128x128xf32>
    %add3A_1463 = vector.broadcast %div3A_28 : vector<1x128xf32> to vector<128x128xf32>
    %add3A_1464 = arith.addf %mul3A_1462, %add3A_1463 : vector<128x128xf32>
    %exp23A_1465 = math.exp2 %add3A_1464 : vector<128x128xf32>
    %swap3A_1466 = arith.constant 9600 : index
    %swap3A_1467 = arith.constant 0 : index
    %swap3A_1468 = vector.load %arg6[%swap3A_1466, %swap3A_1467] : memref<32000x128xf32, #tpu.memory_space<vmem>>, vector<128x128xf32>
    tpu.vector_store %arg6[%swap3A_1466, %swap3A_1467], %exp23A_1465 {strides = array<i32>} : memref<32000x128xf32, #tpu.memory_space<vmem>>, vector<128x128xf32>,
    %slice3A_1469 = vector.extract_strided_slice %transpose3A {offsets = [0, 76], sizes = [128, 1], strides = [1, 1]} : vector<128x250xf32> to vector<128x1xf32>
    %get3A_1470 = arith.constant 0 : index
    %get3A_1471 = arith.constant 0 : index
    %get3A_1472 = vector.load %arg4[%get3A_1470, %get3A_1471] : memref<1x128xf32, #tpu.memory_space<vmem>>, vector<1x128xf32>
    %sub3A_1473 = vector.broadcast %slice3A_1469 : vector<128x1xf32> to vector<128x128xf32>
    %sub3A_1474 = vector.broadcast %get3A_1472 : vector<1x128xf32> to vector<128x128xf32>
    %sub3A_1475 = arith.subf %sub3A_1473, %sub3A_1474 : vector<128x128xf32>
    %mul3A_1476 = vector.broadcast %div3A_21 : vector<1x128xf32> to vector<128x128xf32>
    %mul3A_1477 = arith.mulf %sub3A_1475, %mul3A_1476 : vector<128x128xf32>
    %mul3A_1478 = arith.mulf %mul3A_1477, %mul3A_1477 : vector<128x128xf32>
    %mul3A_1479 = arith.constant -0.72134751 : f32
    %mul3A_1480 = vector.broadcast %mul3A_1479 : f32 to vector<128x128xf32>
    %mul3A_1481 = arith.mulf %mul3A_1478, %mul3A_1480 : vector<128x128xf32>
    %add3A_1482 = vector.broadcast %div3A_28 : vector<1x128xf32> to vector<128x128xf32>
    %add3A_1483 = arith.addf %mul3A_1481, %add3A_1482 : vector<128x128xf32>
    %exp23A_1484 = math.exp2 %add3A_1483 : vector<128x128xf32>
    %swap3A_1485 = arith.constant 9728 : index
    %swap3A_1486 = arith.constant 0 : index
    %swap3A_1487 = vector.load %arg6[%swap3A_1485, %swap3A_1486] : memref<32000x128xf32, #tpu.memory_space<vmem>>, vector<128x128xf32>
    tpu.vector_store %arg6[%swap3A_1485, %swap3A_1486], %exp23A_1484 {strides = array<i32>} : memref<32000x128xf32, #tpu.memory_space<vmem>>, vector<128x128xf32>,
    %slice3A_1488 = vector.extract_strided_slice %transpose3A {offsets = [0, 77], sizes = [128, 1], strides = [1, 1]} : vector<128x250xf32> to vector<128x1xf32>
    %get3A_1489 = arith.constant 0 : index
    %get3A_1490 = arith.constant 0 : index
    %get3A_1491 = vector.load %arg4[%get3A_1489, %get3A_1490] : memref<1x128xf32, #tpu.memory_space<vmem>>, vector<1x128xf32>
    %sub3A_1492 = vector.broadcast %slice3A_1488 : vector<128x1xf32> to vector<128x128xf32>
    %sub3A_1493 = vector.broadcast %get3A_1491 : vector<1x128xf32> to vector<128x128xf32>
    %sub3A_1494 = arith.subf %sub3A_1492, %sub3A_1493 : vector<128x128xf32>
    %mul3A_1495 = vector.broadcast %div3A_21 : vector<1x128xf32> to vector<128x128xf32>
    %mul3A_1496 = arith.mulf %sub3A_1494, %mul3A_1495 : vector<128x128xf32>
    %mul3A_1497 = arith.mulf %mul3A_1496, %mul3A_1496 : vector<128x128xf32>
    %mul3A_1498 = arith.constant -0.72134751 : f32
    %mul3A_1499 = vector.broadcast %mul3A_1498 : f32 to vector<128x128xf32>
    %mul3A_1500 = arith.mulf %mul3A_1497, %mul3A_1499 : vector<128x128xf32>
    %add3A_1501 = vector.broadcast %div3A_28 : vector<1x128xf32> to vector<128x128xf32>
    %add3A_1502 = arith.addf %mul3A_1500, %add3A_1501 : vector<128x128xf32>
    %exp23A_1503 = math.exp2 %add3A_1502 : vector<128x128xf32>
    %swap3A_1504 = arith.constant 9856 : index
    %swap3A_1505 = arith.constant 0 : index
    %swap3A_1506 = vector.load %arg6[%swap3A_1504, %swap3A_1505] : memref<32000x128xf32, #tpu.memory_space<vmem>>, vector<128x128xf32>
    tpu.vector_store %arg6[%swap3A_1504, %swap3A_1505], %exp23A_1503 {strides = array<i32>} : memref<32000x128xf32, #tpu.memory_space<vmem>>, vector<128x128xf32>,
    %slice3A_1507 = vector.extract_strided_slice %transpose3A {offsets = [0, 78], sizes = [128, 1], strides = [1, 1]} : vector<128x250xf32> to vector<128x1xf32>
    %get3A_1508 = arith.constant 0 : index
    %get3A_1509 = arith.constant 0 : index
    %get3A_1510 = vector.load %arg4[%get3A_1508, %get3A_1509] : memref<1x128xf32, #tpu.memory_space<vmem>>, vector<1x128xf32>
    %sub3A_1511 = vector.broadcast %slice3A_1507 : vector<128x1xf32> to vector<128x128xf32>
    %sub3A_1512 = vector.broadcast %get3A_1510 : vector<1x128xf32> to vector<128x128xf32>
    %sub3A_1513 = arith.subf %sub3A_1511, %sub3A_1512 : vector<128x128xf32>
    %mul3A_1514 = vector.broadcast %div3A_21 : vector<1x128xf32> to vector<128x128xf32>
    %mul3A_1515 = arith.mulf %sub3A_1513, %mul3A_1514 : vector<128x128xf32>
    %mul3A_1516 = arith.mulf %mul3A_1515, %mul3A_1515 : vector<128x128xf32>
    %mul3A_1517 = arith.constant -0.72134751 : f32
    %mul3A_1518 = vector.broadcast %mul3A_1517 : f32 to vector<128x128xf32>
    %mul3A_1519 = arith.mulf %mul3A_1516, %mul3A_1518 : vector<128x128xf32>
    %add3A_1520 = vector.broadcast %div3A_28 : vector<1x128xf32> to vector<128x128xf32>
    %add3A_1521 = arith.addf %mul3A_1519, %add3A_1520 : vector<128x128xf32>
    %exp23A_1522 = math.exp2 %add3A_1521 : vector<128x128xf32>
    %swap3A_1523 = arith.constant 9984 : index
    %swap3A_1524 = arith.constant 0 : index
    %swap3A_1525 = vector.load %arg6[%swap3A_1523, %swap3A_1524] : memref<32000x128xf32, #tpu.memory_space<vmem>>, vector<128x128xf32>
    tpu.vector_store %arg6[%swap3A_1523, %swap3A_1524], %exp23A_1522 {strides = array<i32>} : memref<32000x128xf32, #tpu.memory_space<vmem>>, vector<128x128xf32>,
    %slice3A_1526 = vector.extract_strided_slice %transpose3A {offsets = [0, 79], sizes = [128, 1], strides = [1, 1]} : vector<128x250xf32> to vector<128x1xf32>
    %get3A_1527 = arith.constant 0 : index
    %get3A_1528 = arith.constant 0 : index
    %get3A_1529 = vector.load %arg4[%get3A_1527, %get3A_1528] : memref<1x128xf32, #tpu.memory_space<vmem>>, vector<1x128xf32>
    %sub3A_1530 = vector.broadcast %slice3A_1526 : vector<128x1xf32> to vector<128x128xf32>
    %sub3A_1531 = vector.broadcast %get3A_1529 : vector<1x128xf32> to vector<128x128xf32>
    %sub3A_1532 = arith.subf %sub3A_1530, %sub3A_1531 : vector<128x128xf32>
    %mul3A_1533 = vector.broadcast %div3A_21 : vector<1x128xf32> to vector<128x128xf32>
    %mul3A_1534 = arith.mulf %sub3A_1532, %mul3A_1533 : vector<128x128xf32>
    %mul3A_1535 = arith.mulf %mul3A_1534, %mul3A_1534 : vector<128x128xf32>
    %mul3A_1536 = arith.constant -0.72134751 : f32
    %mul3A_1537 = vector.broadcast %mul3A_1536 : f32 to vector<128x128xf32>
    %mul3A_1538 = arith.mulf %mul3A_1535, %mul3A_1537 : vector<128x128xf32>
    %add3A_1539 = vector.broadcast %div3A_28 : vector<1x128xf32> to vector<128x128xf32>
    %add3A_1540 = arith.addf %mul3A_1538, %add3A_1539 : vector<128x128xf32>
    %exp23A_1541 = math.exp2 %add3A_1540 : vector<128x128xf32>
    %swap3A_1542 = arith.constant 10112 : index
    %swap3A_1543 = arith.constant 0 : index
    %swap3A_1544 = vector.load %arg6[%swap3A_1542, %swap3A_1543] : memref<32000x128xf32, #tpu.memory_space<vmem>>, vector<128x128xf32>
    tpu.vector_store %arg6[%swap3A_1542, %swap3A_1543], %exp23A_1541 {strides = array<i32>} : memref<32000x128xf32, #tpu.memory_space<vmem>>, vector<128x128xf32>,
    %slice3A_1545 = vector.extract_strided_slice %transpose3A {offsets = [0, 80], sizes = [128, 1], strides = [1, 1]} : vector<128x250xf32> to vector<128x1xf32>
    %get3A_1546 = arith.constant 0 : index
    %get3A_1547 = arith.constant 0 : index
    %get3A_1548 = vector.load %arg4[%get3A_1546, %get3A_1547] : memref<1x128xf32, #tpu.memory_space<vmem>>, vector<1x128xf32>
    %sub3A_1549 = vector.broadcast %slice3A_1545 : vector<128x1xf32> to vector<128x128xf32>
    %sub3A_1550 = vector.broadcast %get3A_1548 : vector<1x128xf32> to vector<128x128xf32>
    %sub3A_1551 = arith.subf %sub3A_1549, %sub3A_1550 : vector<128x128xf32>
    %mul3A_1552 = vector.broadcast %div3A_21 : vector<1x128xf32> to vector<128x128xf32>
    %mul3A_1553 = arith.mulf %sub3A_1551, %mul3A_1552 : vector<128x128xf32>
    %mul3A_1554 = arith.mulf %mul3A_1553, %mul3A_1553 : vector<128x128xf32>
    %mul3A_1555 = arith.constant -0.72134751 : f32
    %mul3A_1556 = vector.broadcast %mul3A_1555 : f32 to vector<128x128xf32>
    %mul3A_1557 = arith.mulf %mul3A_1554, %mul3A_1556 : vector<128x128xf32>
    %add3A_1558 = vector.broadcast %div3A_28 : vector<1x128xf32> to vector<128x128xf32>
    %add3A_1559 = arith.addf %mul3A_1557, %add3A_1558 : vector<128x128xf32>
    %exp23A_1560 = math.exp2 %add3A_1559 : vector<128x128xf32>
    %swap3A_1561 = arith.constant 10240 : index
    %swap3A_1562 = arith.constant 0 : index
    %swap3A_1563 = vector.load %arg6[%swap3A_1561, %swap3A_1562] : memref<32000x128xf32, #tpu.memory_space<vmem>>, vector<128x128xf32>
    tpu.vector_store %arg6[%swap3A_1561, %swap3A_1562], %exp23A_1560 {strides = array<i32>} : memref<32000x128xf32, #tpu.memory_space<vmem>>, vector<128x128xf32>,
    %slice3A_1564 = vector.extract_strided_slice %transpose3A {offsets = [0, 81], sizes = [128, 1], strides = [1, 1]} : vector<128x250xf32> to vector<128x1xf32>
    %get3A_1565 = arith.constant 0 : index
    %get3A_1566 = arith.constant 0 : index
    %get3A_1567 = vector.load %arg4[%get3A_1565, %get3A_1566] : memref<1x128xf32, #tpu.memory_space<vmem>>, vector<1x128xf32>
    %sub3A_1568 = vector.broadcast %slice3A_1564 : vector<128x1xf32> to vector<128x128xf32>
    %sub3A_1569 = vector.broadcast %get3A_1567 : vector<1x128xf32> to vector<128x128xf32>
    %sub3A_1570 = arith.subf %sub3A_1568, %sub3A_1569 : vector<128x128xf32>
    %mul3A_1571 = vector.broadcast %div3A_21 : vector<1x128xf32> to vector<128x128xf32>
    %mul3A_1572 = arith.mulf %sub3A_1570, %mul3A_1571 : vector<128x128xf32>
    %mul3A_1573 = arith.mulf %mul3A_1572, %mul3A_1572 : vector<128x128xf32>
    %mul3A_1574 = arith.constant -0.72134751 : f32
    %mul3A_1575 = vector.broadcast %mul3A_1574 : f32 to vector<128x128xf32>
    %mul3A_1576 = arith.mulf %mul3A_1573, %mul3A_1575 : vector<128x128xf32>
    %add3A_1577 = vector.broadcast %div3A_28 : vector<1x128xf32> to vector<128x128xf32>
    %add3A_1578 = arith.addf %mul3A_1576, %add3A_1577 : vector<128x128xf32>
    %exp23A_1579 = math.exp2 %add3A_1578 : vector<128x128xf32>
    %swap3A_1580 = arith.constant 10368 : index
    %swap3A_1581 = arith.constant 0 : index
    %swap3A_1582 = vector.load %arg6[%swap3A_1580, %swap3A_1581] : memref<32000x128xf32, #tpu.memory_space<vmem>>, vector<128x128xf32>
    tpu.vector_store %arg6[%swap3A_1580, %swap3A_1581], %exp23A_1579 {strides = array<i32>} : memref<32000x128xf32, #tpu.memory_space<vmem>>, vector<128x128xf32>,
    %slice3A_1583 = vector.extract_strided_slice %transpose3A {offsets = [0, 82], sizes = [128, 1], strides = [1, 1]} : vector<128x250xf32> to vector<128x1xf32>
    %get3A_1584 = arith.constant 0 : index
    %get3A_1585 = arith.constant 0 : index
    %get3A_1586 = vector.load %arg4[%get3A_1584, %get3A_1585] : memref<1x128xf32, #tpu.memory_space<vmem>>, vector<1x128xf32>
    %sub3A_1587 = vector.broadcast %slice3A_1583 : vector<128x1xf32> to vector<128x128xf32>
    %sub3A_1588 = vector.broadcast %get3A_1586 : vector<1x128xf32> to vector<128x128xf32>
    %sub3A_1589 = arith.subf %sub3A_1587, %sub3A_1588 : vector<128x128xf32>
    %mul3A_1590 = vector.broadcast %div3A_21 : vector<1x128xf32> to vector<128x128xf32>
    %mul3A_1591 = arith.mulf %sub3A_1589, %mul3A_1590 : vector<128x128xf32>
    %mul3A_1592 = arith.mulf %mul3A_1591, %mul3A_1591 : vector<128x128xf32>
    %mul3A_1593 = arith.constant -0.72134751 : f32
    %mul3A_1594 = vector.broadcast %mul3A_1593 : f32 to vector<128x128xf32>
    %mul3A_1595 = arith.mulf %mul3A_1592, %mul3A_1594 : vector<128x128xf32>
    %add3A_1596 = vector.broadcast %div3A_28 : vector<1x128xf32> to vector<128x128xf32>
    %add3A_1597 = arith.addf %mul3A_1595, %add3A_1596 : vector<128x128xf32>
    %exp23A_1598 = math.exp2 %add3A_1597 : vector<128x128xf32>
    %swap3A_1599 = arith.constant 10496 : index
    %swap3A_1600 = arith.constant 0 : index
    %swap3A_1601 = vector.load %arg6[%swap3A_1599, %swap3A_1600] : memref<32000x128xf32, #tpu.memory_space<vmem>>, vector<128x128xf32>
    tpu.vector_store %arg6[%swap3A_1599, %swap3A_1600], %exp23A_1598 {strides = array<i32>} : memref<32000x128xf32, #tpu.memory_space<vmem>>, vector<128x128xf32>,
    %slice3A_1602 = vector.extract_strided_slice %transpose3A {offsets = [0, 83], sizes = [128, 1], strides = [1, 1]} : vector<128x250xf32> to vector<128x1xf32>
    %get3A_1603 = arith.constant 0 : index
    %get3A_1604 = arith.constant 0 : index
    %get3A_1605 = vector.load %arg4[%get3A_1603, %get3A_1604] : memref<1x128xf32, #tpu.memory_space<vmem>>, vector<1x128xf32>
    %sub3A_1606 = vector.broadcast %slice3A_1602 : vector<128x1xf32> to vector<128x128xf32>
    %sub3A_1607 = vector.broadcast %get3A_1605 : vector<1x128xf32> to vector<128x128xf32>
    %sub3A_1608 = arith.subf %sub3A_1606, %sub3A_1607 : vector<128x128xf32>
    %mul3A_1609 = vector.broadcast %div3A_21 : vector<1x128xf32> to vector<128x128xf32>
    %mul3A_1610 = arith.mulf %sub3A_1608, %mul3A_1609 : vector<128x128xf32>
    %mul3A_1611 = arith.mulf %mul3A_1610, %mul3A_1610 : vector<128x128xf32>
    %mul3A_1612 = arith.constant -0.72134751 : f32
    %mul3A_1613 = vector.broadcast %mul3A_1612 : f32 to vector<128x128xf32>
    %mul3A_1614 = arith.mulf %mul3A_1611, %mul3A_1613 : vector<128x128xf32>
    %add3A_1615 = vector.broadcast %div3A_28 : vector<1x128xf32> to vector<128x128xf32>
    %add3A_1616 = arith.addf %mul3A_1614, %add3A_1615 : vector<128x128xf32>
    %exp23A_1617 = math.exp2 %add3A_1616 : vector<128x128xf32>
    %swap3A_1618 = arith.constant 10624 : index
    %swap3A_1619 = arith.constant 0 : index
    %swap3A_1620 = vector.load %arg6[%swap3A_1618, %swap3A_1619] : memref<32000x128xf32, #tpu.memory_space<vmem>>, vector<128x128xf32>
    tpu.vector_store %arg6[%swap3A_1618, %swap3A_1619], %exp23A_1617 {strides = array<i32>} : memref<32000x128xf32, #tpu.memory_space<vmem>>, vector<128x128xf32>,
    %slice3A_1621 = vector.extract_strided_slice %transpose3A {offsets = [0, 84], sizes = [128, 1], strides = [1, 1]} : vector<128x250xf32> to vector<128x1xf32>
    %get3A_1622 = arith.constant 0 : index
    %get3A_1623 = arith.constant 0 : index
    %get3A_1624 = vector.load %arg4[%get3A_1622, %get3A_1623] : memref<1x128xf32, #tpu.memory_space<vmem>>, vector<1x128xf32>
    %sub3A_1625 = vector.broadcast %slice3A_1621 : vector<128x1xf32> to vector<128x128xf32>
    %sub3A_1626 = vector.broadcast %get3A_1624 : vector<1x128xf32> to vector<128x128xf32>
    %sub3A_1627 = arith.subf %sub3A_1625, %sub3A_1626 : vector<128x128xf32>
    %mul3A_1628 = vector.broadcast %div3A_21 : vector<1x128xf32> to vector<128x128xf32>
    %mul3A_1629 = arith.mulf %sub3A_1627, %mul3A_1628 : vector<128x128xf32>
    %mul3A_1630 = arith.mulf %mul3A_1629, %mul3A_1629 : vector<128x128xf32>
    %mul3A_1631 = arith.constant -0.72134751 : f32
    %mul3A_1632 = vector.broadcast %mul3A_1631 : f32 to vector<128x128xf32>
    %mul3A_1633 = arith.mulf %mul3A_1630, %mul3A_1632 : vector<128x128xf32>
    %add3A_1634 = vector.broadcast %div3A_28 : vector<1x128xf32> to vector<128x128xf32>
    %add3A_1635 = arith.addf %mul3A_1633, %add3A_1634 : vector<128x128xf32>
    %exp23A_1636 = math.exp2 %add3A_1635 : vector<128x128xf32>
    %swap3A_1637 = arith.constant 10752 : index
    %swap3A_1638 = arith.constant 0 : index
    %swap3A_1639 = vector.load %arg6[%swap3A_1637, %swap3A_1638] : memref<32000x128xf32, #tpu.memory_space<vmem>>, vector<128x128xf32>
    tpu.vector_store %arg6[%swap3A_1637, %swap3A_1638], %exp23A_1636 {strides = array<i32>} : memref<32000x128xf32, #tpu.memory_space<vmem>>, vector<128x128xf32>,
    %slice3A_1640 = vector.extract_strided_slice %transpose3A {offsets = [0, 85], sizes = [128, 1], strides = [1, 1]} : vector<128x250xf32> to vector<128x1xf32>
    %get3A_1641 = arith.constant 0 : index
    %get3A_1642 = arith.constant 0 : index
    %get3A_1643 = vector.load %arg4[%get3A_1641, %get3A_1642] : memref<1x128xf32, #tpu.memory_space<vmem>>, vector<1x128xf32>
    %sub3A_1644 = vector.broadcast %slice3A_1640 : vector<128x1xf32> to vector<128x128xf32>
    %sub3A_1645 = vector.broadcast %get3A_1643 : vector<1x128xf32> to vector<128x128xf32>
    %sub3A_1646 = arith.subf %sub3A_1644, %sub3A_1645 : vector<128x128xf32>
    %mul3A_1647 = vector.broadcast %div3A_21 : vector<1x128xf32> to vector<128x128xf32>
    %mul3A_1648 = arith.mulf %sub3A_1646, %mul3A_1647 : vector<128x128xf32>
    %mul3A_1649 = arith.mulf %mul3A_1648, %mul3A_1648 : vector<128x128xf32>
    %mul3A_1650 = arith.constant -0.72134751 : f32
    %mul3A_1651 = vector.broadcast %mul3A_1650 : f32 to vector<128x128xf32>
    %mul3A_1652 = arith.mulf %mul3A_1649, %mul3A_1651 : vector<128x128xf32>
    %add3A_1653 = vector.broadcast %div3A_28 : vector<1x128xf32> to vector<128x128xf32>
    %add3A_1654 = arith.addf %mul3A_1652, %add3A_1653 : vector<128x128xf32>
    %exp23A_1655 = math.exp2 %add3A_1654 : vector<128x128xf32>
    %swap3A_1656 = arith.constant 10880 : index
    %swap3A_1657 = arith.constant 0 : index
    %swap3A_1658 = vector.load %arg6[%swap3A_1656, %swap3A_1657] : memref<32000x128xf32, #tpu.memory_space<vmem>>, vector<128x128xf32>
    tpu.vector_store %arg6[%swap3A_1656, %swap3A_1657], %exp23A_1655 {strides = array<i32>} : memref<32000x128xf32, #tpu.memory_space<vmem>>, vector<128x128xf32>,
    %slice3A_1659 = vector.extract_strided_slice %transpose3A {offsets = [0, 86], sizes = [128, 1], strides = [1, 1]} : vector<128x250xf32> to vector<128x1xf32>
    %get3A_1660 = arith.constant 0 : index
    %get3A_1661 = arith.constant 0 : index
    %get3A_1662 = vector.load %arg4[%get3A_1660, %get3A_1661] : memref<1x128xf32, #tpu.memory_space<vmem>>, vector<1x128xf32>
    %sub3A_1663 = vector.broadcast %slice3A_1659 : vector<128x1xf32> to vector<128x128xf32>
    %sub3A_1664 = vector.broadcast %get3A_1662 : vector<1x128xf32> to vector<128x128xf32>
    %sub3A_1665 = arith.subf %sub3A_1663, %sub3A_1664 : vector<128x128xf32>
    %mul3A_1666 = vector.broadcast %div3A_21 : vector<1x128xf32> to vector<128x128xf32>
    %mul3A_1667 = arith.mulf %sub3A_1665, %mul3A_1666 : vector<128x128xf32>
    %mul3A_1668 = arith.mulf %mul3A_1667, %mul3A_1667 : vector<128x128xf32>
    %mul3A_1669 = arith.constant -0.72134751 : f32
    %mul3A_1670 = vector.broadcast %mul3A_1669 : f32 to vector<128x128xf32>
    %mul3A_1671 = arith.mulf %mul3A_1668, %mul3A_1670 : vector<128x128xf32>
    %add3A_1672 = vector.broadcast %div3A_28 : vector<1x128xf32> to vector<128x128xf32>
    %add3A_1673 = arith.addf %mul3A_1671, %add3A_1672 : vector<128x128xf32>
    %exp23A_1674 = math.exp2 %add3A_1673 : vector<128x128xf32>
    %swap3A_1675 = arith.constant 11008 : index
    %swap3A_1676 = arith.constant 0 : index
    %swap3A_1677 = vector.load %arg6[%swap3A_1675, %swap3A_1676] : memref<32000x128xf32, #tpu.memory_space<vmem>>, vector<128x128xf32>
    tpu.vector_store %arg6[%swap3A_1675, %swap3A_1676], %exp23A_1674 {strides = array<i32>} : memref<32000x128xf32, #tpu.memory_space<vmem>>, vector<128x128xf32>,
    %slice3A_1678 = vector.extract_strided_slice %transpose3A {offsets = [0, 87], sizes = [128, 1], strides = [1, 1]} : vector<128x250xf32> to vector<128x1xf32>
    %get3A_1679 = arith.constant 0 : index
    %get3A_1680 = arith.constant 0 : index
    %get3A_1681 = vector.load %arg4[%get3A_1679, %get3A_1680] : memref<1x128xf32, #tpu.memory_space<vmem>>, vector<1x128xf32>
    %sub3A_1682 = vector.broadcast %slice3A_1678 : vector<128x1xf32> to vector<128x128xf32>
    %sub3A_1683 = vector.broadcast %get3A_1681 : vector<1x128xf32> to vector<128x128xf32>
    %sub3A_1684 = arith.subf %sub3A_1682, %sub3A_1683 : vector<128x128xf32>
    %mul3A_1685 = vector.broadcast %div3A_21 : vector<1x128xf32> to vector<128x128xf32>
    %mul3A_1686 = arith.mulf %sub3A_1684, %mul3A_1685 : vector<128x128xf32>
    %mul3A_1687 = arith.mulf %mul3A_1686, %mul3A_1686 : vector<128x128xf32>
    %mul3A_1688 = arith.constant -0.72134751 : f32
    %mul3A_1689 = vector.broadcast %mul3A_1688 : f32 to vector<128x128xf32>
    %mul3A_1690 = arith.mulf %mul3A_1687, %mul3A_1689 : vector<128x128xf32>
    %add3A_1691 = vector.broadcast %div3A_28 : vector<1x128xf32> to vector<128x128xf32>
    %add3A_1692 = arith.addf %mul3A_1690, %add3A_1691 : vector<128x128xf32>
    %exp23A_1693 = math.exp2 %add3A_1692 : vector<128x128xf32>
    %swap3A_1694 = arith.constant 11136 : index
    %swap3A_1695 = arith.constant 0 : index
    %swap3A_1696 = vector.load %arg6[%swap3A_1694, %swap3A_1695] : memref<32000x128xf32, #tpu.memory_space<vmem>>, vector<128x128xf32>
    tpu.vector_store %arg6[%swap3A_1694, %swap3A_1695], %exp23A_1693 {strides = array<i32>} : memref<32000x128xf32, #tpu.memory_space<vmem>>, vector<128x128xf32>,
    %slice3A_1697 = vector.extract_strided_slice %transpose3A {offsets = [0, 88], sizes = [128, 1], strides = [1, 1]} : vector<128x250xf32> to vector<128x1xf32>
    %get3A_1698 = arith.constant 0 : index
    %get3A_1699 = arith.constant 0 : index
    %get3A_1700 = vector.load %arg4[%get3A_1698, %get3A_1699] : memref<1x128xf32, #tpu.memory_space<vmem>>, vector<1x128xf32>
    %sub3A_1701 = vector.broadcast %slice3A_1697 : vector<128x1xf32> to vector<128x128xf32>
    %sub3A_1702 = vector.broadcast %get3A_1700 : vector<1x128xf32> to vector<128x128xf32>
    %sub3A_1703 = arith.subf %sub3A_1701, %sub3A_1702 : vector<128x128xf32>
    %mul3A_1704 = vector.broadcast %div3A_21 : vector<1x128xf32> to vector<128x128xf32>
    %mul3A_1705 = arith.mulf %sub3A_1703, %mul3A_1704 : vector<128x128xf32>
    %mul3A_1706 = arith.mulf %mul3A_1705, %mul3A_1705 : vector<128x128xf32>
    %mul3A_1707 = arith.constant -0.72134751 : f32
    %mul3A_1708 = vector.broadcast %mul3A_1707 : f32 to vector<128x128xf32>
    %mul3A_1709 = arith.mulf %mul3A_1706, %mul3A_1708 : vector<128x128xf32>
    %add3A_1710 = vector.broadcast %div3A_28 : vector<1x128xf32> to vector<128x128xf32>
    %add3A_1711 = arith.addf %mul3A_1709, %add3A_1710 : vector<128x128xf32>
    %exp23A_1712 = math.exp2 %add3A_1711 : vector<128x128xf32>
    %swap3A_1713 = arith.constant 11264 : index
    %swap3A_1714 = arith.constant 0 : index
    %swap3A_1715 = vector.load %arg6[%swap3A_1713, %swap3A_1714] : memref<32000x128xf32, #tpu.memory_space<vmem>>, vector<128x128xf32>
    tpu.vector_store %arg6[%swap3A_1713, %swap3A_1714], %exp23A_1712 {strides = array<i32>} : memref<32000x128xf32, #tpu.memory_space<vmem>>, vector<128x128xf32>,
    %slice3A_1716 = vector.extract_strided_slice %transpose3A {offsets = [0, 89], sizes = [128, 1], strides = [1, 1]} : vector<128x250xf32> to vector<128x1xf32>
    %get3A_1717 = arith.constant 0 : index
    %get3A_1718 = arith.constant 0 : index
    %get3A_1719 = vector.load %arg4[%get3A_1717, %get3A_1718] : memref<1x128xf32, #tpu.memory_space<vmem>>, vector<1x128xf32>
    %sub3A_1720 = vector.broadcast %slice3A_1716 : vector<128x1xf32> to vector<128x128xf32>
    %sub3A_1721 = vector.broadcast %get3A_1719 : vector<1x128xf32> to vector<128x128xf32>
    %sub3A_1722 = arith.subf %sub3A_1720, %sub3A_1721 : vector<128x128xf32>
    %mul3A_1723 = vector.broadcast %div3A_21 : vector<1x128xf32> to vector<128x128xf32>
    %mul3A_1724 = arith.mulf %sub3A_1722, %mul3A_1723 : vector<128x128xf32>
    %mul3A_1725 = arith.mulf %mul3A_1724, %mul3A_1724 : vector<128x128xf32>
    %mul3A_1726 = arith.constant -0.72134751 : f32
    %mul3A_1727 = vector.broadcast %mul3A_1726 : f32 to vector<128x128xf32>
    %mul3A_1728 = arith.mulf %mul3A_1725, %mul3A_1727 : vector<128x128xf32>
    %add3A_1729 = vector.broadcast %div3A_28 : vector<1x128xf32> to vector<128x128xf32>
    %add3A_1730 = arith.addf %mul3A_1728, %add3A_1729 : vector<128x128xf32>
    %exp23A_1731 = math.exp2 %add3A_1730 : vector<128x128xf32>
    %swap3A_1732 = arith.constant 11392 : index
    %swap3A_1733 = arith.constant 0 : index
    %swap3A_1734 = vector.load %arg6[%swap3A_1732, %swap3A_1733] : memref<32000x128xf32, #tpu.memory_space<vmem>>, vector<128x128xf32>
    tpu.vector_store %arg6[%swap3A_1732, %swap3A_1733], %exp23A_1731 {strides = array<i32>} : memref<32000x128xf32, #tpu.memory_space<vmem>>, vector<128x128xf32>,
    %slice3A_1735 = vector.extract_strided_slice %transpose3A {offsets = [0, 90], sizes = [128, 1], strides = [1, 1]} : vector<128x250xf32> to vector<128x1xf32>
    %get3A_1736 = arith.constant 0 : index
    %get3A_1737 = arith.constant 0 : index
    %get3A_1738 = vector.load %arg4[%get3A_1736, %get3A_1737] : memref<1x128xf32, #tpu.memory_space<vmem>>, vector<1x128xf32>
    %sub3A_1739 = vector.broadcast %slice3A_1735 : vector<128x1xf32> to vector<128x128xf32>
    %sub3A_1740 = vector.broadcast %get3A_1738 : vector<1x128xf32> to vector<128x128xf32>
    %sub3A_1741 = arith.subf %sub3A_1739, %sub3A_1740 : vector<128x128xf32>
    %mul3A_1742 = vector.broadcast %div3A_21 : vector<1x128xf32> to vector<128x128xf32>
    %mul3A_1743 = arith.mulf %sub3A_1741, %mul3A_1742 : vector<128x128xf32>
    %mul3A_1744 = arith.mulf %mul3A_1743, %mul3A_1743 : vector<128x128xf32>
    %mul3A_1745 = arith.constant -0.72134751 : f32
    %mul3A_1746 = vector.broadcast %mul3A_1745 : f32 to vector<128x128xf32>
    %mul3A_1747 = arith.mulf %mul3A_1744, %mul3A_1746 : vector<128x128xf32>
    %add3A_1748 = vector.broadcast %div3A_28 : vector<1x128xf32> to vector<128x128xf32>
    %add3A_1749 = arith.addf %mul3A_1747, %add3A_1748 : vector<128x128xf32>
    %exp23A_1750 = math.exp2 %add3A_1749 : vector<128x128xf32>
    %swap3A_1751 = arith.constant 11520 : index
    %swap3A_1752 = arith.constant 0 : index
    %swap3A_1753 = vector.load %arg6[%swap3A_1751, %swap3A_1752] : memref<32000x128xf32, #tpu.memory_space<vmem>>, vector<128x128xf32>
    tpu.vector_store %arg6[%swap3A_1751, %swap3A_1752], %exp23A_1750 {strides = array<i32>} : memref<32000x128xf32, #tpu.memory_space<vmem>>, vector<128x128xf32>,
    %slice3A_1754 = vector.extract_strided_slice %transpose3A {offsets = [0, 91], sizes = [128, 1], strides = [1, 1]} : vector<128x250xf32> to vector<128x1xf32>
    %get3A_1755 = arith.constant 0 : index
    %get3A_1756 = arith.constant 0 : index
    %get3A_1757 = vector.load %arg4[%get3A_1755, %get3A_1756] : memref<1x128xf32, #tpu.memory_space<vmem>>, vector<1x128xf32>
    %sub3A_1758 = vector.broadcast %slice3A_1754 : vector<128x1xf32> to vector<128x128xf32>
    %sub3A_1759 = vector.broadcast %get3A_1757 : vector<1x128xf32> to vector<128x128xf32>
    %sub3A_1760 = arith.subf %sub3A_1758, %sub3A_1759 : vector<128x128xf32>
    %mul3A_1761 = vector.broadcast %div3A_21 : vector<1x128xf32> to vector<128x128xf32>
    %mul3A_1762 = arith.mulf %sub3A_1760, %mul3A_1761 : vector<128x128xf32>
    %mul3A_1763 = arith.mulf %mul3A_1762, %mul3A_1762 : vector<128x128xf32>
    %mul3A_1764 = arith.constant -0.72134751 : f32
    %mul3A_1765 = vector.broadcast %mul3A_1764 : f32 to vector<128x128xf32>
    %mul3A_1766 = arith.mulf %mul3A_1763, %mul3A_1765 : vector<128x128xf32>
    %add3A_1767 = vector.broadcast %div3A_28 : vector<1x128xf32> to vector<128x128xf32>
    %add3A_1768 = arith.addf %mul3A_1766, %add3A_1767 : vector<128x128xf32>
    %exp23A_1769 = math.exp2 %add3A_1768 : vector<128x128xf32>
    %swap3A_1770 = arith.constant 11648 : index
    %swap3A_1771 = arith.constant 0 : index
    %swap3A_1772 = vector.load %arg6[%swap3A_1770, %swap3A_1771] : memref<32000x128xf32, #tpu.memory_space<vmem>>, vector<128x128xf32>
    tpu.vector_store %arg6[%swap3A_1770, %swap3A_1771], %exp23A_1769 {strides = array<i32>} : memref<32000x128xf32, #tpu.memory_space<vmem>>, vector<128x128xf32>,
    %slice3A_1773 = vector.extract_strided_slice %transpose3A {offsets = [0, 92], sizes = [128, 1], strides = [1, 1]} : vector<128x250xf32> to vector<128x1xf32>
    %get3A_1774 = arith.constant 0 : index
    %get3A_1775 = arith.constant 0 : index
    %get3A_1776 = vector.load %arg4[%get3A_1774, %get3A_1775] : memref<1x128xf32, #tpu.memory_space<vmem>>, vector<1x128xf32>
    %sub3A_1777 = vector.broadcast %slice3A_1773 : vector<128x1xf32> to vector<128x128xf32>
    %sub3A_1778 = vector.broadcast %get3A_1776 : vector<1x128xf32> to vector<128x128xf32>
    %sub3A_1779 = arith.subf %sub3A_1777, %sub3A_1778 : vector<128x128xf32>
    %mul3A_1780 = vector.broadcast %div3A_21 : vector<1x128xf32> to vector<128x128xf32>
    %mul3A_1781 = arith.mulf %sub3A_1779, %mul3A_1780 : vector<128x128xf32>
    %mul3A_1782 = arith.mulf %mul3A_1781, %mul3A_1781 : vector<128x128xf32>
    %mul3A_1783 = arith.constant -0.72134751 : f32
    %mul3A_1784 = vector.broadcast %mul3A_1783 : f32 to vector<128x128xf32>
    %mul3A_1785 = arith.mulf %mul3A_1782, %mul3A_1784 : vector<128x128xf32>
    %add3A_1786 = vector.broadcast %div3A_28 : vector<1x128xf32> to vector<128x128xf32>
    %add3A_1787 = arith.addf %mul3A_1785, %add3A_1786 : vector<128x128xf32>
    %exp23A_1788 = math.exp2 %add3A_1787 : vector<128x128xf32>
    %swap3A_1789 = arith.constant 11776 : index
    %swap3A_1790 = arith.constant 0 : index
    %swap3A_1791 = vector.load %arg6[%swap3A_1789, %swap3A_1790] : memref<32000x128xf32, #tpu.memory_space<vmem>>, vector<128x128xf32>
    tpu.vector_store %arg6[%swap3A_1789, %swap3A_1790], %exp23A_1788 {strides = array<i32>} : memref<32000x128xf32, #tpu.memory_space<vmem>>, vector<128x128xf32>,
    %slice3A_1792 = vector.extract_strided_slice %transpose3A {offsets = [0, 93], sizes = [128, 1], strides = [1, 1]} : vector<128x250xf32> to vector<128x1xf32>
    %get3A_1793 = arith.constant 0 : index
    %get3A_1794 = arith.constant 0 : index
    %get3A_1795 = vector.load %arg4[%get3A_1793, %get3A_1794] : memref<1x128xf32, #tpu.memory_space<vmem>>, vector<1x128xf32>
    %sub3A_1796 = vector.broadcast %slice3A_1792 : vector<128x1xf32> to vector<128x128xf32>
    %sub3A_1797 = vector.broadcast %get3A_1795 : vector<1x128xf32> to vector<128x128xf32>
    %sub3A_1798 = arith.subf %sub3A_1796, %sub3A_1797 : vector<128x128xf32>
    %mul3A_1799 = vector.broadcast %div3A_21 : vector<1x128xf32> to vector<128x128xf32>
    %mul3A_1800 = arith.mulf %sub3A_1798, %mul3A_1799 : vector<128x128xf32>
    %mul3A_1801 = arith.mulf %mul3A_1800, %mul3A_1800 : vector<128x128xf32>
    %mul3A_1802 = arith.constant -0.72134751 : f32
    %mul3A_1803 = vector.broadcast %mul3A_1802 : f32 to vector<128x128xf32>
    %mul3A_1804 = arith.mulf %mul3A_1801, %mul3A_1803 : vector<128x128xf32>
    %add3A_1805 = vector.broadcast %div3A_28 : vector<1x128xf32> to vector<128x128xf32>
    %add3A_1806 = arith.addf %mul3A_1804, %add3A_1805 : vector<128x128xf32>
    %exp23A_1807 = math.exp2 %add3A_1806 : vector<128x128xf32>
    %swap3A_1808 = arith.constant 11904 : index
    %swap3A_1809 = arith.constant 0 : index
    %swap3A_1810 = vector.load %arg6[%swap3A_1808, %swap3A_1809] : memref<32000x128xf32, #tpu.memory_space<vmem>>, vector<128x128xf32>
    tpu.vector_store %arg6[%swap3A_1808, %swap3A_1809], %exp23A_1807 {strides = array<i32>} : memref<32000x128xf32, #tpu.memory_space<vmem>>, vector<128x128xf32>,
    %slice3A_1811 = vector.extract_strided_slice %transpose3A {offsets = [0, 94], sizes = [128, 1], strides = [1, 1]} : vector<128x250xf32> to vector<128x1xf32>
    %get3A_1812 = arith.constant 0 : index
    %get3A_1813 = arith.constant 0 : index
    %get3A_1814 = vector.load %arg4[%get3A_1812, %get3A_1813] : memref<1x128xf32, #tpu.memory_space<vmem>>, vector<1x128xf32>
    %sub3A_1815 = vector.broadcast %slice3A_1811 : vector<128x1xf32> to vector<128x128xf32>
    %sub3A_1816 = vector.broadcast %get3A_1814 : vector<1x128xf32> to vector<128x128xf32>
    %sub3A_1817 = arith.subf %sub3A_1815, %sub3A_1816 : vector<128x128xf32>
    %mul3A_1818 = vector.broadcast %div3A_21 : vector<1x128xf32> to vector<128x128xf32>
    %mul3A_1819 = arith.mulf %sub3A_1817, %mul3A_1818 : vector<128x128xf32>
    %mul3A_1820 = arith.mulf %mul3A_1819, %mul3A_1819 : vector<128x128xf32>
    %mul3A_1821 = arith.constant -0.72134751 : f32
    %mul3A_1822 = vector.broadcast %mul3A_1821 : f32 to vector<128x128xf32>
    %mul3A_1823 = arith.mulf %mul3A_1820, %mul3A_1822 : vector<128x128xf32>
    %add3A_1824 = vector.broadcast %div3A_28 : vector<1x128xf32> to vector<128x128xf32>
    %add3A_1825 = arith.addf %mul3A_1823, %add3A_1824 : vector<128x128xf32>
    %exp23A_1826 = math.exp2 %add3A_1825 : vector<128x128xf32>
    %swap3A_1827 = arith.constant 12032 : index
    %swap3A_1828 = arith.constant 0 : index
    %swap3A_1829 = vector.load %arg6[%swap3A_1827, %swap3A_1828] : memref<32000x128xf32, #tpu.memory_space<vmem>>, vector<128x128xf32>
    tpu.vector_store %arg6[%swap3A_1827, %swap3A_1828], %exp23A_1826 {strides = array<i32>} : memref<32000x128xf32, #tpu.memory_space<vmem>>, vector<128x128xf32>,
    %slice3A_1830 = vector.extract_strided_slice %transpose3A {offsets = [0, 95], sizes = [128, 1], strides = [1, 1]} : vector<128x250xf32> to vector<128x1xf32>
    %get3A_1831 = arith.constant 0 : index
    %get3A_1832 = arith.constant 0 : index
    %get3A_1833 = vector.load %arg4[%get3A_1831, %get3A_1832] : memref<1x128xf32, #tpu.memory_space<vmem>>, vector<1x128xf32>
    %sub3A_1834 = vector.broadcast %slice3A_1830 : vector<128x1xf32> to vector<128x128xf32>
    %sub3A_1835 = vector.broadcast %get3A_1833 : vector<1x128xf32> to vector<128x128xf32>
    %sub3A_1836 = arith.subf %sub3A_1834, %sub3A_1835 : vector<128x128xf32>
    %mul3A_1837 = vector.broadcast %div3A_21 : vector<1x128xf32> to vector<128x128xf32>
    %mul3A_1838 = arith.mulf %sub3A_1836, %mul3A_1837 : vector<128x128xf32>
    %mul3A_1839 = arith.mulf %mul3A_1838, %mul3A_1838 : vector<128x128xf32>
    %mul3A_1840 = arith.constant -0.72134751 : f32
    %mul3A_1841 = vector.broadcast %mul3A_1840 : f32 to vector<128x128xf32>
    %mul3A_1842 = arith.mulf %mul3A_1839, %mul3A_1841 : vector<128x128xf32>
    %add3A_1843 = vector.broadcast %div3A_28 : vector<1x128xf32> to vector<128x128xf32>
    %add3A_1844 = arith.addf %mul3A_1842, %add3A_1843 : vector<128x128xf32>
    %exp23A_1845 = math.exp2 %add3A_1844 : vector<128x128xf32>
    %swap3A_1846 = arith.constant 12160 : index
    %swap3A_1847 = arith.constant 0 : index
    %swap3A_1848 = vector.load %arg6[%swap3A_1846, %swap3A_1847] : memref<32000x128xf32, #tpu.memory_space<vmem>>, vector<128x128xf32>
    tpu.vector_store %arg6[%swap3A_1846, %swap3A_1847], %exp23A_1845 {strides = array<i32>} : memref<32000x128xf32, #tpu.memory_space<vmem>>, vector<128x128xf32>,
    %slice3A_1849 = vector.extract_strided_slice %transpose3A {offsets = [0, 96], sizes = [128, 1], strides = [1, 1]} : vector<128x250xf32> to vector<128x1xf32>
    %get3A_1850 = arith.constant 0 : index
    %get3A_1851 = arith.constant 0 : index
    %get3A_1852 = vector.load %arg4[%get3A_1850, %get3A_1851] : memref<1x128xf32, #tpu.memory_space<vmem>>, vector<1x128xf32>
    %sub3A_1853 = vector.broadcast %slice3A_1849 : vector<128x1xf32> to vector<128x128xf32>
    %sub3A_1854 = vector.broadcast %get3A_1852 : vector<1x128xf32> to vector<128x128xf32>
    %sub3A_1855 = arith.subf %sub3A_1853, %sub3A_1854 : vector<128x128xf32>
    %mul3A_1856 = vector.broadcast %div3A_21 : vector<1x128xf32> to vector<128x128xf32>
    %mul3A_1857 = arith.mulf %sub3A_1855, %mul3A_1856 : vector<128x128xf32>
    %mul3A_1858 = arith.mulf %mul3A_1857, %mul3A_1857 : vector<128x128xf32>
    %mul3A_1859 = arith.constant -0.72134751 : f32
    %mul3A_1860 = vector.broadcast %mul3A_1859 : f32 to vector<128x128xf32>
    %mul3A_1861 = arith.mulf %mul3A_1858, %mul3A_1860 : vector<128x128xf32>
    %add3A_1862 = vector.broadcast %div3A_28 : vector<1x128xf32> to vector<128x128xf32>
    %add3A_1863 = arith.addf %mul3A_1861, %add3A_1862 : vector<128x128xf32>
    %exp23A_1864 = math.exp2 %add3A_1863 : vector<128x128xf32>
    %swap3A_1865 = arith.constant 12288 : index
    %swap3A_1866 = arith.constant 0 : index
    %swap3A_1867 = vector.load %arg6[%swap3A_1865, %swap3A_1866] : memref<32000x128xf32, #tpu.memory_space<vmem>>, vector<128x128xf32>
    tpu.vector_store %arg6[%swap3A_1865, %swap3A_1866], %exp23A_1864 {strides = array<i32>} : memref<32000x128xf32, #tpu.memory_space<vmem>>, vector<128x128xf32>,
    %slice3A_1868 = vector.extract_strided_slice %transpose3A {offsets = [0, 97], sizes = [128, 1], strides = [1, 1]} : vector<128x250xf32> to vector<128x1xf32>
    %get3A_1869 = arith.constant 0 : index
    %get3A_1870 = arith.constant 0 : index
    %get3A_1871 = vector.load %arg4[%get3A_1869, %get3A_1870] : memref<1x128xf32, #tpu.memory_space<vmem>>, vector<1x128xf32>
    %sub3A_1872 = vector.broadcast %slice3A_1868 : vector<128x1xf32> to vector<128x128xf32>
    %sub3A_1873 = vector.broadcast %get3A_1871 : vector<1x128xf32> to vector<128x128xf32>
    %sub3A_1874 = arith.subf %sub3A_1872, %sub3A_1873 : vector<128x128xf32>
    %mul3A_1875 = vector.broadcast %div3A_21 : vector<1x128xf32> to vector<128x128xf32>
    %mul3A_1876 = arith.mulf %sub3A_1874, %mul3A_1875 : vector<128x128xf32>
    %mul3A_1877 = arith.mulf %mul3A_1876, %mul3A_1876 : vector<128x128xf32>
    %mul3A_1878 = arith.constant -0.72134751 : f32
    %mul3A_1879 = vector.broadcast %mul3A_1878 : f32 to vector<128x128xf32>
    %mul3A_1880 = arith.mulf %mul3A_1877, %mul3A_1879 : vector<128x128xf32>
    %add3A_1881 = vector.broadcast %div3A_28 : vector<1x128xf32> to vector<128x128xf32>
    %add3A_1882 = arith.addf %mul3A_1880, %add3A_1881 : vector<128x128xf32>
    %exp23A_1883 = math.exp2 %add3A_1882 : vector<128x128xf32>
    %swap3A_1884 = arith.constant 12416 : index
    %swap3A_1885 = arith.constant 0 : index
    %swap3A_1886 = vector.load %arg6[%swap3A_1884, %swap3A_1885] : memref<32000x128xf32, #tpu.memory_space<vmem>>, vector<128x128xf32>
    tpu.vector_store %arg6[%swap3A_1884, %swap3A_1885], %exp23A_1883 {strides = array<i32>} : memref<32000x128xf32, #tpu.memory_space<vmem>>, vector<128x128xf32>,
    %slice3A_1887 = vector.extract_strided_slice %transpose3A {offsets = [0, 98], sizes = [128, 1], strides = [1, 1]} : vector<128x250xf32> to vector<128x1xf32>
    %get3A_1888 = arith.constant 0 : index
    %get3A_1889 = arith.constant 0 : index
    %get3A_1890 = vector.load %arg4[%get3A_1888, %get3A_1889] : memref<1x128xf32, #tpu.memory_space<vmem>>, vector<1x128xf32>
    %sub3A_1891 = vector.broadcast %slice3A_1887 : vector<128x1xf32> to vector<128x128xf32>
    %sub3A_1892 = vector.broadcast %get3A_1890 : vector<1x128xf32> to vector<128x128xf32>
    %sub3A_1893 = arith.subf %sub3A_1891, %sub3A_1892 : vector<128x128xf32>
    %mul3A_1894 = vector.broadcast %div3A_21 : vector<1x128xf32> to vector<128x128xf32>
    %mul3A_1895 = arith.mulf %sub3A_1893, %mul3A_1894 : vector<128x128xf32>
    %mul3A_1896 = arith.mulf %mul3A_1895, %mul3A_1895 : vector<128x128xf32>
    %mul3A_1897 = arith.constant -0.72134751 : f32
    %mul3A_1898 = vector.broadcast %mul3A_1897 : f32 to vector<128x128xf32>
    %mul3A_1899 = arith.mulf %mul3A_1896, %mul3A_1898 : vector<128x128xf32>
    %add3A_1900 = vector.broadcast %div3A_28 : vector<1x128xf32> to vector<128x128xf32>
    %add3A_1901 = arith.addf %mul3A_1899, %add3A_1900 : vector<128x128xf32>
    %exp23A_1902 = math.exp2 %add3A_1901 : vector<128x128xf32>
    %swap3A_1903 = arith.constant 12544 : index
    %swap3A_1904 = arith.constant 0 : index
    %swap3A_1905 = vector.load %arg6[%swap3A_1903, %swap3A_1904] : memref<32000x128xf32, #tpu.memory_space<vmem>>, vector<128x128xf32>
    tpu.vector_store %arg6[%swap3A_1903, %swap3A_1904], %exp23A_1902 {strides = array<i32>} : memref<32000x128xf32, #tpu.memory_space<vmem>>, vector<128x128xf32>,
    %slice3A_1906 = vector.extract_strided_slice %transpose3A {offsets = [0, 99], sizes = [128, 1], strides = [1, 1]} : vector<128x250xf32> to vector<128x1xf32>
    %get3A_1907 = arith.constant 0 : index
    %get3A_1908 = arith.constant 0 : index
    %get3A_1909 = vector.load %arg4[%get3A_1907, %get3A_1908] : memref<1x128xf32, #tpu.memory_space<vmem>>, vector<1x128xf32>
    %sub3A_1910 = vector.broadcast %slice3A_1906 : vector<128x1xf32> to vector<128x128xf32>
    %sub3A_1911 = vector.broadcast %get3A_1909 : vector<1x128xf32> to vector<128x128xf32>
    %sub3A_1912 = arith.subf %sub3A_1910, %sub3A_1911 : vector<128x128xf32>
    %mul3A_1913 = vector.broadcast %div3A_21 : vector<1x128xf32> to vector<128x128xf32>
    %mul3A_1914 = arith.mulf %sub3A_1912, %mul3A_1913 : vector<128x128xf32>
    %mul3A_1915 = arith.mulf %mul3A_1914, %mul3A_1914 : vector<128x128xf32>
    %mul3A_1916 = arith.constant -0.72134751 : f32
    %mul3A_1917 = vector.broadcast %mul3A_1916 : f32 to vector<128x128xf32>
    %mul3A_1918 = arith.mulf %mul3A_1915, %mul3A_1917 : vector<128x128xf32>
    %add3A_1919 = vector.broadcast %div3A_28 : vector<1x128xf32> to vector<128x128xf32>
    %add3A_1920 = arith.addf %mul3A_1918, %add3A_1919 : vector<128x128xf32>
    %exp23A_1921 = math.exp2 %add3A_1920 : vector<128x128xf32>
    %swap3A_1922 = arith.constant 12672 : index
    %swap3A_1923 = arith.constant 0 : index
    %swap3A_1924 = vector.load %arg6[%swap3A_1922, %swap3A_1923] : memref<32000x128xf32, #tpu.memory_space<vmem>>, vector<128x128xf32>
    tpu.vector_store %arg6[%swap3A_1922, %swap3A_1923], %exp23A_1921 {strides = array<i32>} : memref<32000x128xf32, #tpu.memory_space<vmem>>, vector<128x128xf32>,
    %slice3A_1925 = vector.extract_strided_slice %transpose3A {offsets = [0, 100], sizes = [128, 1], strides = [1, 1]} : vector<128x250xf32> to vector<128x1xf32>
    %get3A_1926 = arith.constant 0 : index
    %get3A_1927 = arith.constant 0 : index
    %get3A_1928 = vector.load %arg4[%get3A_1926, %get3A_1927] : memref<1x128xf32, #tpu.memory_space<vmem>>, vector<1x128xf32>
    %sub3A_1929 = vector.broadcast %slice3A_1925 : vector<128x1xf32> to vector<128x128xf32>
    %sub3A_1930 = vector.broadcast %get3A_1928 : vector<1x128xf32> to vector<128x128xf32>
    %sub3A_1931 = arith.subf %sub3A_1929, %sub3A_1930 : vector<128x128xf32>
    %mul3A_1932 = vector.broadcast %div3A_21 : vector<1x128xf32> to vector<128x128xf32>
    %mul3A_1933 = arith.mulf %sub3A_1931, %mul3A_1932 : vector<128x128xf32>
    %mul3A_1934 = arith.mulf %mul3A_1933, %mul3A_1933 : vector<128x128xf32>
    %mul3A_1935 = arith.constant -0.72134751 : f32
    %mul3A_1936 = vector.broadcast %mul3A_1935 : f32 to vector<128x128xf32>
    %mul3A_1937 = arith.mulf %mul3A_1934, %mul3A_1936 : vector<128x128xf32>
    %add3A_1938 = vector.broadcast %div3A_28 : vector<1x128xf32> to vector<128x128xf32>
    %add3A_1939 = arith.addf %mul3A_1937, %add3A_1938 : vector<128x128xf32>
    %exp23A_1940 = math.exp2 %add3A_1939 : vector<128x128xf32>
    %swap3A_1941 = arith.constant 12800 : index
    %swap3A_1942 = arith.constant 0 : index
    %swap3A_1943 = vector.load %arg6[%swap3A_1941, %swap3A_1942] : memref<32000x128xf32, #tpu.memory_space<vmem>>, vector<128x128xf32>
    tpu.vector_store %arg6[%swap3A_1941, %swap3A_1942], %exp23A_1940 {strides = array<i32>} : memref<32000x128xf32, #tpu.memory_space<vmem>>, vector<128x128xf32>,
    %slice3A_1944 = vector.extract_strided_slice %transpose3A {offsets = [0, 101], sizes = [128, 1], strides = [1, 1]} : vector<128x250xf32> to vector<128x1xf32>
    %get3A_1945 = arith.constant 0 : index
    %get3A_1946 = arith.constant 0 : index
    %get3A_1947 = vector.load %arg4[%get3A_1945, %get3A_1946] : memref<1x128xf32, #tpu.memory_space<vmem>>, vector<1x128xf32>
    %sub3A_1948 = vector.broadcast %slice3A_1944 : vector<128x1xf32> to vector<128x128xf32>
    %sub3A_1949 = vector.broadcast %get3A_1947 : vector<1x128xf32> to vector<128x128xf32>
    %sub3A_1950 = arith.subf %sub3A_1948, %sub3A_1949 : vector<128x128xf32>
    %mul3A_1951 = vector.broadcast %div3A_21 : vector<1x128xf32> to vector<128x128xf32>
    %mul3A_1952 = arith.mulf %sub3A_1950, %mul3A_1951 : vector<128x128xf32>
    %mul3A_1953 = arith.mulf %mul3A_1952, %mul3A_1952 : vector<128x128xf32>
    %mul3A_1954 = arith.constant -0.72134751 : f32
    %mul3A_1955 = vector.broadcast %mul3A_1954 : f32 to vector<128x128xf32>
    %mul3A_1956 = arith.mulf %mul3A_1953, %mul3A_1955 : vector<128x128xf32>
    %add3A_1957 = vector.broadcast %div3A_28 : vector<1x128xf32> to vector<128x128xf32>
    %add3A_1958 = arith.addf %mul3A_1956, %add3A_1957 : vector<128x128xf32>
    %exp23A_1959 = math.exp2 %add3A_1958 : vector<128x128xf32>
    %swap3A_1960 = arith.constant 12928 : index
    %swap3A_1961 = arith.constant 0 : index
    %swap3A_1962 = vector.load %arg6[%swap3A_1960, %swap3A_1961] : memref<32000x128xf32, #tpu.memory_space<vmem>>, vector<128x128xf32>
    tpu.vector_store %arg6[%swap3A_1960, %swap3A_1961], %exp23A_1959 {strides = array<i32>} : memref<32000x128xf32, #tpu.memory_space<vmem>>, vector<128x128xf32>,
    %slice3A_1963 = vector.extract_strided_slice %transpose3A {offsets = [0, 102], sizes = [128, 1], strides = [1, 1]} : vector<128x250xf32> to vector<128x1xf32>
    %get3A_1964 = arith.constant 0 : index
    %get3A_1965 = arith.constant 0 : index
    %get3A_1966 = vector.load %arg4[%get3A_1964, %get3A_1965] : memref<1x128xf32, #tpu.memory_space<vmem>>, vector<1x128xf32>
    %sub3A_1967 = vector.broadcast %slice3A_1963 : vector<128x1xf32> to vector<128x128xf32>
    %sub3A_1968 = vector.broadcast %get3A_1966 : vector<1x128xf32> to vector<128x128xf32>
    %sub3A_1969 = arith.subf %sub3A_1967, %sub3A_1968 : vector<128x128xf32>
    %mul3A_1970 = vector.broadcast %div3A_21 : vector<1x128xf32> to vector<128x128xf32>
    %mul3A_1971 = arith.mulf %sub3A_1969, %mul3A_1970 : vector<128x128xf32>
    %mul3A_1972 = arith.mulf %mul3A_1971, %mul3A_1971 : vector<128x128xf32>
    %mul3A_1973 = arith.constant -0.72134751 : f32
    %mul3A_1974 = vector.broadcast %mul3A_1973 : f32 to vector<128x128xf32>
    %mul3A_1975 = arith.mulf %mul3A_1972, %mul3A_1974 : vector<128x128xf32>
    %add3A_1976 = vector.broadcast %div3A_28 : vector<1x128xf32> to vector<128x128xf32>
    %add3A_1977 = arith.addf %mul3A_1975, %add3A_1976 : vector<128x128xf32>
    %exp23A_1978 = math.exp2 %add3A_1977 : vector<128x128xf32>
    %swap3A_1979 = arith.constant 13056 : index
    %swap3A_1980 = arith.constant 0 : index
    %swap3A_1981 = vector.load %arg6[%swap3A_1979, %swap3A_1980] : memref<32000x128xf32, #tpu.memory_space<vmem>>, vector<128x128xf32>
    tpu.vector_store %arg6[%swap3A_1979, %swap3A_1980], %exp23A_1978 {strides = array<i32>} : memref<32000x128xf32, #tpu.memory_space<vmem>>, vector<128x128xf32>,
    %slice3A_1982 = vector.extract_strided_slice %transpose3A {offsets = [0, 103], sizes = [128, 1], strides = [1, 1]} : vector<128x250xf32> to vector<128x1xf32>
    %get3A_1983 = arith.constant 0 : index
    %get3A_1984 = arith.constant 0 : index
    %get3A_1985 = vector.load %arg4[%get3A_1983, %get3A_1984] : memref<1x128xf32, #tpu.memory_space<vmem>>, vector<1x128xf32>
    %sub3A_1986 = vector.broadcast %slice3A_1982 : vector<128x1xf32> to vector<128x128xf32>
    %sub3A_1987 = vector.broadcast %get3A_1985 : vector<1x128xf32> to vector<128x128xf32>
    %sub3A_1988 = arith.subf %sub3A_1986, %sub3A_1987 : vector<128x128xf32>
    %mul3A_1989 = vector.broadcast %div3A_21 : vector<1x128xf32> to vector<128x128xf32>
    %mul3A_1990 = arith.mulf %sub3A_1988, %mul3A_1989 : vector<128x128xf32>
    %mul3A_1991 = arith.mulf %mul3A_1990, %mul3A_1990 : vector<128x128xf32>
    %mul3A_1992 = arith.constant -0.72134751 : f32
    %mul3A_1993 = vector.broadcast %mul3A_1992 : f32 to vector<128x128xf32>
    %mul3A_1994 = arith.mulf %mul3A_1991, %mul3A_1993 : vector<128x128xf32>
    %add3A_1995 = vector.broadcast %div3A_28 : vector<1x128xf32> to vector<128x128xf32>
    %add3A_1996 = arith.addf %mul3A_1994, %add3A_1995 : vector<128x128xf32>
    %exp23A_1997 = math.exp2 %add3A_1996 : vector<128x128xf32>
    %swap3A_1998 = arith.constant 13184 : index
    %swap3A_1999 = arith.constant 0 : index
    %swap3A_2000 = vector.load %arg6[%swap3A_1998, %swap3A_1999] : memref<32000x128xf32, #tpu.memory_space<vmem>>, vector<128x128xf32>
    tpu.vector_store %arg6[%swap3A_1998, %swap3A_1999], %exp23A_1997 {strides = array<i32>} : memref<32000x128xf32, #tpu.memory_space<vmem>>, vector<128x128xf32>,
    %slice3A_2001 = vector.extract_strided_slice %transpose3A {offsets = [0, 104], sizes = [128, 1], strides = [1, 1]} : vector<128x250xf32> to vector<128x1xf32>
    %get3A_2002 = arith.constant 0 : index
    %get3A_2003 = arith.constant 0 : index
    %get3A_2004 = vector.load %arg4[%get3A_2002, %get3A_2003] : memref<1x128xf32, #tpu.memory_space<vmem>>, vector<1x128xf32>
    %sub3A_2005 = vector.broadcast %slice3A_2001 : vector<128x1xf32> to vector<128x128xf32>
    %sub3A_2006 = vector.broadcast %get3A_2004 : vector<1x128xf32> to vector<128x128xf32>
    %sub3A_2007 = arith.subf %sub3A_2005, %sub3A_2006 : vector<128x128xf32>
    %mul3A_2008 = vector.broadcast %div3A_21 : vector<1x128xf32> to vector<128x128xf32>
    %mul3A_2009 = arith.mulf %sub3A_2007, %mul3A_2008 : vector<128x128xf32>
    %mul3A_2010 = arith.mulf %mul3A_2009, %mul3A_2009 : vector<128x128xf32>
    %mul3A_2011 = arith.constant -0.72134751 : f32
    %mul3A_2012 = vector.broadcast %mul3A_2011 : f32 to vector<128x128xf32>
    %mul3A_2013 = arith.mulf %mul3A_2010, %mul3A_2012 : vector<128x128xf32>
    %add3A_2014 = vector.broadcast %div3A_28 : vector<1x128xf32> to vector<128x128xf32>
    %add3A_2015 = arith.addf %mul3A_2013, %add3A_2014 : vector<128x128xf32>
    %exp23A_2016 = math.exp2 %add3A_2015 : vector<128x128xf32>
    %swap3A_2017 = arith.constant 13312 : index
    %swap3A_2018 = arith.constant 0 : index
    %swap3A_2019 = vector.load %arg6[%swap3A_2017, %swap3A_2018] : memref<32000x128xf32, #tpu.memory_space<vmem>>, vector<128x128xf32>
    tpu.vector_store %arg6[%swap3A_2017, %swap3A_2018], %exp23A_2016 {strides = array<i32>} : memref<32000x128xf32, #tpu.memory_space<vmem>>, vector<128x128xf32>,
    %slice3A_2020 = vector.extract_strided_slice %transpose3A {offsets = [0, 105], sizes = [128, 1], strides = [1, 1]} : vector<128x250xf32> to vector<128x1xf32>
    %get3A_2021 = arith.constant 0 : index
    %get3A_2022 = arith.constant 0 : index
    %get3A_2023 = vector.load %arg4[%get3A_2021, %get3A_2022] : memref<1x128xf32, #tpu.memory_space<vmem>>, vector<1x128xf32>
    %sub3A_2024 = vector.broadcast %slice3A_2020 : vector<128x1xf32> to vector<128x128xf32>
    %sub3A_2025 = vector.broadcast %get3A_2023 : vector<1x128xf32> to vector<128x128xf32>
    %sub3A_2026 = arith.subf %sub3A_2024, %sub3A_2025 : vector<128x128xf32>
    %mul3A_2027 = vector.broadcast %div3A_21 : vector<1x128xf32> to vector<128x128xf32>
    %mul3A_2028 = arith.mulf %sub3A_2026, %mul3A_2027 : vector<128x128xf32>
    %mul3A_2029 = arith.mulf %mul3A_2028, %mul3A_2028 : vector<128x128xf32>
    %mul3A_2030 = arith.constant -0.72134751 : f32
    %mul3A_2031 = vector.broadcast %mul3A_2030 : f32 to vector<128x128xf32>
    %mul3A_2032 = arith.mulf %mul3A_2029, %mul3A_2031 : vector<128x128xf32>
    %add3A_2033 = vector.broadcast %div3A_28 : vector<1x128xf32> to vector<128x128xf32>
    %add3A_2034 = arith.addf %mul3A_2032, %add3A_2033 : vector<128x128xf32>
    %exp23A_2035 = math.exp2 %add3A_2034 : vector<128x128xf32>
    %swap3A_2036 = arith.constant 13440 : index
    %swap3A_2037 = arith.constant 0 : index
    %swap3A_2038 = vector.load %arg6[%swap3A_2036, %swap3A_2037] : memref<32000x128xf32, #tpu.memory_space<vmem>>, vector<128x128xf32>
    tpu.vector_store %arg6[%swap3A_2036, %swap3A_2037], %exp23A_2035 {strides = array<i32>} : memref<32000x128xf32, #tpu.memory_space<vmem>>, vector<128x128xf32>,
    %slice3A_2039 = vector.extract_strided_slice %transpose3A {offsets = [0, 106], sizes = [128, 1], strides = [1, 1]} : vector<128x250xf32> to vector<128x1xf32>
    %get3A_2040 = arith.constant 0 : index
    %get3A_2041 = arith.constant 0 : index
    %get3A_2042 = vector.load %arg4[%get3A_2040, %get3A_2041] : memref<1x128xf32, #tpu.memory_space<vmem>>, vector<1x128xf32>
    %sub3A_2043 = vector.broadcast %slice3A_2039 : vector<128x1xf32> to vector<128x128xf32>
    %sub3A_2044 = vector.broadcast %get3A_2042 : vector<1x128xf32> to vector<128x128xf32>
    %sub3A_2045 = arith.subf %sub3A_2043, %sub3A_2044 : vector<128x128xf32>
    %mul3A_2046 = vector.broadcast %div3A_21 : vector<1x128xf32> to vector<128x128xf32>
    %mul3A_2047 = arith.mulf %sub3A_2045, %mul3A_2046 : vector<128x128xf32>
    %mul3A_2048 = arith.mulf %mul3A_2047, %mul3A_2047 : vector<128x128xf32>
    %mul3A_2049 = arith.constant -0.72134751 : f32
    %mul3A_2050 = vector.broadcast %mul3A_2049 : f32 to vector<128x128xf32>
    %mul3A_2051 = arith.mulf %mul3A_2048, %mul3A_2050 : vector<128x128xf32>
    %add3A_2052 = vector.broadcast %div3A_28 : vector<1x128xf32> to vector<128x128xf32>
    %add3A_2053 = arith.addf %mul3A_2051, %add3A_2052 : vector<128x128xf32>
    %exp23A_2054 = math.exp2 %add3A_2053 : vector<128x128xf32>
    %swap3A_2055 = arith.constant 13568 : index
    %swap3A_2056 = arith.constant 0 : index
    %swap3A_2057 = vector.load %arg6[%swap3A_2055, %swap3A_2056] : memref<32000x128xf32, #tpu.memory_space<vmem>>, vector<128x128xf32>
    tpu.vector_store %arg6[%swap3A_2055, %swap3A_2056], %exp23A_2054 {strides = array<i32>} : memref<32000x128xf32, #tpu.memory_space<vmem>>, vector<128x128xf32>,
    %slice3A_2058 = vector.extract_strided_slice %transpose3A {offsets = [0, 107], sizes = [128, 1], strides = [1, 1]} : vector<128x250xf32> to vector<128x1xf32>
    %get3A_2059 = arith.constant 0 : index
    %get3A_2060 = arith.constant 0 : index
    %get3A_2061 = vector.load %arg4[%get3A_2059, %get3A_2060] : memref<1x128xf32, #tpu.memory_space<vmem>>, vector<1x128xf32>
    %sub3A_2062 = vector.broadcast %slice3A_2058 : vector<128x1xf32> to vector<128x128xf32>
    %sub3A_2063 = vector.broadcast %get3A_2061 : vector<1x128xf32> to vector<128x128xf32>
    %sub3A_2064 = arith.subf %sub3A_2062, %sub3A_2063 : vector<128x128xf32>
    %mul3A_2065 = vector.broadcast %div3A_21 : vector<1x128xf32> to vector<128x128xf32>
    %mul3A_2066 = arith.mulf %sub3A_2064, %mul3A_2065 : vector<128x128xf32>
    %mul3A_2067 = arith.mulf %mul3A_2066, %mul3A_2066 : vector<128x128xf32>
    %mul3A_2068 = arith.constant -0.72134751 : f32
    %mul3A_2069 = vector.broadcast %mul3A_2068 : f32 to vector<128x128xf32>
    %mul3A_2070 = arith.mulf %mul3A_2067, %mul3A_2069 : vector<128x128xf32>
    %add3A_2071 = vector.broadcast %div3A_28 : vector<1x128xf32> to vector<128x128xf32>
    %add3A_2072 = arith.addf %mul3A_2070, %add3A_2071 : vector<128x128xf32>
    %exp23A_2073 = math.exp2 %add3A_2072 : vector<128x128xf32>
    %swap3A_2074 = arith.constant 13696 : index
    %swap3A_2075 = arith.constant 0 : index
    %swap3A_2076 = vector.load %arg6[%swap3A_2074, %swap3A_2075] : memref<32000x128xf32, #tpu.memory_space<vmem>>, vector<128x128xf32>
    tpu.vector_store %arg6[%swap3A_2074, %swap3A_2075], %exp23A_2073 {strides = array<i32>} : memref<32000x128xf32, #tpu.memory_space<vmem>>, vector<128x128xf32>,
    %slice3A_2077 = vector.extract_strided_slice %transpose3A {offsets = [0, 108], sizes = [128, 1], strides = [1, 1]} : vector<128x250xf32> to vector<128x1xf32>
    %get3A_2078 = arith.constant 0 : index
    %get3A_2079 = arith.constant 0 : index
    %get3A_2080 = vector.load %arg4[%get3A_2078, %get3A_2079] : memref<1x128xf32, #tpu.memory_space<vmem>>, vector<1x128xf32>
    %sub3A_2081 = vector.broadcast %slice3A_2077 : vector<128x1xf32> to vector<128x128xf32>
    %sub3A_2082 = vector.broadcast %get3A_2080 : vector<1x128xf32> to vector<128x128xf32>
    %sub3A_2083 = arith.subf %sub3A_2081, %sub3A_2082 : vector<128x128xf32>
    %mul3A_2084 = vector.broadcast %div3A_21 : vector<1x128xf32> to vector<128x128xf32>
    %mul3A_2085 = arith.mulf %sub3A_2083, %mul3A_2084 : vector<128x128xf32>
    %mul3A_2086 = arith.mulf %mul3A_2085, %mul3A_2085 : vector<128x128xf32>
    %mul3A_2087 = arith.constant -0.72134751 : f32
    %mul3A_2088 = vector.broadcast %mul3A_2087 : f32 to vector<128x128xf32>
    %mul3A_2089 = arith.mulf %mul3A_2086, %mul3A_2088 : vector<128x128xf32>
    %add3A_2090 = vector.broadcast %div3A_28 : vector<1x128xf32> to vector<128x128xf32>
    %add3A_2091 = arith.addf %mul3A_2089, %add3A_2090 : vector<128x128xf32>
    %exp23A_2092 = math.exp2 %add3A_2091 : vector<128x128xf32>
    %swap3A_2093 = arith.constant 13824 : index
    %swap3A_2094 = arith.constant 0 : index
    %swap3A_2095 = vector.load %arg6[%swap3A_2093, %swap3A_2094] : memref<32000x128xf32, #tpu.memory_space<vmem>>, vector<128x128xf32>
    tpu.vector_store %arg6[%swap3A_2093, %swap3A_2094], %exp23A_2092 {strides = array<i32>} : memref<32000x128xf32, #tpu.memory_space<vmem>>, vector<128x128xf32>,
    %slice3A_2096 = vector.extract_strided_slice %transpose3A {offsets = [0, 109], sizes = [128, 1], strides = [1, 1]} : vector<128x250xf32> to vector<128x1xf32>
    %get3A_2097 = arith.constant 0 : index
    %get3A_2098 = arith.constant 0 : index
    %get3A_2099 = vector.load %arg4[%get3A_2097, %get3A_2098] : memref<1x128xf32, #tpu.memory_space<vmem>>, vector<1x128xf32>
    %sub3A_2100 = vector.broadcast %slice3A_2096 : vector<128x1xf32> to vector<128x128xf32>
    %sub3A_2101 = vector.broadcast %get3A_2099 : vector<1x128xf32> to vector<128x128xf32>
    %sub3A_2102 = arith.subf %sub3A_2100, %sub3A_2101 : vector<128x128xf32>
    %mul3A_2103 = vector.broadcast %div3A_21 : vector<1x128xf32> to vector<128x128xf32>
    %mul3A_2104 = arith.mulf %sub3A_2102, %mul3A_2103 : vector<128x128xf32>
    %mul3A_2105 = arith.mulf %mul3A_2104, %mul3A_2104 : vector<128x128xf32>
    %mul3A_2106 = arith.constant -0.72134751 : f32
    %mul3A_2107 = vector.broadcast %mul3A_2106 : f32 to vector<128x128xf32>
    %mul3A_2108 = arith.mulf %mul3A_2105, %mul3A_2107 : vector<128x128xf32>
    %add3A_2109 = vector.broadcast %div3A_28 : vector<1x128xf32> to vector<128x128xf32>
    %add3A_2110 = arith.addf %mul3A_2108, %add3A_2109 : vector<128x128xf32>
    %exp23A_2111 = math.exp2 %add3A_2110 : vector<128x128xf32>
    %swap3A_2112 = arith.constant 13952 : index
    %swap3A_2113 = arith.constant 0 : index
    %swap3A_2114 = vector.load %arg6[%swap3A_2112, %swap3A_2113] : memref<32000x128xf32, #tpu.memory_space<vmem>>, vector<128x128xf32>
    tpu.vector_store %arg6[%swap3A_2112, %swap3A_2113], %exp23A_2111 {strides = array<i32>} : memref<32000x128xf32, #tpu.memory_space<vmem>>, vector<128x128xf32>,
    %slice3A_2115 = vector.extract_strided_slice %transpose3A {offsets = [0, 110], sizes = [128, 1], strides = [1, 1]} : vector<128x250xf32> to vector<128x1xf32>
    %get3A_2116 = arith.constant 0 : index
    %get3A_2117 = arith.constant 0 : index
    %get3A_2118 = vector.load %arg4[%get3A_2116, %get3A_2117] : memref<1x128xf32, #tpu.memory_space<vmem>>, vector<1x128xf32>
    %sub3A_2119 = vector.broadcast %slice3A_2115 : vector<128x1xf32> to vector<128x128xf32>
    %sub3A_2120 = vector.broadcast %get3A_2118 : vector<1x128xf32> to vector<128x128xf32>
    %sub3A_2121 = arith.subf %sub3A_2119, %sub3A_2120 : vector<128x128xf32>
    %mul3A_2122 = vector.broadcast %div3A_21 : vector<1x128xf32> to vector<128x128xf32>
    %mul3A_2123 = arith.mulf %sub3A_2121, %mul3A_2122 : vector<128x128xf32>
    %mul3A_2124 = arith.mulf %mul3A_2123, %mul3A_2123 : vector<128x128xf32>
    %mul3A_2125 = arith.constant -0.72134751 : f32
    %mul3A_2126 = vector.broadcast %mul3A_2125 : f32 to vector<128x128xf32>
    %mul3A_2127 = arith.mulf %mul3A_2124, %mul3A_2126 : vector<128x128xf32>
    %add3A_2128 = vector.broadcast %div3A_28 : vector<1x128xf32> to vector<128x128xf32>
    %add3A_2129 = arith.addf %mul3A_2127, %add3A_2128 : vector<128x128xf32>
    %exp23A_2130 = math.exp2 %add3A_2129 : vector<128x128xf32>
    %swap3A_2131 = arith.constant 14080 : index
    %swap3A_2132 = arith.constant 0 : index
    %swap3A_2133 = vector.load %arg6[%swap3A_2131, %swap3A_2132] : memref<32000x128xf32, #tpu.memory_space<vmem>>, vector<128x128xf32>
    tpu.vector_store %arg6[%swap3A_2131, %swap3A_2132], %exp23A_2130 {strides = array<i32>} : memref<32000x128xf32, #tpu.memory_space<vmem>>, vector<128x128xf32>,
    %slice3A_2134 = vector.extract_strided_slice %transpose3A {offsets = [0, 111], sizes = [128, 1], strides = [1, 1]} : vector<128x250xf32> to vector<128x1xf32>
    %get3A_2135 = arith.constant 0 : index
    %get3A_2136 = arith.constant 0 : index
    %get3A_2137 = vector.load %arg4[%get3A_2135, %get3A_2136] : memref<1x128xf32, #tpu.memory_space<vmem>>, vector<1x128xf32>
    %sub3A_2138 = vector.broadcast %slice3A_2134 : vector<128x1xf32> to vector<128x128xf32>
    %sub3A_2139 = vector.broadcast %get3A_2137 : vector<1x128xf32> to vector<128x128xf32>
    %sub3A_2140 = arith.subf %sub3A_2138, %sub3A_2139 : vector<128x128xf32>
    %mul3A_2141 = vector.broadcast %div3A_21 : vector<1x128xf32> to vector<128x128xf32>
    %mul3A_2142 = arith.mulf %sub3A_2140, %mul3A_2141 : vector<128x128xf32>
    %mul3A_2143 = arith.mulf %mul3A_2142, %mul3A_2142 : vector<128x128xf32>
    %mul3A_2144 = arith.constant -0.72134751 : f32
    %mul3A_2145 = vector.broadcast %mul3A_2144 : f32 to vector<128x128xf32>
    %mul3A_2146 = arith.mulf %mul3A_2143, %mul3A_2145 : vector<128x128xf32>
    %add3A_2147 = vector.broadcast %div3A_28 : vector<1x128xf32> to vector<128x128xf32>
    %add3A_2148 = arith.addf %mul3A_2146, %add3A_2147 : vector<128x128xf32>
    %exp23A_2149 = math.exp2 %add3A_2148 : vector<128x128xf32>
    %swap3A_2150 = arith.constant 14208 : index
    %swap3A_2151 = arith.constant 0 : index
    %swap3A_2152 = vector.load %arg6[%swap3A_2150, %swap3A_2151] : memref<32000x128xf32, #tpu.memory_space<vmem>>, vector<128x128xf32>
    tpu.vector_store %arg6[%swap3A_2150, %swap3A_2151], %exp23A_2149 {strides = array<i32>} : memref<32000x128xf32, #tpu.memory_space<vmem>>, vector<128x128xf32>,
    %slice3A_2153 = vector.extract_strided_slice %transpose3A {offsets = [0, 112], sizes = [128, 1], strides = [1, 1]} : vector<128x250xf32> to vector<128x1xf32>
    %get3A_2154 = arith.constant 0 : index
    %get3A_2155 = arith.constant 0 : index
    %get3A_2156 = vector.load %arg4[%get3A_2154, %get3A_2155] : memref<1x128xf32, #tpu.memory_space<vmem>>, vector<1x128xf32>
    %sub3A_2157 = vector.broadcast %slice3A_2153 : vector<128x1xf32> to vector<128x128xf32>
    %sub3A_2158 = vector.broadcast %get3A_2156 : vector<1x128xf32> to vector<128x128xf32>
    %sub3A_2159 = arith.subf %sub3A_2157, %sub3A_2158 : vector<128x128xf32>
    %mul3A_2160 = vector.broadcast %div3A_21 : vector<1x128xf32> to vector<128x128xf32>
    %mul3A_2161 = arith.mulf %sub3A_2159, %mul3A_2160 : vector<128x128xf32>
    %mul3A_2162 = arith.mulf %mul3A_2161, %mul3A_2161 : vector<128x128xf32>
    %mul3A_2163 = arith.constant -0.72134751 : f32
    %mul3A_2164 = vector.broadcast %mul3A_2163 : f32 to vector<128x128xf32>
    %mul3A_2165 = arith.mulf %mul3A_2162, %mul3A_2164 : vector<128x128xf32>
    %add3A_2166 = vector.broadcast %div3A_28 : vector<1x128xf32> to vector<128x128xf32>
    %add3A_2167 = arith.addf %mul3A_2165, %add3A_2166 : vector<128x128xf32>
    %exp23A_2168 = math.exp2 %add3A_2167 : vector<128x128xf32>
    %swap3A_2169 = arith.constant 14336 : index
    %swap3A_2170 = arith.constant 0 : index
    %swap3A_2171 = vector.load %arg6[%swap3A_2169, %swap3A_2170] : memref<32000x128xf32, #tpu.memory_space<vmem>>, vector<128x128xf32>
    tpu.vector_store %arg6[%swap3A_2169, %swap3A_2170], %exp23A_2168 {strides = array<i32>} : memref<32000x128xf32, #tpu.memory_space<vmem>>, vector<128x128xf32>,
    %slice3A_2172 = vector.extract_strided_slice %transpose3A {offsets = [0, 113], sizes = [128, 1], strides = [1, 1]} : vector<128x250xf32> to vector<128x1xf32>
    %get3A_2173 = arith.constant 0 : index
    %get3A_2174 = arith.constant 0 : index
    %get3A_2175 = vector.load %arg4[%get3A_2173, %get3A_2174] : memref<1x128xf32, #tpu.memory_space<vmem>>, vector<1x128xf32>
    %sub3A_2176 = vector.broadcast %slice3A_2172 : vector<128x1xf32> to vector<128x128xf32>
    %sub3A_2177 = vector.broadcast %get3A_2175 : vector<1x128xf32> to vector<128x128xf32>
    %sub3A_2178 = arith.subf %sub3A_2176, %sub3A_2177 : vector<128x128xf32>
    %mul3A_2179 = vector.broadcast %div3A_21 : vector<1x128xf32> to vector<128x128xf32>
    %mul3A_2180 = arith.mulf %sub3A_2178, %mul3A_2179 : vector<128x128xf32>
    %mul3A_2181 = arith.mulf %mul3A_2180, %mul3A_2180 : vector<128x128xf32>
    %mul3A_2182 = arith.constant -0.72134751 : f32
    %mul3A_2183 = vector.broadcast %mul3A_2182 : f32 to vector<128x128xf32>
    %mul3A_2184 = arith.mulf %mul3A_2181, %mul3A_2183 : vector<128x128xf32>
    %add3A_2185 = vector.broadcast %div3A_28 : vector<1x128xf32> to vector<128x128xf32>
    %add3A_2186 = arith.addf %mul3A_2184, %add3A_2185 : vector<128x128xf32>
    %exp23A_2187 = math.exp2 %add3A_2186 : vector<128x128xf32>
    %swap3A_2188 = arith.constant 14464 : index
    %swap3A_2189 = arith.constant 0 : index
    %swap3A_2190 = vector.load %arg6[%swap3A_2188, %swap3A_2189] : memref<32000x128xf32, #tpu.memory_space<vmem>>, vector<128x128xf32>
    tpu.vector_store %arg6[%swap3A_2188, %swap3A_2189], %exp23A_2187 {strides = array<i32>} : memref<32000x128xf32, #tpu.memory_space<vmem>>, vector<128x128xf32>,
    %slice3A_2191 = vector.extract_strided_slice %transpose3A {offsets = [0, 114], sizes = [128, 1], strides = [1, 1]} : vector<128x250xf32> to vector<128x1xf32>
    %get3A_2192 = arith.constant 0 : index
    %get3A_2193 = arith.constant 0 : index
    %get3A_2194 = vector.load %arg4[%get3A_2192, %get3A_2193] : memref<1x128xf32, #tpu.memory_space<vmem>>, vector<1x128xf32>
    %sub3A_2195 = vector.broadcast %slice3A_2191 : vector<128x1xf32> to vector<128x128xf32>
    %sub3A_2196 = vector.broadcast %get3A_2194 : vector<1x128xf32> to vector<128x128xf32>
    %sub3A_2197 = arith.subf %sub3A_2195, %sub3A_2196 : vector<128x128xf32>
    %mul3A_2198 = vector.broadcast %div3A_21 : vector<1x128xf32> to vector<128x128xf32>
    %mul3A_2199 = arith.mulf %sub3A_2197, %mul3A_2198 : vector<128x128xf32>
    %mul3A_2200 = arith.mulf %mul3A_2199, %mul3A_2199 : vector<128x128xf32>
    %mul3A_2201 = arith.constant -0.72134751 : f32
    %mul3A_2202 = vector.broadcast %mul3A_2201 : f32 to vector<128x128xf32>
    %mul3A_2203 = arith.mulf %mul3A_2200, %mul3A_2202 : vector<128x128xf32>
    %add3A_2204 = vector.broadcast %div3A_28 : vector<1x128xf32> to vector<128x128xf32>
    %add3A_2205 = arith.addf %mul3A_2203, %add3A_2204 : vector<128x128xf32>
    %exp23A_2206 = math.exp2 %add3A_2205 : vector<128x128xf32>
    %swap3A_2207 = arith.constant 14592 : index
    %swap3A_2208 = arith.constant 0 : index
    %swap3A_2209 = vector.load %arg6[%swap3A_2207, %swap3A_2208] : memref<32000x128xf32, #tpu.memory_space<vmem>>, vector<128x128xf32>
    tpu.vector_store %arg6[%swap3A_2207, %swap3A_2208], %exp23A_2206 {strides = array<i32>} : memref<32000x128xf32, #tpu.memory_space<vmem>>, vector<128x128xf32>,
    %slice3A_2210 = vector.extract_strided_slice %transpose3A {offsets = [0, 115], sizes = [128, 1], strides = [1, 1]} : vector<128x250xf32> to vector<128x1xf32>
    %get3A_2211 = arith.constant 0 : index
    %get3A_2212 = arith.constant 0 : index
    %get3A_2213 = vector.load %arg4[%get3A_2211, %get3A_2212] : memref<1x128xf32, #tpu.memory_space<vmem>>, vector<1x128xf32>
    %sub3A_2214 = vector.broadcast %slice3A_2210 : vector<128x1xf32> to vector<128x128xf32>
    %sub3A_2215 = vector.broadcast %get3A_2213 : vector<1x128xf32> to vector<128x128xf32>
    %sub3A_2216 = arith.subf %sub3A_2214, %sub3A_2215 : vector<128x128xf32>
    %mul3A_2217 = vector.broadcast %div3A_21 : vector<1x128xf32> to vector<128x128xf32>
    %mul3A_2218 = arith.mulf %sub3A_2216, %mul3A_2217 : vector<128x128xf32>
    %mul3A_2219 = arith.mulf %mul3A_2218, %mul3A_2218 : vector<128x128xf32>
    %mul3A_2220 = arith.constant -0.72134751 : f32
    %mul3A_2221 = vector.broadcast %mul3A_2220 : f32 to vector<128x128xf32>
    %mul3A_2222 = arith.mulf %mul3A_2219, %mul3A_2221 : vector<128x128xf32>
    %add3A_2223 = vector.broadcast %div3A_28 : vector<1x128xf32> to vector<128x128xf32>
    %add3A_2224 = arith.addf %mul3A_2222, %add3A_2223 : vector<128x128xf32>
    %exp23A_2225 = math.exp2 %add3A_2224 : vector<128x128xf32>
    %swap3A_2226 = arith.constant 14720 : index
    %swap3A_2227 = arith.constant 0 : index
    %swap3A_2228 = vector.load %arg6[%swap3A_2226, %swap3A_2227] : memref<32000x128xf32, #tpu.memory_space<vmem>>, vector<128x128xf32>
    tpu.vector_store %arg6[%swap3A_2226, %swap3A_2227], %exp23A_2225 {strides = array<i32>} : memref<32000x128xf32, #tpu.memory_space<vmem>>, vector<128x128xf32>,
    %slice3A_2229 = vector.extract_strided_slice %transpose3A {offsets = [0, 116], sizes = [128, 1], strides = [1, 1]} : vector<128x250xf32> to vector<128x1xf32>
    %get3A_2230 = arith.constant 0 : index
    %get3A_2231 = arith.constant 0 : index
    %get3A_2232 = vector.load %arg4[%get3A_2230, %get3A_2231] : memref<1x128xf32, #tpu.memory_space<vmem>>, vector<1x128xf32>
    %sub3A_2233 = vector.broadcast %slice3A_2229 : vector<128x1xf32> to vector<128x128xf32>
    %sub3A_2234 = vector.broadcast %get3A_2232 : vector<1x128xf32> to vector<128x128xf32>
    %sub3A_2235 = arith.subf %sub3A_2233, %sub3A_2234 : vector<128x128xf32>
    %mul3A_2236 = vector.broadcast %div3A_21 : vector<1x128xf32> to vector<128x128xf32>
    %mul3A_2237 = arith.mulf %sub3A_2235, %mul3A_2236 : vector<128x128xf32>
    %mul3A_2238 = arith.mulf %mul3A_2237, %mul3A_2237 : vector<128x128xf32>
    %mul3A_2239 = arith.constant -0.72134751 : f32
    %mul3A_2240 = vector.broadcast %mul3A_2239 : f32 to vector<128x128xf32>
    %mul3A_2241 = arith.mulf %mul3A_2238, %mul3A_2240 : vector<128x128xf32>
    %add3A_2242 = vector.broadcast %div3A_28 : vector<1x128xf32> to vector<128x128xf32>
    %add3A_2243 = arith.addf %mul3A_2241, %add3A_2242 : vector<128x128xf32>
    %exp23A_2244 = math.exp2 %add3A_2243 : vector<128x128xf32>
    %swap3A_2245 = arith.constant 14848 : index
    %swap3A_2246 = arith.constant 0 : index
    %swap3A_2247 = vector.load %arg6[%swap3A_2245, %swap3A_2246] : memref<32000x128xf32, #tpu.memory_space<vmem>>, vector<128x128xf32>
    tpu.vector_store %arg6[%swap3A_2245, %swap3A_2246], %exp23A_2244 {strides = array<i32>} : memref<32000x128xf32, #tpu.memory_space<vmem>>, vector<128x128xf32>,
    %slice3A_2248 = vector.extract_strided_slice %transpose3A {offsets = [0, 117], sizes = [128, 1], strides = [1, 1]} : vector<128x250xf32> to vector<128x1xf32>
    %get3A_2249 = arith.constant 0 : index
    %get3A_2250 = arith.constant 0 : index
    %get3A_2251 = vector.load %arg4[%get3A_2249, %get3A_2250] : memref<1x128xf32, #tpu.memory_space<vmem>>, vector<1x128xf32>
    %sub3A_2252 = vector.broadcast %slice3A_2248 : vector<128x1xf32> to vector<128x128xf32>
    %sub3A_2253 = vector.broadcast %get3A_2251 : vector<1x128xf32> to vector<128x128xf32>
    %sub3A_2254 = arith.subf %sub3A_2252, %sub3A_2253 : vector<128x128xf32>
    %mul3A_2255 = vector.broadcast %div3A_21 : vector<1x128xf32> to vector<128x128xf32>
    %mul3A_2256 = arith.mulf %sub3A_2254, %mul3A_2255 : vector<128x128xf32>
    %mul3A_2257 = arith.mulf %mul3A_2256, %mul3A_2256 : vector<128x128xf32>
    %mul3A_2258 = arith.constant -0.72134751 : f32
    %mul3A_2259 = vector.broadcast %mul3A_2258 : f32 to vector<128x128xf32>
    %mul3A_2260 = arith.mulf %mul3A_2257, %mul3A_2259 : vector<128x128xf32>
    %add3A_2261 = vector.broadcast %div3A_28 : vector<1x128xf32> to vector<128x128xf32>
    %add3A_2262 = arith.addf %mul3A_2260, %add3A_2261 : vector<128x128xf32>
    %exp23A_2263 = math.exp2 %add3A_2262 : vector<128x128xf32>
    %swap3A_2264 = arith.constant 14976 : index
    %swap3A_2265 = arith.constant 0 : index
    %swap3A_2266 = vector.load %arg6[%swap3A_2264, %swap3A_2265] : memref<32000x128xf32, #tpu.memory_space<vmem>>, vector<128x128xf32>
    tpu.vector_store %arg6[%swap3A_2264, %swap3A_2265], %exp23A_2263 {strides = array<i32>} : memref<32000x128xf32, #tpu.memory_space<vmem>>, vector<128x128xf32>,
    %slice3A_2267 = vector.extract_strided_slice %transpose3A {offsets = [0, 118], sizes = [128, 1], strides = [1, 1]} : vector<128x250xf32> to vector<128x1xf32>
    %get3A_2268 = arith.constant 0 : index
    %get3A_2269 = arith.constant 0 : index
    %get3A_2270 = vector.load %arg4[%get3A_2268, %get3A_2269] : memref<1x128xf32, #tpu.memory_space<vmem>>, vector<1x128xf32>
    %sub3A_2271 = vector.broadcast %slice3A_2267 : vector<128x1xf32> to vector<128x128xf32>
    %sub3A_2272 = vector.broadcast %get3A_2270 : vector<1x128xf32> to vector<128x128xf32>
    %sub3A_2273 = arith.subf %sub3A_2271, %sub3A_2272 : vector<128x128xf32>
    %mul3A_2274 = vector.broadcast %div3A_21 : vector<1x128xf32> to vector<128x128xf32>
    %mul3A_2275 = arith.mulf %sub3A_2273, %mul3A_2274 : vector<128x128xf32>
    %mul3A_2276 = arith.mulf %mul3A_2275, %mul3A_2275 : vector<128x128xf32>
    %mul3A_2277 = arith.constant -0.72134751 : f32
    %mul3A_2278 = vector.broadcast %mul3A_2277 : f32 to vector<128x128xf32>
    %mul3A_2279 = arith.mulf %mul3A_2276, %mul3A_2278 : vector<128x128xf32>
    %add3A_2280 = vector.broadcast %div3A_28 : vector<1x128xf32> to vector<128x128xf32>
    %add3A_2281 = arith.addf %mul3A_2279, %add3A_2280 : vector<128x128xf32>
    %exp23A_2282 = math.exp2 %add3A_2281 : vector<128x128xf32>
    %swap3A_2283 = arith.constant 15104 : index
    %swap3A_2284 = arith.constant 0 : index
    %swap3A_2285 = vector.load %arg6[%swap3A_2283, %swap3A_2284] : memref<32000x128xf32, #tpu.memory_space<vmem>>, vector<128x128xf32>
    tpu.vector_store %arg6[%swap3A_2283, %swap3A_2284], %exp23A_2282 {strides = array<i32>} : memref<32000x128xf32, #tpu.memory_space<vmem>>, vector<128x128xf32>,
    %slice3A_2286 = vector.extract_strided_slice %transpose3A {offsets = [0, 119], sizes = [128, 1], strides = [1, 1]} : vector<128x250xf32> to vector<128x1xf32>
    %get3A_2287 = arith.constant 0 : index
    %get3A_2288 = arith.constant 0 : index
    %get3A_2289 = vector.load %arg4[%get3A_2287, %get3A_2288] : memref<1x128xf32, #tpu.memory_space<vmem>>, vector<1x128xf32>
    %sub3A_2290 = vector.broadcast %slice3A_2286 : vector<128x1xf32> to vector<128x128xf32>
    %sub3A_2291 = vector.broadcast %get3A_2289 : vector<1x128xf32> to vector<128x128xf32>
    %sub3A_2292 = arith.subf %sub3A_2290, %sub3A_2291 : vector<128x128xf32>
    %mul3A_2293 = vector.broadcast %div3A_21 : vector<1x128xf32> to vector<128x128xf32>
    %mul3A_2294 = arith.mulf %sub3A_2292, %mul3A_2293 : vector<128x128xf32>
    %mul3A_2295 = arith.mulf %mul3A_2294, %mul3A_2294 : vector<128x128xf32>
    %mul3A_2296 = arith.constant -0.72134751 : f32
    %mul3A_2297 = vector.broadcast %mul3A_2296 : f32 to vector<128x128xf32>
    %mul3A_2298 = arith.mulf %mul3A_2295, %mul3A_2297 : vector<128x128xf32>
    %add3A_2299 = vector.broadcast %div3A_28 : vector<1x128xf32> to vector<128x128xf32>
    %add3A_2300 = arith.addf %mul3A_2298, %add3A_2299 : vector<128x128xf32>
    %exp23A_2301 = math.exp2 %add3A_2300 : vector<128x128xf32>
    %swap3A_2302 = arith.constant 15232 : index
    %swap3A_2303 = arith.constant 0 : index
    %swap3A_2304 = vector.load %arg6[%swap3A_2302, %swap3A_2303] : memref<32000x128xf32, #tpu.memory_space<vmem>>, vector<128x128xf32>
    tpu.vector_store %arg6[%swap3A_2302, %swap3A_2303], %exp23A_2301 {strides = array<i32>} : memref<32000x128xf32, #tpu.memory_space<vmem>>, vector<128x128xf32>,
    %slice3A_2305 = vector.extract_strided_slice %transpose3A {offsets = [0, 120], sizes = [128, 1], strides = [1, 1]} : vector<128x250xf32> to vector<128x1xf32>
    %get3A_2306 = arith.constant 0 : index
    %get3A_2307 = arith.constant 0 : index
    %get3A_2308 = vector.load %arg4[%get3A_2306, %get3A_2307] : memref<1x128xf32, #tpu.memory_space<vmem>>, vector<1x128xf32>
    %sub3A_2309 = vector.broadcast %slice3A_2305 : vector<128x1xf32> to vector<128x128xf32>
    %sub3A_2310 = vector.broadcast %get3A_2308 : vector<1x128xf32> to vector<128x128xf32>
    %sub3A_2311 = arith.subf %sub3A_2309, %sub3A_2310 : vector<128x128xf32>
    %mul3A_2312 = vector.broadcast %div3A_21 : vector<1x128xf32> to vector<128x128xf32>
    %mul3A_2313 = arith.mulf %sub3A_2311, %mul3A_2312 : vector<128x128xf32>
    %mul3A_2314 = arith.mulf %mul3A_2313, %mul3A_2313 : vector<128x128xf32>
    %mul3A_2315 = arith.constant -0.72134751 : f32
    %mul3A_2316 = vector.broadcast %mul3A_2315 : f32 to vector<128x128xf32>
    %mul3A_2317 = arith.mulf %mul3A_2314, %mul3A_2316 : vector<128x128xf32>
    %add3A_2318 = vector.broadcast %div3A_28 : vector<1x128xf32> to vector<128x128xf32>
    %add3A_2319 = arith.addf %mul3A_2317, %add3A_2318 : vector<128x128xf32>
    %exp23A_2320 = math.exp2 %add3A_2319 : vector<128x128xf32>
    %swap3A_2321 = arith.constant 15360 : index
    %swap3A_2322 = arith.constant 0 : index
    %swap3A_2323 = vector.load %arg6[%swap3A_2321, %swap3A_2322] : memref<32000x128xf32, #tpu.memory_space<vmem>>, vector<128x128xf32>
    tpu.vector_store %arg6[%swap3A_2321, %swap3A_2322], %exp23A_2320 {strides = array<i32>} : memref<32000x128xf32, #tpu.memory_space<vmem>>, vector<128x128xf32>,
    %slice3A_2324 = vector.extract_strided_slice %transpose3A {offsets = [0, 121], sizes = [128, 1], strides = [1, 1]} : vector<128x250xf32> to vector<128x1xf32>
    %get3A_2325 = arith.constant 0 : index
    %get3A_2326 = arith.constant 0 : index
    %get3A_2327 = vector.load %arg4[%get3A_2325, %get3A_2326] : memref<1x128xf32, #tpu.memory_space<vmem>>, vector<1x128xf32>
    %sub3A_2328 = vector.broadcast %slice3A_2324 : vector<128x1xf32> to vector<128x128xf32>
    %sub3A_2329 = vector.broadcast %get3A_2327 : vector<1x128xf32> to vector<128x128xf32>
    %sub3A_2330 = arith.subf %sub3A_2328, %sub3A_2329 : vector<128x128xf32>
    %mul3A_2331 = vector.broadcast %div3A_21 : vector<1x128xf32> to vector<128x128xf32>
    %mul3A_2332 = arith.mulf %sub3A_2330, %mul3A_2331 : vector<128x128xf32>
    %mul3A_2333 = arith.mulf %mul3A_2332, %mul3A_2332 : vector<128x128xf32>
    %mul3A_2334 = arith.constant -0.72134751 : f32
    %mul3A_2335 = vector.broadcast %mul3A_2334 : f32 to vector<128x128xf32>
    %mul3A_2336 = arith.mulf %mul3A_2333, %mul3A_2335 : vector<128x128xf32>
    %add3A_2337 = vector.broadcast %div3A_28 : vector<1x128xf32> to vector<128x128xf32>
    %add3A_2338 = arith.addf %mul3A_2336, %add3A_2337 : vector<128x128xf32>
    %exp23A_2339 = math.exp2 %add3A_2338 : vector<128x128xf32>
    %swap3A_2340 = arith.constant 15488 : index
    %swap3A_2341 = arith.constant 0 : index
    %swap3A_2342 = vector.load %arg6[%swap3A_2340, %swap3A_2341] : memref<32000x128xf32, #tpu.memory_space<vmem>>, vector<128x128xf32>
    tpu.vector_store %arg6[%swap3A_2340, %swap3A_2341], %exp23A_2339 {strides = array<i32>} : memref<32000x128xf32, #tpu.memory_space<vmem>>, vector<128x128xf32>,
    %slice3A_2343 = vector.extract_strided_slice %transpose3A {offsets = [0, 122], sizes = [128, 1], strides = [1, 1]} : vector<128x250xf32> to vector<128x1xf32>
    %get3A_2344 = arith.constant 0 : index
    %get3A_2345 = arith.constant 0 : index
    %get3A_2346 = vector.load %arg4[%get3A_2344, %get3A_2345] : memref<1x128xf32, #tpu.memory_space<vmem>>, vector<1x128xf32>
    %sub3A_2347 = vector.broadcast %slice3A_2343 : vector<128x1xf32> to vector<128x128xf32>
    %sub3A_2348 = vector.broadcast %get3A_2346 : vector<1x128xf32> to vector<128x128xf32>
    %sub3A_2349 = arith.subf %sub3A_2347, %sub3A_2348 : vector<128x128xf32>
    %mul3A_2350 = vector.broadcast %div3A_21 : vector<1x128xf32> to vector<128x128xf32>
    %mul3A_2351 = arith.mulf %sub3A_2349, %mul3A_2350 : vector<128x128xf32>
    %mul3A_2352 = arith.mulf %mul3A_2351, %mul3A_2351 : vector<128x128xf32>
    %mul3A_2353 = arith.constant -0.72134751 : f32
    %mul3A_2354 = vector.broadcast %mul3A_2353 : f32 to vector<128x128xf32>
    %mul3A_2355 = arith.mulf %mul3A_2352, %mul3A_2354 : vector<128x128xf32>
    %add3A_2356 = vector.broadcast %div3A_28 : vector<1x128xf32> to vector<128x128xf32>
    %add3A_2357 = arith.addf %mul3A_2355, %add3A_2356 : vector<128x128xf32>
    %exp23A_2358 = math.exp2 %add3A_2357 : vector<128x128xf32>
    %swap3A_2359 = arith.constant 15616 : index
    %swap3A_2360 = arith.constant 0 : index
    %swap3A_2361 = vector.load %arg6[%swap3A_2359, %swap3A_2360] : memref<32000x128xf32, #tpu.memory_space<vmem>>, vector<128x128xf32>
    tpu.vector_store %arg6[%swap3A_2359, %swap3A_2360], %exp23A_2358 {strides = array<i32>} : memref<32000x128xf32, #tpu.memory_space<vmem>>, vector<128x128xf32>,
    %slice3A_2362 = vector.extract_strided_slice %transpose3A {offsets = [0, 123], sizes = [128, 1], strides = [1, 1]} : vector<128x250xf32> to vector<128x1xf32>
    %get3A_2363 = arith.constant 0 : index
    %get3A_2364 = arith.constant 0 : index
    %get3A_2365 = vector.load %arg4[%get3A_2363, %get3A_2364] : memref<1x128xf32, #tpu.memory_space<vmem>>, vector<1x128xf32>
    %sub3A_2366 = vector.broadcast %slice3A_2362 : vector<128x1xf32> to vector<128x128xf32>
    %sub3A_2367 = vector.broadcast %get3A_2365 : vector<1x128xf32> to vector<128x128xf32>
    %sub3A_2368 = arith.subf %sub3A_2366, %sub3A_2367 : vector<128x128xf32>
    %mul3A_2369 = vector.broadcast %div3A_21 : vector<1x128xf32> to vector<128x128xf32>
    %mul3A_2370 = arith.mulf %sub3A_2368, %mul3A_2369 : vector<128x128xf32>
    %mul3A_2371 = arith.mulf %mul3A_2370, %mul3A_2370 : vector<128x128xf32>
    %mul3A_2372 = arith.constant -0.72134751 : f32
    %mul3A_2373 = vector.broadcast %mul3A_2372 : f32 to vector<128x128xf32>
    %mul3A_2374 = arith.mulf %mul3A_2371, %mul3A_2373 : vector<128x128xf32>
    %add3A_2375 = vector.broadcast %div3A_28 : vector<1x128xf32> to vector<128x128xf32>
    %add3A_2376 = arith.addf %mul3A_2374, %add3A_2375 : vector<128x128xf32>
    %exp23A_2377 = math.exp2 %add3A_2376 : vector<128x128xf32>
    %swap3A_2378 = arith.constant 15744 : index
    %swap3A_2379 = arith.constant 0 : index
    %swap3A_2380 = vector.load %arg6[%swap3A_2378, %swap3A_2379] : memref<32000x128xf32, #tpu.memory_space<vmem>>, vector<128x128xf32>
    tpu.vector_store %arg6[%swap3A_2378, %swap3A_2379], %exp23A_2377 {strides = array<i32>} : memref<32000x128xf32, #tpu.memory_space<vmem>>, vector<128x128xf32>,
    %slice3A_2381 = vector.extract_strided_slice %transpose3A {offsets = [0, 124], sizes = [128, 1], strides = [1, 1]} : vector<128x250xf32> to vector<128x1xf32>
    %get3A_2382 = arith.constant 0 : index
    %get3A_2383 = arith.constant 0 : index
    %get3A_2384 = vector.load %arg4[%get3A_2382, %get3A_2383] : memref<1x128xf32, #tpu.memory_space<vmem>>, vector<1x128xf32>
    %sub3A_2385 = vector.broadcast %slice3A_2381 : vector<128x1xf32> to vector<128x128xf32>
    %sub3A_2386 = vector.broadcast %get3A_2384 : vector<1x128xf32> to vector<128x128xf32>
    %sub3A_2387 = arith.subf %sub3A_2385, %sub3A_2386 : vector<128x128xf32>
    %mul3A_2388 = vector.broadcast %div3A_21 : vector<1x128xf32> to vector<128x128xf32>
    %mul3A_2389 = arith.mulf %sub3A_2387, %mul3A_2388 : vector<128x128xf32>
    %mul3A_2390 = arith.mulf %mul3A_2389, %mul3A_2389 : vector<128x128xf32>
    %mul3A_2391 = arith.constant -0.72134751 : f32
    %mul3A_2392 = vector.broadcast %mul3A_2391 : f32 to vector<128x128xf32>
    %mul3A_2393 = arith.mulf %mul3A_2390, %mul3A_2392 : vector<128x128xf32>
    %add3A_2394 = vector.broadcast %div3A_28 : vector<1x128xf32> to vector<128x128xf32>
    %add3A_2395 = arith.addf %mul3A_2393, %add3A_2394 : vector<128x128xf32>
    %exp23A_2396 = math.exp2 %add3A_2395 : vector<128x128xf32>
    %swap3A_2397 = arith.constant 15872 : index
    %swap3A_2398 = arith.constant 0 : index
    %swap3A_2399 = vector.load %arg6[%swap3A_2397, %swap3A_2398] : memref<32000x128xf32, #tpu.memory_space<vmem>>, vector<128x128xf32>
    tpu.vector_store %arg6[%swap3A_2397, %swap3A_2398], %exp23A_2396 {strides = array<i32>} : memref<32000x128xf32, #tpu.memory_space<vmem>>, vector<128x128xf32>,
    %slice3A_2400 = vector.extract_strided_slice %transpose3A {offsets = [0, 125], sizes = [128, 1], strides = [1, 1]} : vector<128x250xf32> to vector<128x1xf32>
    %get3A_2401 = arith.constant 0 : index
    %get3A_2402 = arith.constant 0 : index
    %get3A_2403 = vector.load %arg4[%get3A_2401, %get3A_2402] : memref<1x128xf32, #tpu.memory_space<vmem>>, vector<1x128xf32>
    %sub3A_2404 = vector.broadcast %slice3A_2400 : vector<128x1xf32> to vector<128x128xf32>
    %sub3A_2405 = vector.broadcast %get3A_2403 : vector<1x128xf32> to vector<128x128xf32>
    %sub3A_2406 = arith.subf %sub3A_2404, %sub3A_2405 : vector<128x128xf32>
    %mul3A_2407 = vector.broadcast %div3A_21 : vector<1x128xf32> to vector<128x128xf32>
    %mul3A_2408 = arith.mulf %sub3A_2406, %mul3A_2407 : vector<128x128xf32>
    %mul3A_2409 = arith.mulf %mul3A_2408, %mul3A_2408 : vector<128x128xf32>
    %mul3A_2410 = arith.constant -0.72134751 : f32
    %mul3A_2411 = vector.broadcast %mul3A_2410 : f32 to vector<128x128xf32>
    %mul3A_2412 = arith.mulf %mul3A_2409, %mul3A_2411 : vector<128x128xf32>
    %add3A_2413 = vector.broadcast %div3A_28 : vector<1x128xf32> to vector<128x128xf32>
    %add3A_2414 = arith.addf %mul3A_2412, %add3A_2413 : vector<128x128xf32>
    %exp23A_2415 = math.exp2 %add3A_2414 : vector<128x128xf32>
    %swap3A_2416 = arith.constant 16000 : index
    %swap3A_2417 = arith.constant 0 : index
    %swap3A_2418 = vector.load %arg6[%swap3A_2416, %swap3A_2417] : memref<32000x128xf32, #tpu.memory_space<vmem>>, vector<128x128xf32>
    tpu.vector_store %arg6[%swap3A_2416, %swap3A_2417], %exp23A_2415 {strides = array<i32>} : memref<32000x128xf32, #tpu.memory_space<vmem>>, vector<128x128xf32>,
    %slice3A_2419 = vector.extract_strided_slice %transpose3A {offsets = [0, 126], sizes = [128, 1], strides = [1, 1]} : vector<128x250xf32> to vector<128x1xf32>
    %get3A_2420 = arith.constant 0 : index
    %get3A_2421 = arith.constant 0 : index
    %get3A_2422 = vector.load %arg4[%get3A_2420, %get3A_2421] : memref<1x128xf32, #tpu.memory_space<vmem>>, vector<1x128xf32>
    %sub3A_2423 = vector.broadcast %slice3A_2419 : vector<128x1xf32> to vector<128x128xf32>
    %sub3A_2424 = vector.broadcast %get3A_2422 : vector<1x128xf32> to vector<128x128xf32>
    %sub3A_2425 = arith.subf %sub3A_2423, %sub3A_2424 : vector<128x128xf32>
    %mul3A_2426 = vector.broadcast %div3A_21 : vector<1x128xf32> to vector<128x128xf32>
    %mul3A_2427 = arith.mulf %sub3A_2425, %mul3A_2426 : vector<128x128xf32>
    %mul3A_2428 = arith.mulf %mul3A_2427, %mul3A_2427 : vector<128x128xf32>
    %mul3A_2429 = arith.constant -0.72134751 : f32
    %mul3A_2430 = vector.broadcast %mul3A_2429 : f32 to vector<128x128xf32>
    %mul3A_2431 = arith.mulf %mul3A_2428, %mul3A_2430 : vector<128x128xf32>
    %add3A_2432 = vector.broadcast %div3A_28 : vector<1x128xf32> to vector<128x128xf32>
    %add3A_2433 = arith.addf %mul3A_2431, %add3A_2432 : vector<128x128xf32>
    %exp23A_2434 = math.exp2 %add3A_2433 : vector<128x128xf32>
    %swap3A_2435 = arith.constant 16128 : index
    %swap3A_2436 = arith.constant 0 : index
    %swap3A_2437 = vector.load %arg6[%swap3A_2435, %swap3A_2436] : memref<32000x128xf32, #tpu.memory_space<vmem>>, vector<128x128xf32>
    tpu.vector_store %arg6[%swap3A_2435, %swap3A_2436], %exp23A_2434 {strides = array<i32>} : memref<32000x128xf32, #tpu.memory_space<vmem>>, vector<128x128xf32>,
    %slice3A_2438 = vector.extract_strided_slice %transpose3A {offsets = [0, 127], sizes = [128, 1], strides = [1, 1]} : vector<128x250xf32> to vector<128x1xf32>
    %get3A_2439 = arith.constant 0 : index
    %get3A_2440 = arith.constant 0 : index
    %get3A_2441 = vector.load %arg4[%get3A_2439, %get3A_2440] : memref<1x128xf32, #tpu.memory_space<vmem>>, vector<1x128xf32>
    %sub3A_2442 = vector.broadcast %slice3A_2438 : vector<128x1xf32> to vector<128x128xf32>
    %sub3A_2443 = vector.broadcast %get3A_2441 : vector<1x128xf32> to vector<128x128xf32>
    %sub3A_2444 = arith.subf %sub3A_2442, %sub3A_2443 : vector<128x128xf32>
    %mul3A_2445 = vector.broadcast %div3A_21 : vector<1x128xf32> to vector<128x128xf32>
    %mul3A_2446 = arith.mulf %sub3A_2444, %mul3A_2445 : vector<128x128xf32>
    %mul3A_2447 = arith.mulf %mul3A_2446, %mul3A_2446 : vector<128x128xf32>
    %mul3A_2448 = arith.constant -0.72134751 : f32
    %mul3A_2449 = vector.broadcast %mul3A_2448 : f32 to vector<128x128xf32>
    %mul3A_2450 = arith.mulf %mul3A_2447, %mul3A_2449 : vector<128x128xf32>
    %add3A_2451 = vector.broadcast %div3A_28 : vector<1x128xf32> to vector<128x128xf32>
    %add3A_2452 = arith.addf %mul3A_2450, %add3A_2451 : vector<128x128xf32>
    %exp23A_2453 = math.exp2 %add3A_2452 : vector<128x128xf32>
    %swap3A_2454 = arith.constant 16256 : index
    %swap3A_2455 = arith.constant 0 : index
    %swap3A_2456 = vector.load %arg6[%swap3A_2454, %swap3A_2455] : memref<32000x128xf32, #tpu.memory_space<vmem>>, vector<128x128xf32>
    tpu.vector_store %arg6[%swap3A_2454, %swap3A_2455], %exp23A_2453 {strides = array<i32>} : memref<32000x128xf32, #tpu.memory_space<vmem>>, vector<128x128xf32>,
    %slice3A_2457 = vector.extract_strided_slice %transpose3A {offsets = [0, 128], sizes = [128, 1], strides = [1, 1]} : vector<128x250xf32> to vector<128x1xf32>
    %get3A_2458 = arith.constant 0 : index
    %get3A_2459 = arith.constant 0 : index
    %get3A_2460 = vector.load %arg4[%get3A_2458, %get3A_2459] : memref<1x128xf32, #tpu.memory_space<vmem>>, vector<1x128xf32>
    %sub3A_2461 = vector.broadcast %slice3A_2457 : vector<128x1xf32> to vector<128x128xf32>
    %sub3A_2462 = vector.broadcast %get3A_2460 : vector<1x128xf32> to vector<128x128xf32>
    %sub3A_2463 = arith.subf %sub3A_2461, %sub3A_2462 : vector<128x128xf32>
    %mul3A_2464 = vector.broadcast %div3A_21 : vector<1x128xf32> to vector<128x128xf32>
    %mul3A_2465 = arith.mulf %sub3A_2463, %mul3A_2464 : vector<128x128xf32>
    %mul3A_2466 = arith.mulf %mul3A_2465, %mul3A_2465 : vector<128x128xf32>
    %mul3A_2467 = arith.constant -0.72134751 : f32
    %mul3A_2468 = vector.broadcast %mul3A_2467 : f32 to vector<128x128xf32>
    %mul3A_2469 = arith.mulf %mul3A_2466, %mul3A_2468 : vector<128x128xf32>
    %add3A_2470 = vector.broadcast %div3A_28 : vector<1x128xf32> to vector<128x128xf32>
    %add3A_2471 = arith.addf %mul3A_2469, %add3A_2470 : vector<128x128xf32>
    %exp23A_2472 = math.exp2 %add3A_2471 : vector<128x128xf32>
    %swap3A_2473 = arith.constant 16384 : index
    %swap3A_2474 = arith.constant 0 : index
    %swap3A_2475 = vector.load %arg6[%swap3A_2473, %swap3A_2474] : memref<32000x128xf32, #tpu.memory_space<vmem>>, vector<128x128xf32>
    tpu.vector_store %arg6[%swap3A_2473, %swap3A_2474], %exp23A_2472 {strides = array<i32>} : memref<32000x128xf32, #tpu.memory_space<vmem>>, vector<128x128xf32>,
    %slice3A_2476 = vector.extract_strided_slice %transpose3A {offsets = [0, 129], sizes = [128, 1], strides = [1, 1]} : vector<128x250xf32> to vector<128x1xf32>
    %get3A_2477 = arith.constant 0 : index
    %get3A_2478 = arith.constant 0 : index
    %get3A_2479 = vector.load %arg4[%get3A_2477, %get3A_2478] : memref<1x128xf32, #tpu.memory_space<vmem>>, vector<1x128xf32>
    %sub3A_2480 = vector.broadcast %slice3A_2476 : vector<128x1xf32> to vector<128x128xf32>
    %sub3A_2481 = vector.broadcast %get3A_2479 : vector<1x128xf32> to vector<128x128xf32>
    %sub3A_2482 = arith.subf %sub3A_2480, %sub3A_2481 : vector<128x128xf32>
    %mul3A_2483 = vector.broadcast %div3A_21 : vector<1x128xf32> to vector<128x128xf32>
    %mul3A_2484 = arith.mulf %sub3A_2482, %mul3A_2483 : vector<128x128xf32>
    %mul3A_2485 = arith.mulf %mul3A_2484, %mul3A_2484 : vector<128x128xf32>
    %mul3A_2486 = arith.constant -0.72134751 : f32
    %mul3A_2487 = vector.broadcast %mul3A_2486 : f32 to vector<128x128xf32>
    %mul3A_2488 = arith.mulf %mul3A_2485, %mul3A_2487 : vector<128x128xf32>
    %add3A_2489 = vector.broadcast %div3A_28 : vector<1x128xf32> to vector<128x128xf32>
    %add3A_2490 = arith.addf %mul3A_2488, %add3A_2489 : vector<128x128xf32>
    %exp23A_2491 = math.exp2 %add3A_2490 : vector<128x128xf32>
    %swap3A_2492 = arith.constant 16512 : index
    %swap3A_2493 = arith.constant 0 : index
    %swap3A_2494 = vector.load %arg6[%swap3A_2492, %swap3A_2493] : memref<32000x128xf32, #tpu.memory_space<vmem>>, vector<128x128xf32>
    tpu.vector_store %arg6[%swap3A_2492, %swap3A_2493], %exp23A_2491 {strides = array<i32>} : memref<32000x128xf32, #tpu.memory_space<vmem>>, vector<128x128xf32>,
    %slice3A_2495 = vector.extract_strided_slice %transpose3A {offsets = [0, 130], sizes = [128, 1], strides = [1, 1]} : vector<128x250xf32> to vector<128x1xf32>
    %get3A_2496 = arith.constant 0 : index
    %get3A_2497 = arith.constant 0 : index
    %get3A_2498 = vector.load %arg4[%get3A_2496, %get3A_2497] : memref<1x128xf32, #tpu.memory_space<vmem>>, vector<1x128xf32>
    %sub3A_2499 = vector.broadcast %slice3A_2495 : vector<128x1xf32> to vector<128x128xf32>
    %sub3A_2500 = vector.broadcast %get3A_2498 : vector<1x128xf32> to vector<128x128xf32>
    %sub3A_2501 = arith.subf %sub3A_2499, %sub3A_2500 : vector<128x128xf32>
    %mul3A_2502 = vector.broadcast %div3A_21 : vector<1x128xf32> to vector<128x128xf32>
    %mul3A_2503 = arith.mulf %sub3A_2501, %mul3A_2502 : vector<128x128xf32>
    %mul3A_2504 = arith.mulf %mul3A_2503, %mul3A_2503 : vector<128x128xf32>
    %mul3A_2505 = arith.constant -0.72134751 : f32
    %mul3A_2506 = vector.broadcast %mul3A_2505 : f32 to vector<128x128xf32>
    %mul3A_2507 = arith.mulf %mul3A_2504, %mul3A_2506 : vector<128x128xf32>
    %add3A_2508 = vector.broadcast %div3A_28 : vector<1x128xf32> to vector<128x128xf32>
    %add3A_2509 = arith.addf %mul3A_2507, %add3A_2508 : vector<128x128xf32>
    %exp23A_2510 = math.exp2 %add3A_2509 : vector<128x128xf32>
    %swap3A_2511 = arith.constant 16640 : index
    %swap3A_2512 = arith.constant 0 : index
    %swap3A_2513 = vector.load %arg6[%swap3A_2511, %swap3A_2512] : memref<32000x128xf32, #tpu.memory_space<vmem>>, vector<128x128xf32>
    tpu.vector_store %arg6[%swap3A_2511, %swap3A_2512], %exp23A_2510 {strides = array<i32>} : memref<32000x128xf32, #tpu.memory_space<vmem>>, vector<128x128xf32>,
    %slice3A_2514 = vector.extract_strided_slice %transpose3A {offsets = [0, 131], sizes = [128, 1], strides = [1, 1]} : vector<128x250xf32> to vector<128x1xf32>
    %get3A_2515 = arith.constant 0 : index
    %get3A_2516 = arith.constant 0 : index
    %get3A_2517 = vector.load %arg4[%get3A_2515, %get3A_2516] : memref<1x128xf32, #tpu.memory_space<vmem>>, vector<1x128xf32>
    %sub3A_2518 = vector.broadcast %slice3A_2514 : vector<128x1xf32> to vector<128x128xf32>
    %sub3A_2519 = vector.broadcast %get3A_2517 : vector<1x128xf32> to vector<128x128xf32>
    %sub3A_2520 = arith.subf %sub3A_2518, %sub3A_2519 : vector<128x128xf32>
    %mul3A_2521 = vector.broadcast %div3A_21 : vector<1x128xf32> to vector<128x128xf32>
    %mul3A_2522 = arith.mulf %sub3A_2520, %mul3A_2521 : vector<128x128xf32>
    %mul3A_2523 = arith.mulf %mul3A_2522, %mul3A_2522 : vector<128x128xf32>
    %mul3A_2524 = arith.constant -0.72134751 : f32
    %mul3A_2525 = vector.broadcast %mul3A_2524 : f32 to vector<128x128xf32>
    %mul3A_2526 = arith.mulf %mul3A_2523, %mul3A_2525 : vector<128x128xf32>
    %add3A_2527 = vector.broadcast %div3A_28 : vector<1x128xf32> to vector<128x128xf32>
    %add3A_2528 = arith.addf %mul3A_2526, %add3A_2527 : vector<128x128xf32>
    %exp23A_2529 = math.exp2 %add3A_2528 : vector<128x128xf32>
    %swap3A_2530 = arith.constant 16768 : index
    %swap3A_2531 = arith.constant 0 : index
    %swap3A_2532 = vector.load %arg6[%swap3A_2530, %swap3A_2531] : memref<32000x128xf32, #tpu.memory_space<vmem>>, vector<128x128xf32>
    tpu.vector_store %arg6[%swap3A_2530, %swap3A_2531], %exp23A_2529 {strides = array<i32>} : memref<32000x128xf32, #tpu.memory_space<vmem>>, vector<128x128xf32>,
    %slice3A_2533 = vector.extract_strided_slice %transpose3A {offsets = [0, 132], sizes = [128, 1], strides = [1, 1]} : vector<128x250xf32> to vector<128x1xf32>
    %get3A_2534 = arith.constant 0 : index
    %get3A_2535 = arith.constant 0 : index
    %get3A_2536 = vector.load %arg4[%get3A_2534, %get3A_2535] : memref<1x128xf32, #tpu.memory_space<vmem>>, vector<1x128xf32>
    %sub3A_2537 = vector.broadcast %slice3A_2533 : vector<128x1xf32> to vector<128x128xf32>
    %sub3A_2538 = vector.broadcast %get3A_2536 : vector<1x128xf32> to vector<128x128xf32>
    %sub3A_2539 = arith.subf %sub3A_2537, %sub3A_2538 : vector<128x128xf32>
    %mul3A_2540 = vector.broadcast %div3A_21 : vector<1x128xf32> to vector<128x128xf32>
    %mul3A_2541 = arith.mulf %sub3A_2539, %mul3A_2540 : vector<128x128xf32>
    %mul3A_2542 = arith.mulf %mul3A_2541, %mul3A_2541 : vector<128x128xf32>
    %mul3A_2543 = arith.constant -0.72134751 : f32
    %mul3A_2544 = vector.broadcast %mul3A_2543 : f32 to vector<128x128xf32>
    %mul3A_2545 = arith.mulf %mul3A_2542, %mul3A_2544 : vector<128x128xf32>
    %add3A_2546 = vector.broadcast %div3A_28 : vector<1x128xf32> to vector<128x128xf32>
    %add3A_2547 = arith.addf %mul3A_2545, %add3A_2546 : vector<128x128xf32>
    %exp23A_2548 = math.exp2 %add3A_2547 : vector<128x128xf32>
    %swap3A_2549 = arith.constant 16896 : index
    %swap3A_2550 = arith.constant 0 : index
    %swap3A_2551 = vector.load %arg6[%swap3A_2549, %swap3A_2550] : memref<32000x128xf32, #tpu.memory_space<vmem>>, vector<128x128xf32>
    tpu.vector_store %arg6[%swap3A_2549, %swap3A_2550], %exp23A_2548 {strides = array<i32>} : memref<32000x128xf32, #tpu.memory_space<vmem>>, vector<128x128xf32>,
    %slice3A_2552 = vector.extract_strided_slice %transpose3A {offsets = [0, 133], sizes = [128, 1], strides = [1, 1]} : vector<128x250xf32> to vector<128x1xf32>
    %get3A_2553 = arith.constant 0 : index
    %get3A_2554 = arith.constant 0 : index
    %get3A_2555 = vector.load %arg4[%get3A_2553, %get3A_2554] : memref<1x128xf32, #tpu.memory_space<vmem>>, vector<1x128xf32>
    %sub3A_2556 = vector.broadcast %slice3A_2552 : vector<128x1xf32> to vector<128x128xf32>
    %sub3A_2557 = vector.broadcast %get3A_2555 : vector<1x128xf32> to vector<128x128xf32>
    %sub3A_2558 = arith.subf %sub3A_2556, %sub3A_2557 : vector<128x128xf32>
    %mul3A_2559 = vector.broadcast %div3A_21 : vector<1x128xf32> to vector<128x128xf32>
    %mul3A_2560 = arith.mulf %sub3A_2558, %mul3A_2559 : vector<128x128xf32>
    %mul3A_2561 = arith.mulf %mul3A_2560, %mul3A_2560 : vector<128x128xf32>
    %mul3A_2562 = arith.constant -0.72134751 : f32
    %mul3A_2563 = vector.broadcast %mul3A_2562 : f32 to vector<128x128xf32>
    %mul3A_2564 = arith.mulf %mul3A_2561, %mul3A_2563 : vector<128x128xf32>
    %add3A_2565 = vector.broadcast %div3A_28 : vector<1x128xf32> to vector<128x128xf32>
    %add3A_2566 = arith.addf %mul3A_2564, %add3A_2565 : vector<128x128xf32>
    %exp23A_2567 = math.exp2 %add3A_2566 : vector<128x128xf32>
    %swap3A_2568 = arith.constant 17024 : index
    %swap3A_2569 = arith.constant 0 : index
    %swap3A_2570 = vector.load %arg6[%swap3A_2568, %swap3A_2569] : memref<32000x128xf32, #tpu.memory_space<vmem>>, vector<128x128xf32>
    tpu.vector_store %arg6[%swap3A_2568, %swap3A_2569], %exp23A_2567 {strides = array<i32>} : memref<32000x128xf32, #tpu.memory_space<vmem>>, vector<128x128xf32>,
    %slice3A_2571 = vector.extract_strided_slice %transpose3A {offsets = [0, 134], sizes = [128, 1], strides = [1, 1]} : vector<128x250xf32> to vector<128x1xf32>
    %get3A_2572 = arith.constant 0 : index
    %get3A_2573 = arith.constant 0 : index
    %get3A_2574 = vector.load %arg4[%get3A_2572, %get3A_2573] : memref<1x128xf32, #tpu.memory_space<vmem>>, vector<1x128xf32>
    %sub3A_2575 = vector.broadcast %slice3A_2571 : vector<128x1xf32> to vector<128x128xf32>
    %sub3A_2576 = vector.broadcast %get3A_2574 : vector<1x128xf32> to vector<128x128xf32>
    %sub3A_2577 = arith.subf %sub3A_2575, %sub3A_2576 : vector<128x128xf32>
    %mul3A_2578 = vector.broadcast %div3A_21 : vector<1x128xf32> to vector<128x128xf32>
    %mul3A_2579 = arith.mulf %sub3A_2577, %mul3A_2578 : vector<128x128xf32>
    %mul3A_2580 = arith.mulf %mul3A_2579, %mul3A_2579 : vector<128x128xf32>
    %mul3A_2581 = arith.constant -0.72134751 : f32
    %mul3A_2582 = vector.broadcast %mul3A_2581 : f32 to vector<128x128xf32>
    %mul3A_2583 = arith.mulf %mul3A_2580, %mul3A_2582 : vector<128x128xf32>
    %add3A_2584 = vector.broadcast %div3A_28 : vector<1x128xf32> to vector<128x128xf32>
    %add3A_2585 = arith.addf %mul3A_2583, %add3A_2584 : vector<128x128xf32>
    %exp23A_2586 = math.exp2 %add3A_2585 : vector<128x128xf32>
    %swap3A_2587 = arith.constant 17152 : index
    %swap3A_2588 = arith.constant 0 : index
    %swap3A_2589 = vector.load %arg6[%swap3A_2587, %swap3A_2588] : memref<32000x128xf32, #tpu.memory_space<vmem>>, vector<128x128xf32>
    tpu.vector_store %arg6[%swap3A_2587, %swap3A_2588], %exp23A_2586 {strides = array<i32>} : memref<32000x128xf32, #tpu.memory_space<vmem>>, vector<128x128xf32>,
    %slice3A_2590 = vector.extract_strided_slice %transpose3A {offsets = [0, 135], sizes = [128, 1], strides = [1, 1]} : vector<128x250xf32> to vector<128x1xf32>
    %get3A_2591 = arith.constant 0 : index
    %get3A_2592 = arith.constant 0 : index
    %get3A_2593 = vector.load %arg4[%get3A_2591, %get3A_2592] : memref<1x128xf32, #tpu.memory_space<vmem>>, vector<1x128xf32>
    %sub3A_2594 = vector.broadcast %slice3A_2590 : vector<128x1xf32> to vector<128x128xf32>
    %sub3A_2595 = vector.broadcast %get3A_2593 : vector<1x128xf32> to vector<128x128xf32>
    %sub3A_2596 = arith.subf %sub3A_2594, %sub3A_2595 : vector<128x128xf32>
    %mul3A_2597 = vector.broadcast %div3A_21 : vector<1x128xf32> to vector<128x128xf32>
    %mul3A_2598 = arith.mulf %sub3A_2596, %mul3A_2597 : vector<128x128xf32>
    %mul3A_2599 = arith.mulf %mul3A_2598, %mul3A_2598 : vector<128x128xf32>
    %mul3A_2600 = arith.constant -0.72134751 : f32
    %mul3A_2601 = vector.broadcast %mul3A_2600 : f32 to vector<128x128xf32>
    %mul3A_2602 = arith.mulf %mul3A_2599, %mul3A_2601 : vector<128x128xf32>
    %add3A_2603 = vector.broadcast %div3A_28 : vector<1x128xf32> to vector<128x128xf32>
    %add3A_2604 = arith.addf %mul3A_2602, %add3A_2603 : vector<128x128xf32>
    %exp23A_2605 = math.exp2 %add3A_2604 : vector<128x128xf32>
    %swap3A_2606 = arith.constant 17280 : index
    %swap3A_2607 = arith.constant 0 : index
    %swap3A_2608 = vector.load %arg6[%swap3A_2606, %swap3A_2607] : memref<32000x128xf32, #tpu.memory_space<vmem>>, vector<128x128xf32>
    tpu.vector_store %arg6[%swap3A_2606, %swap3A_2607], %exp23A_2605 {strides = array<i32>} : memref<32000x128xf32, #tpu.memory_space<vmem>>, vector<128x128xf32>,
    %slice3A_2609 = vector.extract_strided_slice %transpose3A {offsets = [0, 136], sizes = [128, 1], strides = [1, 1]} : vector<128x250xf32> to vector<128x1xf32>
    %get3A_2610 = arith.constant 0 : index
    %get3A_2611 = arith.constant 0 : index
    %get3A_2612 = vector.load %arg4[%get3A_2610, %get3A_2611] : memref<1x128xf32, #tpu.memory_space<vmem>>, vector<1x128xf32>
    %sub3A_2613 = vector.broadcast %slice3A_2609 : vector<128x1xf32> to vector<128x128xf32>
    %sub3A_2614 = vector.broadcast %get3A_2612 : vector<1x128xf32> to vector<128x128xf32>
    %sub3A_2615 = arith.subf %sub3A_2613, %sub3A_2614 : vector<128x128xf32>
    %mul3A_2616 = vector.broadcast %div3A_21 : vector<1x128xf32> to vector<128x128xf32>
    %mul3A_2617 = arith.mulf %sub3A_2615, %mul3A_2616 : vector<128x128xf32>
    %mul3A_2618 = arith.mulf %mul3A_2617, %mul3A_2617 : vector<128x128xf32>
    %mul3A_2619 = arith.constant -0.72134751 : f32
    %mul3A_2620 = vector.broadcast %mul3A_2619 : f32 to vector<128x128xf32>
    %mul3A_2621 = arith.mulf %mul3A_2618, %mul3A_2620 : vector<128x128xf32>
    %add3A_2622 = vector.broadcast %div3A_28 : vector<1x128xf32> to vector<128x128xf32>
    %add3A_2623 = arith.addf %mul3A_2621, %add3A_2622 : vector<128x128xf32>
    %exp23A_2624 = math.exp2 %add3A_2623 : vector<128x128xf32>
    %swap3A_2625 = arith.constant 17408 : index
    %swap3A_2626 = arith.constant 0 : index
    %swap3A_2627 = vector.load %arg6[%swap3A_2625, %swap3A_2626] : memref<32000x128xf32, #tpu.memory_space<vmem>>, vector<128x128xf32>
    tpu.vector_store %arg6[%swap3A_2625, %swap3A_2626], %exp23A_2624 {strides = array<i32>} : memref<32000x128xf32, #tpu.memory_space<vmem>>, vector<128x128xf32>,
    %slice3A_2628 = vector.extract_strided_slice %transpose3A {offsets = [0, 137], sizes = [128, 1], strides = [1, 1]} : vector<128x250xf32> to vector<128x1xf32>
    %get3A_2629 = arith.constant 0 : index
    %get3A_2630 = arith.constant 0 : index
    %get3A_2631 = vector.load %arg4[%get3A_2629, %get3A_2630] : memref<1x128xf32, #tpu.memory_space<vmem>>, vector<1x128xf32>
    %sub3A_2632 = vector.broadcast %slice3A_2628 : vector<128x1xf32> to vector<128x128xf32>
    %sub3A_2633 = vector.broadcast %get3A_2631 : vector<1x128xf32> to vector<128x128xf32>
    %sub3A_2634 = arith.subf %sub3A_2632, %sub3A_2633 : vector<128x128xf32>
    %mul3A_2635 = vector.broadcast %div3A_21 : vector<1x128xf32> to vector<128x128xf32>
    %mul3A_2636 = arith.mulf %sub3A_2634, %mul3A_2635 : vector<128x128xf32>
    %mul3A_2637 = arith.mulf %mul3A_2636, %mul3A_2636 : vector<128x128xf32>
    %mul3A_2638 = arith.constant -0.72134751 : f32
    %mul3A_2639 = vector.broadcast %mul3A_2638 : f32 to vector<128x128xf32>
    %mul3A_2640 = arith.mulf %mul3A_2637, %mul3A_2639 : vector<128x128xf32>
    %add3A_2641 = vector.broadcast %div3A_28 : vector<1x128xf32> to vector<128x128xf32>
    %add3A_2642 = arith.addf %mul3A_2640, %add3A_2641 : vector<128x128xf32>
    %exp23A_2643 = math.exp2 %add3A_2642 : vector<128x128xf32>
    %swap3A_2644 = arith.constant 17536 : index
    %swap3A_2645 = arith.constant 0 : index
    %swap3A_2646 = vector.load %arg6[%swap3A_2644, %swap3A_2645] : memref<32000x128xf32, #tpu.memory_space<vmem>>, vector<128x128xf32>
    tpu.vector_store %arg6[%swap3A_2644, %swap3A_2645], %exp23A_2643 {strides = array<i32>} : memref<32000x128xf32, #tpu.memory_space<vmem>>, vector<128x128xf32>,
    %slice3A_2647 = vector.extract_strided_slice %transpose3A {offsets = [0, 138], sizes = [128, 1], strides = [1, 1]} : vector<128x250xf32> to vector<128x1xf32>
    %get3A_2648 = arith.constant 0 : index
    %get3A_2649 = arith.constant 0 : index
    %get3A_2650 = vector.load %arg4[%get3A_2648, %get3A_2649] : memref<1x128xf32, #tpu.memory_space<vmem>>, vector<1x128xf32>
    %sub3A_2651 = vector.broadcast %slice3A_2647 : vector<128x1xf32> to vector<128x128xf32>
    %sub3A_2652 = vector.broadcast %get3A_2650 : vector<1x128xf32> to vector<128x128xf32>
    %sub3A_2653 = arith.subf %sub3A_2651, %sub3A_2652 : vector<128x128xf32>
    %mul3A_2654 = vector.broadcast %div3A_21 : vector<1x128xf32> to vector<128x128xf32>
    %mul3A_2655 = arith.mulf %sub3A_2653, %mul3A_2654 : vector<128x128xf32>
    %mul3A_2656 = arith.mulf %mul3A_2655, %mul3A_2655 : vector<128x128xf32>
    %mul3A_2657 = arith.constant -0.72134751 : f32
    %mul3A_2658 = vector.broadcast %mul3A_2657 : f32 to vector<128x128xf32>
    %mul3A_2659 = arith.mulf %mul3A_2656, %mul3A_2658 : vector<128x128xf32>
    %add3A_2660 = vector.broadcast %div3A_28 : vector<1x128xf32> to vector<128x128xf32>
    %add3A_2661 = arith.addf %mul3A_2659, %add3A_2660 : vector<128x128xf32>
    %exp23A_2662 = math.exp2 %add3A_2661 : vector<128x128xf32>
    %swap3A_2663 = arith.constant 17664 : index
    %swap3A_2664 = arith.constant 0 : index
    %swap3A_2665 = vector.load %arg6[%swap3A_2663, %swap3A_2664] : memref<32000x128xf32, #tpu.memory_space<vmem>>, vector<128x128xf32>
    tpu.vector_store %arg6[%swap3A_2663, %swap3A_2664], %exp23A_2662 {strides = array<i32>} : memref<32000x128xf32, #tpu.memory_space<vmem>>, vector<128x128xf32>,
    %slice3A_2666 = vector.extract_strided_slice %transpose3A {offsets = [0, 139], sizes = [128, 1], strides = [1, 1]} : vector<128x250xf32> to vector<128x1xf32>
    %get3A_2667 = arith.constant 0 : index
    %get3A_2668 = arith.constant 0 : index
    %get3A_2669 = vector.load %arg4[%get3A_2667, %get3A_2668] : memref<1x128xf32, #tpu.memory_space<vmem>>, vector<1x128xf32>
    %sub3A_2670 = vector.broadcast %slice3A_2666 : vector<128x1xf32> to vector<128x128xf32>
    %sub3A_2671 = vector.broadcast %get3A_2669 : vector<1x128xf32> to vector<128x128xf32>
    %sub3A_2672 = arith.subf %sub3A_2670, %sub3A_2671 : vector<128x128xf32>
    %mul3A_2673 = vector.broadcast %div3A_21 : vector<1x128xf32> to vector<128x128xf32>
    %mul3A_2674 = arith.mulf %sub3A_2672, %mul3A_2673 : vector<128x128xf32>
    %mul3A_2675 = arith.mulf %mul3A_2674, %mul3A_2674 : vector<128x128xf32>
    %mul3A_2676 = arith.constant -0.72134751 : f32
    %mul3A_2677 = vector.broadcast %mul3A_2676 : f32 to vector<128x128xf32>
    %mul3A_2678 = arith.mulf %mul3A_2675, %mul3A_2677 : vector<128x128xf32>
    %add3A_2679 = vector.broadcast %div3A_28 : vector<1x128xf32> to vector<128x128xf32>
    %add3A_2680 = arith.addf %mul3A_2678, %add3A_2679 : vector<128x128xf32>
    %exp23A_2681 = math.exp2 %add3A_2680 : vector<128x128xf32>
    %swap3A_2682 = arith.constant 17792 : index
    %swap3A_2683 = arith.constant 0 : index
    %swap3A_2684 = vector.load %arg6[%swap3A_2682, %swap3A_2683] : memref<32000x128xf32, #tpu.memory_space<vmem>>, vector<128x128xf32>
    tpu.vector_store %arg6[%swap3A_2682, %swap3A_2683], %exp23A_2681 {strides = array<i32>} : memref<32000x128xf32, #tpu.memory_space<vmem>>, vector<128x128xf32>,
    %slice3A_2685 = vector.extract_strided_slice %transpose3A {offsets = [0, 140], sizes = [128, 1], strides = [1, 1]} : vector<128x250xf32> to vector<128x1xf32>
    %get3A_2686 = arith.constant 0 : index
    %get3A_2687 = arith.constant 0 : index
    %get3A_2688 = vector.load %arg4[%get3A_2686, %get3A_2687] : memref<1x128xf32, #tpu.memory_space<vmem>>, vector<1x128xf32>
    %sub3A_2689 = vector.broadcast %slice3A_2685 : vector<128x1xf32> to vector<128x128xf32>
    %sub3A_2690 = vector.broadcast %get3A_2688 : vector<1x128xf32> to vector<128x128xf32>
    %sub3A_2691 = arith.subf %sub3A_2689, %sub3A_2690 : vector<128x128xf32>
    %mul3A_2692 = vector.broadcast %div3A_21 : vector<1x128xf32> to vector<128x128xf32>
    %mul3A_2693 = arith.mulf %sub3A_2691, %mul3A_2692 : vector<128x128xf32>
    %mul3A_2694 = arith.mulf %mul3A_2693, %mul3A_2693 : vector<128x128xf32>
    %mul3A_2695 = arith.constant -0.72134751 : f32
    %mul3A_2696 = vector.broadcast %mul3A_2695 : f32 to vector<128x128xf32>
    %mul3A_2697 = arith.mulf %mul3A_2694, %mul3A_2696 : vector<128x128xf32>
    %add3A_2698 = vector.broadcast %div3A_28 : vector<1x128xf32> to vector<128x128xf32>
    %add3A_2699 = arith.addf %mul3A_2697, %add3A_2698 : vector<128x128xf32>
    %exp23A_2700 = math.exp2 %add3A_2699 : vector<128x128xf32>
    %swap3A_2701 = arith.constant 17920 : index
    %swap3A_2702 = arith.constant 0 : index
    %swap3A_2703 = vector.load %arg6[%swap3A_2701, %swap3A_2702] : memref<32000x128xf32, #tpu.memory_space<vmem>>, vector<128x128xf32>
    tpu.vector_store %arg6[%swap3A_2701, %swap3A_2702], %exp23A_2700 {strides = array<i32>} : memref<32000x128xf32, #tpu.memory_space<vmem>>, vector<128x128xf32>,
    %slice3A_2704 = vector.extract_strided_slice %transpose3A {offsets = [0, 141], sizes = [128, 1], strides = [1, 1]} : vector<128x250xf32> to vector<128x1xf32>
    %get3A_2705 = arith.constant 0 : index
    %get3A_2706 = arith.constant 0 : index
    %get3A_2707 = vector.load %arg4[%get3A_2705, %get3A_2706] : memref<1x128xf32, #tpu.memory_space<vmem>>, vector<1x128xf32>
    %sub3A_2708 = vector.broadcast %slice3A_2704 : vector<128x1xf32> to vector<128x128xf32>
    %sub3A_2709 = vector.broadcast %get3A_2707 : vector<1x128xf32> to vector<128x128xf32>
    %sub3A_2710 = arith.subf %sub3A_2708, %sub3A_2709 : vector<128x128xf32>
    %mul3A_2711 = vector.broadcast %div3A_21 : vector<1x128xf32> to vector<128x128xf32>
    %mul3A_2712 = arith.mulf %sub3A_2710, %mul3A_2711 : vector<128x128xf32>
    %mul3A_2713 = arith.mulf %mul3A_2712, %mul3A_2712 : vector<128x128xf32>
    %mul3A_2714 = arith.constant -0.72134751 : f32
    %mul3A_2715 = vector.broadcast %mul3A_2714 : f32 to vector<128x128xf32>
    %mul3A_2716 = arith.mulf %mul3A_2713, %mul3A_2715 : vector<128x128xf32>
    %add3A_2717 = vector.broadcast %div3A_28 : vector<1x128xf32> to vector<128x128xf32>
    %add3A_2718 = arith.addf %mul3A_2716, %add3A_2717 : vector<128x128xf32>
    %exp23A_2719 = math.exp2 %add3A_2718 : vector<128x128xf32>
    %swap3A_2720 = arith.constant 18048 : index
    %swap3A_2721 = arith.constant 0 : index
    %swap3A_2722 = vector.load %arg6[%swap3A_2720, %swap3A_2721] : memref<32000x128xf32, #tpu.memory_space<vmem>>, vector<128x128xf32>
    tpu.vector_store %arg6[%swap3A_2720, %swap3A_2721], %exp23A_2719 {strides = array<i32>} : memref<32000x128xf32, #tpu.memory_space<vmem>>, vector<128x128xf32>,
    %slice3A_2723 = vector.extract_strided_slice %transpose3A {offsets = [0, 142], sizes = [128, 1], strides = [1, 1]} : vector<128x250xf32> to vector<128x1xf32>
    %get3A_2724 = arith.constant 0 : index
    %get3A_2725 = arith.constant 0 : index
    %get3A_2726 = vector.load %arg4[%get3A_2724, %get3A_2725] : memref<1x128xf32, #tpu.memory_space<vmem>>, vector<1x128xf32>
    %sub3A_2727 = vector.broadcast %slice3A_2723 : vector<128x1xf32> to vector<128x128xf32>
    %sub3A_2728 = vector.broadcast %get3A_2726 : vector<1x128xf32> to vector<128x128xf32>
    %sub3A_2729 = arith.subf %sub3A_2727, %sub3A_2728 : vector<128x128xf32>
    %mul3A_2730 = vector.broadcast %div3A_21 : vector<1x128xf32> to vector<128x128xf32>
    %mul3A_2731 = arith.mulf %sub3A_2729, %mul3A_2730 : vector<128x128xf32>
    %mul3A_2732 = arith.mulf %mul3A_2731, %mul3A_2731 : vector<128x128xf32>
    %mul3A_2733 = arith.constant -0.72134751 : f32
    %mul3A_2734 = vector.broadcast %mul3A_2733 : f32 to vector<128x128xf32>
    %mul3A_2735 = arith.mulf %mul3A_2732, %mul3A_2734 : vector<128x128xf32>
    %add3A_2736 = vector.broadcast %div3A_28 : vector<1x128xf32> to vector<128x128xf32>
    %add3A_2737 = arith.addf %mul3A_2735, %add3A_2736 : vector<128x128xf32>
    %exp23A_2738 = math.exp2 %add3A_2737 : vector<128x128xf32>
    %swap3A_2739 = arith.constant 18176 : index
    %swap3A_2740 = arith.constant 0 : index
    %swap3A_2741 = vector.load %arg6[%swap3A_2739, %swap3A_2740] : memref<32000x128xf32, #tpu.memory_space<vmem>>, vector<128x128xf32>
    tpu.vector_store %arg6[%swap3A_2739, %swap3A_2740], %exp23A_2738 {strides = array<i32>} : memref<32000x128xf32, #tpu.memory_space<vmem>>, vector<128x128xf32>,
    %slice3A_2742 = vector.extract_strided_slice %transpose3A {offsets = [0, 143], sizes = [128, 1], strides = [1, 1]} : vector<128x250xf32> to vector<128x1xf32>
    %get3A_2743 = arith.constant 0 : index
    %get3A_2744 = arith.constant 0 : index
    %get3A_2745 = vector.load %arg4[%get3A_2743, %get3A_2744] : memref<1x128xf32, #tpu.memory_space<vmem>>, vector<1x128xf32>
    %sub3A_2746 = vector.broadcast %slice3A_2742 : vector<128x1xf32> to vector<128x128xf32>
    %sub3A_2747 = vector.broadcast %get3A_2745 : vector<1x128xf32> to vector<128x128xf32>
    %sub3A_2748 = arith.subf %sub3A_2746, %sub3A_2747 : vector<128x128xf32>
    %mul3A_2749 = vector.broadcast %div3A_21 : vector<1x128xf32> to vector<128x128xf32>
    %mul3A_2750 = arith.mulf %sub3A_2748, %mul3A_2749 : vector<128x128xf32>
    %mul3A_2751 = arith.mulf %mul3A_2750, %mul3A_2750 : vector<128x128xf32>
    %mul3A_2752 = arith.constant -0.72134751 : f32
    %mul3A_2753 = vector.broadcast %mul3A_2752 : f32 to vector<128x128xf32>
    %mul3A_2754 = arith.mulf %mul3A_2751, %mul3A_2753 : vector<128x128xf32>
    %add3A_2755 = vector.broadcast %div3A_28 : vector<1x128xf32> to vector<128x128xf32>
    %add3A_2756 = arith.addf %mul3A_2754, %add3A_2755 : vector<128x128xf32>
    %exp23A_2757 = math.exp2 %add3A_2756 : vector<128x128xf32>
    %swap3A_2758 = arith.constant 18304 : index
    %swap3A_2759 = arith.constant 0 : index
    %swap3A_2760 = vector.load %arg6[%swap3A_2758, %swap3A_2759] : memref<32000x128xf32, #tpu.memory_space<vmem>>, vector<128x128xf32>
    tpu.vector_store %arg6[%swap3A_2758, %swap3A_2759], %exp23A_2757 {strides = array<i32>} : memref<32000x128xf32, #tpu.memory_space<vmem>>, vector<128x128xf32>,
    %slice3A_2761 = vector.extract_strided_slice %transpose3A {offsets = [0, 144], sizes = [128, 1], strides = [1, 1]} : vector<128x250xf32> to vector<128x1xf32>
    %get3A_2762 = arith.constant 0 : index
    %get3A_2763 = arith.constant 0 : index
    %get3A_2764 = vector.load %arg4[%get3A_2762, %get3A_2763] : memref<1x128xf32, #tpu.memory_space<vmem>>, vector<1x128xf32>
    %sub3A_2765 = vector.broadcast %slice3A_2761 : vector<128x1xf32> to vector<128x128xf32>
    %sub3A_2766 = vector.broadcast %get3A_2764 : vector<1x128xf32> to vector<128x128xf32>
    %sub3A_2767 = arith.subf %sub3A_2765, %sub3A_2766 : vector<128x128xf32>
    %mul3A_2768 = vector.broadcast %div3A_21 : vector<1x128xf32> to vector<128x128xf32>
    %mul3A_2769 = arith.mulf %sub3A_2767, %mul3A_2768 : vector<128x128xf32>
    %mul3A_2770 = arith.mulf %mul3A_2769, %mul3A_2769 : vector<128x128xf32>
    %mul3A_2771 = arith.constant -0.72134751 : f32
    %mul3A_2772 = vector.broadcast %mul3A_2771 : f32 to vector<128x128xf32>
    %mul3A_2773 = arith.mulf %mul3A_2770, %mul3A_2772 : vector<128x128xf32>
    %add3A_2774 = vector.broadcast %div3A_28 : vector<1x128xf32> to vector<128x128xf32>
    %add3A_2775 = arith.addf %mul3A_2773, %add3A_2774 : vector<128x128xf32>
    %exp23A_2776 = math.exp2 %add3A_2775 : vector<128x128xf32>
    %swap3A_2777 = arith.constant 18432 : index
    %swap3A_2778 = arith.constant 0 : index
    %swap3A_2779 = vector.load %arg6[%swap3A_2777, %swap3A_2778] : memref<32000x128xf32, #tpu.memory_space<vmem>>, vector<128x128xf32>
    tpu.vector_store %arg6[%swap3A_2777, %swap3A_2778], %exp23A_2776 {strides = array<i32>} : memref<32000x128xf32, #tpu.memory_space<vmem>>, vector<128x128xf32>,
    %slice3A_2780 = vector.extract_strided_slice %transpose3A {offsets = [0, 145], sizes = [128, 1], strides = [1, 1]} : vector<128x250xf32> to vector<128x1xf32>
    %get3A_2781 = arith.constant 0 : index
    %get3A_2782 = arith.constant 0 : index
    %get3A_2783 = vector.load %arg4[%get3A_2781, %get3A_2782] : memref<1x128xf32, #tpu.memory_space<vmem>>, vector<1x128xf32>
    %sub3A_2784 = vector.broadcast %slice3A_2780 : vector<128x1xf32> to vector<128x128xf32>
    %sub3A_2785 = vector.broadcast %get3A_2783 : vector<1x128xf32> to vector<128x128xf32>
    %sub3A_2786 = arith.subf %sub3A_2784, %sub3A_2785 : vector<128x128xf32>
    %mul3A_2787 = vector.broadcast %div3A_21 : vector<1x128xf32> to vector<128x128xf32>
    %mul3A_2788 = arith.mulf %sub3A_2786, %mul3A_2787 : vector<128x128xf32>
    %mul3A_2789 = arith.mulf %mul3A_2788, %mul3A_2788 : vector<128x128xf32>
    %mul3A_2790 = arith.constant -0.72134751 : f32
    %mul3A_2791 = vector.broadcast %mul3A_2790 : f32 to vector<128x128xf32>
    %mul3A_2792 = arith.mulf %mul3A_2789, %mul3A_2791 : vector<128x128xf32>
    %add3A_2793 = vector.broadcast %div3A_28 : vector<1x128xf32> to vector<128x128xf32>
    %add3A_2794 = arith.addf %mul3A_2792, %add3A_2793 : vector<128x128xf32>
    %exp23A_2795 = math.exp2 %add3A_2794 : vector<128x128xf32>
    %swap3A_2796 = arith.constant 18560 : index
    %swap3A_2797 = arith.constant 0 : index
    %swap3A_2798 = vector.load %arg6[%swap3A_2796, %swap3A_2797] : memref<32000x128xf32, #tpu.memory_space<vmem>>, vector<128x128xf32>
    tpu.vector_store %arg6[%swap3A_2796, %swap3A_2797], %exp23A_2795 {strides = array<i32>} : memref<32000x128xf32, #tpu.memory_space<vmem>>, vector<128x128xf32>,
    %slice3A_2799 = vector.extract_strided_slice %transpose3A {offsets = [0, 146], sizes = [128, 1], strides = [1, 1]} : vector<128x250xf32> to vector<128x1xf32>
    %get3A_2800 = arith.constant 0 : index
    %get3A_2801 = arith.constant 0 : index
    %get3A_2802 = vector.load %arg4[%get3A_2800, %get3A_2801] : memref<1x128xf32, #tpu.memory_space<vmem>>, vector<1x128xf32>
    %sub3A_2803 = vector.broadcast %slice3A_2799 : vector<128x1xf32> to vector<128x128xf32>
    %sub3A_2804 = vector.broadcast %get3A_2802 : vector<1x128xf32> to vector<128x128xf32>
    %sub3A_2805 = arith.subf %sub3A_2803, %sub3A_2804 : vector<128x128xf32>
    %mul3A_2806 = vector.broadcast %div3A_21 : vector<1x128xf32> to vector<128x128xf32>
    %mul3A_2807 = arith.mulf %sub3A_2805, %mul3A_2806 : vector<128x128xf32>
    %mul3A_2808 = arith.mulf %mul3A_2807, %mul3A_2807 : vector<128x128xf32>
    %mul3A_2809 = arith.constant -0.72134751 : f32
    %mul3A_2810 = vector.broadcast %mul3A_2809 : f32 to vector<128x128xf32>
    %mul3A_2811 = arith.mulf %mul3A_2808, %mul3A_2810 : vector<128x128xf32>
    %add3A_2812 = vector.broadcast %div3A_28 : vector<1x128xf32> to vector<128x128xf32>
    %add3A_2813 = arith.addf %mul3A_2811, %add3A_2812 : vector<128x128xf32>
    %exp23A_2814 = math.exp2 %add3A_2813 : vector<128x128xf32>
    %swap3A_2815 = arith.constant 18688 : index
    %swap3A_2816 = arith.constant 0 : index
    %swap3A_2817 = vector.load %arg6[%swap3A_2815, %swap3A_2816] : memref<32000x128xf32, #tpu.memory_space<vmem>>, vector<128x128xf32>
    tpu.vector_store %arg6[%swap3A_2815, %swap3A_2816], %exp23A_2814 {strides = array<i32>} : memref<32000x128xf32, #tpu.memory_space<vmem>>, vector<128x128xf32>,
    %slice3A_2818 = vector.extract_strided_slice %transpose3A {offsets = [0, 147], sizes = [128, 1], strides = [1, 1]} : vector<128x250xf32> to vector<128x1xf32>
    %get3A_2819 = arith.constant 0 : index
    %get3A_2820 = arith.constant 0 : index
    %get3A_2821 = vector.load %arg4[%get3A_2819, %get3A_2820] : memref<1x128xf32, #tpu.memory_space<vmem>>, vector<1x128xf32>
    %sub3A_2822 = vector.broadcast %slice3A_2818 : vector<128x1xf32> to vector<128x128xf32>
    %sub3A_2823 = vector.broadcast %get3A_2821 : vector<1x128xf32> to vector<128x128xf32>
    %sub3A_2824 = arith.subf %sub3A_2822, %sub3A_2823 : vector<128x128xf32>
    %mul3A_2825 = vector.broadcast %div3A_21 : vector<1x128xf32> to vector<128x128xf32>
    %mul3A_2826 = arith.mulf %sub3A_2824, %mul3A_2825 : vector<128x128xf32>
    %mul3A_2827 = arith.mulf %mul3A_2826, %mul3A_2826 : vector<128x128xf32>
    %mul3A_2828 = arith.constant -0.72134751 : f32
    %mul3A_2829 = vector.broadcast %mul3A_2828 : f32 to vector<128x128xf32>
    %mul3A_2830 = arith.mulf %mul3A_2827, %mul3A_2829 : vector<128x128xf32>
    %add3A_2831 = vector.broadcast %div3A_28 : vector<1x128xf32> to vector<128x128xf32>
    %add3A_2832 = arith.addf %mul3A_2830, %add3A_2831 : vector<128x128xf32>
    %exp23A_2833 = math.exp2 %add3A_2832 : vector<128x128xf32>
    %swap3A_2834 = arith.constant 18816 : index
    %swap3A_2835 = arith.constant 0 : index
    %swap3A_2836 = vector.load %arg6[%swap3A_2834, %swap3A_2835] : memref<32000x128xf32, #tpu.memory_space<vmem>>, vector<128x128xf32>
    tpu.vector_store %arg6[%swap3A_2834, %swap3A_2835], %exp23A_2833 {strides = array<i32>} : memref<32000x128xf32, #tpu.memory_space<vmem>>, vector<128x128xf32>,
    %slice3A_2837 = vector.extract_strided_slice %transpose3A {offsets = [0, 148], sizes = [128, 1], strides = [1, 1]} : vector<128x250xf32> to vector<128x1xf32>
    %get3A_2838 = arith.constant 0 : index
    %get3A_2839 = arith.constant 0 : index
    %get3A_2840 = vector.load %arg4[%get3A_2838, %get3A_2839] : memref<1x128xf32, #tpu.memory_space<vmem>>, vector<1x128xf32>
    %sub3A_2841 = vector.broadcast %slice3A_2837 : vector<128x1xf32> to vector<128x128xf32>
    %sub3A_2842 = vector.broadcast %get3A_2840 : vector<1x128xf32> to vector<128x128xf32>
    %sub3A_2843 = arith.subf %sub3A_2841, %sub3A_2842 : vector<128x128xf32>
    %mul3A_2844 = vector.broadcast %div3A_21 : vector<1x128xf32> to vector<128x128xf32>
    %mul3A_2845 = arith.mulf %sub3A_2843, %mul3A_2844 : vector<128x128xf32>
    %mul3A_2846 = arith.mulf %mul3A_2845, %mul3A_2845 : vector<128x128xf32>
    %mul3A_2847 = arith.constant -0.72134751 : f32
    %mul3A_2848 = vector.broadcast %mul3A_2847 : f32 to vector<128x128xf32>
    %mul3A_2849 = arith.mulf %mul3A_2846, %mul3A_2848 : vector<128x128xf32>
    %add3A_2850 = vector.broadcast %div3A_28 : vector<1x128xf32> to vector<128x128xf32>
    %add3A_2851 = arith.addf %mul3A_2849, %add3A_2850 : vector<128x128xf32>
    %exp23A_2852 = math.exp2 %add3A_2851 : vector<128x128xf32>
    %swap3A_2853 = arith.constant 18944 : index
    %swap3A_2854 = arith.constant 0 : index
    %swap3A_2855 = vector.load %arg6[%swap3A_2853, %swap3A_2854] : memref<32000x128xf32, #tpu.memory_space<vmem>>, vector<128x128xf32>
    tpu.vector_store %arg6[%swap3A_2853, %swap3A_2854], %exp23A_2852 {strides = array<i32>} : memref<32000x128xf32, #tpu.memory_space<vmem>>, vector<128x128xf32>,
    %slice3A_2856 = vector.extract_strided_slice %transpose3A {offsets = [0, 149], sizes = [128, 1], strides = [1, 1]} : vector<128x250xf32> to vector<128x1xf32>
    %get3A_2857 = arith.constant 0 : index
    %get3A_2858 = arith.constant 0 : index
    %get3A_2859 = vector.load %arg4[%get3A_2857, %get3A_2858] : memref<1x128xf32, #tpu.memory_space<vmem>>, vector<1x128xf32>
    %sub3A_2860 = vector.broadcast %slice3A_2856 : vector<128x1xf32> to vector<128x128xf32>
    %sub3A_2861 = vector.broadcast %get3A_2859 : vector<1x128xf32> to vector<128x128xf32>
    %sub3A_2862 = arith.subf %sub3A_2860, %sub3A_2861 : vector<128x128xf32>
    %mul3A_2863 = vector.broadcast %div3A_21 : vector<1x128xf32> to vector<128x128xf32>
    %mul3A_2864 = arith.mulf %sub3A_2862, %mul3A_2863 : vector<128x128xf32>
    %mul3A_2865 = arith.mulf %mul3A_2864, %mul3A_2864 : vector<128x128xf32>
    %mul3A_2866 = arith.constant -0.72134751 : f32
    %mul3A_2867 = vector.broadcast %mul3A_2866 : f32 to vector<128x128xf32>
    %mul3A_2868 = arith.mulf %mul3A_2865, %mul3A_2867 : vector<128x128xf32>
    %add3A_2869 = vector.broadcast %div3A_28 : vector<1x128xf32> to vector<128x128xf32>
    %add3A_2870 = arith.addf %mul3A_2868, %add3A_2869 : vector<128x128xf32>
    %exp23A_2871 = math.exp2 %add3A_2870 : vector<128x128xf32>
    %swap3A_2872 = arith.constant 19072 : index
    %swap3A_2873 = arith.constant 0 : index
    %swap3A_2874 = vector.load %arg6[%swap3A_2872, %swap3A_2873] : memref<32000x128xf32, #tpu.memory_space<vmem>>, vector<128x128xf32>
    tpu.vector_store %arg6[%swap3A_2872, %swap3A_2873], %exp23A_2871 {strides = array<i32>} : memref<32000x128xf32, #tpu.memory_space<vmem>>, vector<128x128xf32>,
    %slice3A_2875 = vector.extract_strided_slice %transpose3A {offsets = [0, 150], sizes = [128, 1], strides = [1, 1]} : vector<128x250xf32> to vector<128x1xf32>
    %get3A_2876 = arith.constant 0 : index
    %get3A_2877 = arith.constant 0 : index
    %get3A_2878 = vector.load %arg4[%get3A_2876, %get3A_2877] : memref<1x128xf32, #tpu.memory_space<vmem>>, vector<1x128xf32>
    %sub3A_2879 = vector.broadcast %slice3A_2875 : vector<128x1xf32> to vector<128x128xf32>
    %sub3A_2880 = vector.broadcast %get3A_2878 : vector<1x128xf32> to vector<128x128xf32>
    %sub3A_2881 = arith.subf %sub3A_2879, %sub3A_2880 : vector<128x128xf32>
    %mul3A_2882 = vector.broadcast %div3A_21 : vector<1x128xf32> to vector<128x128xf32>
    %mul3A_2883 = arith.mulf %sub3A_2881, %mul3A_2882 : vector<128x128xf32>
    %mul3A_2884 = arith.mulf %mul3A_2883, %mul3A_2883 : vector<128x128xf32>
    %mul3A_2885 = arith.constant -0.72134751 : f32
    %mul3A_2886 = vector.broadcast %mul3A_2885 : f32 to vector<128x128xf32>
    %mul3A_2887 = arith.mulf %mul3A_2884, %mul3A_2886 : vector<128x128xf32>
    %add3A_2888 = vector.broadcast %div3A_28 : vector<1x128xf32> to vector<128x128xf32>
    %add3A_2889 = arith.addf %mul3A_2887, %add3A_2888 : vector<128x128xf32>
    %exp23A_2890 = math.exp2 %add3A_2889 : vector<128x128xf32>
    %swap3A_2891 = arith.constant 19200 : index
    %swap3A_2892 = arith.constant 0 : index
    %swap3A_2893 = vector.load %arg6[%swap3A_2891, %swap3A_2892] : memref<32000x128xf32, #tpu.memory_space<vmem>>, vector<128x128xf32>
    tpu.vector_store %arg6[%swap3A_2891, %swap3A_2892], %exp23A_2890 {strides = array<i32>} : memref<32000x128xf32, #tpu.memory_space<vmem>>, vector<128x128xf32>,
    %slice3A_2894 = vector.extract_strided_slice %transpose3A {offsets = [0, 151], sizes = [128, 1], strides = [1, 1]} : vector<128x250xf32> to vector<128x1xf32>
    %get3A_2895 = arith.constant 0 : index
    %get3A_2896 = arith.constant 0 : index
    %get3A_2897 = vector.load %arg4[%get3A_2895, %get3A_2896] : memref<1x128xf32, #tpu.memory_space<vmem>>, vector<1x128xf32>
    %sub3A_2898 = vector.broadcast %slice3A_2894 : vector<128x1xf32> to vector<128x128xf32>
    %sub3A_2899 = vector.broadcast %get3A_2897 : vector<1x128xf32> to vector<128x128xf32>
    %sub3A_2900 = arith.subf %sub3A_2898, %sub3A_2899 : vector<128x128xf32>
    %mul3A_2901 = vector.broadcast %div3A_21 : vector<1x128xf32> to vector<128x128xf32>
    %mul3A_2902 = arith.mulf %sub3A_2900, %mul3A_2901 : vector<128x128xf32>
    %mul3A_2903 = arith.mulf %mul3A_2902, %mul3A_2902 : vector<128x128xf32>
    %mul3A_2904 = arith.constant -0.72134751 : f32
    %mul3A_2905 = vector.broadcast %mul3A_2904 : f32 to vector<128x128xf32>
    %mul3A_2906 = arith.mulf %mul3A_2903, %mul3A_2905 : vector<128x128xf32>
    %add3A_2907 = vector.broadcast %div3A_28 : vector<1x128xf32> to vector<128x128xf32>
    %add3A_2908 = arith.addf %mul3A_2906, %add3A_2907 : vector<128x128xf32>
    %exp23A_2909 = math.exp2 %add3A_2908 : vector<128x128xf32>
    %swap3A_2910 = arith.constant 19328 : index
    %swap3A_2911 = arith.constant 0 : index
    %swap3A_2912 = vector.load %arg6[%swap3A_2910, %swap3A_2911] : memref<32000x128xf32, #tpu.memory_space<vmem>>, vector<128x128xf32>
    tpu.vector_store %arg6[%swap3A_2910, %swap3A_2911], %exp23A_2909 {strides = array<i32>} : memref<32000x128xf32, #tpu.memory_space<vmem>>, vector<128x128xf32>,
    %slice3A_2913 = vector.extract_strided_slice %transpose3A {offsets = [0, 152], sizes = [128, 1], strides = [1, 1]} : vector<128x250xf32> to vector<128x1xf32>
    %get3A_2914 = arith.constant 0 : index
    %get3A_2915 = arith.constant 0 : index
    %get3A_2916 = vector.load %arg4[%get3A_2914, %get3A_2915] : memref<1x128xf32, #tpu.memory_space<vmem>>, vector<1x128xf32>
    %sub3A_2917 = vector.broadcast %slice3A_2913 : vector<128x1xf32> to vector<128x128xf32>
    %sub3A_2918 = vector.broadcast %get3A_2916 : vector<1x128xf32> to vector<128x128xf32>
    %sub3A_2919 = arith.subf %sub3A_2917, %sub3A_2918 : vector<128x128xf32>
    %mul3A_2920 = vector.broadcast %div3A_21 : vector<1x128xf32> to vector<128x128xf32>
    %mul3A_2921 = arith.mulf %sub3A_2919, %mul3A_2920 : vector<128x128xf32>
    %mul3A_2922 = arith.mulf %mul3A_2921, %mul3A_2921 : vector<128x128xf32>
    %mul3A_2923 = arith.constant -0.72134751 : f32
    %mul3A_2924 = vector.broadcast %mul3A_2923 : f32 to vector<128x128xf32>
    %mul3A_2925 = arith.mulf %mul3A_2922, %mul3A_2924 : vector<128x128xf32>
    %add3A_2926 = vector.broadcast %div3A_28 : vector<1x128xf32> to vector<128x128xf32>
    %add3A_2927 = arith.addf %mul3A_2925, %add3A_2926 : vector<128x128xf32>
    %exp23A_2928 = math.exp2 %add3A_2927 : vector<128x128xf32>
    %swap3A_2929 = arith.constant 19456 : index
    %swap3A_2930 = arith.constant 0 : index
    %swap3A_2931 = vector.load %arg6[%swap3A_2929, %swap3A_2930] : memref<32000x128xf32, #tpu.memory_space<vmem>>, vector<128x128xf32>
    tpu.vector_store %arg6[%swap3A_2929, %swap3A_2930], %exp23A_2928 {strides = array<i32>} : memref<32000x128xf32, #tpu.memory_space<vmem>>, vector<128x128xf32>,
    %slice3A_2932 = vector.extract_strided_slice %transpose3A {offsets = [0, 153], sizes = [128, 1], strides = [1, 1]} : vector<128x250xf32> to vector<128x1xf32>
    %get3A_2933 = arith.constant 0 : index
    %get3A_2934 = arith.constant 0 : index
    %get3A_2935 = vector.load %arg4[%get3A_2933, %get3A_2934] : memref<1x128xf32, #tpu.memory_space<vmem>>, vector<1x128xf32>
    %sub3A_2936 = vector.broadcast %slice3A_2932 : vector<128x1xf32> to vector<128x128xf32>
    %sub3A_2937 = vector.broadcast %get3A_2935 : vector<1x128xf32> to vector<128x128xf32>
    %sub3A_2938 = arith.subf %sub3A_2936, %sub3A_2937 : vector<128x128xf32>
    %mul3A_2939 = vector.broadcast %div3A_21 : vector<1x128xf32> to vector<128x128xf32>
    %mul3A_2940 = arith.mulf %sub3A_2938, %mul3A_2939 : vector<128x128xf32>
    %mul3A_2941 = arith.mulf %mul3A_2940, %mul3A_2940 : vector<128x128xf32>
    %mul3A_2942 = arith.constant -0.72134751 : f32
    %mul3A_2943 = vector.broadcast %mul3A_2942 : f32 to vector<128x128xf32>
    %mul3A_2944 = arith.mulf %mul3A_2941, %mul3A_2943 : vector<128x128xf32>
    %add3A_2945 = vector.broadcast %div3A_28 : vector<1x128xf32> to vector<128x128xf32>
    %add3A_2946 = arith.addf %mul3A_2944, %add3A_2945 : vector<128x128xf32>
    %exp23A_2947 = math.exp2 %add3A_2946 : vector<128x128xf32>
    %swap3A_2948 = arith.constant 19584 : index
    %swap3A_2949 = arith.constant 0 : index
    %swap3A_2950 = vector.load %arg6[%swap3A_2948, %swap3A_2949] : memref<32000x128xf32, #tpu.memory_space<vmem>>, vector<128x128xf32>
    tpu.vector_store %arg6[%swap3A_2948, %swap3A_2949], %exp23A_2947 {strides = array<i32>} : memref<32000x128xf32, #tpu.memory_space<vmem>>, vector<128x128xf32>,
    %slice3A_2951 = vector.extract_strided_slice %transpose3A {offsets = [0, 154], sizes = [128, 1], strides = [1, 1]} : vector<128x250xf32> to vector<128x1xf32>
    %get3A_2952 = arith.constant 0 : index
    %get3A_2953 = arith.constant 0 : index
    %get3A_2954 = vector.load %arg4[%get3A_2952, %get3A_2953] : memref<1x128xf32, #tpu.memory_space<vmem>>, vector<1x128xf32>
    %sub3A_2955 = vector.broadcast %slice3A_2951 : vector<128x1xf32> to vector<128x128xf32>
    %sub3A_2956 = vector.broadcast %get3A_2954 : vector<1x128xf32> to vector<128x128xf32>
    %sub3A_2957 = arith.subf %sub3A_2955, %sub3A_2956 : vector<128x128xf32>
    %mul3A_2958 = vector.broadcast %div3A_21 : vector<1x128xf32> to vector<128x128xf32>
    %mul3A_2959 = arith.mulf %sub3A_2957, %mul3A_2958 : vector<128x128xf32>
    %mul3A_2960 = arith.mulf %mul3A_2959, %mul3A_2959 : vector<128x128xf32>
    %mul3A_2961 = arith.constant -0.72134751 : f32
    %mul3A_2962 = vector.broadcast %mul3A_2961 : f32 to vector<128x128xf32>
    %mul3A_2963 = arith.mulf %mul3A_2960, %mul3A_2962 : vector<128x128xf32>
    %add3A_2964 = vector.broadcast %div3A_28 : vector<1x128xf32> to vector<128x128xf32>
    %add3A_2965 = arith.addf %mul3A_2963, %add3A_2964 : vector<128x128xf32>
    %exp23A_2966 = math.exp2 %add3A_2965 : vector<128x128xf32>
    %swap3A_2967 = arith.constant 19712 : index
    %swap3A_2968 = arith.constant 0 : index
    %swap3A_2969 = vector.load %arg6[%swap3A_2967, %swap3A_2968] : memref<32000x128xf32, #tpu.memory_space<vmem>>, vector<128x128xf32>
    tpu.vector_store %arg6[%swap3A_2967, %swap3A_2968], %exp23A_2966 {strides = array<i32>} : memref<32000x128xf32, #tpu.memory_space<vmem>>, vector<128x128xf32>,
    %slice3A_2970 = vector.extract_strided_slice %transpose3A {offsets = [0, 155], sizes = [128, 1], strides = [1, 1]} : vector<128x250xf32> to vector<128x1xf32>
    %get3A_2971 = arith.constant 0 : index
    %get3A_2972 = arith.constant 0 : index
    %get3A_2973 = vector.load %arg4[%get3A_2971, %get3A_2972] : memref<1x128xf32, #tpu.memory_space<vmem>>, vector<1x128xf32>
    %sub3A_2974 = vector.broadcast %slice3A_2970 : vector<128x1xf32> to vector<128x128xf32>
    %sub3A_2975 = vector.broadcast %get3A_2973 : vector<1x128xf32> to vector<128x128xf32>
    %sub3A_2976 = arith.subf %sub3A_2974, %sub3A_2975 : vector<128x128xf32>
    %mul3A_2977 = vector.broadcast %div3A_21 : vector<1x128xf32> to vector<128x128xf32>
    %mul3A_2978 = arith.mulf %sub3A_2976, %mul3A_2977 : vector<128x128xf32>
    %mul3A_2979 = arith.mulf %mul3A_2978, %mul3A_2978 : vector<128x128xf32>
    %mul3A_2980 = arith.constant -0.72134751 : f32
    %mul3A_2981 = vector.broadcast %mul3A_2980 : f32 to vector<128x128xf32>
    %mul3A_2982 = arith.mulf %mul3A_2979, %mul3A_2981 : vector<128x128xf32>
    %add3A_2983 = vector.broadcast %div3A_28 : vector<1x128xf32> to vector<128x128xf32>
    %add3A_2984 = arith.addf %mul3A_2982, %add3A_2983 : vector<128x128xf32>
    %exp23A_2985 = math.exp2 %add3A_2984 : vector<128x128xf32>
    %swap3A_2986 = arith.constant 19840 : index
    %swap3A_2987 = arith.constant 0 : index
    %swap3A_2988 = vector.load %arg6[%swap3A_2986, %swap3A_2987] : memref<32000x128xf32, #tpu.memory_space<vmem>>, vector<128x128xf32>
    tpu.vector_store %arg6[%swap3A_2986, %swap3A_2987], %exp23A_2985 {strides = array<i32>} : memref<32000x128xf32, #tpu.memory_space<vmem>>, vector<128x128xf32>,
    %slice3A_2989 = vector.extract_strided_slice %transpose3A {offsets = [0, 156], sizes = [128, 1], strides = [1, 1]} : vector<128x250xf32> to vector<128x1xf32>
    %get3A_2990 = arith.constant 0 : index
    %get3A_2991 = arith.constant 0 : index
    %get3A_2992 = vector.load %arg4[%get3A_2990, %get3A_2991] : memref<1x128xf32, #tpu.memory_space<vmem>>, vector<1x128xf32>
    %sub3A_2993 = vector.broadcast %slice3A_2989 : vector<128x1xf32> to vector<128x128xf32>
    %sub3A_2994 = vector.broadcast %get3A_2992 : vector<1x128xf32> to vector<128x128xf32>
    %sub3A_2995 = arith.subf %sub3A_2993, %sub3A_2994 : vector<128x128xf32>
    %mul3A_2996 = vector.broadcast %div3A_21 : vector<1x128xf32> to vector<128x128xf32>
    %mul3A_2997 = arith.mulf %sub3A_2995, %mul3A_2996 : vector<128x128xf32>
    %mul3A_2998 = arith.mulf %mul3A_2997, %mul3A_2997 : vector<128x128xf32>
    %mul3A_2999 = arith.constant -0.72134751 : f32
    %mul3A_3000 = vector.broadcast %mul3A_2999 : f32 to vector<128x128xf32>
    %mul3A_3001 = arith.mulf %mul3A_2998, %mul3A_3000 : vector<128x128xf32>
    %add3A_3002 = vector.broadcast %div3A_28 : vector<1x128xf32> to vector<128x128xf32>
    %add3A_3003 = arith.addf %mul3A_3001, %add3A_3002 : vector<128x128xf32>
    %exp23A_3004 = math.exp2 %add3A_3003 : vector<128x128xf32>
    %swap3A_3005 = arith.constant 19968 : index
    %swap3A_3006 = arith.constant 0 : index
    %swap3A_3007 = vector.load %arg6[%swap3A_3005, %swap3A_3006] : memref<32000x128xf32, #tpu.memory_space<vmem>>, vector<128x128xf32>
    tpu.vector_store %arg6[%swap3A_3005, %swap3A_3006], %exp23A_3004 {strides = array<i32>} : memref<32000x128xf32, #tpu.memory_space<vmem>>, vector<128x128xf32>,
    %slice3A_3008 = vector.extract_strided_slice %transpose3A {offsets = [0, 157], sizes = [128, 1], strides = [1, 1]} : vector<128x250xf32> to vector<128x1xf32>
    %get3A_3009 = arith.constant 0 : index
    %get3A_3010 = arith.constant 0 : index
    %get3A_3011 = vector.load %arg4[%get3A_3009, %get3A_3010] : memref<1x128xf32, #tpu.memory_space<vmem>>, vector<1x128xf32>
    %sub3A_3012 = vector.broadcast %slice3A_3008 : vector<128x1xf32> to vector<128x128xf32>
    %sub3A_3013 = vector.broadcast %get3A_3011 : vector<1x128xf32> to vector<128x128xf32>
    %sub3A_3014 = arith.subf %sub3A_3012, %sub3A_3013 : vector<128x128xf32>
    %mul3A_3015 = vector.broadcast %div3A_21 : vector<1x128xf32> to vector<128x128xf32>
    %mul3A_3016 = arith.mulf %sub3A_3014, %mul3A_3015 : vector<128x128xf32>
    %mul3A_3017 = arith.mulf %mul3A_3016, %mul3A_3016 : vector<128x128xf32>
    %mul3A_3018 = arith.constant -0.72134751 : f32
    %mul3A_3019 = vector.broadcast %mul3A_3018 : f32 to vector<128x128xf32>
    %mul3A_3020 = arith.mulf %mul3A_3017, %mul3A_3019 : vector<128x128xf32>
    %add3A_3021 = vector.broadcast %div3A_28 : vector<1x128xf32> to vector<128x128xf32>
    %add3A_3022 = arith.addf %mul3A_3020, %add3A_3021 : vector<128x128xf32>
    %exp23A_3023 = math.exp2 %add3A_3022 : vector<128x128xf32>
    %swap3A_3024 = arith.constant 20096 : index
    %swap3A_3025 = arith.constant 0 : index
    %swap3A_3026 = vector.load %arg6[%swap3A_3024, %swap3A_3025] : memref<32000x128xf32, #tpu.memory_space<vmem>>, vector<128x128xf32>
    tpu.vector_store %arg6[%swap3A_3024, %swap3A_3025], %exp23A_3023 {strides = array<i32>} : memref<32000x128xf32, #tpu.memory_space<vmem>>, vector<128x128xf32>,
    %slice3A_3027 = vector.extract_strided_slice %transpose3A {offsets = [0, 158], sizes = [128, 1], strides = [1, 1]} : vector<128x250xf32> to vector<128x1xf32>
    %get3A_3028 = arith.constant 0 : index
    %get3A_3029 = arith.constant 0 : index
    %get3A_3030 = vector.load %arg4[%get3A_3028, %get3A_3029] : memref<1x128xf32, #tpu.memory_space<vmem>>, vector<1x128xf32>
    %sub3A_3031 = vector.broadcast %slice3A_3027 : vector<128x1xf32> to vector<128x128xf32>
    %sub3A_3032 = vector.broadcast %get3A_3030 : vector<1x128xf32> to vector<128x128xf32>
    %sub3A_3033 = arith.subf %sub3A_3031, %sub3A_3032 : vector<128x128xf32>
    %mul3A_3034 = vector.broadcast %div3A_21 : vector<1x128xf32> to vector<128x128xf32>
    %mul3A_3035 = arith.mulf %sub3A_3033, %mul3A_3034 : vector<128x128xf32>
    %mul3A_3036 = arith.mulf %mul3A_3035, %mul3A_3035 : vector<128x128xf32>
    %mul3A_3037 = arith.constant -0.72134751 : f32
    %mul3A_3038 = vector.broadcast %mul3A_3037 : f32 to vector<128x128xf32>
    %mul3A_3039 = arith.mulf %mul3A_3036, %mul3A_3038 : vector<128x128xf32>
    %add3A_3040 = vector.broadcast %div3A_28 : vector<1x128xf32> to vector<128x128xf32>
    %add3A_3041 = arith.addf %mul3A_3039, %add3A_3040 : vector<128x128xf32>
    %exp23A_3042 = math.exp2 %add3A_3041 : vector<128x128xf32>
    %swap3A_3043 = arith.constant 20224 : index
    %swap3A_3044 = arith.constant 0 : index
    %swap3A_3045 = vector.load %arg6[%swap3A_3043, %swap3A_3044] : memref<32000x128xf32, #tpu.memory_space<vmem>>, vector<128x128xf32>
    tpu.vector_store %arg6[%swap3A_3043, %swap3A_3044], %exp23A_3042 {strides = array<i32>} : memref<32000x128xf32, #tpu.memory_space<vmem>>, vector<128x128xf32>,
    %slice3A_3046 = vector.extract_strided_slice %transpose3A {offsets = [0, 159], sizes = [128, 1], strides = [1, 1]} : vector<128x250xf32> to vector<128x1xf32>
    %get3A_3047 = arith.constant 0 : index
    %get3A_3048 = arith.constant 0 : index
    %get3A_3049 = vector.load %arg4[%get3A_3047, %get3A_3048] : memref<1x128xf32, #tpu.memory_space<vmem>>, vector<1x128xf32>
    %sub3A_3050 = vector.broadcast %slice3A_3046 : vector<128x1xf32> to vector<128x128xf32>
    %sub3A_3051 = vector.broadcast %get3A_3049 : vector<1x128xf32> to vector<128x128xf32>
    %sub3A_3052 = arith.subf %sub3A_3050, %sub3A_3051 : vector<128x128xf32>
    %mul3A_3053 = vector.broadcast %div3A_21 : vector<1x128xf32> to vector<128x128xf32>
    %mul3A_3054 = arith.mulf %sub3A_3052, %mul3A_3053 : vector<128x128xf32>
    %mul3A_3055 = arith.mulf %mul3A_3054, %mul3A_3054 : vector<128x128xf32>
    %mul3A_3056 = arith.constant -0.72134751 : f32
    %mul3A_3057 = vector.broadcast %mul3A_3056 : f32 to vector<128x128xf32>
    %mul3A_3058 = arith.mulf %mul3A_3055, %mul3A_3057 : vector<128x128xf32>
    %add3A_3059 = vector.broadcast %div3A_28 : vector<1x128xf32> to vector<128x128xf32>
    %add3A_3060 = arith.addf %mul3A_3058, %add3A_3059 : vector<128x128xf32>
    %exp23A_3061 = math.exp2 %add3A_3060 : vector<128x128xf32>
    %swap3A_3062 = arith.constant 20352 : index
    %swap3A_3063 = arith.constant 0 : index
    %swap3A_3064 = vector.load %arg6[%swap3A_3062, %swap3A_3063] : memref<32000x128xf32, #tpu.memory_space<vmem>>, vector<128x128xf32>
    tpu.vector_store %arg6[%swap3A_3062, %swap3A_3063], %exp23A_3061 {strides = array<i32>} : memref<32000x128xf32, #tpu.memory_space<vmem>>, vector<128x128xf32>,
    %slice3A_3065 = vector.extract_strided_slice %transpose3A {offsets = [0, 160], sizes = [128, 1], strides = [1, 1]} : vector<128x250xf32> to vector<128x1xf32>
    %get3A_3066 = arith.constant 0 : index
    %get3A_3067 = arith.constant 0 : index
    %get3A_3068 = vector.load %arg4[%get3A_3066, %get3A_3067] : memref<1x128xf32, #tpu.memory_space<vmem>>, vector<1x128xf32>
    %sub3A_3069 = vector.broadcast %slice3A_3065 : vector<128x1xf32> to vector<128x128xf32>
    %sub3A_3070 = vector.broadcast %get3A_3068 : vector<1x128xf32> to vector<128x128xf32>
    %sub3A_3071 = arith.subf %sub3A_3069, %sub3A_3070 : vector<128x128xf32>
    %mul3A_3072 = vector.broadcast %div3A_21 : vector<1x128xf32> to vector<128x128xf32>
    %mul3A_3073 = arith.mulf %sub3A_3071, %mul3A_3072 : vector<128x128xf32>
    %mul3A_3074 = arith.mulf %mul3A_3073, %mul3A_3073 : vector<128x128xf32>
    %mul3A_3075 = arith.constant -0.72134751 : f32
    %mul3A_3076 = vector.broadcast %mul3A_3075 : f32 to vector<128x128xf32>
    %mul3A_3077 = arith.mulf %mul3A_3074, %mul3A_3076 : vector<128x128xf32>
    %add3A_3078 = vector.broadcast %div3A_28 : vector<1x128xf32> to vector<128x128xf32>
    %add3A_3079 = arith.addf %mul3A_3077, %add3A_3078 : vector<128x128xf32>
    %exp23A_3080 = math.exp2 %add3A_3079 : vector<128x128xf32>
    %swap3A_3081 = arith.constant 20480 : index
    %swap3A_3082 = arith.constant 0 : index
    %swap3A_3083 = vector.load %arg6[%swap3A_3081, %swap3A_3082] : memref<32000x128xf32, #tpu.memory_space<vmem>>, vector<128x128xf32>
    tpu.vector_store %arg6[%swap3A_3081, %swap3A_3082], %exp23A_3080 {strides = array<i32>} : memref<32000x128xf32, #tpu.memory_space<vmem>>, vector<128x128xf32>,
    %slice3A_3084 = vector.extract_strided_slice %transpose3A {offsets = [0, 161], sizes = [128, 1], strides = [1, 1]} : vector<128x250xf32> to vector<128x1xf32>
    %get3A_3085 = arith.constant 0 : index
    %get3A_3086 = arith.constant 0 : index
    %get3A_3087 = vector.load %arg4[%get3A_3085, %get3A_3086] : memref<1x128xf32, #tpu.memory_space<vmem>>, vector<1x128xf32>
    %sub3A_3088 = vector.broadcast %slice3A_3084 : vector<128x1xf32> to vector<128x128xf32>
    %sub3A_3089 = vector.broadcast %get3A_3087 : vector<1x128xf32> to vector<128x128xf32>
    %sub3A_3090 = arith.subf %sub3A_3088, %sub3A_3089 : vector<128x128xf32>
    %mul3A_3091 = vector.broadcast %div3A_21 : vector<1x128xf32> to vector<128x128xf32>
    %mul3A_3092 = arith.mulf %sub3A_3090, %mul3A_3091 : vector<128x128xf32>
    %mul3A_3093 = arith.mulf %mul3A_3092, %mul3A_3092 : vector<128x128xf32>
    %mul3A_3094 = arith.constant -0.72134751 : f32
    %mul3A_3095 = vector.broadcast %mul3A_3094 : f32 to vector<128x128xf32>
    %mul3A_3096 = arith.mulf %mul3A_3093, %mul3A_3095 : vector<128x128xf32>
    %add3A_3097 = vector.broadcast %div3A_28 : vector<1x128xf32> to vector<128x128xf32>
    %add3A_3098 = arith.addf %mul3A_3096, %add3A_3097 : vector<128x128xf32>
    %exp23A_3099 = math.exp2 %add3A_3098 : vector<128x128xf32>
    %swap3A_3100 = arith.constant 20608 : index
    %swap3A_3101 = arith.constant 0 : index
    %swap3A_3102 = vector.load %arg6[%swap3A_3100, %swap3A_3101] : memref<32000x128xf32, #tpu.memory_space<vmem>>, vector<128x128xf32>
    tpu.vector_store %arg6[%swap3A_3100, %swap3A_3101], %exp23A_3099 {strides = array<i32>} : memref<32000x128xf32, #tpu.memory_space<vmem>>, vector<128x128xf32>,
    %slice3A_3103 = vector.extract_strided_slice %transpose3A {offsets = [0, 162], sizes = [128, 1], strides = [1, 1]} : vector<128x250xf32> to vector<128x1xf32>
    %get3A_3104 = arith.constant 0 : index
    %get3A_3105 = arith.constant 0 : index
    %get3A_3106 = vector.load %arg4[%get3A_3104, %get3A_3105] : memref<1x128xf32, #tpu.memory_space<vmem>>, vector<1x128xf32>
    %sub3A_3107 = vector.broadcast %slice3A_3103 : vector<128x1xf32> to vector<128x128xf32>
    %sub3A_3108 = vector.broadcast %get3A_3106 : vector<1x128xf32> to vector<128x128xf32>
    %sub3A_3109 = arith.subf %sub3A_3107, %sub3A_3108 : vector<128x128xf32>
    %mul3A_3110 = vector.broadcast %div3A_21 : vector<1x128xf32> to vector<128x128xf32>
    %mul3A_3111 = arith.mulf %sub3A_3109, %mul3A_3110 : vector<128x128xf32>
    %mul3A_3112 = arith.mulf %mul3A_3111, %mul3A_3111 : vector<128x128xf32>
    %mul3A_3113 = arith.constant -0.72134751 : f32
    %mul3A_3114 = vector.broadcast %mul3A_3113 : f32 to vector<128x128xf32>
    %mul3A_3115 = arith.mulf %mul3A_3112, %mul3A_3114 : vector<128x128xf32>
    %add3A_3116 = vector.broadcast %div3A_28 : vector<1x128xf32> to vector<128x128xf32>
    %add3A_3117 = arith.addf %mul3A_3115, %add3A_3116 : vector<128x128xf32>
    %exp23A_3118 = math.exp2 %add3A_3117 : vector<128x128xf32>
    %swap3A_3119 = arith.constant 20736 : index
    %swap3A_3120 = arith.constant 0 : index
    %swap3A_3121 = vector.load %arg6[%swap3A_3119, %swap3A_3120] : memref<32000x128xf32, #tpu.memory_space<vmem>>, vector<128x128xf32>
    tpu.vector_store %arg6[%swap3A_3119, %swap3A_3120], %exp23A_3118 {strides = array<i32>} : memref<32000x128xf32, #tpu.memory_space<vmem>>, vector<128x128xf32>,
    %slice3A_3122 = vector.extract_strided_slice %transpose3A {offsets = [0, 163], sizes = [128, 1], strides = [1, 1]} : vector<128x250xf32> to vector<128x1xf32>
    %get3A_3123 = arith.constant 0 : index
    %get3A_3124 = arith.constant 0 : index
    %get3A_3125 = vector.load %arg4[%get3A_3123, %get3A_3124] : memref<1x128xf32, #tpu.memory_space<vmem>>, vector<1x128xf32>
    %sub3A_3126 = vector.broadcast %slice3A_3122 : vector<128x1xf32> to vector<128x128xf32>
    %sub3A_3127 = vector.broadcast %get3A_3125 : vector<1x128xf32> to vector<128x128xf32>
    %sub3A_3128 = arith.subf %sub3A_3126, %sub3A_3127 : vector<128x128xf32>
    %mul3A_3129 = vector.broadcast %div3A_21 : vector<1x128xf32> to vector<128x128xf32>
    %mul3A_3130 = arith.mulf %sub3A_3128, %mul3A_3129 : vector<128x128xf32>
    %mul3A_3131 = arith.mulf %mul3A_3130, %mul3A_3130 : vector<128x128xf32>
    %mul3A_3132 = arith.constant -0.72134751 : f32
    %mul3A_3133 = vector.broadcast %mul3A_3132 : f32 to vector<128x128xf32>
    %mul3A_3134 = arith.mulf %mul3A_3131, %mul3A_3133 : vector<128x128xf32>
    %add3A_3135 = vector.broadcast %div3A_28 : vector<1x128xf32> to vector<128x128xf32>
    %add3A_3136 = arith.addf %mul3A_3134, %add3A_3135 : vector<128x128xf32>
    %exp23A_3137 = math.exp2 %add3A_3136 : vector<128x128xf32>
    %swap3A_3138 = arith.constant 20864 : index
    %swap3A_3139 = arith.constant 0 : index
    %swap3A_3140 = vector.load %arg6[%swap3A_3138, %swap3A_3139] : memref<32000x128xf32, #tpu.memory_space<vmem>>, vector<128x128xf32>
    tpu.vector_store %arg6[%swap3A_3138, %swap3A_3139], %exp23A_3137 {strides = array<i32>} : memref<32000x128xf32, #tpu.memory_space<vmem>>, vector<128x128xf32>,
    %slice3A_3141 = vector.extract_strided_slice %transpose3A {offsets = [0, 164], sizes = [128, 1], strides = [1, 1]} : vector<128x250xf32> to vector<128x1xf32>
    %get3A_3142 = arith.constant 0 : index
    %get3A_3143 = arith.constant 0 : index
    %get3A_3144 = vector.load %arg4[%get3A_3142, %get3A_3143] : memref<1x128xf32, #tpu.memory_space<vmem>>, vector<1x128xf32>
    %sub3A_3145 = vector.broadcast %slice3A_3141 : vector<128x1xf32> to vector<128x128xf32>
    %sub3A_3146 = vector.broadcast %get3A_3144 : vector<1x128xf32> to vector<128x128xf32>
    %sub3A_3147 = arith.subf %sub3A_3145, %sub3A_3146 : vector<128x128xf32>
    %mul3A_3148 = vector.broadcast %div3A_21 : vector<1x128xf32> to vector<128x128xf32>
    %mul3A_3149 = arith.mulf %sub3A_3147, %mul3A_3148 : vector<128x128xf32>
    %mul3A_3150 = arith.mulf %mul3A_3149, %mul3A_3149 : vector<128x128xf32>
    %mul3A_3151 = arith.constant -0.72134751 : f32
    %mul3A_3152 = vector.broadcast %mul3A_3151 : f32 to vector<128x128xf32>
    %mul3A_3153 = arith.mulf %mul3A_3150, %mul3A_3152 : vector<128x128xf32>
    %add3A_3154 = vector.broadcast %div3A_28 : vector<1x128xf32> to vector<128x128xf32>
    %add3A_3155 = arith.addf %mul3A_3153, %add3A_3154 : vector<128x128xf32>
    %exp23A_3156 = math.exp2 %add3A_3155 : vector<128x128xf32>
    %swap3A_3157 = arith.constant 20992 : index
    %swap3A_3158 = arith.constant 0 : index
    %swap3A_3159 = vector.load %arg6[%swap3A_3157, %swap3A_3158] : memref<32000x128xf32, #tpu.memory_space<vmem>>, vector<128x128xf32>
    tpu.vector_store %arg6[%swap3A_3157, %swap3A_3158], %exp23A_3156 {strides = array<i32>} : memref<32000x128xf32, #tpu.memory_space<vmem>>, vector<128x128xf32>,
    %slice3A_3160 = vector.extract_strided_slice %transpose3A {offsets = [0, 165], sizes = [128, 1], strides = [1, 1]} : vector<128x250xf32> to vector<128x1xf32>
    %get3A_3161 = arith.constant 0 : index
    %get3A_3162 = arith.constant 0 : index
    %get3A_3163 = vector.load %arg4[%get3A_3161, %get3A_3162] : memref<1x128xf32, #tpu.memory_space<vmem>>, vector<1x128xf32>
    %sub3A_3164 = vector.broadcast %slice3A_3160 : vector<128x1xf32> to vector<128x128xf32>
    %sub3A_3165 = vector.broadcast %get3A_3163 : vector<1x128xf32> to vector<128x128xf32>
    %sub3A_3166 = arith.subf %sub3A_3164, %sub3A_3165 : vector<128x128xf32>
    %mul3A_3167 = vector.broadcast %div3A_21 : vector<1x128xf32> to vector<128x128xf32>
    %mul3A_3168 = arith.mulf %sub3A_3166, %mul3A_3167 : vector<128x128xf32>
    %mul3A_3169 = arith.mulf %mul3A_3168, %mul3A_3168 : vector<128x128xf32>
    %mul3A_3170 = arith.constant -0.72134751 : f32
    %mul3A_3171 = vector.broadcast %mul3A_3170 : f32 to vector<128x128xf32>
    %mul3A_3172 = arith.mulf %mul3A_3169, %mul3A_3171 : vector<128x128xf32>
    %add3A_3173 = vector.broadcast %div3A_28 : vector<1x128xf32> to vector<128x128xf32>
    %add3A_3174 = arith.addf %mul3A_3172, %add3A_3173 : vector<128x128xf32>
    %exp23A_3175 = math.exp2 %add3A_3174 : vector<128x128xf32>
    %swap3A_3176 = arith.constant 21120 : index
    %swap3A_3177 = arith.constant 0 : index
    %swap3A_3178 = vector.load %arg6[%swap3A_3176, %swap3A_3177] : memref<32000x128xf32, #tpu.memory_space<vmem>>, vector<128x128xf32>
    tpu.vector_store %arg6[%swap3A_3176, %swap3A_3177], %exp23A_3175 {strides = array<i32>} : memref<32000x128xf32, #tpu.memory_space<vmem>>, vector<128x128xf32>,
    %slice3A_3179 = vector.extract_strided_slice %transpose3A {offsets = [0, 166], sizes = [128, 1], strides = [1, 1]} : vector<128x250xf32> to vector<128x1xf32>
    %get3A_3180 = arith.constant 0 : index
    %get3A_3181 = arith.constant 0 : index
    %get3A_3182 = vector.load %arg4[%get3A_3180, %get3A_3181] : memref<1x128xf32, #tpu.memory_space<vmem>>, vector<1x128xf32>
    %sub3A_3183 = vector.broadcast %slice3A_3179 : vector<128x1xf32> to vector<128x128xf32>
    %sub3A_3184 = vector.broadcast %get3A_3182 : vector<1x128xf32> to vector<128x128xf32>
    %sub3A_3185 = arith.subf %sub3A_3183, %sub3A_3184 : vector<128x128xf32>
    %mul3A_3186 = vector.broadcast %div3A_21 : vector<1x128xf32> to vector<128x128xf32>
    %mul3A_3187 = arith.mulf %sub3A_3185, %mul3A_3186 : vector<128x128xf32>
    %mul3A_3188 = arith.mulf %mul3A_3187, %mul3A_3187 : vector<128x128xf32>
    %mul3A_3189 = arith.constant -0.72134751 : f32
    %mul3A_3190 = vector.broadcast %mul3A_3189 : f32 to vector<128x128xf32>
    %mul3A_3191 = arith.mulf %mul3A_3188, %mul3A_3190 : vector<128x128xf32>
    %add3A_3192 = vector.broadcast %div3A_28 : vector<1x128xf32> to vector<128x128xf32>
    %add3A_3193 = arith.addf %mul3A_3191, %add3A_3192 : vector<128x128xf32>
    %exp23A_3194 = math.exp2 %add3A_3193 : vector<128x128xf32>
    %swap3A_3195 = arith.constant 21248 : index
    %swap3A_3196 = arith.constant 0 : index
    %swap3A_3197 = vector.load %arg6[%swap3A_3195, %swap3A_3196] : memref<32000x128xf32, #tpu.memory_space<vmem>>, vector<128x128xf32>
    tpu.vector_store %arg6[%swap3A_3195, %swap3A_3196], %exp23A_3194 {strides = array<i32>} : memref<32000x128xf32, #tpu.memory_space<vmem>>, vector<128x128xf32>,
    %slice3A_3198 = vector.extract_strided_slice %transpose3A {offsets = [0, 167], sizes = [128, 1], strides = [1, 1]} : vector<128x250xf32> to vector<128x1xf32>
    %get3A_3199 = arith.constant 0 : index
    %get3A_3200 = arith.constant 0 : index
    %get3A_3201 = vector.load %arg4[%get3A_3199, %get3A_3200] : memref<1x128xf32, #tpu.memory_space<vmem>>, vector<1x128xf32>
    %sub3A_3202 = vector.broadcast %slice3A_3198 : vector<128x1xf32> to vector<128x128xf32>
    %sub3A_3203 = vector.broadcast %get3A_3201 : vector<1x128xf32> to vector<128x128xf32>
    %sub3A_3204 = arith.subf %sub3A_3202, %sub3A_3203 : vector<128x128xf32>
    %mul3A_3205 = vector.broadcast %div3A_21 : vector<1x128xf32> to vector<128x128xf32>
    %mul3A_3206 = arith.mulf %sub3A_3204, %mul3A_3205 : vector<128x128xf32>
    %mul3A_3207 = arith.mulf %mul3A_3206, %mul3A_3206 : vector<128x128xf32>
    %mul3A_3208 = arith.constant -0.72134751 : f32
    %mul3A_3209 = vector.broadcast %mul3A_3208 : f32 to vector<128x128xf32>
    %mul3A_3210 = arith.mulf %mul3A_3207, %mul3A_3209 : vector<128x128xf32>
    %add3A_3211 = vector.broadcast %div3A_28 : vector<1x128xf32> to vector<128x128xf32>
    %add3A_3212 = arith.addf %mul3A_3210, %add3A_3211 : vector<128x128xf32>
    %exp23A_3213 = math.exp2 %add3A_3212 : vector<128x128xf32>
    %swap3A_3214 = arith.constant 21376 : index
    %swap3A_3215 = arith.constant 0 : index
    %swap3A_3216 = vector.load %arg6[%swap3A_3214, %swap3A_3215] : memref<32000x128xf32, #tpu.memory_space<vmem>>, vector<128x128xf32>
    tpu.vector_store %arg6[%swap3A_3214, %swap3A_3215], %exp23A_3213 {strides = array<i32>} : memref<32000x128xf32, #tpu.memory_space<vmem>>, vector<128x128xf32>,
    %slice3A_3217 = vector.extract_strided_slice %transpose3A {offsets = [0, 168], sizes = [128, 1], strides = [1, 1]} : vector<128x250xf32> to vector<128x1xf32>
    %get3A_3218 = arith.constant 0 : index
    %get3A_3219 = arith.constant 0 : index
    %get3A_3220 = vector.load %arg4[%get3A_3218, %get3A_3219] : memref<1x128xf32, #tpu.memory_space<vmem>>, vector<1x128xf32>
    %sub3A_3221 = vector.broadcast %slice3A_3217 : vector<128x1xf32> to vector<128x128xf32>
    %sub3A_3222 = vector.broadcast %get3A_3220 : vector<1x128xf32> to vector<128x128xf32>
    %sub3A_3223 = arith.subf %sub3A_3221, %sub3A_3222 : vector<128x128xf32>
    %mul3A_3224 = vector.broadcast %div3A_21 : vector<1x128xf32> to vector<128x128xf32>
    %mul3A_3225 = arith.mulf %sub3A_3223, %mul3A_3224 : vector<128x128xf32>
    %mul3A_3226 = arith.mulf %mul3A_3225, %mul3A_3225 : vector<128x128xf32>
    %mul3A_3227 = arith.constant -0.72134751 : f32
    %mul3A_3228 = vector.broadcast %mul3A_3227 : f32 to vector<128x128xf32>
    %mul3A_3229 = arith.mulf %mul3A_3226, %mul3A_3228 : vector<128x128xf32>
    %add3A_3230 = vector.broadcast %div3A_28 : vector<1x128xf32> to vector<128x128xf32>
    %add3A_3231 = arith.addf %mul3A_3229, %add3A_3230 : vector<128x128xf32>
    %exp23A_3232 = math.exp2 %add3A_3231 : vector<128x128xf32>
    %swap3A_3233 = arith.constant 21504 : index
    %swap3A_3234 = arith.constant 0 : index
    %swap3A_3235 = vector.load %arg6[%swap3A_3233, %swap3A_3234] : memref<32000x128xf32, #tpu.memory_space<vmem>>, vector<128x128xf32>
    tpu.vector_store %arg6[%swap3A_3233, %swap3A_3234], %exp23A_3232 {strides = array<i32>} : memref<32000x128xf32, #tpu.memory_space<vmem>>, vector<128x128xf32>,
    %slice3A_3236 = vector.extract_strided_slice %transpose3A {offsets = [0, 169], sizes = [128, 1], strides = [1, 1]} : vector<128x250xf32> to vector<128x1xf32>
    %get3A_3237 = arith.constant 0 : index
    %get3A_3238 = arith.constant 0 : index
    %get3A_3239 = vector.load %arg4[%get3A_3237, %get3A_3238] : memref<1x128xf32, #tpu.memory_space<vmem>>, vector<1x128xf32>
    %sub3A_3240 = vector.broadcast %slice3A_3236 : vector<128x1xf32> to vector<128x128xf32>
    %sub3A_3241 = vector.broadcast %get3A_3239 : vector<1x128xf32> to vector<128x128xf32>
    %sub3A_3242 = arith.subf %sub3A_3240, %sub3A_3241 : vector<128x128xf32>
    %mul3A_3243 = vector.broadcast %div3A_21 : vector<1x128xf32> to vector<128x128xf32>
    %mul3A_3244 = arith.mulf %sub3A_3242, %mul3A_3243 : vector<128x128xf32>
    %mul3A_3245 = arith.mulf %mul3A_3244, %mul3A_3244 : vector<128x128xf32>
    %mul3A_3246 = arith.constant -0.72134751 : f32
    %mul3A_3247 = vector.broadcast %mul3A_3246 : f32 to vector<128x128xf32>
    %mul3A_3248 = arith.mulf %mul3A_3245, %mul3A_3247 : vector<128x128xf32>
    %add3A_3249 = vector.broadcast %div3A_28 : vector<1x128xf32> to vector<128x128xf32>
    %add3A_3250 = arith.addf %mul3A_3248, %add3A_3249 : vector<128x128xf32>
    %exp23A_3251 = math.exp2 %add3A_3250 : vector<128x128xf32>
    %swap3A_3252 = arith.constant 21632 : index
    %swap3A_3253 = arith.constant 0 : index
    %swap3A_3254 = vector.load %arg6[%swap3A_3252, %swap3A_3253] : memref<32000x128xf32, #tpu.memory_space<vmem>>, vector<128x128xf32>
    tpu.vector_store %arg6[%swap3A_3252, %swap3A_3253], %exp23A_3251 {strides = array<i32>} : memref<32000x128xf32, #tpu.memory_space<vmem>>, vector<128x128xf32>,
    %slice3A_3255 = vector.extract_strided_slice %transpose3A {offsets = [0, 170], sizes = [128, 1], strides = [1, 1]} : vector<128x250xf32> to vector<128x1xf32>
    %get3A_3256 = arith.constant 0 : index
    %get3A_3257 = arith.constant 0 : index
    %get3A_3258 = vector.load %arg4[%get3A_3256, %get3A_3257] : memref<1x128xf32, #tpu.memory_space<vmem>>, vector<1x128xf32>
    %sub3A_3259 = vector.broadcast %slice3A_3255 : vector<128x1xf32> to vector<128x128xf32>
    %sub3A_3260 = vector.broadcast %get3A_3258 : vector<1x128xf32> to vector<128x128xf32>
    %sub3A_3261 = arith.subf %sub3A_3259, %sub3A_3260 : vector<128x128xf32>
    %mul3A_3262 = vector.broadcast %div3A_21 : vector<1x128xf32> to vector<128x128xf32>
    %mul3A_3263 = arith.mulf %sub3A_3261, %mul3A_3262 : vector<128x128xf32>
    %mul3A_3264 = arith.mulf %mul3A_3263, %mul3A_3263 : vector<128x128xf32>
    %mul3A_3265 = arith.constant -0.72134751 : f32
    %mul3A_3266 = vector.broadcast %mul3A_3265 : f32 to vector<128x128xf32>
    %mul3A_3267 = arith.mulf %mul3A_3264, %mul3A_3266 : vector<128x128xf32>
    %add3A_3268 = vector.broadcast %div3A_28 : vector<1x128xf32> to vector<128x128xf32>
    %add3A_3269 = arith.addf %mul3A_3267, %add3A_3268 : vector<128x128xf32>
    %exp23A_3270 = math.exp2 %add3A_3269 : vector<128x128xf32>
    %swap3A_3271 = arith.constant 21760 : index
    %swap3A_3272 = arith.constant 0 : index
    %swap3A_3273 = vector.load %arg6[%swap3A_3271, %swap3A_3272] : memref<32000x128xf32, #tpu.memory_space<vmem>>, vector<128x128xf32>
    tpu.vector_store %arg6[%swap3A_3271, %swap3A_3272], %exp23A_3270 {strides = array<i32>} : memref<32000x128xf32, #tpu.memory_space<vmem>>, vector<128x128xf32>,
    %slice3A_3274 = vector.extract_strided_slice %transpose3A {offsets = [0, 171], sizes = [128, 1], strides = [1, 1]} : vector<128x250xf32> to vector<128x1xf32>
    %get3A_3275 = arith.constant 0 : index
    %get3A_3276 = arith.constant 0 : index
    %get3A_3277 = vector.load %arg4[%get3A_3275, %get3A_3276] : memref<1x128xf32, #tpu.memory_space<vmem>>, vector<1x128xf32>
    %sub3A_3278 = vector.broadcast %slice3A_3274 : vector<128x1xf32> to vector<128x128xf32>
    %sub3A_3279 = vector.broadcast %get3A_3277 : vector<1x128xf32> to vector<128x128xf32>
    %sub3A_3280 = arith.subf %sub3A_3278, %sub3A_3279 : vector<128x128xf32>
    %mul3A_3281 = vector.broadcast %div3A_21 : vector<1x128xf32> to vector<128x128xf32>
    %mul3A_3282 = arith.mulf %sub3A_3280, %mul3A_3281 : vector<128x128xf32>
    %mul3A_3283 = arith.mulf %mul3A_3282, %mul3A_3282 : vector<128x128xf32>
    %mul3A_3284 = arith.constant -0.72134751 : f32
    %mul3A_3285 = vector.broadcast %mul3A_3284 : f32 to vector<128x128xf32>
    %mul3A_3286 = arith.mulf %mul3A_3283, %mul3A_3285 : vector<128x128xf32>
    %add3A_3287 = vector.broadcast %div3A_28 : vector<1x128xf32> to vector<128x128xf32>
    %add3A_3288 = arith.addf %mul3A_3286, %add3A_3287 : vector<128x128xf32>
    %exp23A_3289 = math.exp2 %add3A_3288 : vector<128x128xf32>
    %swap3A_3290 = arith.constant 21888 : index
    %swap3A_3291 = arith.constant 0 : index
    %swap3A_3292 = vector.load %arg6[%swap3A_3290, %swap3A_3291] : memref<32000x128xf32, #tpu.memory_space<vmem>>, vector<128x128xf32>
    tpu.vector_store %arg6[%swap3A_3290, %swap3A_3291], %exp23A_3289 {strides = array<i32>} : memref<32000x128xf32, #tpu.memory_space<vmem>>, vector<128x128xf32>,
    %slice3A_3293 = vector.extract_strided_slice %transpose3A {offsets = [0, 172], sizes = [128, 1], strides = [1, 1]} : vector<128x250xf32> to vector<128x1xf32>
    %get3A_3294 = arith.constant 0 : index
    %get3A_3295 = arith.constant 0 : index
    %get3A_3296 = vector.load %arg4[%get3A_3294, %get3A_3295] : memref<1x128xf32, #tpu.memory_space<vmem>>, vector<1x128xf32>
    %sub3A_3297 = vector.broadcast %slice3A_3293 : vector<128x1xf32> to vector<128x128xf32>
    %sub3A_3298 = vector.broadcast %get3A_3296 : vector<1x128xf32> to vector<128x128xf32>
    %sub3A_3299 = arith.subf %sub3A_3297, %sub3A_3298 : vector<128x128xf32>
    %mul3A_3300 = vector.broadcast %div3A_21 : vector<1x128xf32> to vector<128x128xf32>
    %mul3A_3301 = arith.mulf %sub3A_3299, %mul3A_3300 : vector<128x128xf32>
    %mul3A_3302 = arith.mulf %mul3A_3301, %mul3A_3301 : vector<128x128xf32>
    %mul3A_3303 = arith.constant -0.72134751 : f32
    %mul3A_3304 = vector.broadcast %mul3A_3303 : f32 to vector<128x128xf32>
    %mul3A_3305 = arith.mulf %mul3A_3302, %mul3A_3304 : vector<128x128xf32>
    %add3A_3306 = vector.broadcast %div3A_28 : vector<1x128xf32> to vector<128x128xf32>
    %add3A_3307 = arith.addf %mul3A_3305, %add3A_3306 : vector<128x128xf32>
    %exp23A_3308 = math.exp2 %add3A_3307 : vector<128x128xf32>
    %swap3A_3309 = arith.constant 22016 : index
    %swap3A_3310 = arith.constant 0 : index
    %swap3A_3311 = vector.load %arg6[%swap3A_3309, %swap3A_3310] : memref<32000x128xf32, #tpu.memory_space<vmem>>, vector<128x128xf32>
    tpu.vector_store %arg6[%swap3A_3309, %swap3A_3310], %exp23A_3308 {strides = array<i32>} : memref<32000x128xf32, #tpu.memory_space<vmem>>, vector<128x128xf32>,
    %slice3A_3312 = vector.extract_strided_slice %transpose3A {offsets = [0, 173], sizes = [128, 1], strides = [1, 1]} : vector<128x250xf32> to vector<128x1xf32>
    %get3A_3313 = arith.constant 0 : index
    %get3A_3314 = arith.constant 0 : index
    %get3A_3315 = vector.load %arg4[%get3A_3313, %get3A_3314] : memref<1x128xf32, #tpu.memory_space<vmem>>, vector<1x128xf32>
    %sub3A_3316 = vector.broadcast %slice3A_3312 : vector<128x1xf32> to vector<128x128xf32>
    %sub3A_3317 = vector.broadcast %get3A_3315 : vector<1x128xf32> to vector<128x128xf32>
    %sub3A_3318 = arith.subf %sub3A_3316, %sub3A_3317 : vector<128x128xf32>
    %mul3A_3319 = vector.broadcast %div3A_21 : vector<1x128xf32> to vector<128x128xf32>
    %mul3A_3320 = arith.mulf %sub3A_3318, %mul3A_3319 : vector<128x128xf32>
    %mul3A_3321 = arith.mulf %mul3A_3320, %mul3A_3320 : vector<128x128xf32>
    %mul3A_3322 = arith.constant -0.72134751 : f32
    %mul3A_3323 = vector.broadcast %mul3A_3322 : f32 to vector<128x128xf32>
    %mul3A_3324 = arith.mulf %mul3A_3321, %mul3A_3323 : vector<128x128xf32>
    %add3A_3325 = vector.broadcast %div3A_28 : vector<1x128xf32> to vector<128x128xf32>
    %add3A_3326 = arith.addf %mul3A_3324, %add3A_3325 : vector<128x128xf32>
    %exp23A_3327 = math.exp2 %add3A_3326 : vector<128x128xf32>
    %swap3A_3328 = arith.constant 22144 : index
    %swap3A_3329 = arith.constant 0 : index
    %swap3A_3330 = vector.load %arg6[%swap3A_3328, %swap3A_3329] : memref<32000x128xf32, #tpu.memory_space<vmem>>, vector<128x128xf32>
    tpu.vector_store %arg6[%swap3A_3328, %swap3A_3329], %exp23A_3327 {strides = array<i32>} : memref<32000x128xf32, #tpu.memory_space<vmem>>, vector<128x128xf32>,
    %slice3A_3331 = vector.extract_strided_slice %transpose3A {offsets = [0, 174], sizes = [128, 1], strides = [1, 1]} : vector<128x250xf32> to vector<128x1xf32>
    %get3A_3332 = arith.constant 0 : index
    %get3A_3333 = arith.constant 0 : index
    %get3A_3334 = vector.load %arg4[%get3A_3332, %get3A_3333] : memref<1x128xf32, #tpu.memory_space<vmem>>, vector<1x128xf32>
    %sub3A_3335 = vector.broadcast %slice3A_3331 : vector<128x1xf32> to vector<128x128xf32>
    %sub3A_3336 = vector.broadcast %get3A_3334 : vector<1x128xf32> to vector<128x128xf32>
    %sub3A_3337 = arith.subf %sub3A_3335, %sub3A_3336 : vector<128x128xf32>
    %mul3A_3338 = vector.broadcast %div3A_21 : vector<1x128xf32> to vector<128x128xf32>
    %mul3A_3339 = arith.mulf %sub3A_3337, %mul3A_3338 : vector<128x128xf32>
    %mul3A_3340 = arith.mulf %mul3A_3339, %mul3A_3339 : vector<128x128xf32>
    %mul3A_3341 = arith.constant -0.72134751 : f32
    %mul3A_3342 = vector.broadcast %mul3A_3341 : f32 to vector<128x128xf32>
    %mul3A_3343 = arith.mulf %mul3A_3340, %mul3A_3342 : vector<128x128xf32>
    %add3A_3344 = vector.broadcast %div3A_28 : vector<1x128xf32> to vector<128x128xf32>
    %add3A_3345 = arith.addf %mul3A_3343, %add3A_3344 : vector<128x128xf32>
    %exp23A_3346 = math.exp2 %add3A_3345 : vector<128x128xf32>
    %swap3A_3347 = arith.constant 22272 : index
    %swap3A_3348 = arith.constant 0 : index
    %swap3A_3349 = vector.load %arg6[%swap3A_3347, %swap3A_3348] : memref<32000x128xf32, #tpu.memory_space<vmem>>, vector<128x128xf32>
    tpu.vector_store %arg6[%swap3A_3347, %swap3A_3348], %exp23A_3346 {strides = array<i32>} : memref<32000x128xf32, #tpu.memory_space<vmem>>, vector<128x128xf32>,
    %slice3A_3350 = vector.extract_strided_slice %transpose3A {offsets = [0, 175], sizes = [128, 1], strides = [1, 1]} : vector<128x250xf32> to vector<128x1xf32>
    %get3A_3351 = arith.constant 0 : index
    %get3A_3352 = arith.constant 0 : index
    %get3A_3353 = vector.load %arg4[%get3A_3351, %get3A_3352] : memref<1x128xf32, #tpu.memory_space<vmem>>, vector<1x128xf32>
    %sub3A_3354 = vector.broadcast %slice3A_3350 : vector<128x1xf32> to vector<128x128xf32>
    %sub3A_3355 = vector.broadcast %get3A_3353 : vector<1x128xf32> to vector<128x128xf32>
    %sub3A_3356 = arith.subf %sub3A_3354, %sub3A_3355 : vector<128x128xf32>
    %mul3A_3357 = vector.broadcast %div3A_21 : vector<1x128xf32> to vector<128x128xf32>
    %mul3A_3358 = arith.mulf %sub3A_3356, %mul3A_3357 : vector<128x128xf32>
    %mul3A_3359 = arith.mulf %mul3A_3358, %mul3A_3358 : vector<128x128xf32>
    %mul3A_3360 = arith.constant -0.72134751 : f32
    %mul3A_3361 = vector.broadcast %mul3A_3360 : f32 to vector<128x128xf32>
    %mul3A_3362 = arith.mulf %mul3A_3359, %mul3A_3361 : vector<128x128xf32>
    %add3A_3363 = vector.broadcast %div3A_28 : vector<1x128xf32> to vector<128x128xf32>
    %add3A_3364 = arith.addf %mul3A_3362, %add3A_3363 : vector<128x128xf32>
    %exp23A_3365 = math.exp2 %add3A_3364 : vector<128x128xf32>
    %swap3A_3366 = arith.constant 22400 : index
    %swap3A_3367 = arith.constant 0 : index
    %swap3A_3368 = vector.load %arg6[%swap3A_3366, %swap3A_3367] : memref<32000x128xf32, #tpu.memory_space<vmem>>, vector<128x128xf32>
    tpu.vector_store %arg6[%swap3A_3366, %swap3A_3367], %exp23A_3365 {strides = array<i32>} : memref<32000x128xf32, #tpu.memory_space<vmem>>, vector<128x128xf32>,
    %slice3A_3369 = vector.extract_strided_slice %transpose3A {offsets = [0, 176], sizes = [128, 1], strides = [1, 1]} : vector<128x250xf32> to vector<128x1xf32>
    %get3A_3370 = arith.constant 0 : index
    %get3A_3371 = arith.constant 0 : index
    %get3A_3372 = vector.load %arg4[%get3A_3370, %get3A_3371] : memref<1x128xf32, #tpu.memory_space<vmem>>, vector<1x128xf32>
    %sub3A_3373 = vector.broadcast %slice3A_3369 : vector<128x1xf32> to vector<128x128xf32>
    %sub3A_3374 = vector.broadcast %get3A_3372 : vector<1x128xf32> to vector<128x128xf32>
    %sub3A_3375 = arith.subf %sub3A_3373, %sub3A_3374 : vector<128x128xf32>
    %mul3A_3376 = vector.broadcast %div3A_21 : vector<1x128xf32> to vector<128x128xf32>
    %mul3A_3377 = arith.mulf %sub3A_3375, %mul3A_3376 : vector<128x128xf32>
    %mul3A_3378 = arith.mulf %mul3A_3377, %mul3A_3377 : vector<128x128xf32>
    %mul3A_3379 = arith.constant -0.72134751 : f32
    %mul3A_3380 = vector.broadcast %mul3A_3379 : f32 to vector<128x128xf32>
    %mul3A_3381 = arith.mulf %mul3A_3378, %mul3A_3380 : vector<128x128xf32>
    %add3A_3382 = vector.broadcast %div3A_28 : vector<1x128xf32> to vector<128x128xf32>
    %add3A_3383 = arith.addf %mul3A_3381, %add3A_3382 : vector<128x128xf32>
    %exp23A_3384 = math.exp2 %add3A_3383 : vector<128x128xf32>
    %swap3A_3385 = arith.constant 22528 : index
    %swap3A_3386 = arith.constant 0 : index
    %swap3A_3387 = vector.load %arg6[%swap3A_3385, %swap3A_3386] : memref<32000x128xf32, #tpu.memory_space<vmem>>, vector<128x128xf32>
    tpu.vector_store %arg6[%swap3A_3385, %swap3A_3386], %exp23A_3384 {strides = array<i32>} : memref<32000x128xf32, #tpu.memory_space<vmem>>, vector<128x128xf32>,
    %slice3A_3388 = vector.extract_strided_slice %transpose3A {offsets = [0, 177], sizes = [128, 1], strides = [1, 1]} : vector<128x250xf32> to vector<128x1xf32>
    %get3A_3389 = arith.constant 0 : index
    %get3A_3390 = arith.constant 0 : index
    %get3A_3391 = vector.load %arg4[%get3A_3389, %get3A_3390] : memref<1x128xf32, #tpu.memory_space<vmem>>, vector<1x128xf32>
    %sub3A_3392 = vector.broadcast %slice3A_3388 : vector<128x1xf32> to vector<128x128xf32>
    %sub3A_3393 = vector.broadcast %get3A_3391 : vector<1x128xf32> to vector<128x128xf32>
    %sub3A_3394 = arith.subf %sub3A_3392, %sub3A_3393 : vector<128x128xf32>
    %mul3A_3395 = vector.broadcast %div3A_21 : vector<1x128xf32> to vector<128x128xf32>
    %mul3A_3396 = arith.mulf %sub3A_3394, %mul3A_3395 : vector<128x128xf32>
    %mul3A_3397 = arith.mulf %mul3A_3396, %mul3A_3396 : vector<128x128xf32>
    %mul3A_3398 = arith.constant -0.72134751 : f32
    %mul3A_3399 = vector.broadcast %mul3A_3398 : f32 to vector<128x128xf32>
    %mul3A_3400 = arith.mulf %mul3A_3397, %mul3A_3399 : vector<128x128xf32>
    %add3A_3401 = vector.broadcast %div3A_28 : vector<1x128xf32> to vector<128x128xf32>
    %add3A_3402 = arith.addf %mul3A_3400, %add3A_3401 : vector<128x128xf32>
    %exp23A_3403 = math.exp2 %add3A_3402 : vector<128x128xf32>
    %swap3A_3404 = arith.constant 22656 : index
    %swap3A_3405 = arith.constant 0 : index
    %swap3A_3406 = vector.load %arg6[%swap3A_3404, %swap3A_3405] : memref<32000x128xf32, #tpu.memory_space<vmem>>, vector<128x128xf32>
    tpu.vector_store %arg6[%swap3A_3404, %swap3A_3405], %exp23A_3403 {strides = array<i32>} : memref<32000x128xf32, #tpu.memory_space<vmem>>, vector<128x128xf32>,
    %slice3A_3407 = vector.extract_strided_slice %transpose3A {offsets = [0, 178], sizes = [128, 1], strides = [1, 1]} : vector<128x250xf32> to vector<128x1xf32>
    %get3A_3408 = arith.constant 0 : index
    %get3A_3409 = arith.constant 0 : index
    %get3A_3410 = vector.load %arg4[%get3A_3408, %get3A_3409] : memref<1x128xf32, #tpu.memory_space<vmem>>, vector<1x128xf32>
    %sub3A_3411 = vector.broadcast %slice3A_3407 : vector<128x1xf32> to vector<128x128xf32>
    %sub3A_3412 = vector.broadcast %get3A_3410 : vector<1x128xf32> to vector<128x128xf32>
    %sub3A_3413 = arith.subf %sub3A_3411, %sub3A_3412 : vector<128x128xf32>
    %mul3A_3414 = vector.broadcast %div3A_21 : vector<1x128xf32> to vector<128x128xf32>
    %mul3A_3415 = arith.mulf %sub3A_3413, %mul3A_3414 : vector<128x128xf32>
    %mul3A_3416 = arith.mulf %mul3A_3415, %mul3A_3415 : vector<128x128xf32>
    %mul3A_3417 = arith.constant -0.72134751 : f32
    %mul3A_3418 = vector.broadcast %mul3A_3417 : f32 to vector<128x128xf32>
    %mul3A_3419 = arith.mulf %mul3A_3416, %mul3A_3418 : vector<128x128xf32>
    %add3A_3420 = vector.broadcast %div3A_28 : vector<1x128xf32> to vector<128x128xf32>
    %add3A_3421 = arith.addf %mul3A_3419, %add3A_3420 : vector<128x128xf32>
    %exp23A_3422 = math.exp2 %add3A_3421 : vector<128x128xf32>
    %swap3A_3423 = arith.constant 22784 : index
    %swap3A_3424 = arith.constant 0 : index
    %swap3A_3425 = vector.load %arg6[%swap3A_3423, %swap3A_3424] : memref<32000x128xf32, #tpu.memory_space<vmem>>, vector<128x128xf32>
    tpu.vector_store %arg6[%swap3A_3423, %swap3A_3424], %exp23A_3422 {strides = array<i32>} : memref<32000x128xf32, #tpu.memory_space<vmem>>, vector<128x128xf32>,
    %slice3A_3426 = vector.extract_strided_slice %transpose3A {offsets = [0, 179], sizes = [128, 1], strides = [1, 1]} : vector<128x250xf32> to vector<128x1xf32>
    %get3A_3427 = arith.constant 0 : index
    %get3A_3428 = arith.constant 0 : index
    %get3A_3429 = vector.load %arg4[%get3A_3427, %get3A_3428] : memref<1x128xf32, #tpu.memory_space<vmem>>, vector<1x128xf32>
    %sub3A_3430 = vector.broadcast %slice3A_3426 : vector<128x1xf32> to vector<128x128xf32>
    %sub3A_3431 = vector.broadcast %get3A_3429 : vector<1x128xf32> to vector<128x128xf32>
    %sub3A_3432 = arith.subf %sub3A_3430, %sub3A_3431 : vector<128x128xf32>
    %mul3A_3433 = vector.broadcast %div3A_21 : vector<1x128xf32> to vector<128x128xf32>
    %mul3A_3434 = arith.mulf %sub3A_3432, %mul3A_3433 : vector<128x128xf32>
    %mul3A_3435 = arith.mulf %mul3A_3434, %mul3A_3434 : vector<128x128xf32>
    %mul3A_3436 = arith.constant -0.72134751 : f32
    %mul3A_3437 = vector.broadcast %mul3A_3436 : f32 to vector<128x128xf32>
    %mul3A_3438 = arith.mulf %mul3A_3435, %mul3A_3437 : vector<128x128xf32>
    %add3A_3439 = vector.broadcast %div3A_28 : vector<1x128xf32> to vector<128x128xf32>
    %add3A_3440 = arith.addf %mul3A_3438, %add3A_3439 : vector<128x128xf32>
    %exp23A_3441 = math.exp2 %add3A_3440 : vector<128x128xf32>
    %swap3A_3442 = arith.constant 22912 : index
    %swap3A_3443 = arith.constant 0 : index
    %swap3A_3444 = vector.load %arg6[%swap3A_3442, %swap3A_3443] : memref<32000x128xf32, #tpu.memory_space<vmem>>, vector<128x128xf32>
    tpu.vector_store %arg6[%swap3A_3442, %swap3A_3443], %exp23A_3441 {strides = array<i32>} : memref<32000x128xf32, #tpu.memory_space<vmem>>, vector<128x128xf32>,
    %slice3A_3445 = vector.extract_strided_slice %transpose3A {offsets = [0, 180], sizes = [128, 1], strides = [1, 1]} : vector<128x250xf32> to vector<128x1xf32>
    %get3A_3446 = arith.constant 0 : index
    %get3A_3447 = arith.constant 0 : index
    %get3A_3448 = vector.load %arg4[%get3A_3446, %get3A_3447] : memref<1x128xf32, #tpu.memory_space<vmem>>, vector<1x128xf32>
    %sub3A_3449 = vector.broadcast %slice3A_3445 : vector<128x1xf32> to vector<128x128xf32>
    %sub3A_3450 = vector.broadcast %get3A_3448 : vector<1x128xf32> to vector<128x128xf32>
    %sub3A_3451 = arith.subf %sub3A_3449, %sub3A_3450 : vector<128x128xf32>
    %mul3A_3452 = vector.broadcast %div3A_21 : vector<1x128xf32> to vector<128x128xf32>
    %mul3A_3453 = arith.mulf %sub3A_3451, %mul3A_3452 : vector<128x128xf32>
    %mul3A_3454 = arith.mulf %mul3A_3453, %mul3A_3453 : vector<128x128xf32>
    %mul3A_3455 = arith.constant -0.72134751 : f32
    %mul3A_3456 = vector.broadcast %mul3A_3455 : f32 to vector<128x128xf32>
    %mul3A_3457 = arith.mulf %mul3A_3454, %mul3A_3456 : vector<128x128xf32>
    %add3A_3458 = vector.broadcast %div3A_28 : vector<1x128xf32> to vector<128x128xf32>
    %add3A_3459 = arith.addf %mul3A_3457, %add3A_3458 : vector<128x128xf32>
    %exp23A_3460 = math.exp2 %add3A_3459 : vector<128x128xf32>
    %swap3A_3461 = arith.constant 23040 : index
    %swap3A_3462 = arith.constant 0 : index
    %swap3A_3463 = vector.load %arg6[%swap3A_3461, %swap3A_3462] : memref<32000x128xf32, #tpu.memory_space<vmem>>, vector<128x128xf32>
    tpu.vector_store %arg6[%swap3A_3461, %swap3A_3462], %exp23A_3460 {strides = array<i32>} : memref<32000x128xf32, #tpu.memory_space<vmem>>, vector<128x128xf32>,
    %slice3A_3464 = vector.extract_strided_slice %transpose3A {offsets = [0, 181], sizes = [128, 1], strides = [1, 1]} : vector<128x250xf32> to vector<128x1xf32>
    %get3A_3465 = arith.constant 0 : index
    %get3A_3466 = arith.constant 0 : index
    %get3A_3467 = vector.load %arg4[%get3A_3465, %get3A_3466] : memref<1x128xf32, #tpu.memory_space<vmem>>, vector<1x128xf32>
    %sub3A_3468 = vector.broadcast %slice3A_3464 : vector<128x1xf32> to vector<128x128xf32>
    %sub3A_3469 = vector.broadcast %get3A_3467 : vector<1x128xf32> to vector<128x128xf32>
    %sub3A_3470 = arith.subf %sub3A_3468, %sub3A_3469 : vector<128x128xf32>
    %mul3A_3471 = vector.broadcast %div3A_21 : vector<1x128xf32> to vector<128x128xf32>
    %mul3A_3472 = arith.mulf %sub3A_3470, %mul3A_3471 : vector<128x128xf32>
    %mul3A_3473 = arith.mulf %mul3A_3472, %mul3A_3472 : vector<128x128xf32>
    %mul3A_3474 = arith.constant -0.72134751 : f32
    %mul3A_3475 = vector.broadcast %mul3A_3474 : f32 to vector<128x128xf32>
    %mul3A_3476 = arith.mulf %mul3A_3473, %mul3A_3475 : vector<128x128xf32>
    %add3A_3477 = vector.broadcast %div3A_28 : vector<1x128xf32> to vector<128x128xf32>
    %add3A_3478 = arith.addf %mul3A_3476, %add3A_3477 : vector<128x128xf32>
    %exp23A_3479 = math.exp2 %add3A_3478 : vector<128x128xf32>
    %swap3A_3480 = arith.constant 23168 : index
    %swap3A_3481 = arith.constant 0 : index
    %swap3A_3482 = vector.load %arg6[%swap3A_3480, %swap3A_3481] : memref<32000x128xf32, #tpu.memory_space<vmem>>, vector<128x128xf32>
    tpu.vector_store %arg6[%swap3A_3480, %swap3A_3481], %exp23A_3479 {strides = array<i32>} : memref<32000x128xf32, #tpu.memory_space<vmem>>, vector<128x128xf32>,
    %slice3A_3483 = vector.extract_strided_slice %transpose3A {offsets = [0, 182], sizes = [128, 1], strides = [1, 1]} : vector<128x250xf32> to vector<128x1xf32>
    %get3A_3484 = arith.constant 0 : index
    %get3A_3485 = arith.constant 0 : index
    %get3A_3486 = vector.load %arg4[%get3A_3484, %get3A_3485] : memref<1x128xf32, #tpu.memory_space<vmem>>, vector<1x128xf32>
    %sub3A_3487 = vector.broadcast %slice3A_3483 : vector<128x1xf32> to vector<128x128xf32>
    %sub3A_3488 = vector.broadcast %get3A_3486 : vector<1x128xf32> to vector<128x128xf32>
    %sub3A_3489 = arith.subf %sub3A_3487, %sub3A_3488 : vector<128x128xf32>
    %mul3A_3490 = vector.broadcast %div3A_21 : vector<1x128xf32> to vector<128x128xf32>
    %mul3A_3491 = arith.mulf %sub3A_3489, %mul3A_3490 : vector<128x128xf32>
    %mul3A_3492 = arith.mulf %mul3A_3491, %mul3A_3491 : vector<128x128xf32>
    %mul3A_3493 = arith.constant -0.72134751 : f32
    %mul3A_3494 = vector.broadcast %mul3A_3493 : f32 to vector<128x128xf32>
    %mul3A_3495 = arith.mulf %mul3A_3492, %mul3A_3494 : vector<128x128xf32>
    %add3A_3496 = vector.broadcast %div3A_28 : vector<1x128xf32> to vector<128x128xf32>
    %add3A_3497 = arith.addf %mul3A_3495, %add3A_3496 : vector<128x128xf32>
    %exp23A_3498 = math.exp2 %add3A_3497 : vector<128x128xf32>
    %swap3A_3499 = arith.constant 23296 : index
    %swap3A_3500 = arith.constant 0 : index
    %swap3A_3501 = vector.load %arg6[%swap3A_3499, %swap3A_3500] : memref<32000x128xf32, #tpu.memory_space<vmem>>, vector<128x128xf32>
    tpu.vector_store %arg6[%swap3A_3499, %swap3A_3500], %exp23A_3498 {strides = array<i32>} : memref<32000x128xf32, #tpu.memory_space<vmem>>, vector<128x128xf32>,
    %slice3A_3502 = vector.extract_strided_slice %transpose3A {offsets = [0, 183], sizes = [128, 1], strides = [1, 1]} : vector<128x250xf32> to vector<128x1xf32>
    %get3A_3503 = arith.constant 0 : index
    %get3A_3504 = arith.constant 0 : index
    %get3A_3505 = vector.load %arg4[%get3A_3503, %get3A_3504] : memref<1x128xf32, #tpu.memory_space<vmem>>, vector<1x128xf32>
    %sub3A_3506 = vector.broadcast %slice3A_3502 : vector<128x1xf32> to vector<128x128xf32>
    %sub3A_3507 = vector.broadcast %get3A_3505 : vector<1x128xf32> to vector<128x128xf32>
    %sub3A_3508 = arith.subf %sub3A_3506, %sub3A_3507 : vector<128x128xf32>
    %mul3A_3509 = vector.broadcast %div3A_21 : vector<1x128xf32> to vector<128x128xf32>
    %mul3A_3510 = arith.mulf %sub3A_3508, %mul3A_3509 : vector<128x128xf32>
    %mul3A_3511 = arith.mulf %mul3A_3510, %mul3A_3510 : vector<128x128xf32>
    %mul3A_3512 = arith.constant -0.72134751 : f32
    %mul3A_3513 = vector.broadcast %mul3A_3512 : f32 to vector<128x128xf32>
    %mul3A_3514 = arith.mulf %mul3A_3511, %mul3A_3513 : vector<128x128xf32>
    %add3A_3515 = vector.broadcast %div3A_28 : vector<1x128xf32> to vector<128x128xf32>
    %add3A_3516 = arith.addf %mul3A_3514, %add3A_3515 : vector<128x128xf32>
    %exp23A_3517 = math.exp2 %add3A_3516 : vector<128x128xf32>
    %swap3A_3518 = arith.constant 23424 : index
    %swap3A_3519 = arith.constant 0 : index
    %swap3A_3520 = vector.load %arg6[%swap3A_3518, %swap3A_3519] : memref<32000x128xf32, #tpu.memory_space<vmem>>, vector<128x128xf32>
    tpu.vector_store %arg6[%swap3A_3518, %swap3A_3519], %exp23A_3517 {strides = array<i32>} : memref<32000x128xf32, #tpu.memory_space<vmem>>, vector<128x128xf32>,
    %slice3A_3521 = vector.extract_strided_slice %transpose3A {offsets = [0, 184], sizes = [128, 1], strides = [1, 1]} : vector<128x250xf32> to vector<128x1xf32>
    %get3A_3522 = arith.constant 0 : index
    %get3A_3523 = arith.constant 0 : index
    %get3A_3524 = vector.load %arg4[%get3A_3522, %get3A_3523] : memref<1x128xf32, #tpu.memory_space<vmem>>, vector<1x128xf32>
    %sub3A_3525 = vector.broadcast %slice3A_3521 : vector<128x1xf32> to vector<128x128xf32>
    %sub3A_3526 = vector.broadcast %get3A_3524 : vector<1x128xf32> to vector<128x128xf32>
    %sub3A_3527 = arith.subf %sub3A_3525, %sub3A_3526 : vector<128x128xf32>
    %mul3A_3528 = vector.broadcast %div3A_21 : vector<1x128xf32> to vector<128x128xf32>
    %mul3A_3529 = arith.mulf %sub3A_3527, %mul3A_3528 : vector<128x128xf32>
    %mul3A_3530 = arith.mulf %mul3A_3529, %mul3A_3529 : vector<128x128xf32>
    %mul3A_3531 = arith.constant -0.72134751 : f32
    %mul3A_3532 = vector.broadcast %mul3A_3531 : f32 to vector<128x128xf32>
    %mul3A_3533 = arith.mulf %mul3A_3530, %mul3A_3532 : vector<128x128xf32>
    %add3A_3534 = vector.broadcast %div3A_28 : vector<1x128xf32> to vector<128x128xf32>
    %add3A_3535 = arith.addf %mul3A_3533, %add3A_3534 : vector<128x128xf32>
    %exp23A_3536 = math.exp2 %add3A_3535 : vector<128x128xf32>
    %swap3A_3537 = arith.constant 23552 : index
    %swap3A_3538 = arith.constant 0 : index
    %swap3A_3539 = vector.load %arg6[%swap3A_3537, %swap3A_3538] : memref<32000x128xf32, #tpu.memory_space<vmem>>, vector<128x128xf32>
    tpu.vector_store %arg6[%swap3A_3537, %swap3A_3538], %exp23A_3536 {strides = array<i32>} : memref<32000x128xf32, #tpu.memory_space<vmem>>, vector<128x128xf32>,
    %slice3A_3540 = vector.extract_strided_slice %transpose3A {offsets = [0, 185], sizes = [128, 1], strides = [1, 1]} : vector<128x250xf32> to vector<128x1xf32>
    %get3A_3541 = arith.constant 0 : index
    %get3A_3542 = arith.constant 0 : index
    %get3A_3543 = vector.load %arg4[%get3A_3541, %get3A_3542] : memref<1x128xf32, #tpu.memory_space<vmem>>, vector<1x128xf32>
    %sub3A_3544 = vector.broadcast %slice3A_3540 : vector<128x1xf32> to vector<128x128xf32>
    %sub3A_3545 = vector.broadcast %get3A_3543 : vector<1x128xf32> to vector<128x128xf32>
    %sub3A_3546 = arith.subf %sub3A_3544, %sub3A_3545 : vector<128x128xf32>
    %mul3A_3547 = vector.broadcast %div3A_21 : vector<1x128xf32> to vector<128x128xf32>
    %mul3A_3548 = arith.mulf %sub3A_3546, %mul3A_3547 : vector<128x128xf32>
    %mul3A_3549 = arith.mulf %mul3A_3548, %mul3A_3548 : vector<128x128xf32>
    %mul3A_3550 = arith.constant -0.72134751 : f32
    %mul3A_3551 = vector.broadcast %mul3A_3550 : f32 to vector<128x128xf32>
    %mul3A_3552 = arith.mulf %mul3A_3549, %mul3A_3551 : vector<128x128xf32>
    %add3A_3553 = vector.broadcast %div3A_28 : vector<1x128xf32> to vector<128x128xf32>
    %add3A_3554 = arith.addf %mul3A_3552, %add3A_3553 : vector<128x128xf32>
    %exp23A_3555 = math.exp2 %add3A_3554 : vector<128x128xf32>
    %swap3A_3556 = arith.constant 23680 : index
    %swap3A_3557 = arith.constant 0 : index
    %swap3A_3558 = vector.load %arg6[%swap3A_3556, %swap3A_3557] : memref<32000x128xf32, #tpu.memory_space<vmem>>, vector<128x128xf32>
    tpu.vector_store %arg6[%swap3A_3556, %swap3A_3557], %exp23A_3555 {strides = array<i32>} : memref<32000x128xf32, #tpu.memory_space<vmem>>, vector<128x128xf32>,
    %slice3A_3559 = vector.extract_strided_slice %transpose3A {offsets = [0, 186], sizes = [128, 1], strides = [1, 1]} : vector<128x250xf32> to vector<128x1xf32>
    %get3A_3560 = arith.constant 0 : index
    %get3A_3561 = arith.constant 0 : index
    %get3A_3562 = vector.load %arg4[%get3A_3560, %get3A_3561] : memref<1x128xf32, #tpu.memory_space<vmem>>, vector<1x128xf32>
    %sub3A_3563 = vector.broadcast %slice3A_3559 : vector<128x1xf32> to vector<128x128xf32>
    %sub3A_3564 = vector.broadcast %get3A_3562 : vector<1x128xf32> to vector<128x128xf32>
    %sub3A_3565 = arith.subf %sub3A_3563, %sub3A_3564 : vector<128x128xf32>
    %mul3A_3566 = vector.broadcast %div3A_21 : vector<1x128xf32> to vector<128x128xf32>
    %mul3A_3567 = arith.mulf %sub3A_3565, %mul3A_3566 : vector<128x128xf32>
    %mul3A_3568 = arith.mulf %mul3A_3567, %mul3A_3567 : vector<128x128xf32>
    %mul3A_3569 = arith.constant -0.72134751 : f32
    %mul3A_3570 = vector.broadcast %mul3A_3569 : f32 to vector<128x128xf32>
    %mul3A_3571 = arith.mulf %mul3A_3568, %mul3A_3570 : vector<128x128xf32>
    %add3A_3572 = vector.broadcast %div3A_28 : vector<1x128xf32> to vector<128x128xf32>
    %add3A_3573 = arith.addf %mul3A_3571, %add3A_3572 : vector<128x128xf32>
    %exp23A_3574 = math.exp2 %add3A_3573 : vector<128x128xf32>
    %swap3A_3575 = arith.constant 23808 : index
    %swap3A_3576 = arith.constant 0 : index
    %swap3A_3577 = vector.load %arg6[%swap3A_3575, %swap3A_3576] : memref<32000x128xf32, #tpu.memory_space<vmem>>, vector<128x128xf32>
    tpu.vector_store %arg6[%swap3A_3575, %swap3A_3576], %exp23A_3574 {strides = array<i32>} : memref<32000x128xf32, #tpu.memory_space<vmem>>, vector<128x128xf32>,
    %slice3A_3578 = vector.extract_strided_slice %transpose3A {offsets = [0, 187], sizes = [128, 1], strides = [1, 1]} : vector<128x250xf32> to vector<128x1xf32>
    %get3A_3579 = arith.constant 0 : index
    %get3A_3580 = arith.constant 0 : index
    %get3A_3581 = vector.load %arg4[%get3A_3579, %get3A_3580] : memref<1x128xf32, #tpu.memory_space<vmem>>, vector<1x128xf32>
    %sub3A_3582 = vector.broadcast %slice3A_3578 : vector<128x1xf32> to vector<128x128xf32>
    %sub3A_3583 = vector.broadcast %get3A_3581 : vector<1x128xf32> to vector<128x128xf32>
    %sub3A_3584 = arith.subf %sub3A_3582, %sub3A_3583 : vector<128x128xf32>
    %mul3A_3585 = vector.broadcast %div3A_21 : vector<1x128xf32> to vector<128x128xf32>
    %mul3A_3586 = arith.mulf %sub3A_3584, %mul3A_3585 : vector<128x128xf32>
    %mul3A_3587 = arith.mulf %mul3A_3586, %mul3A_3586 : vector<128x128xf32>
    %mul3A_3588 = arith.constant -0.72134751 : f32
    %mul3A_3589 = vector.broadcast %mul3A_3588 : f32 to vector<128x128xf32>
    %mul3A_3590 = arith.mulf %mul3A_3587, %mul3A_3589 : vector<128x128xf32>
    %add3A_3591 = vector.broadcast %div3A_28 : vector<1x128xf32> to vector<128x128xf32>
    %add3A_3592 = arith.addf %mul3A_3590, %add3A_3591 : vector<128x128xf32>
    %exp23A_3593 = math.exp2 %add3A_3592 : vector<128x128xf32>
    %swap3A_3594 = arith.constant 23936 : index
    %swap3A_3595 = arith.constant 0 : index
    %swap3A_3596 = vector.load %arg6[%swap3A_3594, %swap3A_3595] : memref<32000x128xf32, #tpu.memory_space<vmem>>, vector<128x128xf32>
    tpu.vector_store %arg6[%swap3A_3594, %swap3A_3595], %exp23A_3593 {strides = array<i32>} : memref<32000x128xf32, #tpu.memory_space<vmem>>, vector<128x128xf32>,
    %slice3A_3597 = vector.extract_strided_slice %transpose3A {offsets = [0, 188], sizes = [128, 1], strides = [1, 1]} : vector<128x250xf32> to vector<128x1xf32>
    %get3A_3598 = arith.constant 0 : index
    %get3A_3599 = arith.constant 0 : index
    %get3A_3600 = vector.load %arg4[%get3A_3598, %get3A_3599] : memref<1x128xf32, #tpu.memory_space<vmem>>, vector<1x128xf32>
    %sub3A_3601 = vector.broadcast %slice3A_3597 : vector<128x1xf32> to vector<128x128xf32>
    %sub3A_3602 = vector.broadcast %get3A_3600 : vector<1x128xf32> to vector<128x128xf32>
    %sub3A_3603 = arith.subf %sub3A_3601, %sub3A_3602 : vector<128x128xf32>
    %mul3A_3604 = vector.broadcast %div3A_21 : vector<1x128xf32> to vector<128x128xf32>
    %mul3A_3605 = arith.mulf %sub3A_3603, %mul3A_3604 : vector<128x128xf32>
    %mul3A_3606 = arith.mulf %mul3A_3605, %mul3A_3605 : vector<128x128xf32>
    %mul3A_3607 = arith.constant -0.72134751 : f32
    %mul3A_3608 = vector.broadcast %mul3A_3607 : f32 to vector<128x128xf32>
    %mul3A_3609 = arith.mulf %mul3A_3606, %mul3A_3608 : vector<128x128xf32>
    %add3A_3610 = vector.broadcast %div3A_28 : vector<1x128xf32> to vector<128x128xf32>
    %add3A_3611 = arith.addf %mul3A_3609, %add3A_3610 : vector<128x128xf32>
    %exp23A_3612 = math.exp2 %add3A_3611 : vector<128x128xf32>
    %swap3A_3613 = arith.constant 24064 : index
    %swap3A_3614 = arith.constant 0 : index
    %swap3A_3615 = vector.load %arg6[%swap3A_3613, %swap3A_3614] : memref<32000x128xf32, #tpu.memory_space<vmem>>, vector<128x128xf32>
    tpu.vector_store %arg6[%swap3A_3613, %swap3A_3614], %exp23A_3612 {strides = array<i32>} : memref<32000x128xf32, #tpu.memory_space<vmem>>, vector<128x128xf32>,
    %slice3A_3616 = vector.extract_strided_slice %transpose3A {offsets = [0, 189], sizes = [128, 1], strides = [1, 1]} : vector<128x250xf32> to vector<128x1xf32>
    %get3A_3617 = arith.constant 0 : index
    %get3A_3618 = arith.constant 0 : index
    %get3A_3619 = vector.load %arg4[%get3A_3617, %get3A_3618] : memref<1x128xf32, #tpu.memory_space<vmem>>, vector<1x128xf32>
    %sub3A_3620 = vector.broadcast %slice3A_3616 : vector<128x1xf32> to vector<128x128xf32>
    %sub3A_3621 = vector.broadcast %get3A_3619 : vector<1x128xf32> to vector<128x128xf32>
    %sub3A_3622 = arith.subf %sub3A_3620, %sub3A_3621 : vector<128x128xf32>
    %mul3A_3623 = vector.broadcast %div3A_21 : vector<1x128xf32> to vector<128x128xf32>
    %mul3A_3624 = arith.mulf %sub3A_3622, %mul3A_3623 : vector<128x128xf32>
    %mul3A_3625 = arith.mulf %mul3A_3624, %mul3A_3624 : vector<128x128xf32>
    %mul3A_3626 = arith.constant -0.72134751 : f32
    %mul3A_3627 = vector.broadcast %mul3A_3626 : f32 to vector<128x128xf32>
    %mul3A_3628 = arith.mulf %mul3A_3625, %mul3A_3627 : vector<128x128xf32>
    %add3A_3629 = vector.broadcast %div3A_28 : vector<1x128xf32> to vector<128x128xf32>
    %add3A_3630 = arith.addf %mul3A_3628, %add3A_3629 : vector<128x128xf32>
    %exp23A_3631 = math.exp2 %add3A_3630 : vector<128x128xf32>
    %swap3A_3632 = arith.constant 24192 : index
    %swap3A_3633 = arith.constant 0 : index
    %swap3A_3634 = vector.load %arg6[%swap3A_3632, %swap3A_3633] : memref<32000x128xf32, #tpu.memory_space<vmem>>, vector<128x128xf32>
    tpu.vector_store %arg6[%swap3A_3632, %swap3A_3633], %exp23A_3631 {strides = array<i32>} : memref<32000x128xf32, #tpu.memory_space<vmem>>, vector<128x128xf32>,
    %slice3A_3635 = vector.extract_strided_slice %transpose3A {offsets = [0, 190], sizes = [128, 1], strides = [1, 1]} : vector<128x250xf32> to vector<128x1xf32>
    %get3A_3636 = arith.constant 0 : index
    %get3A_3637 = arith.constant 0 : index
    %get3A_3638 = vector.load %arg4[%get3A_3636, %get3A_3637] : memref<1x128xf32, #tpu.memory_space<vmem>>, vector<1x128xf32>
    %sub3A_3639 = vector.broadcast %slice3A_3635 : vector<128x1xf32> to vector<128x128xf32>
    %sub3A_3640 = vector.broadcast %get3A_3638 : vector<1x128xf32> to vector<128x128xf32>
    %sub3A_3641 = arith.subf %sub3A_3639, %sub3A_3640 : vector<128x128xf32>
    %mul3A_3642 = vector.broadcast %div3A_21 : vector<1x128xf32> to vector<128x128xf32>
    %mul3A_3643 = arith.mulf %sub3A_3641, %mul3A_3642 : vector<128x128xf32>
    %mul3A_3644 = arith.mulf %mul3A_3643, %mul3A_3643 : vector<128x128xf32>
    %mul3A_3645 = arith.constant -0.72134751 : f32
    %mul3A_3646 = vector.broadcast %mul3A_3645 : f32 to vector<128x128xf32>
    %mul3A_3647 = arith.mulf %mul3A_3644, %mul3A_3646 : vector<128x128xf32>
    %add3A_3648 = vector.broadcast %div3A_28 : vector<1x128xf32> to vector<128x128xf32>
    %add3A_3649 = arith.addf %mul3A_3647, %add3A_3648 : vector<128x128xf32>
    %exp23A_3650 = math.exp2 %add3A_3649 : vector<128x128xf32>
    %swap3A_3651 = arith.constant 24320 : index
    %swap3A_3652 = arith.constant 0 : index
    %swap3A_3653 = vector.load %arg6[%swap3A_3651, %swap3A_3652] : memref<32000x128xf32, #tpu.memory_space<vmem>>, vector<128x128xf32>
    tpu.vector_store %arg6[%swap3A_3651, %swap3A_3652], %exp23A_3650 {strides = array<i32>} : memref<32000x128xf32, #tpu.memory_space<vmem>>, vector<128x128xf32>,
    %slice3A_3654 = vector.extract_strided_slice %transpose3A {offsets = [0, 191], sizes = [128, 1], strides = [1, 1]} : vector<128x250xf32> to vector<128x1xf32>
    %get3A_3655 = arith.constant 0 : index
    %get3A_3656 = arith.constant 0 : index
    %get3A_3657 = vector.load %arg4[%get3A_3655, %get3A_3656] : memref<1x128xf32, #tpu.memory_space<vmem>>, vector<1x128xf32>
    %sub3A_3658 = vector.broadcast %slice3A_3654 : vector<128x1xf32> to vector<128x128xf32>
    %sub3A_3659 = vector.broadcast %get3A_3657 : vector<1x128xf32> to vector<128x128xf32>
    %sub3A_3660 = arith.subf %sub3A_3658, %sub3A_3659 : vector<128x128xf32>
    %mul3A_3661 = vector.broadcast %div3A_21 : vector<1x128xf32> to vector<128x128xf32>
    %mul3A_3662 = arith.mulf %sub3A_3660, %mul3A_3661 : vector<128x128xf32>
    %mul3A_3663 = arith.mulf %mul3A_3662, %mul3A_3662 : vector<128x128xf32>
    %mul3A_3664 = arith.constant -0.72134751 : f32
    %mul3A_3665 = vector.broadcast %mul3A_3664 : f32 to vector<128x128xf32>
    %mul3A_3666 = arith.mulf %mul3A_3663, %mul3A_3665 : vector<128x128xf32>
    %add3A_3667 = vector.broadcast %div3A_28 : vector<1x128xf32> to vector<128x128xf32>
    %add3A_3668 = arith.addf %mul3A_3666, %add3A_3667 : vector<128x128xf32>
    %exp23A_3669 = math.exp2 %add3A_3668 : vector<128x128xf32>
    %swap3A_3670 = arith.constant 24448 : index
    %swap3A_3671 = arith.constant 0 : index
    %swap3A_3672 = vector.load %arg6[%swap3A_3670, %swap3A_3671] : memref<32000x128xf32, #tpu.memory_space<vmem>>, vector<128x128xf32>
    tpu.vector_store %arg6[%swap3A_3670, %swap3A_3671], %exp23A_3669 {strides = array<i32>} : memref<32000x128xf32, #tpu.memory_space<vmem>>, vector<128x128xf32>,
    %slice3A_3673 = vector.extract_strided_slice %transpose3A {offsets = [0, 192], sizes = [128, 1], strides = [1, 1]} : vector<128x250xf32> to vector<128x1xf32>
    %get3A_3674 = arith.constant 0 : index
    %get3A_3675 = arith.constant 0 : index
    %get3A_3676 = vector.load %arg4[%get3A_3674, %get3A_3675] : memref<1x128xf32, #tpu.memory_space<vmem>>, vector<1x128xf32>
    %sub3A_3677 = vector.broadcast %slice3A_3673 : vector<128x1xf32> to vector<128x128xf32>
    %sub3A_3678 = vector.broadcast %get3A_3676 : vector<1x128xf32> to vector<128x128xf32>
    %sub3A_3679 = arith.subf %sub3A_3677, %sub3A_3678 : vector<128x128xf32>
    %mul3A_3680 = vector.broadcast %div3A_21 : vector<1x128xf32> to vector<128x128xf32>
    %mul3A_3681 = arith.mulf %sub3A_3679, %mul3A_3680 : vector<128x128xf32>
    %mul3A_3682 = arith.mulf %mul3A_3681, %mul3A_3681 : vector<128x128xf32>
    %mul3A_3683 = arith.constant -0.72134751 : f32
    %mul3A_3684 = vector.broadcast %mul3A_3683 : f32 to vector<128x128xf32>
    %mul3A_3685 = arith.mulf %mul3A_3682, %mul3A_3684 : vector<128x128xf32>
    %add3A_3686 = vector.broadcast %div3A_28 : vector<1x128xf32> to vector<128x128xf32>
    %add3A_3687 = arith.addf %mul3A_3685, %add3A_3686 : vector<128x128xf32>
    %exp23A_3688 = math.exp2 %add3A_3687 : vector<128x128xf32>
    %swap3A_3689 = arith.constant 24576 : index
    %swap3A_3690 = arith.constant 0 : index
    %swap3A_3691 = vector.load %arg6[%swap3A_3689, %swap3A_3690] : memref<32000x128xf32, #tpu.memory_space<vmem>>, vector<128x128xf32>
    tpu.vector_store %arg6[%swap3A_3689, %swap3A_3690], %exp23A_3688 {strides = array<i32>} : memref<32000x128xf32, #tpu.memory_space<vmem>>, vector<128x128xf32>,
    %slice3A_3692 = vector.extract_strided_slice %transpose3A {offsets = [0, 193], sizes = [128, 1], strides = [1, 1]} : vector<128x250xf32> to vector<128x1xf32>
    %get3A_3693 = arith.constant 0 : index
    %get3A_3694 = arith.constant 0 : index
    %get3A_3695 = vector.load %arg4[%get3A_3693, %get3A_3694] : memref<1x128xf32, #tpu.memory_space<vmem>>, vector<1x128xf32>
    %sub3A_3696 = vector.broadcast %slice3A_3692 : vector<128x1xf32> to vector<128x128xf32>
    %sub3A_3697 = vector.broadcast %get3A_3695 : vector<1x128xf32> to vector<128x128xf32>
    %sub3A_3698 = arith.subf %sub3A_3696, %sub3A_3697 : vector<128x128xf32>
    %mul3A_3699 = vector.broadcast %div3A_21 : vector<1x128xf32> to vector<128x128xf32>
    %mul3A_3700 = arith.mulf %sub3A_3698, %mul3A_3699 : vector<128x128xf32>
    %mul3A_3701 = arith.mulf %mul3A_3700, %mul3A_3700 : vector<128x128xf32>
    %mul3A_3702 = arith.constant -0.72134751 : f32
    %mul3A_3703 = vector.broadcast %mul3A_3702 : f32 to vector<128x128xf32>
    %mul3A_3704 = arith.mulf %mul3A_3701, %mul3A_3703 : vector<128x128xf32>
    %add3A_3705 = vector.broadcast %div3A_28 : vector<1x128xf32> to vector<128x128xf32>
    %add3A_3706 = arith.addf %mul3A_3704, %add3A_3705 : vector<128x128xf32>
    %exp23A_3707 = math.exp2 %add3A_3706 : vector<128x128xf32>
    %swap3A_3708 = arith.constant 24704 : index
    %swap3A_3709 = arith.constant 0 : index
    %swap3A_3710 = vector.load %arg6[%swap3A_3708, %swap3A_3709] : memref<32000x128xf32, #tpu.memory_space<vmem>>, vector<128x128xf32>
    tpu.vector_store %arg6[%swap3A_3708, %swap3A_3709], %exp23A_3707 {strides = array<i32>} : memref<32000x128xf32, #tpu.memory_space<vmem>>, vector<128x128xf32>,
    %slice3A_3711 = vector.extract_strided_slice %transpose3A {offsets = [0, 194], sizes = [128, 1], strides = [1, 1]} : vector<128x250xf32> to vector<128x1xf32>
    %get3A_3712 = arith.constant 0 : index
    %get3A_3713 = arith.constant 0 : index
    %get3A_3714 = vector.load %arg4[%get3A_3712, %get3A_3713] : memref<1x128xf32, #tpu.memory_space<vmem>>, vector<1x128xf32>
    %sub3A_3715 = vector.broadcast %slice3A_3711 : vector<128x1xf32> to vector<128x128xf32>
    %sub3A_3716 = vector.broadcast %get3A_3714 : vector<1x128xf32> to vector<128x128xf32>
    %sub3A_3717 = arith.subf %sub3A_3715, %sub3A_3716 : vector<128x128xf32>
    %mul3A_3718 = vector.broadcast %div3A_21 : vector<1x128xf32> to vector<128x128xf32>
    %mul3A_3719 = arith.mulf %sub3A_3717, %mul3A_3718 : vector<128x128xf32>
    %mul3A_3720 = arith.mulf %mul3A_3719, %mul3A_3719 : vector<128x128xf32>
    %mul3A_3721 = arith.constant -0.72134751 : f32
    %mul3A_3722 = vector.broadcast %mul3A_3721 : f32 to vector<128x128xf32>
    %mul3A_3723 = arith.mulf %mul3A_3720, %mul3A_3722 : vector<128x128xf32>
    %add3A_3724 = vector.broadcast %div3A_28 : vector<1x128xf32> to vector<128x128xf32>
    %add3A_3725 = arith.addf %mul3A_3723, %add3A_3724 : vector<128x128xf32>
    %exp23A_3726 = math.exp2 %add3A_3725 : vector<128x128xf32>
    %swap3A_3727 = arith.constant 24832 : index
    %swap3A_3728 = arith.constant 0 : index
    %swap3A_3729 = vector.load %arg6[%swap3A_3727, %swap3A_3728] : memref<32000x128xf32, #tpu.memory_space<vmem>>, vector<128x128xf32>
    tpu.vector_store %arg6[%swap3A_3727, %swap3A_3728], %exp23A_3726 {strides = array<i32>} : memref<32000x128xf32, #tpu.memory_space<vmem>>, vector<128x128xf32>,
    %slice3A_3730 = vector.extract_strided_slice %transpose3A {offsets = [0, 195], sizes = [128, 1], strides = [1, 1]} : vector<128x250xf32> to vector<128x1xf32>
    %get3A_3731 = arith.constant 0 : index
    %get3A_3732 = arith.constant 0 : index
    %get3A_3733 = vector.load %arg4[%get3A_3731, %get3A_3732] : memref<1x128xf32, #tpu.memory_space<vmem>>, vector<1x128xf32>
    %sub3A_3734 = vector.broadcast %slice3A_3730 : vector<128x1xf32> to vector<128x128xf32>
    %sub3A_3735 = vector.broadcast %get3A_3733 : vector<1x128xf32> to vector<128x128xf32>
    %sub3A_3736 = arith.subf %sub3A_3734, %sub3A_3735 : vector<128x128xf32>
    %mul3A_3737 = vector.broadcast %div3A_21 : vector<1x128xf32> to vector<128x128xf32>
    %mul3A_3738 = arith.mulf %sub3A_3736, %mul3A_3737 : vector<128x128xf32>
    %mul3A_3739 = arith.mulf %mul3A_3738, %mul3A_3738 : vector<128x128xf32>
    %mul3A_3740 = arith.constant -0.72134751 : f32
    %mul3A_3741 = vector.broadcast %mul3A_3740 : f32 to vector<128x128xf32>
    %mul3A_3742 = arith.mulf %mul3A_3739, %mul3A_3741 : vector<128x128xf32>
    %add3A_3743 = vector.broadcast %div3A_28 : vector<1x128xf32> to vector<128x128xf32>
    %add3A_3744 = arith.addf %mul3A_3742, %add3A_3743 : vector<128x128xf32>
    %exp23A_3745 = math.exp2 %add3A_3744 : vector<128x128xf32>
    %swap3A_3746 = arith.constant 24960 : index
    %swap3A_3747 = arith.constant 0 : index
    %swap3A_3748 = vector.load %arg6[%swap3A_3746, %swap3A_3747] : memref<32000x128xf32, #tpu.memory_space<vmem>>, vector<128x128xf32>
    tpu.vector_store %arg6[%swap3A_3746, %swap3A_3747], %exp23A_3745 {strides = array<i32>} : memref<32000x128xf32, #tpu.memory_space<vmem>>, vector<128x128xf32>,
    %slice3A_3749 = vector.extract_strided_slice %transpose3A {offsets = [0, 196], sizes = [128, 1], strides = [1, 1]} : vector<128x250xf32> to vector<128x1xf32>
    %get3A_3750 = arith.constant 0 : index
    %get3A_3751 = arith.constant 0 : index
    %get3A_3752 = vector.load %arg4[%get3A_3750, %get3A_3751] : memref<1x128xf32, #tpu.memory_space<vmem>>, vector<1x128xf32>
    %sub3A_3753 = vector.broadcast %slice3A_3749 : vector<128x1xf32> to vector<128x128xf32>
    %sub3A_3754 = vector.broadcast %get3A_3752 : vector<1x128xf32> to vector<128x128xf32>
    %sub3A_3755 = arith.subf %sub3A_3753, %sub3A_3754 : vector<128x128xf32>
    %mul3A_3756 = vector.broadcast %div3A_21 : vector<1x128xf32> to vector<128x128xf32>
    %mul3A_3757 = arith.mulf %sub3A_3755, %mul3A_3756 : vector<128x128xf32>
    %mul3A_3758 = arith.mulf %mul3A_3757, %mul3A_3757 : vector<128x128xf32>
    %mul3A_3759 = arith.constant -0.72134751 : f32
    %mul3A_3760 = vector.broadcast %mul3A_3759 : f32 to vector<128x128xf32>
    %mul3A_3761 = arith.mulf %mul3A_3758, %mul3A_3760 : vector<128x128xf32>
    %add3A_3762 = vector.broadcast %div3A_28 : vector<1x128xf32> to vector<128x128xf32>
    %add3A_3763 = arith.addf %mul3A_3761, %add3A_3762 : vector<128x128xf32>
    %exp23A_3764 = math.exp2 %add3A_3763 : vector<128x128xf32>
    %swap3A_3765 = arith.constant 25088 : index
    %swap3A_3766 = arith.constant 0 : index
    %swap3A_3767 = vector.load %arg6[%swap3A_3765, %swap3A_3766] : memref<32000x128xf32, #tpu.memory_space<vmem>>, vector<128x128xf32>
    tpu.vector_store %arg6[%swap3A_3765, %swap3A_3766], %exp23A_3764 {strides = array<i32>} : memref<32000x128xf32, #tpu.memory_space<vmem>>, vector<128x128xf32>,
    %slice3A_3768 = vector.extract_strided_slice %transpose3A {offsets = [0, 197], sizes = [128, 1], strides = [1, 1]} : vector<128x250xf32> to vector<128x1xf32>
    %get3A_3769 = arith.constant 0 : index
    %get3A_3770 = arith.constant 0 : index
    %get3A_3771 = vector.load %arg4[%get3A_3769, %get3A_3770] : memref<1x128xf32, #tpu.memory_space<vmem>>, vector<1x128xf32>
    %sub3A_3772 = vector.broadcast %slice3A_3768 : vector<128x1xf32> to vector<128x128xf32>
    %sub3A_3773 = vector.broadcast %get3A_3771 : vector<1x128xf32> to vector<128x128xf32>
    %sub3A_3774 = arith.subf %sub3A_3772, %sub3A_3773 : vector<128x128xf32>
    %mul3A_3775 = vector.broadcast %div3A_21 : vector<1x128xf32> to vector<128x128xf32>
    %mul3A_3776 = arith.mulf %sub3A_3774, %mul3A_3775 : vector<128x128xf32>
    %mul3A_3777 = arith.mulf %mul3A_3776, %mul3A_3776 : vector<128x128xf32>
    %mul3A_3778 = arith.constant -0.72134751 : f32
    %mul3A_3779 = vector.broadcast %mul3A_3778 : f32 to vector<128x128xf32>
    %mul3A_3780 = arith.mulf %mul3A_3777, %mul3A_3779 : vector<128x128xf32>
    %add3A_3781 = vector.broadcast %div3A_28 : vector<1x128xf32> to vector<128x128xf32>
    %add3A_3782 = arith.addf %mul3A_3780, %add3A_3781 : vector<128x128xf32>
    %exp23A_3783 = math.exp2 %add3A_3782 : vector<128x128xf32>
    %swap3A_3784 = arith.constant 25216 : index
    %swap3A_3785 = arith.constant 0 : index
    %swap3A_3786 = vector.load %arg6[%swap3A_3784, %swap3A_3785] : memref<32000x128xf32, #tpu.memory_space<vmem>>, vector<128x128xf32>
    tpu.vector_store %arg6[%swap3A_3784, %swap3A_3785], %exp23A_3783 {strides = array<i32>} : memref<32000x128xf32, #tpu.memory_space<vmem>>, vector<128x128xf32>,
    %slice3A_3787 = vector.extract_strided_slice %transpose3A {offsets = [0, 198], sizes = [128, 1], strides = [1, 1]} : vector<128x250xf32> to vector<128x1xf32>
    %get3A_3788 = arith.constant 0 : index
    %get3A_3789 = arith.constant 0 : index
    %get3A_3790 = vector.load %arg4[%get3A_3788, %get3A_3789] : memref<1x128xf32, #tpu.memory_space<vmem>>, vector<1x128xf32>
    %sub3A_3791 = vector.broadcast %slice3A_3787 : vector<128x1xf32> to vector<128x128xf32>
    %sub3A_3792 = vector.broadcast %get3A_3790 : vector<1x128xf32> to vector<128x128xf32>
    %sub3A_3793 = arith.subf %sub3A_3791, %sub3A_3792 : vector<128x128xf32>
    %mul3A_3794 = vector.broadcast %div3A_21 : vector<1x128xf32> to vector<128x128xf32>
    %mul3A_3795 = arith.mulf %sub3A_3793, %mul3A_3794 : vector<128x128xf32>
    %mul3A_3796 = arith.mulf %mul3A_3795, %mul3A_3795 : vector<128x128xf32>
    %mul3A_3797 = arith.constant -0.72134751 : f32
    %mul3A_3798 = vector.broadcast %mul3A_3797 : f32 to vector<128x128xf32>
    %mul3A_3799 = arith.mulf %mul3A_3796, %mul3A_3798 : vector<128x128xf32>
    %add3A_3800 = vector.broadcast %div3A_28 : vector<1x128xf32> to vector<128x128xf32>
    %add3A_3801 = arith.addf %mul3A_3799, %add3A_3800 : vector<128x128xf32>
    %exp23A_3802 = math.exp2 %add3A_3801 : vector<128x128xf32>
    %swap3A_3803 = arith.constant 25344 : index
    %swap3A_3804 = arith.constant 0 : index
    %swap3A_3805 = vector.load %arg6[%swap3A_3803, %swap3A_3804] : memref<32000x128xf32, #tpu.memory_space<vmem>>, vector<128x128xf32>
    tpu.vector_store %arg6[%swap3A_3803, %swap3A_3804], %exp23A_3802 {strides = array<i32>} : memref<32000x128xf32, #tpu.memory_space<vmem>>, vector<128x128xf32>,
    %slice3A_3806 = vector.extract_strided_slice %transpose3A {offsets = [0, 199], sizes = [128, 1], strides = [1, 1]} : vector<128x250xf32> to vector<128x1xf32>
    %get3A_3807 = arith.constant 0 : index
    %get3A_3808 = arith.constant 0 : index
    %get3A_3809 = vector.load %arg4[%get3A_3807, %get3A_3808] : memref<1x128xf32, #tpu.memory_space<vmem>>, vector<1x128xf32>
    %sub3A_3810 = vector.broadcast %slice3A_3806 : vector<128x1xf32> to vector<128x128xf32>
    %sub3A_3811 = vector.broadcast %get3A_3809 : vector<1x128xf32> to vector<128x128xf32>
    %sub3A_3812 = arith.subf %sub3A_3810, %sub3A_3811 : vector<128x128xf32>
    %mul3A_3813 = vector.broadcast %div3A_21 : vector<1x128xf32> to vector<128x128xf32>
    %mul3A_3814 = arith.mulf %sub3A_3812, %mul3A_3813 : vector<128x128xf32>
    %mul3A_3815 = arith.mulf %mul3A_3814, %mul3A_3814 : vector<128x128xf32>
    %mul3A_3816 = arith.constant -0.72134751 : f32
    %mul3A_3817 = vector.broadcast %mul3A_3816 : f32 to vector<128x128xf32>
    %mul3A_3818 = arith.mulf %mul3A_3815, %mul3A_3817 : vector<128x128xf32>
    %add3A_3819 = vector.broadcast %div3A_28 : vector<1x128xf32> to vector<128x128xf32>
    %add3A_3820 = arith.addf %mul3A_3818, %add3A_3819 : vector<128x128xf32>
    %exp23A_3821 = math.exp2 %add3A_3820 : vector<128x128xf32>
    %swap3A_3822 = arith.constant 25472 : index
    %swap3A_3823 = arith.constant 0 : index
    %swap3A_3824 = vector.load %arg6[%swap3A_3822, %swap3A_3823] : memref<32000x128xf32, #tpu.memory_space<vmem>>, vector<128x128xf32>
    tpu.vector_store %arg6[%swap3A_3822, %swap3A_3823], %exp23A_3821 {strides = array<i32>} : memref<32000x128xf32, #tpu.memory_space<vmem>>, vector<128x128xf32>,
    %slice3A_3825 = vector.extract_strided_slice %transpose3A {offsets = [0, 200], sizes = [128, 1], strides = [1, 1]} : vector<128x250xf32> to vector<128x1xf32>
    %get3A_3826 = arith.constant 0 : index
    %get3A_3827 = arith.constant 0 : index
    %get3A_3828 = vector.load %arg4[%get3A_3826, %get3A_3827] : memref<1x128xf32, #tpu.memory_space<vmem>>, vector<1x128xf32>
    %sub3A_3829 = vector.broadcast %slice3A_3825 : vector<128x1xf32> to vector<128x128xf32>
    %sub3A_3830 = vector.broadcast %get3A_3828 : vector<1x128xf32> to vector<128x128xf32>
    %sub3A_3831 = arith.subf %sub3A_3829, %sub3A_3830 : vector<128x128xf32>
    %mul3A_3832 = vector.broadcast %div3A_21 : vector<1x128xf32> to vector<128x128xf32>
    %mul3A_3833 = arith.mulf %sub3A_3831, %mul3A_3832 : vector<128x128xf32>
    %mul3A_3834 = arith.mulf %mul3A_3833, %mul3A_3833 : vector<128x128xf32>
    %mul3A_3835 = arith.constant -0.72134751 : f32
    %mul3A_3836 = vector.broadcast %mul3A_3835 : f32 to vector<128x128xf32>
    %mul3A_3837 = arith.mulf %mul3A_3834, %mul3A_3836 : vector<128x128xf32>
    %add3A_3838 = vector.broadcast %div3A_28 : vector<1x128xf32> to vector<128x128xf32>
    %add3A_3839 = arith.addf %mul3A_3837, %add3A_3838 : vector<128x128xf32>
    %exp23A_3840 = math.exp2 %add3A_3839 : vector<128x128xf32>
    %swap3A_3841 = arith.constant 25600 : index
    %swap3A_3842 = arith.constant 0 : index
    %swap3A_3843 = vector.load %arg6[%swap3A_3841, %swap3A_3842] : memref<32000x128xf32, #tpu.memory_space<vmem>>, vector<128x128xf32>
    tpu.vector_store %arg6[%swap3A_3841, %swap3A_3842], %exp23A_3840 {strides = array<i32>} : memref<32000x128xf32, #tpu.memory_space<vmem>>, vector<128x128xf32>,
    %slice3A_3844 = vector.extract_strided_slice %transpose3A {offsets = [0, 201], sizes = [128, 1], strides = [1, 1]} : vector<128x250xf32> to vector<128x1xf32>
    %get3A_3845 = arith.constant 0 : index
    %get3A_3846 = arith.constant 0 : index
    %get3A_3847 = vector.load %arg4[%get3A_3845, %get3A_3846] : memref<1x128xf32, #tpu.memory_space<vmem>>, vector<1x128xf32>
    %sub3A_3848 = vector.broadcast %slice3A_3844 : vector<128x1xf32> to vector<128x128xf32>
    %sub3A_3849 = vector.broadcast %get3A_3847 : vector<1x128xf32> to vector<128x128xf32>
    %sub3A_3850 = arith.subf %sub3A_3848, %sub3A_3849 : vector<128x128xf32>
    %mul3A_3851 = vector.broadcast %div3A_21 : vector<1x128xf32> to vector<128x128xf32>
    %mul3A_3852 = arith.mulf %sub3A_3850, %mul3A_3851 : vector<128x128xf32>
    %mul3A_3853 = arith.mulf %mul3A_3852, %mul3A_3852 : vector<128x128xf32>
    %mul3A_3854 = arith.constant -0.72134751 : f32
    %mul3A_3855 = vector.broadcast %mul3A_3854 : f32 to vector<128x128xf32>
    %mul3A_3856 = arith.mulf %mul3A_3853, %mul3A_3855 : vector<128x128xf32>
    %add3A_3857 = vector.broadcast %div3A_28 : vector<1x128xf32> to vector<128x128xf32>
    %add3A_3858 = arith.addf %mul3A_3856, %add3A_3857 : vector<128x128xf32>
    %exp23A_3859 = math.exp2 %add3A_3858 : vector<128x128xf32>
    %swap3A_3860 = arith.constant 25728 : index
    %swap3A_3861 = arith.constant 0 : index
    %swap3A_3862 = vector.load %arg6[%swap3A_3860, %swap3A_3861] : memref<32000x128xf32, #tpu.memory_space<vmem>>, vector<128x128xf32>
    tpu.vector_store %arg6[%swap3A_3860, %swap3A_3861], %exp23A_3859 {strides = array<i32>} : memref<32000x128xf32, #tpu.memory_space<vmem>>, vector<128x128xf32>,
    %slice3A_3863 = vector.extract_strided_slice %transpose3A {offsets = [0, 202], sizes = [128, 1], strides = [1, 1]} : vector<128x250xf32> to vector<128x1xf32>
    %get3A_3864 = arith.constant 0 : index
    %get3A_3865 = arith.constant 0 : index
    %get3A_3866 = vector.load %arg4[%get3A_3864, %get3A_3865] : memref<1x128xf32, #tpu.memory_space<vmem>>, vector<1x128xf32>
    %sub3A_3867 = vector.broadcast %slice3A_3863 : vector<128x1xf32> to vector<128x128xf32>
    %sub3A_3868 = vector.broadcast %get3A_3866 : vector<1x128xf32> to vector<128x128xf32>
    %sub3A_3869 = arith.subf %sub3A_3867, %sub3A_3868 : vector<128x128xf32>
    %mul3A_3870 = vector.broadcast %div3A_21 : vector<1x128xf32> to vector<128x128xf32>
    %mul3A_3871 = arith.mulf %sub3A_3869, %mul3A_3870 : vector<128x128xf32>
    %mul3A_3872 = arith.mulf %mul3A_3871, %mul3A_3871 : vector<128x128xf32>
    %mul3A_3873 = arith.constant -0.72134751 : f32
    %mul3A_3874 = vector.broadcast %mul3A_3873 : f32 to vector<128x128xf32>
    %mul3A_3875 = arith.mulf %mul3A_3872, %mul3A_3874 : vector<128x128xf32>
    %add3A_3876 = vector.broadcast %div3A_28 : vector<1x128xf32> to vector<128x128xf32>
    %add3A_3877 = arith.addf %mul3A_3875, %add3A_3876 : vector<128x128xf32>
    %exp23A_3878 = math.exp2 %add3A_3877 : vector<128x128xf32>
    %swap3A_3879 = arith.constant 25856 : index
    %swap3A_3880 = arith.constant 0 : index
    %swap3A_3881 = vector.load %arg6[%swap3A_3879, %swap3A_3880] : memref<32000x128xf32, #tpu.memory_space<vmem>>, vector<128x128xf32>
    tpu.vector_store %arg6[%swap3A_3879, %swap3A_3880], %exp23A_3878 {strides = array<i32>} : memref<32000x128xf32, #tpu.memory_space<vmem>>, vector<128x128xf32>,
    %slice3A_3882 = vector.extract_strided_slice %transpose3A {offsets = [0, 203], sizes = [128, 1], strides = [1, 1]} : vector<128x250xf32> to vector<128x1xf32>
    %get3A_3883 = arith.constant 0 : index
    %get3A_3884 = arith.constant 0 : index
    %get3A_3885 = vector.load %arg4[%get3A_3883, %get3A_3884] : memref<1x128xf32, #tpu.memory_space<vmem>>, vector<1x128xf32>
    %sub3A_3886 = vector.broadcast %slice3A_3882 : vector<128x1xf32> to vector<128x128xf32>
    %sub3A_3887 = vector.broadcast %get3A_3885 : vector<1x128xf32> to vector<128x128xf32>
    %sub3A_3888 = arith.subf %sub3A_3886, %sub3A_3887 : vector<128x128xf32>
    %mul3A_3889 = vector.broadcast %div3A_21 : vector<1x128xf32> to vector<128x128xf32>
    %mul3A_3890 = arith.mulf %sub3A_3888, %mul3A_3889 : vector<128x128xf32>
    %mul3A_3891 = arith.mulf %mul3A_3890, %mul3A_3890 : vector<128x128xf32>
    %mul3A_3892 = arith.constant -0.72134751 : f32
    %mul3A_3893 = vector.broadcast %mul3A_3892 : f32 to vector<128x128xf32>
    %mul3A_3894 = arith.mulf %mul3A_3891, %mul3A_3893 : vector<128x128xf32>
    %add3A_3895 = vector.broadcast %div3A_28 : vector<1x128xf32> to vector<128x128xf32>
    %add3A_3896 = arith.addf %mul3A_3894, %add3A_3895 : vector<128x128xf32>
    %exp23A_3897 = math.exp2 %add3A_3896 : vector<128x128xf32>
    %swap3A_3898 = arith.constant 25984 : index
    %swap3A_3899 = arith.constant 0 : index
    %swap3A_3900 = vector.load %arg6[%swap3A_3898, %swap3A_3899] : memref<32000x128xf32, #tpu.memory_space<vmem>>, vector<128x128xf32>
    tpu.vector_store %arg6[%swap3A_3898, %swap3A_3899], %exp23A_3897 {strides = array<i32>} : memref<32000x128xf32, #tpu.memory_space<vmem>>, vector<128x128xf32>,
    %slice3A_3901 = vector.extract_strided_slice %transpose3A {offsets = [0, 204], sizes = [128, 1], strides = [1, 1]} : vector<128x250xf32> to vector<128x1xf32>
    %get3A_3902 = arith.constant 0 : index
    %get3A_3903 = arith.constant 0 : index
    %get3A_3904 = vector.load %arg4[%get3A_3902, %get3A_3903] : memref<1x128xf32, #tpu.memory_space<vmem>>, vector<1x128xf32>
    %sub3A_3905 = vector.broadcast %slice3A_3901 : vector<128x1xf32> to vector<128x128xf32>
    %sub3A_3906 = vector.broadcast %get3A_3904 : vector<1x128xf32> to vector<128x128xf32>
    %sub3A_3907 = arith.subf %sub3A_3905, %sub3A_3906 : vector<128x128xf32>
    %mul3A_3908 = vector.broadcast %div3A_21 : vector<1x128xf32> to vector<128x128xf32>
    %mul3A_3909 = arith.mulf %sub3A_3907, %mul3A_3908 : vector<128x128xf32>
    %mul3A_3910 = arith.mulf %mul3A_3909, %mul3A_3909 : vector<128x128xf32>
    %mul3A_3911 = arith.constant -0.72134751 : f32
    %mul3A_3912 = vector.broadcast %mul3A_3911 : f32 to vector<128x128xf32>
    %mul3A_3913 = arith.mulf %mul3A_3910, %mul3A_3912 : vector<128x128xf32>
    %add3A_3914 = vector.broadcast %div3A_28 : vector<1x128xf32> to vector<128x128xf32>
    %add3A_3915 = arith.addf %mul3A_3913, %add3A_3914 : vector<128x128xf32>
    %exp23A_3916 = math.exp2 %add3A_3915 : vector<128x128xf32>
    %swap3A_3917 = arith.constant 26112 : index
    %swap3A_3918 = arith.constant 0 : index
    %swap3A_3919 = vector.load %arg6[%swap3A_3917, %swap3A_3918] : memref<32000x128xf32, #tpu.memory_space<vmem>>, vector<128x128xf32>
    tpu.vector_store %arg6[%swap3A_3917, %swap3A_3918], %exp23A_3916 {strides = array<i32>} : memref<32000x128xf32, #tpu.memory_space<vmem>>, vector<128x128xf32>,
    %slice3A_3920 = vector.extract_strided_slice %transpose3A {offsets = [0, 205], sizes = [128, 1], strides = [1, 1]} : vector<128x250xf32> to vector<128x1xf32>
    %get3A_3921 = arith.constant 0 : index
    %get3A_3922 = arith.constant 0 : index
    %get3A_3923 = vector.load %arg4[%get3A_3921, %get3A_3922] : memref<1x128xf32, #tpu.memory_space<vmem>>, vector<1x128xf32>
    %sub3A_3924 = vector.broadcast %slice3A_3920 : vector<128x1xf32> to vector<128x128xf32>
    %sub3A_3925 = vector.broadcast %get3A_3923 : vector<1x128xf32> to vector<128x128xf32>
    %sub3A_3926 = arith.subf %sub3A_3924, %sub3A_3925 : vector<128x128xf32>
    %mul3A_3927 = vector.broadcast %div3A_21 : vector<1x128xf32> to vector<128x128xf32>
    %mul3A_3928 = arith.mulf %sub3A_3926, %mul3A_3927 : vector<128x128xf32>
    %mul3A_3929 = arith.mulf %mul3A_3928, %mul3A_3928 : vector<128x128xf32>
    %mul3A_3930 = arith.constant -0.72134751 : f32
    %mul3A_3931 = vector.broadcast %mul3A_3930 : f32 to vector<128x128xf32>
    %mul3A_3932 = arith.mulf %mul3A_3929, %mul3A_3931 : vector<128x128xf32>
    %add3A_3933 = vector.broadcast %div3A_28 : vector<1x128xf32> to vector<128x128xf32>
    %add3A_3934 = arith.addf %mul3A_3932, %add3A_3933 : vector<128x128xf32>
    %exp23A_3935 = math.exp2 %add3A_3934 : vector<128x128xf32>
    %swap3A_3936 = arith.constant 26240 : index
    %swap3A_3937 = arith.constant 0 : index
    %swap3A_3938 = vector.load %arg6[%swap3A_3936, %swap3A_3937] : memref<32000x128xf32, #tpu.memory_space<vmem>>, vector<128x128xf32>
    tpu.vector_store %arg6[%swap3A_3936, %swap3A_3937], %exp23A_3935 {strides = array<i32>} : memref<32000x128xf32, #tpu.memory_space<vmem>>, vector<128x128xf32>,
    %slice3A_3939 = vector.extract_strided_slice %transpose3A {offsets = [0, 206], sizes = [128, 1], strides = [1, 1]} : vector<128x250xf32> to vector<128x1xf32>
    %get3A_3940 = arith.constant 0 : index
    %get3A_3941 = arith.constant 0 : index
    %get3A_3942 = vector.load %arg4[%get3A_3940, %get3A_3941] : memref<1x128xf32, #tpu.memory_space<vmem>>, vector<1x128xf32>
    %sub3A_3943 = vector.broadcast %slice3A_3939 : vector<128x1xf32> to vector<128x128xf32>
    %sub3A_3944 = vector.broadcast %get3A_3942 : vector<1x128xf32> to vector<128x128xf32>
    %sub3A_3945 = arith.subf %sub3A_3943, %sub3A_3944 : vector<128x128xf32>
    %mul3A_3946 = vector.broadcast %div3A_21 : vector<1x128xf32> to vector<128x128xf32>
    %mul3A_3947 = arith.mulf %sub3A_3945, %mul3A_3946 : vector<128x128xf32>
    %mul3A_3948 = arith.mulf %mul3A_3947, %mul3A_3947 : vector<128x128xf32>
    %mul3A_3949 = arith.constant -0.72134751 : f32
    %mul3A_3950 = vector.broadcast %mul3A_3949 : f32 to vector<128x128xf32>
    %mul3A_3951 = arith.mulf %mul3A_3948, %mul3A_3950 : vector<128x128xf32>
    %add3A_3952 = vector.broadcast %div3A_28 : vector<1x128xf32> to vector<128x128xf32>
    %add3A_3953 = arith.addf %mul3A_3951, %add3A_3952 : vector<128x128xf32>
    %exp23A_3954 = math.exp2 %add3A_3953 : vector<128x128xf32>
    %swap3A_3955 = arith.constant 26368 : index
    %swap3A_3956 = arith.constant 0 : index
    %swap3A_3957 = vector.load %arg6[%swap3A_3955, %swap3A_3956] : memref<32000x128xf32, #tpu.memory_space<vmem>>, vector<128x128xf32>
    tpu.vector_store %arg6[%swap3A_3955, %swap3A_3956], %exp23A_3954 {strides = array<i32>} : memref<32000x128xf32, #tpu.memory_space<vmem>>, vector<128x128xf32>,
    %slice3A_3958 = vector.extract_strided_slice %transpose3A {offsets = [0, 207], sizes = [128, 1], strides = [1, 1]} : vector<128x250xf32> to vector<128x1xf32>
    %get3A_3959 = arith.constant 0 : index
    %get3A_3960 = arith.constant 0 : index
    %get3A_3961 = vector.load %arg4[%get3A_3959, %get3A_3960] : memref<1x128xf32, #tpu.memory_space<vmem>>, vector<1x128xf32>
    %sub3A_3962 = vector.broadcast %slice3A_3958 : vector<128x1xf32> to vector<128x128xf32>
    %sub3A_3963 = vector.broadcast %get3A_3961 : vector<1x128xf32> to vector<128x128xf32>
    %sub3A_3964 = arith.subf %sub3A_3962, %sub3A_3963 : vector<128x128xf32>
    %mul3A_3965 = vector.broadcast %div3A_21 : vector<1x128xf32> to vector<128x128xf32>
    %mul3A_3966 = arith.mulf %sub3A_3964, %mul3A_3965 : vector<128x128xf32>
    %mul3A_3967 = arith.mulf %mul3A_3966, %mul3A_3966 : vector<128x128xf32>
    %mul3A_3968 = arith.constant -0.72134751 : f32
    %mul3A_3969 = vector.broadcast %mul3A_3968 : f32 to vector<128x128xf32>
    %mul3A_3970 = arith.mulf %mul3A_3967, %mul3A_3969 : vector<128x128xf32>
    %add3A_3971 = vector.broadcast %div3A_28 : vector<1x128xf32> to vector<128x128xf32>
    %add3A_3972 = arith.addf %mul3A_3970, %add3A_3971 : vector<128x128xf32>
    %exp23A_3973 = math.exp2 %add3A_3972 : vector<128x128xf32>
    %swap3A_3974 = arith.constant 26496 : index
    %swap3A_3975 = arith.constant 0 : index
    %swap3A_3976 = vector.load %arg6[%swap3A_3974, %swap3A_3975] : memref<32000x128xf32, #tpu.memory_space<vmem>>, vector<128x128xf32>
    tpu.vector_store %arg6[%swap3A_3974, %swap3A_3975], %exp23A_3973 {strides = array<i32>} : memref<32000x128xf32, #tpu.memory_space<vmem>>, vector<128x128xf32>,
    %slice3A_3977 = vector.extract_strided_slice %transpose3A {offsets = [0, 208], sizes = [128, 1], strides = [1, 1]} : vector<128x250xf32> to vector<128x1xf32>
    %get3A_3978 = arith.constant 0 : index
    %get3A_3979 = arith.constant 0 : index
    %get3A_3980 = vector.load %arg4[%get3A_3978, %get3A_3979] : memref<1x128xf32, #tpu.memory_space<vmem>>, vector<1x128xf32>
    %sub3A_3981 = vector.broadcast %slice3A_3977 : vector<128x1xf32> to vector<128x128xf32>
    %sub3A_3982 = vector.broadcast %get3A_3980 : vector<1x128xf32> to vector<128x128xf32>
    %sub3A_3983 = arith.subf %sub3A_3981, %sub3A_3982 : vector<128x128xf32>
    %mul3A_3984 = vector.broadcast %div3A_21 : vector<1x128xf32> to vector<128x128xf32>
    %mul3A_3985 = arith.mulf %sub3A_3983, %mul3A_3984 : vector<128x128xf32>
    %mul3A_3986 = arith.mulf %mul3A_3985, %mul3A_3985 : vector<128x128xf32>
    %mul3A_3987 = arith.constant -0.72134751 : f32
    %mul3A_3988 = vector.broadcast %mul3A_3987 : f32 to vector<128x128xf32>
    %mul3A_3989 = arith.mulf %mul3A_3986, %mul3A_3988 : vector<128x128xf32>
    %add3A_3990 = vector.broadcast %div3A_28 : vector<1x128xf32> to vector<128x128xf32>
    %add3A_3991 = arith.addf %mul3A_3989, %add3A_3990 : vector<128x128xf32>
    %exp23A_3992 = math.exp2 %add3A_3991 : vector<128x128xf32>
    %swap3A_3993 = arith.constant 26624 : index
    %swap3A_3994 = arith.constant 0 : index
    %swap3A_3995 = vector.load %arg6[%swap3A_3993, %swap3A_3994] : memref<32000x128xf32, #tpu.memory_space<vmem>>, vector<128x128xf32>
    tpu.vector_store %arg6[%swap3A_3993, %swap3A_3994], %exp23A_3992 {strides = array<i32>} : memref<32000x128xf32, #tpu.memory_space<vmem>>, vector<128x128xf32>,
    %slice3A_3996 = vector.extract_strided_slice %transpose3A {offsets = [0, 209], sizes = [128, 1], strides = [1, 1]} : vector<128x250xf32> to vector<128x1xf32>
    %get3A_3997 = arith.constant 0 : index
    %get3A_3998 = arith.constant 0 : index
    %get3A_3999 = vector.load %arg4[%get3A_3997, %get3A_3998] : memref<1x128xf32, #tpu.memory_space<vmem>>, vector<1x128xf32>
    %sub3A_4000 = vector.broadcast %slice3A_3996 : vector<128x1xf32> to vector<128x128xf32>
    %sub3A_4001 = vector.broadcast %get3A_3999 : vector<1x128xf32> to vector<128x128xf32>
    %sub3A_4002 = arith.subf %sub3A_4000, %sub3A_4001 : vector<128x128xf32>
    %mul3A_4003 = vector.broadcast %div3A_21 : vector<1x128xf32> to vector<128x128xf32>
    %mul3A_4004 = arith.mulf %sub3A_4002, %mul3A_4003 : vector<128x128xf32>
    %mul3A_4005 = arith.mulf %mul3A_4004, %mul3A_4004 : vector<128x128xf32>
    %mul3A_4006 = arith.constant -0.72134751 : f32
    %mul3A_4007 = vector.broadcast %mul3A_4006 : f32 to vector<128x128xf32>
    %mul3A_4008 = arith.mulf %mul3A_4005, %mul3A_4007 : vector<128x128xf32>
    %add3A_4009 = vector.broadcast %div3A_28 : vector<1x128xf32> to vector<128x128xf32>
    %add3A_4010 = arith.addf %mul3A_4008, %add3A_4009 : vector<128x128xf32>
    %exp23A_4011 = math.exp2 %add3A_4010 : vector<128x128xf32>
    %swap3A_4012 = arith.constant 26752 : index
    %swap3A_4013 = arith.constant 0 : index
    %swap3A_4014 = vector.load %arg6[%swap3A_4012, %swap3A_4013] : memref<32000x128xf32, #tpu.memory_space<vmem>>, vector<128x128xf32>
    tpu.vector_store %arg6[%swap3A_4012, %swap3A_4013], %exp23A_4011 {strides = array<i32>} : memref<32000x128xf32, #tpu.memory_space<vmem>>, vector<128x128xf32>,
    %slice3A_4015 = vector.extract_strided_slice %transpose3A {offsets = [0, 210], sizes = [128, 1], strides = [1, 1]} : vector<128x250xf32> to vector<128x1xf32>
    %get3A_4016 = arith.constant 0 : index
    %get3A_4017 = arith.constant 0 : index
    %get3A_4018 = vector.load %arg4[%get3A_4016, %get3A_4017] : memref<1x128xf32, #tpu.memory_space<vmem>>, vector<1x128xf32>
    %sub3A_4019 = vector.broadcast %slice3A_4015 : vector<128x1xf32> to vector<128x128xf32>
    %sub3A_4020 = vector.broadcast %get3A_4018 : vector<1x128xf32> to vector<128x128xf32>
    %sub3A_4021 = arith.subf %sub3A_4019, %sub3A_4020 : vector<128x128xf32>
    %mul3A_4022 = vector.broadcast %div3A_21 : vector<1x128xf32> to vector<128x128xf32>
    %mul3A_4023 = arith.mulf %sub3A_4021, %mul3A_4022 : vector<128x128xf32>
    %mul3A_4024 = arith.mulf %mul3A_4023, %mul3A_4023 : vector<128x128xf32>
    %mul3A_4025 = arith.constant -0.72134751 : f32
    %mul3A_4026 = vector.broadcast %mul3A_4025 : f32 to vector<128x128xf32>
    %mul3A_4027 = arith.mulf %mul3A_4024, %mul3A_4026 : vector<128x128xf32>
    %add3A_4028 = vector.broadcast %div3A_28 : vector<1x128xf32> to vector<128x128xf32>
    %add3A_4029 = arith.addf %mul3A_4027, %add3A_4028 : vector<128x128xf32>
    %exp23A_4030 = math.exp2 %add3A_4029 : vector<128x128xf32>
    %swap3A_4031 = arith.constant 26880 : index
    %swap3A_4032 = arith.constant 0 : index
    %swap3A_4033 = vector.load %arg6[%swap3A_4031, %swap3A_4032] : memref<32000x128xf32, #tpu.memory_space<vmem>>, vector<128x128xf32>
    tpu.vector_store %arg6[%swap3A_4031, %swap3A_4032], %exp23A_4030 {strides = array<i32>} : memref<32000x128xf32, #tpu.memory_space<vmem>>, vector<128x128xf32>,
    %slice3A_4034 = vector.extract_strided_slice %transpose3A {offsets = [0, 211], sizes = [128, 1], strides = [1, 1]} : vector<128x250xf32> to vector<128x1xf32>
    %get3A_4035 = arith.constant 0 : index
    %get3A_4036 = arith.constant 0 : index
    %get3A_4037 = vector.load %arg4[%get3A_4035, %get3A_4036] : memref<1x128xf32, #tpu.memory_space<vmem>>, vector<1x128xf32>
    %sub3A_4038 = vector.broadcast %slice3A_4034 : vector<128x1xf32> to vector<128x128xf32>
    %sub3A_4039 = vector.broadcast %get3A_4037 : vector<1x128xf32> to vector<128x128xf32>
    %sub3A_4040 = arith.subf %sub3A_4038, %sub3A_4039 : vector<128x128xf32>
    %mul3A_4041 = vector.broadcast %div3A_21 : vector<1x128xf32> to vector<128x128xf32>
    %mul3A_4042 = arith.mulf %sub3A_4040, %mul3A_4041 : vector<128x128xf32>
    %mul3A_4043 = arith.mulf %mul3A_4042, %mul3A_4042 : vector<128x128xf32>
    %mul3A_4044 = arith.constant -0.72134751 : f32
    %mul3A_4045 = vector.broadcast %mul3A_4044 : f32 to vector<128x128xf32>
    %mul3A_4046 = arith.mulf %mul3A_4043, %mul3A_4045 : vector<128x128xf32>
    %add3A_4047 = vector.broadcast %div3A_28 : vector<1x128xf32> to vector<128x128xf32>
    %add3A_4048 = arith.addf %mul3A_4046, %add3A_4047 : vector<128x128xf32>
    %exp23A_4049 = math.exp2 %add3A_4048 : vector<128x128xf32>
    %swap3A_4050 = arith.constant 27008 : index
    %swap3A_4051 = arith.constant 0 : index
    %swap3A_4052 = vector.load %arg6[%swap3A_4050, %swap3A_4051] : memref<32000x128xf32, #tpu.memory_space<vmem>>, vector<128x128xf32>
    tpu.vector_store %arg6[%swap3A_4050, %swap3A_4051], %exp23A_4049 {strides = array<i32>} : memref<32000x128xf32, #tpu.memory_space<vmem>>, vector<128x128xf32>,
    %slice3A_4053 = vector.extract_strided_slice %transpose3A {offsets = [0, 212], sizes = [128, 1], strides = [1, 1]} : vector<128x250xf32> to vector<128x1xf32>
    %get3A_4054 = arith.constant 0 : index
    %get3A_4055 = arith.constant 0 : index
    %get3A_4056 = vector.load %arg4[%get3A_4054, %get3A_4055] : memref<1x128xf32, #tpu.memory_space<vmem>>, vector<1x128xf32>
    %sub3A_4057 = vector.broadcast %slice3A_4053 : vector<128x1xf32> to vector<128x128xf32>
    %sub3A_4058 = vector.broadcast %get3A_4056 : vector<1x128xf32> to vector<128x128xf32>
    %sub3A_4059 = arith.subf %sub3A_4057, %sub3A_4058 : vector<128x128xf32>
    %mul3A_4060 = vector.broadcast %div3A_21 : vector<1x128xf32> to vector<128x128xf32>
    %mul3A_4061 = arith.mulf %sub3A_4059, %mul3A_4060 : vector<128x128xf32>
    %mul3A_4062 = arith.mulf %mul3A_4061, %mul3A_4061 : vector<128x128xf32>
    %mul3A_4063 = arith.constant -0.72134751 : f32
    %mul3A_4064 = vector.broadcast %mul3A_4063 : f32 to vector<128x128xf32>
    %mul3A_4065 = arith.mulf %mul3A_4062, %mul3A_4064 : vector<128x128xf32>
    %add3A_4066 = vector.broadcast %div3A_28 : vector<1x128xf32> to vector<128x128xf32>
    %add3A_4067 = arith.addf %mul3A_4065, %add3A_4066 : vector<128x128xf32>
    %exp23A_4068 = math.exp2 %add3A_4067 : vector<128x128xf32>
    %swap3A_4069 = arith.constant 27136 : index
    %swap3A_4070 = arith.constant 0 : index
    %swap3A_4071 = vector.load %arg6[%swap3A_4069, %swap3A_4070] : memref<32000x128xf32, #tpu.memory_space<vmem>>, vector<128x128xf32>
    tpu.vector_store %arg6[%swap3A_4069, %swap3A_4070], %exp23A_4068 {strides = array<i32>} : memref<32000x128xf32, #tpu.memory_space<vmem>>, vector<128x128xf32>,
    %slice3A_4072 = vector.extract_strided_slice %transpose3A {offsets = [0, 213], sizes = [128, 1], strides = [1, 1]} : vector<128x250xf32> to vector<128x1xf32>
    %get3A_4073 = arith.constant 0 : index
    %get3A_4074 = arith.constant 0 : index
    %get3A_4075 = vector.load %arg4[%get3A_4073, %get3A_4074] : memref<1x128xf32, #tpu.memory_space<vmem>>, vector<1x128xf32>
    %sub3A_4076 = vector.broadcast %slice3A_4072 : vector<128x1xf32> to vector<128x128xf32>
    %sub3A_4077 = vector.broadcast %get3A_4075 : vector<1x128xf32> to vector<128x128xf32>
    %sub3A_4078 = arith.subf %sub3A_4076, %sub3A_4077 : vector<128x128xf32>
    %mul3A_4079 = vector.broadcast %div3A_21 : vector<1x128xf32> to vector<128x128xf32>
    %mul3A_4080 = arith.mulf %sub3A_4078, %mul3A_4079 : vector<128x128xf32>
    %mul3A_4081 = arith.mulf %mul3A_4080, %mul3A_4080 : vector<128x128xf32>
    %mul3A_4082 = arith.constant -0.72134751 : f32
    %mul3A_4083 = vector.broadcast %mul3A_4082 : f32 to vector<128x128xf32>
    %mul3A_4084 = arith.mulf %mul3A_4081, %mul3A_4083 : vector<128x128xf32>
    %add3A_4085 = vector.broadcast %div3A_28 : vector<1x128xf32> to vector<128x128xf32>
    %add3A_4086 = arith.addf %mul3A_4084, %add3A_4085 : vector<128x128xf32>
    %exp23A_4087 = math.exp2 %add3A_4086 : vector<128x128xf32>
    %swap3A_4088 = arith.constant 27264 : index
    %swap3A_4089 = arith.constant 0 : index
    %swap3A_4090 = vector.load %arg6[%swap3A_4088, %swap3A_4089] : memref<32000x128xf32, #tpu.memory_space<vmem>>, vector<128x128xf32>
    tpu.vector_store %arg6[%swap3A_4088, %swap3A_4089], %exp23A_4087 {strides = array<i32>} : memref<32000x128xf32, #tpu.memory_space<vmem>>, vector<128x128xf32>,
    %slice3A_4091 = vector.extract_strided_slice %transpose3A {offsets = [0, 214], sizes = [128, 1], strides = [1, 1]} : vector<128x250xf32> to vector<128x1xf32>
    %get3A_4092 = arith.constant 0 : index
    %get3A_4093 = arith.constant 0 : index
    %get3A_4094 = vector.load %arg4[%get3A_4092, %get3A_4093] : memref<1x128xf32, #tpu.memory_space<vmem>>, vector<1x128xf32>
    %sub3A_4095 = vector.broadcast %slice3A_4091 : vector<128x1xf32> to vector<128x128xf32>
    %sub3A_4096 = vector.broadcast %get3A_4094 : vector<1x128xf32> to vector<128x128xf32>
    %sub3A_4097 = arith.subf %sub3A_4095, %sub3A_4096 : vector<128x128xf32>
    %mul3A_4098 = vector.broadcast %div3A_21 : vector<1x128xf32> to vector<128x128xf32>
    %mul3A_4099 = arith.mulf %sub3A_4097, %mul3A_4098 : vector<128x128xf32>
    %mul3A_4100 = arith.mulf %mul3A_4099, %mul3A_4099 : vector<128x128xf32>
    %mul3A_4101 = arith.constant -0.72134751 : f32
    %mul3A_4102 = vector.broadcast %mul3A_4101 : f32 to vector<128x128xf32>
    %mul3A_4103 = arith.mulf %mul3A_4100, %mul3A_4102 : vector<128x128xf32>
    %add3A_4104 = vector.broadcast %div3A_28 : vector<1x128xf32> to vector<128x128xf32>
    %add3A_4105 = arith.addf %mul3A_4103, %add3A_4104 : vector<128x128xf32>
    %exp23A_4106 = math.exp2 %add3A_4105 : vector<128x128xf32>
    %swap3A_4107 = arith.constant 27392 : index
    %swap3A_4108 = arith.constant 0 : index
    %swap3A_4109 = vector.load %arg6[%swap3A_4107, %swap3A_4108] : memref<32000x128xf32, #tpu.memory_space<vmem>>, vector<128x128xf32>
    tpu.vector_store %arg6[%swap3A_4107, %swap3A_4108], %exp23A_4106 {strides = array<i32>} : memref<32000x128xf32, #tpu.memory_space<vmem>>, vector<128x128xf32>,
    %slice3A_4110 = vector.extract_strided_slice %transpose3A {offsets = [0, 215], sizes = [128, 1], strides = [1, 1]} : vector<128x250xf32> to vector<128x1xf32>
    %get3A_4111 = arith.constant 0 : index
    %get3A_4112 = arith.constant 0 : index
    %get3A_4113 = vector.load %arg4[%get3A_4111, %get3A_4112] : memref<1x128xf32, #tpu.memory_space<vmem>>, vector<1x128xf32>
    %sub3A_4114 = vector.broadcast %slice3A_4110 : vector<128x1xf32> to vector<128x128xf32>
    %sub3A_4115 = vector.broadcast %get3A_4113 : vector<1x128xf32> to vector<128x128xf32>
    %sub3A_4116 = arith.subf %sub3A_4114, %sub3A_4115 : vector<128x128xf32>
    %mul3A_4117 = vector.broadcast %div3A_21 : vector<1x128xf32> to vector<128x128xf32>
    %mul3A_4118 = arith.mulf %sub3A_4116, %mul3A_4117 : vector<128x128xf32>
    %mul3A_4119 = arith.mulf %mul3A_4118, %mul3A_4118 : vector<128x128xf32>
    %mul3A_4120 = arith.constant -0.72134751 : f32
    %mul3A_4121 = vector.broadcast %mul3A_4120 : f32 to vector<128x128xf32>
    %mul3A_4122 = arith.mulf %mul3A_4119, %mul3A_4121 : vector<128x128xf32>
    %add3A_4123 = vector.broadcast %div3A_28 : vector<1x128xf32> to vector<128x128xf32>
    %add3A_4124 = arith.addf %mul3A_4122, %add3A_4123 : vector<128x128xf32>
    %exp23A_4125 = math.exp2 %add3A_4124 : vector<128x128xf32>
    %swap3A_4126 = arith.constant 27520 : index
    %swap3A_4127 = arith.constant 0 : index
    %swap3A_4128 = vector.load %arg6[%swap3A_4126, %swap3A_4127] : memref<32000x128xf32, #tpu.memory_space<vmem>>, vector<128x128xf32>
    tpu.vector_store %arg6[%swap3A_4126, %swap3A_4127], %exp23A_4125 {strides = array<i32>} : memref<32000x128xf32, #tpu.memory_space<vmem>>, vector<128x128xf32>,
    %slice3A_4129 = vector.extract_strided_slice %transpose3A {offsets = [0, 216], sizes = [128, 1], strides = [1, 1]} : vector<128x250xf32> to vector<128x1xf32>
    %get3A_4130 = arith.constant 0 : index
    %get3A_4131 = arith.constant 0 : index
    %get3A_4132 = vector.load %arg4[%get3A_4130, %get3A_4131] : memref<1x128xf32, #tpu.memory_space<vmem>>, vector<1x128xf32>
    %sub3A_4133 = vector.broadcast %slice3A_4129 : vector<128x1xf32> to vector<128x128xf32>
    %sub3A_4134 = vector.broadcast %get3A_4132 : vector<1x128xf32> to vector<128x128xf32>
    %sub3A_4135 = arith.subf %sub3A_4133, %sub3A_4134 : vector<128x128xf32>
    %mul3A_4136 = vector.broadcast %div3A_21 : vector<1x128xf32> to vector<128x128xf32>
    %mul3A_4137 = arith.mulf %sub3A_4135, %mul3A_4136 : vector<128x128xf32>
    %mul3A_4138 = arith.mulf %mul3A_4137, %mul3A_4137 : vector<128x128xf32>
    %mul3A_4139 = arith.constant -0.72134751 : f32
    %mul3A_4140 = vector.broadcast %mul3A_4139 : f32 to vector<128x128xf32>
    %mul3A_4141 = arith.mulf %mul3A_4138, %mul3A_4140 : vector<128x128xf32>
    %add3A_4142 = vector.broadcast %div3A_28 : vector<1x128xf32> to vector<128x128xf32>
    %add3A_4143 = arith.addf %mul3A_4141, %add3A_4142 : vector<128x128xf32>
    %exp23A_4144 = math.exp2 %add3A_4143 : vector<128x128xf32>
    %swap3A_4145 = arith.constant 27648 : index
    %swap3A_4146 = arith.constant 0 : index
    %swap3A_4147 = vector.load %arg6[%swap3A_4145, %swap3A_4146] : memref<32000x128xf32, #tpu.memory_space<vmem>>, vector<128x128xf32>
    tpu.vector_store %arg6[%swap3A_4145, %swap3A_4146], %exp23A_4144 {strides = array<i32>} : memref<32000x128xf32, #tpu.memory_space<vmem>>, vector<128x128xf32>,
    %slice3A_4148 = vector.extract_strided_slice %transpose3A {offsets = [0, 217], sizes = [128, 1], strides = [1, 1]} : vector<128x250xf32> to vector<128x1xf32>
    %get3A_4149 = arith.constant 0 : index
    %get3A_4150 = arith.constant 0 : index
    %get3A_4151 = vector.load %arg4[%get3A_4149, %get3A_4150] : memref<1x128xf32, #tpu.memory_space<vmem>>, vector<1x128xf32>
    %sub3A_4152 = vector.broadcast %slice3A_4148 : vector<128x1xf32> to vector<128x128xf32>
    %sub3A_4153 = vector.broadcast %get3A_4151 : vector<1x128xf32> to vector<128x128xf32>
    %sub3A_4154 = arith.subf %sub3A_4152, %sub3A_4153 : vector<128x128xf32>
    %mul3A_4155 = vector.broadcast %div3A_21 : vector<1x128xf32> to vector<128x128xf32>
    %mul3A_4156 = arith.mulf %sub3A_4154, %mul3A_4155 : vector<128x128xf32>
    %mul3A_4157 = arith.mulf %mul3A_4156, %mul3A_4156 : vector<128x128xf32>
    %mul3A_4158 = arith.constant -0.72134751 : f32
    %mul3A_4159 = vector.broadcast %mul3A_4158 : f32 to vector<128x128xf32>
    %mul3A_4160 = arith.mulf %mul3A_4157, %mul3A_4159 : vector<128x128xf32>
    %add3A_4161 = vector.broadcast %div3A_28 : vector<1x128xf32> to vector<128x128xf32>
    %add3A_4162 = arith.addf %mul3A_4160, %add3A_4161 : vector<128x128xf32>
    %exp23A_4163 = math.exp2 %add3A_4162 : vector<128x128xf32>
    %swap3A_4164 = arith.constant 27776 : index
    %swap3A_4165 = arith.constant 0 : index
    %swap3A_4166 = vector.load %arg6[%swap3A_4164, %swap3A_4165] : memref<32000x128xf32, #tpu.memory_space<vmem>>, vector<128x128xf32>
    tpu.vector_store %arg6[%swap3A_4164, %swap3A_4165], %exp23A_4163 {strides = array<i32>} : memref<32000x128xf32, #tpu.memory_space<vmem>>, vector<128x128xf32>,
    %slice3A_4167 = vector.extract_strided_slice %transpose3A {offsets = [0, 218], sizes = [128, 1], strides = [1, 1]} : vector<128x250xf32> to vector<128x1xf32>
    %get3A_4168 = arith.constant 0 : index
    %get3A_4169 = arith.constant 0 : index
    %get3A_4170 = vector.load %arg4[%get3A_4168, %get3A_4169] : memref<1x128xf32, #tpu.memory_space<vmem>>, vector<1x128xf32>
    %sub3A_4171 = vector.broadcast %slice3A_4167 : vector<128x1xf32> to vector<128x128xf32>
    %sub3A_4172 = vector.broadcast %get3A_4170 : vector<1x128xf32> to vector<128x128xf32>
    %sub3A_4173 = arith.subf %sub3A_4171, %sub3A_4172 : vector<128x128xf32>
    %mul3A_4174 = vector.broadcast %div3A_21 : vector<1x128xf32> to vector<128x128xf32>
    %mul3A_4175 = arith.mulf %sub3A_4173, %mul3A_4174 : vector<128x128xf32>
    %mul3A_4176 = arith.mulf %mul3A_4175, %mul3A_4175 : vector<128x128xf32>
    %mul3A_4177 = arith.constant -0.72134751 : f32
    %mul3A_4178 = vector.broadcast %mul3A_4177 : f32 to vector<128x128xf32>
    %mul3A_4179 = arith.mulf %mul3A_4176, %mul3A_4178 : vector<128x128xf32>
    %add3A_4180 = vector.broadcast %div3A_28 : vector<1x128xf32> to vector<128x128xf32>
    %add3A_4181 = arith.addf %mul3A_4179, %add3A_4180 : vector<128x128xf32>
    %exp23A_4182 = math.exp2 %add3A_4181 : vector<128x128xf32>
    %swap3A_4183 = arith.constant 27904 : index
    %swap3A_4184 = arith.constant 0 : index
    %swap3A_4185 = vector.load %arg6[%swap3A_4183, %swap3A_4184] : memref<32000x128xf32, #tpu.memory_space<vmem>>, vector<128x128xf32>
    tpu.vector_store %arg6[%swap3A_4183, %swap3A_4184], %exp23A_4182 {strides = array<i32>} : memref<32000x128xf32, #tpu.memory_space<vmem>>, vector<128x128xf32>,
    %slice3A_4186 = vector.extract_strided_slice %transpose3A {offsets = [0, 219], sizes = [128, 1], strides = [1, 1]} : vector<128x250xf32> to vector<128x1xf32>
    %get3A_4187 = arith.constant 0 : index
    %get3A_4188 = arith.constant 0 : index
    %get3A_4189 = vector.load %arg4[%get3A_4187, %get3A_4188] : memref<1x128xf32, #tpu.memory_space<vmem>>, vector<1x128xf32>
    %sub3A_4190 = vector.broadcast %slice3A_4186 : vector<128x1xf32> to vector<128x128xf32>
    %sub3A_4191 = vector.broadcast %get3A_4189 : vector<1x128xf32> to vector<128x128xf32>
    %sub3A_4192 = arith.subf %sub3A_4190, %sub3A_4191 : vector<128x128xf32>
    %mul3A_4193 = vector.broadcast %div3A_21 : vector<1x128xf32> to vector<128x128xf32>
    %mul3A_4194 = arith.mulf %sub3A_4192, %mul3A_4193 : vector<128x128xf32>
    %mul3A_4195 = arith.mulf %mul3A_4194, %mul3A_4194 : vector<128x128xf32>
    %mul3A_4196 = arith.constant -0.72134751 : f32
    %mul3A_4197 = vector.broadcast %mul3A_4196 : f32 to vector<128x128xf32>
    %mul3A_4198 = arith.mulf %mul3A_4195, %mul3A_4197 : vector<128x128xf32>
    %add3A_4199 = vector.broadcast %div3A_28 : vector<1x128xf32> to vector<128x128xf32>
    %add3A_4200 = arith.addf %mul3A_4198, %add3A_4199 : vector<128x128xf32>
    %exp23A_4201 = math.exp2 %add3A_4200 : vector<128x128xf32>
    %swap3A_4202 = arith.constant 28032 : index
    %swap3A_4203 = arith.constant 0 : index
    %swap3A_4204 = vector.load %arg6[%swap3A_4202, %swap3A_4203] : memref<32000x128xf32, #tpu.memory_space<vmem>>, vector<128x128xf32>
    tpu.vector_store %arg6[%swap3A_4202, %swap3A_4203], %exp23A_4201 {strides = array<i32>} : memref<32000x128xf32, #tpu.memory_space<vmem>>, vector<128x128xf32>,
    %slice3A_4205 = vector.extract_strided_slice %transpose3A {offsets = [0, 220], sizes = [128, 1], strides = [1, 1]} : vector<128x250xf32> to vector<128x1xf32>
    %get3A_4206 = arith.constant 0 : index
    %get3A_4207 = arith.constant 0 : index
    %get3A_4208 = vector.load %arg4[%get3A_4206, %get3A_4207] : memref<1x128xf32, #tpu.memory_space<vmem>>, vector<1x128xf32>
    %sub3A_4209 = vector.broadcast %slice3A_4205 : vector<128x1xf32> to vector<128x128xf32>
    %sub3A_4210 = vector.broadcast %get3A_4208 : vector<1x128xf32> to vector<128x128xf32>
    %sub3A_4211 = arith.subf %sub3A_4209, %sub3A_4210 : vector<128x128xf32>
    %mul3A_4212 = vector.broadcast %div3A_21 : vector<1x128xf32> to vector<128x128xf32>
    %mul3A_4213 = arith.mulf %sub3A_4211, %mul3A_4212 : vector<128x128xf32>
    %mul3A_4214 = arith.mulf %mul3A_4213, %mul3A_4213 : vector<128x128xf32>
    %mul3A_4215 = arith.constant -0.72134751 : f32
    %mul3A_4216 = vector.broadcast %mul3A_4215 : f32 to vector<128x128xf32>
    %mul3A_4217 = arith.mulf %mul3A_4214, %mul3A_4216 : vector<128x128xf32>
    %add3A_4218 = vector.broadcast %div3A_28 : vector<1x128xf32> to vector<128x128xf32>
    %add3A_4219 = arith.addf %mul3A_4217, %add3A_4218 : vector<128x128xf32>
    %exp23A_4220 = math.exp2 %add3A_4219 : vector<128x128xf32>
    %swap3A_4221 = arith.constant 28160 : index
    %swap3A_4222 = arith.constant 0 : index
    %swap3A_4223 = vector.load %arg6[%swap3A_4221, %swap3A_4222] : memref<32000x128xf32, #tpu.memory_space<vmem>>, vector<128x128xf32>
    tpu.vector_store %arg6[%swap3A_4221, %swap3A_4222], %exp23A_4220 {strides = array<i32>} : memref<32000x128xf32, #tpu.memory_space<vmem>>, vector<128x128xf32>,
    %slice3A_4224 = vector.extract_strided_slice %transpose3A {offsets = [0, 221], sizes = [128, 1], strides = [1, 1]} : vector<128x250xf32> to vector<128x1xf32>
    %get3A_4225 = arith.constant 0 : index
    %get3A_4226 = arith.constant 0 : index
    %get3A_4227 = vector.load %arg4[%get3A_4225, %get3A_4226] : memref<1x128xf32, #tpu.memory_space<vmem>>, vector<1x128xf32>
    %sub3A_4228 = vector.broadcast %slice3A_4224 : vector<128x1xf32> to vector<128x128xf32>
    %sub3A_4229 = vector.broadcast %get3A_4227 : vector<1x128xf32> to vector<128x128xf32>
    %sub3A_4230 = arith.subf %sub3A_4228, %sub3A_4229 : vector<128x128xf32>
    %mul3A_4231 = vector.broadcast %div3A_21 : vector<1x128xf32> to vector<128x128xf32>
    %mul3A_4232 = arith.mulf %sub3A_4230, %mul3A_4231 : vector<128x128xf32>
    %mul3A_4233 = arith.mulf %mul3A_4232, %mul3A_4232 : vector<128x128xf32>
    %mul3A_4234 = arith.constant -0.72134751 : f32
    %mul3A_4235 = vector.broadcast %mul3A_4234 : f32 to vector<128x128xf32>
    %mul3A_4236 = arith.mulf %mul3A_4233, %mul3A_4235 : vector<128x128xf32>
    %add3A_4237 = vector.broadcast %div3A_28 : vector<1x128xf32> to vector<128x128xf32>
    %add3A_4238 = arith.addf %mul3A_4236, %add3A_4237 : vector<128x128xf32>
    %exp23A_4239 = math.exp2 %add3A_4238 : vector<128x128xf32>
    %swap3A_4240 = arith.constant 28288 : index
    %swap3A_4241 = arith.constant 0 : index
    %swap3A_4242 = vector.load %arg6[%swap3A_4240, %swap3A_4241] : memref<32000x128xf32, #tpu.memory_space<vmem>>, vector<128x128xf32>
    tpu.vector_store %arg6[%swap3A_4240, %swap3A_4241], %exp23A_4239 {strides = array<i32>} : memref<32000x128xf32, #tpu.memory_space<vmem>>, vector<128x128xf32>,
    %slice3A_4243 = vector.extract_strided_slice %transpose3A {offsets = [0, 222], sizes = [128, 1], strides = [1, 1]} : vector<128x250xf32> to vector<128x1xf32>
    %get3A_4244 = arith.constant 0 : index
    %get3A_4245 = arith.constant 0 : index
    %get3A_4246 = vector.load %arg4[%get3A_4244, %get3A_4245] : memref<1x128xf32, #tpu.memory_space<vmem>>, vector<1x128xf32>
    %sub3A_4247 = vector.broadcast %slice3A_4243 : vector<128x1xf32> to vector<128x128xf32>
    %sub3A_4248 = vector.broadcast %get3A_4246 : vector<1x128xf32> to vector<128x128xf32>
    %sub3A_4249 = arith.subf %sub3A_4247, %sub3A_4248 : vector<128x128xf32>
    %mul3A_4250 = vector.broadcast %div3A_21 : vector<1x128xf32> to vector<128x128xf32>
    %mul3A_4251 = arith.mulf %sub3A_4249, %mul3A_4250 : vector<128x128xf32>
    %mul3A_4252 = arith.mulf %mul3A_4251, %mul3A_4251 : vector<128x128xf32>
    %mul3A_4253 = arith.constant -0.72134751 : f32
    %mul3A_4254 = vector.broadcast %mul3A_4253 : f32 to vector<128x128xf32>
    %mul3A_4255 = arith.mulf %mul3A_4252, %mul3A_4254 : vector<128x128xf32>
    %add3A_4256 = vector.broadcast %div3A_28 : vector<1x128xf32> to vector<128x128xf32>
    %add3A_4257 = arith.addf %mul3A_4255, %add3A_4256 : vector<128x128xf32>
    %exp23A_4258 = math.exp2 %add3A_4257 : vector<128x128xf32>
    %swap3A_4259 = arith.constant 28416 : index
    %swap3A_4260 = arith.constant 0 : index
    %swap3A_4261 = vector.load %arg6[%swap3A_4259, %swap3A_4260] : memref<32000x128xf32, #tpu.memory_space<vmem>>, vector<128x128xf32>
    tpu.vector_store %arg6[%swap3A_4259, %swap3A_4260], %exp23A_4258 {strides = array<i32>} : memref<32000x128xf32, #tpu.memory_space<vmem>>, vector<128x128xf32>,
    %slice3A_4262 = vector.extract_strided_slice %transpose3A {offsets = [0, 223], sizes = [128, 1], strides = [1, 1]} : vector<128x250xf32> to vector<128x1xf32>
    %get3A_4263 = arith.constant 0 : index
    %get3A_4264 = arith.constant 0 : index
    %get3A_4265 = vector.load %arg4[%get3A_4263, %get3A_4264] : memref<1x128xf32, #tpu.memory_space<vmem>>, vector<1x128xf32>
    %sub3A_4266 = vector.broadcast %slice3A_4262 : vector<128x1xf32> to vector<128x128xf32>
    %sub3A_4267 = vector.broadcast %get3A_4265 : vector<1x128xf32> to vector<128x128xf32>
    %sub3A_4268 = arith.subf %sub3A_4266, %sub3A_4267 : vector<128x128xf32>
    %mul3A_4269 = vector.broadcast %div3A_21 : vector<1x128xf32> to vector<128x128xf32>
    %mul3A_4270 = arith.mulf %sub3A_4268, %mul3A_4269 : vector<128x128xf32>
    %mul3A_4271 = arith.mulf %mul3A_4270, %mul3A_4270 : vector<128x128xf32>
    %mul3A_4272 = arith.constant -0.72134751 : f32
    %mul3A_4273 = vector.broadcast %mul3A_4272 : f32 to vector<128x128xf32>
    %mul3A_4274 = arith.mulf %mul3A_4271, %mul3A_4273 : vector<128x128xf32>
    %add3A_4275 = vector.broadcast %div3A_28 : vector<1x128xf32> to vector<128x128xf32>
    %add3A_4276 = arith.addf %mul3A_4274, %add3A_4275 : vector<128x128xf32>
    %exp23A_4277 = math.exp2 %add3A_4276 : vector<128x128xf32>
    %swap3A_4278 = arith.constant 28544 : index
    %swap3A_4279 = arith.constant 0 : index
    %swap3A_4280 = vector.load %arg6[%swap3A_4278, %swap3A_4279] : memref<32000x128xf32, #tpu.memory_space<vmem>>, vector<128x128xf32>
    tpu.vector_store %arg6[%swap3A_4278, %swap3A_4279], %exp23A_4277 {strides = array<i32>} : memref<32000x128xf32, #tpu.memory_space<vmem>>, vector<128x128xf32>,
    %slice3A_4281 = vector.extract_strided_slice %transpose3A {offsets = [0, 224], sizes = [128, 1], strides = [1, 1]} : vector<128x250xf32> to vector<128x1xf32>
    %get3A_4282 = arith.constant 0 : index
    %get3A_4283 = arith.constant 0 : index
    %get3A_4284 = vector.load %arg4[%get3A_4282, %get3A_4283] : memref<1x128xf32, #tpu.memory_space<vmem>>, vector<1x128xf32>
    %sub3A_4285 = vector.broadcast %slice3A_4281 : vector<128x1xf32> to vector<128x128xf32>
    %sub3A_4286 = vector.broadcast %get3A_4284 : vector<1x128xf32> to vector<128x128xf32>
    %sub3A_4287 = arith.subf %sub3A_4285, %sub3A_4286 : vector<128x128xf32>
    %mul3A_4288 = vector.broadcast %div3A_21 : vector<1x128xf32> to vector<128x128xf32>
    %mul3A_4289 = arith.mulf %sub3A_4287, %mul3A_4288 : vector<128x128xf32>
    %mul3A_4290 = arith.mulf %mul3A_4289, %mul3A_4289 : vector<128x128xf32>
    %mul3A_4291 = arith.constant -0.72134751 : f32
    %mul3A_4292 = vector.broadcast %mul3A_4291 : f32 to vector<128x128xf32>
    %mul3A_4293 = arith.mulf %mul3A_4290, %mul3A_4292 : vector<128x128xf32>
    %add3A_4294 = vector.broadcast %div3A_28 : vector<1x128xf32> to vector<128x128xf32>
    %add3A_4295 = arith.addf %mul3A_4293, %add3A_4294 : vector<128x128xf32>
    %exp23A_4296 = math.exp2 %add3A_4295 : vector<128x128xf32>
    %swap3A_4297 = arith.constant 28672 : index
    %swap3A_4298 = arith.constant 0 : index
    %swap3A_4299 = vector.load %arg6[%swap3A_4297, %swap3A_4298] : memref<32000x128xf32, #tpu.memory_space<vmem>>, vector<128x128xf32>
    tpu.vector_store %arg6[%swap3A_4297, %swap3A_4298], %exp23A_4296 {strides = array<i32>} : memref<32000x128xf32, #tpu.memory_space<vmem>>, vector<128x128xf32>,
    %slice3A_4300 = vector.extract_strided_slice %transpose3A {offsets = [0, 225], sizes = [128, 1], strides = [1, 1]} : vector<128x250xf32> to vector<128x1xf32>
    %get3A_4301 = arith.constant 0 : index
    %get3A_4302 = arith.constant 0 : index
    %get3A_4303 = vector.load %arg4[%get3A_4301, %get3A_4302] : memref<1x128xf32, #tpu.memory_space<vmem>>, vector<1x128xf32>
    %sub3A_4304 = vector.broadcast %slice3A_4300 : vector<128x1xf32> to vector<128x128xf32>
    %sub3A_4305 = vector.broadcast %get3A_4303 : vector<1x128xf32> to vector<128x128xf32>
    %sub3A_4306 = arith.subf %sub3A_4304, %sub3A_4305 : vector<128x128xf32>
    %mul3A_4307 = vector.broadcast %div3A_21 : vector<1x128xf32> to vector<128x128xf32>
    %mul3A_4308 = arith.mulf %sub3A_4306, %mul3A_4307 : vector<128x128xf32>
    %mul3A_4309 = arith.mulf %mul3A_4308, %mul3A_4308 : vector<128x128xf32>
    %mul3A_4310 = arith.constant -0.72134751 : f32
    %mul3A_4311 = vector.broadcast %mul3A_4310 : f32 to vector<128x128xf32>
    %mul3A_4312 = arith.mulf %mul3A_4309, %mul3A_4311 : vector<128x128xf32>
    %add3A_4313 = vector.broadcast %div3A_28 : vector<1x128xf32> to vector<128x128xf32>
    %add3A_4314 = arith.addf %mul3A_4312, %add3A_4313 : vector<128x128xf32>
    %exp23A_4315 = math.exp2 %add3A_4314 : vector<128x128xf32>
    %swap3A_4316 = arith.constant 28800 : index
    %swap3A_4317 = arith.constant 0 : index
    %swap3A_4318 = vector.load %arg6[%swap3A_4316, %swap3A_4317] : memref<32000x128xf32, #tpu.memory_space<vmem>>, vector<128x128xf32>
    tpu.vector_store %arg6[%swap3A_4316, %swap3A_4317], %exp23A_4315 {strides = array<i32>} : memref<32000x128xf32, #tpu.memory_space<vmem>>, vector<128x128xf32>,
    %slice3A_4319 = vector.extract_strided_slice %transpose3A {offsets = [0, 226], sizes = [128, 1], strides = [1, 1]} : vector<128x250xf32> to vector<128x1xf32>
    %get3A_4320 = arith.constant 0 : index
    %get3A_4321 = arith.constant 0 : index
    %get3A_4322 = vector.load %arg4[%get3A_4320, %get3A_4321] : memref<1x128xf32, #tpu.memory_space<vmem>>, vector<1x128xf32>
    %sub3A_4323 = vector.broadcast %slice3A_4319 : vector<128x1xf32> to vector<128x128xf32>
    %sub3A_4324 = vector.broadcast %get3A_4322 : vector<1x128xf32> to vector<128x128xf32>
    %sub3A_4325 = arith.subf %sub3A_4323, %sub3A_4324 : vector<128x128xf32>
    %mul3A_4326 = vector.broadcast %div3A_21 : vector<1x128xf32> to vector<128x128xf32>
    %mul3A_4327 = arith.mulf %sub3A_4325, %mul3A_4326 : vector<128x128xf32>
    %mul3A_4328 = arith.mulf %mul3A_4327, %mul3A_4327 : vector<128x128xf32>
    %mul3A_4329 = arith.constant -0.72134751 : f32
    %mul3A_4330 = vector.broadcast %mul3A_4329 : f32 to vector<128x128xf32>
    %mul3A_4331 = arith.mulf %mul3A_4328, %mul3A_4330 : vector<128x128xf32>
    %add3A_4332 = vector.broadcast %div3A_28 : vector<1x128xf32> to vector<128x128xf32>
    %add3A_4333 = arith.addf %mul3A_4331, %add3A_4332 : vector<128x128xf32>
    %exp23A_4334 = math.exp2 %add3A_4333 : vector<128x128xf32>
    %swap3A_4335 = arith.constant 28928 : index
    %swap3A_4336 = arith.constant 0 : index
    %swap3A_4337 = vector.load %arg6[%swap3A_4335, %swap3A_4336] : memref<32000x128xf32, #tpu.memory_space<vmem>>, vector<128x128xf32>
    tpu.vector_store %arg6[%swap3A_4335, %swap3A_4336], %exp23A_4334 {strides = array<i32>} : memref<32000x128xf32, #tpu.memory_space<vmem>>, vector<128x128xf32>,
    %slice3A_4338 = vector.extract_strided_slice %transpose3A {offsets = [0, 227], sizes = [128, 1], strides = [1, 1]} : vector<128x250xf32> to vector<128x1xf32>
    %get3A_4339 = arith.constant 0 : index
    %get3A_4340 = arith.constant 0 : index
    %get3A_4341 = vector.load %arg4[%get3A_4339, %get3A_4340] : memref<1x128xf32, #tpu.memory_space<vmem>>, vector<1x128xf32>
    %sub3A_4342 = vector.broadcast %slice3A_4338 : vector<128x1xf32> to vector<128x128xf32>
    %sub3A_4343 = vector.broadcast %get3A_4341 : vector<1x128xf32> to vector<128x128xf32>
    %sub3A_4344 = arith.subf %sub3A_4342, %sub3A_4343 : vector<128x128xf32>
    %mul3A_4345 = vector.broadcast %div3A_21 : vector<1x128xf32> to vector<128x128xf32>
    %mul3A_4346 = arith.mulf %sub3A_4344, %mul3A_4345 : vector<128x128xf32>
    %mul3A_4347 = arith.mulf %mul3A_4346, %mul3A_4346 : vector<128x128xf32>
    %mul3A_4348 = arith.constant -0.72134751 : f32
    %mul3A_4349 = vector.broadcast %mul3A_4348 : f32 to vector<128x128xf32>
    %mul3A_4350 = arith.mulf %mul3A_4347, %mul3A_4349 : vector<128x128xf32>
    %add3A_4351 = vector.broadcast %div3A_28 : vector<1x128xf32> to vector<128x128xf32>
    %add3A_4352 = arith.addf %mul3A_4350, %add3A_4351 : vector<128x128xf32>
    %exp23A_4353 = math.exp2 %add3A_4352 : vector<128x128xf32>
    %swap3A_4354 = arith.constant 29056 : index
    %swap3A_4355 = arith.constant 0 : index
    %swap3A_4356 = vector.load %arg6[%swap3A_4354, %swap3A_4355] : memref<32000x128xf32, #tpu.memory_space<vmem>>, vector<128x128xf32>
    tpu.vector_store %arg6[%swap3A_4354, %swap3A_4355], %exp23A_4353 {strides = array<i32>} : memref<32000x128xf32, #tpu.memory_space<vmem>>, vector<128x128xf32>,
    %slice3A_4357 = vector.extract_strided_slice %transpose3A {offsets = [0, 228], sizes = [128, 1], strides = [1, 1]} : vector<128x250xf32> to vector<128x1xf32>
    %get3A_4358 = arith.constant 0 : index
    %get3A_4359 = arith.constant 0 : index
    %get3A_4360 = vector.load %arg4[%get3A_4358, %get3A_4359] : memref<1x128xf32, #tpu.memory_space<vmem>>, vector<1x128xf32>
    %sub3A_4361 = vector.broadcast %slice3A_4357 : vector<128x1xf32> to vector<128x128xf32>
    %sub3A_4362 = vector.broadcast %get3A_4360 : vector<1x128xf32> to vector<128x128xf32>
    %sub3A_4363 = arith.subf %sub3A_4361, %sub3A_4362 : vector<128x128xf32>
    %mul3A_4364 = vector.broadcast %div3A_21 : vector<1x128xf32> to vector<128x128xf32>
    %mul3A_4365 = arith.mulf %sub3A_4363, %mul3A_4364 : vector<128x128xf32>
    %mul3A_4366 = arith.mulf %mul3A_4365, %mul3A_4365 : vector<128x128xf32>
    %mul3A_4367 = arith.constant -0.72134751 : f32
    %mul3A_4368 = vector.broadcast %mul3A_4367 : f32 to vector<128x128xf32>
    %mul3A_4369 = arith.mulf %mul3A_4366, %mul3A_4368 : vector<128x128xf32>
    %add3A_4370 = vector.broadcast %div3A_28 : vector<1x128xf32> to vector<128x128xf32>
    %add3A_4371 = arith.addf %mul3A_4369, %add3A_4370 : vector<128x128xf32>
    %exp23A_4372 = math.exp2 %add3A_4371 : vector<128x128xf32>
    %swap3A_4373 = arith.constant 29184 : index
    %swap3A_4374 = arith.constant 0 : index
    %swap3A_4375 = vector.load %arg6[%swap3A_4373, %swap3A_4374] : memref<32000x128xf32, #tpu.memory_space<vmem>>, vector<128x128xf32>
    tpu.vector_store %arg6[%swap3A_4373, %swap3A_4374], %exp23A_4372 {strides = array<i32>} : memref<32000x128xf32, #tpu.memory_space<vmem>>, vector<128x128xf32>,
    %slice3A_4376 = vector.extract_strided_slice %transpose3A {offsets = [0, 229], sizes = [128, 1], strides = [1, 1]} : vector<128x250xf32> to vector<128x1xf32>
    %get3A_4377 = arith.constant 0 : index
    %get3A_4378 = arith.constant 0 : index
    %get3A_4379 = vector.load %arg4[%get3A_4377, %get3A_4378] : memref<1x128xf32, #tpu.memory_space<vmem>>, vector<1x128xf32>
    %sub3A_4380 = vector.broadcast %slice3A_4376 : vector<128x1xf32> to vector<128x128xf32>
    %sub3A_4381 = vector.broadcast %get3A_4379 : vector<1x128xf32> to vector<128x128xf32>
    %sub3A_4382 = arith.subf %sub3A_4380, %sub3A_4381 : vector<128x128xf32>
    %mul3A_4383 = vector.broadcast %div3A_21 : vector<1x128xf32> to vector<128x128xf32>
    %mul3A_4384 = arith.mulf %sub3A_4382, %mul3A_4383 : vector<128x128xf32>
    %mul3A_4385 = arith.mulf %mul3A_4384, %mul3A_4384 : vector<128x128xf32>
    %mul3A_4386 = arith.constant -0.72134751 : f32
    %mul3A_4387 = vector.broadcast %mul3A_4386 : f32 to vector<128x128xf32>
    %mul3A_4388 = arith.mulf %mul3A_4385, %mul3A_4387 : vector<128x128xf32>
    %add3A_4389 = vector.broadcast %div3A_28 : vector<1x128xf32> to vector<128x128xf32>
    %add3A_4390 = arith.addf %mul3A_4388, %add3A_4389 : vector<128x128xf32>
    %exp23A_4391 = math.exp2 %add3A_4390 : vector<128x128xf32>
    %swap3A_4392 = arith.constant 29312 : index
    %swap3A_4393 = arith.constant 0 : index
    %swap3A_4394 = vector.load %arg6[%swap3A_4392, %swap3A_4393] : memref<32000x128xf32, #tpu.memory_space<vmem>>, vector<128x128xf32>
    tpu.vector_store %arg6[%swap3A_4392, %swap3A_4393], %exp23A_4391 {strides = array<i32>} : memref<32000x128xf32, #tpu.memory_space<vmem>>, vector<128x128xf32>,
    %slice3A_4395 = vector.extract_strided_slice %transpose3A {offsets = [0, 230], sizes = [128, 1], strides = [1, 1]} : vector<128x250xf32> to vector<128x1xf32>
    %get3A_4396 = arith.constant 0 : index
    %get3A_4397 = arith.constant 0 : index
    %get3A_4398 = vector.load %arg4[%get3A_4396, %get3A_4397] : memref<1x128xf32, #tpu.memory_space<vmem>>, vector<1x128xf32>
    %sub3A_4399 = vector.broadcast %slice3A_4395 : vector<128x1xf32> to vector<128x128xf32>
    %sub3A_4400 = vector.broadcast %get3A_4398 : vector<1x128xf32> to vector<128x128xf32>
    %sub3A_4401 = arith.subf %sub3A_4399, %sub3A_4400 : vector<128x128xf32>
    %mul3A_4402 = vector.broadcast %div3A_21 : vector<1x128xf32> to vector<128x128xf32>
    %mul3A_4403 = arith.mulf %sub3A_4401, %mul3A_4402 : vector<128x128xf32>
    %mul3A_4404 = arith.mulf %mul3A_4403, %mul3A_4403 : vector<128x128xf32>
    %mul3A_4405 = arith.constant -0.72134751 : f32
    %mul3A_4406 = vector.broadcast %mul3A_4405 : f32 to vector<128x128xf32>
    %mul3A_4407 = arith.mulf %mul3A_4404, %mul3A_4406 : vector<128x128xf32>
    %add3A_4408 = vector.broadcast %div3A_28 : vector<1x128xf32> to vector<128x128xf32>
    %add3A_4409 = arith.addf %mul3A_4407, %add3A_4408 : vector<128x128xf32>
    %exp23A_4410 = math.exp2 %add3A_4409 : vector<128x128xf32>
    %swap3A_4411 = arith.constant 29440 : index
    %swap3A_4412 = arith.constant 0 : index
    %swap3A_4413 = vector.load %arg6[%swap3A_4411, %swap3A_4412] : memref<32000x128xf32, #tpu.memory_space<vmem>>, vector<128x128xf32>
    tpu.vector_store %arg6[%swap3A_4411, %swap3A_4412], %exp23A_4410 {strides = array<i32>} : memref<32000x128xf32, #tpu.memory_space<vmem>>, vector<128x128xf32>,
    %slice3A_4414 = vector.extract_strided_slice %transpose3A {offsets = [0, 231], sizes = [128, 1], strides = [1, 1]} : vector<128x250xf32> to vector<128x1xf32>
    %get3A_4415 = arith.constant 0 : index
    %get3A_4416 = arith.constant 0 : index
    %get3A_4417 = vector.load %arg4[%get3A_4415, %get3A_4416] : memref<1x128xf32, #tpu.memory_space<vmem>>, vector<1x128xf32>
    %sub3A_4418 = vector.broadcast %slice3A_4414 : vector<128x1xf32> to vector<128x128xf32>
    %sub3A_4419 = vector.broadcast %get3A_4417 : vector<1x128xf32> to vector<128x128xf32>
    %sub3A_4420 = arith.subf %sub3A_4418, %sub3A_4419 : vector<128x128xf32>
    %mul3A_4421 = vector.broadcast %div3A_21 : vector<1x128xf32> to vector<128x128xf32>
    %mul3A_4422 = arith.mulf %sub3A_4420, %mul3A_4421 : vector<128x128xf32>
    %mul3A_4423 = arith.mulf %mul3A_4422, %mul3A_4422 : vector<128x128xf32>
    %mul3A_4424 = arith.constant -0.72134751 : f32
    %mul3A_4425 = vector.broadcast %mul3A_4424 : f32 to vector<128x128xf32>
    %mul3A_4426 = arith.mulf %mul3A_4423, %mul3A_4425 : vector<128x128xf32>
    %add3A_4427 = vector.broadcast %div3A_28 : vector<1x128xf32> to vector<128x128xf32>
    %add3A_4428 = arith.addf %mul3A_4426, %add3A_4427 : vector<128x128xf32>
    %exp23A_4429 = math.exp2 %add3A_4428 : vector<128x128xf32>
    %swap3A_4430 = arith.constant 29568 : index
    %swap3A_4431 = arith.constant 0 : index
    %swap3A_4432 = vector.load %arg6[%swap3A_4430, %swap3A_4431] : memref<32000x128xf32, #tpu.memory_space<vmem>>, vector<128x128xf32>
    tpu.vector_store %arg6[%swap3A_4430, %swap3A_4431], %exp23A_4429 {strides = array<i32>} : memref<32000x128xf32, #tpu.memory_space<vmem>>, vector<128x128xf32>,
    %slice3A_4433 = vector.extract_strided_slice %transpose3A {offsets = [0, 232], sizes = [128, 1], strides = [1, 1]} : vector<128x250xf32> to vector<128x1xf32>
    %get3A_4434 = arith.constant 0 : index
    %get3A_4435 = arith.constant 0 : index
    %get3A_4436 = vector.load %arg4[%get3A_4434, %get3A_4435] : memref<1x128xf32, #tpu.memory_space<vmem>>, vector<1x128xf32>
    %sub3A_4437 = vector.broadcast %slice3A_4433 : vector<128x1xf32> to vector<128x128xf32>
    %sub3A_4438 = vector.broadcast %get3A_4436 : vector<1x128xf32> to vector<128x128xf32>
    %sub3A_4439 = arith.subf %sub3A_4437, %sub3A_4438 : vector<128x128xf32>
    %mul3A_4440 = vector.broadcast %div3A_21 : vector<1x128xf32> to vector<128x128xf32>
    %mul3A_4441 = arith.mulf %sub3A_4439, %mul3A_4440 : vector<128x128xf32>
    %mul3A_4442 = arith.mulf %mul3A_4441, %mul3A_4441 : vector<128x128xf32>
    %mul3A_4443 = arith.constant -0.72134751 : f32
    %mul3A_4444 = vector.broadcast %mul3A_4443 : f32 to vector<128x128xf32>
    %mul3A_4445 = arith.mulf %mul3A_4442, %mul3A_4444 : vector<128x128xf32>
    %add3A_4446 = vector.broadcast %div3A_28 : vector<1x128xf32> to vector<128x128xf32>
    %add3A_4447 = arith.addf %mul3A_4445, %add3A_4446 : vector<128x128xf32>
    %exp23A_4448 = math.exp2 %add3A_4447 : vector<128x128xf32>
    %swap3A_4449 = arith.constant 29696 : index
    %swap3A_4450 = arith.constant 0 : index
    %swap3A_4451 = vector.load %arg6[%swap3A_4449, %swap3A_4450] : memref<32000x128xf32, #tpu.memory_space<vmem>>, vector<128x128xf32>
    tpu.vector_store %arg6[%swap3A_4449, %swap3A_4450], %exp23A_4448 {strides = array<i32>} : memref<32000x128xf32, #tpu.memory_space<vmem>>, vector<128x128xf32>,
    %slice3A_4452 = vector.extract_strided_slice %transpose3A {offsets = [0, 233], sizes = [128, 1], strides = [1, 1]} : vector<128x250xf32> to vector<128x1xf32>
    %get3A_4453 = arith.constant 0 : index
    %get3A_4454 = arith.constant 0 : index
    %get3A_4455 = vector.load %arg4[%get3A_4453, %get3A_4454] : memref<1x128xf32, #tpu.memory_space<vmem>>, vector<1x128xf32>
    %sub3A_4456 = vector.broadcast %slice3A_4452 : vector<128x1xf32> to vector<128x128xf32>
    %sub3A_4457 = vector.broadcast %get3A_4455 : vector<1x128xf32> to vector<128x128xf32>
    %sub3A_4458 = arith.subf %sub3A_4456, %sub3A_4457 : vector<128x128xf32>
    %mul3A_4459 = vector.broadcast %div3A_21 : vector<1x128xf32> to vector<128x128xf32>
    %mul3A_4460 = arith.mulf %sub3A_4458, %mul3A_4459 : vector<128x128xf32>
    %mul3A_4461 = arith.mulf %mul3A_4460, %mul3A_4460 : vector<128x128xf32>
    %mul3A_4462 = arith.constant -0.72134751 : f32
    %mul3A_4463 = vector.broadcast %mul3A_4462 : f32 to vector<128x128xf32>
    %mul3A_4464 = arith.mulf %mul3A_4461, %mul3A_4463 : vector<128x128xf32>
    %add3A_4465 = vector.broadcast %div3A_28 : vector<1x128xf32> to vector<128x128xf32>
    %add3A_4466 = arith.addf %mul3A_4464, %add3A_4465 : vector<128x128xf32>
    %exp23A_4467 = math.exp2 %add3A_4466 : vector<128x128xf32>
    %swap3A_4468 = arith.constant 29824 : index
    %swap3A_4469 = arith.constant 0 : index
    %swap3A_4470 = vector.load %arg6[%swap3A_4468, %swap3A_4469] : memref<32000x128xf32, #tpu.memory_space<vmem>>, vector<128x128xf32>
    tpu.vector_store %arg6[%swap3A_4468, %swap3A_4469], %exp23A_4467 {strides = array<i32>} : memref<32000x128xf32, #tpu.memory_space<vmem>>, vector<128x128xf32>,
    %slice3A_4471 = vector.extract_strided_slice %transpose3A {offsets = [0, 234], sizes = [128, 1], strides = [1, 1]} : vector<128x250xf32> to vector<128x1xf32>
    %get3A_4472 = arith.constant 0 : index
    %get3A_4473 = arith.constant 0 : index
    %get3A_4474 = vector.load %arg4[%get3A_4472, %get3A_4473] : memref<1x128xf32, #tpu.memory_space<vmem>>, vector<1x128xf32>
    %sub3A_4475 = vector.broadcast %slice3A_4471 : vector<128x1xf32> to vector<128x128xf32>
    %sub3A_4476 = vector.broadcast %get3A_4474 : vector<1x128xf32> to vector<128x128xf32>
    %sub3A_4477 = arith.subf %sub3A_4475, %sub3A_4476 : vector<128x128xf32>
    %mul3A_4478 = vector.broadcast %div3A_21 : vector<1x128xf32> to vector<128x128xf32>
    %mul3A_4479 = arith.mulf %sub3A_4477, %mul3A_4478 : vector<128x128xf32>
    %mul3A_4480 = arith.mulf %mul3A_4479, %mul3A_4479 : vector<128x128xf32>
    %mul3A_4481 = arith.constant -0.72134751 : f32
    %mul3A_4482 = vector.broadcast %mul3A_4481 : f32 to vector<128x128xf32>
    %mul3A_4483 = arith.mulf %mul3A_4480, %mul3A_4482 : vector<128x128xf32>
    %add3A_4484 = vector.broadcast %div3A_28 : vector<1x128xf32> to vector<128x128xf32>
    %add3A_4485 = arith.addf %mul3A_4483, %add3A_4484 : vector<128x128xf32>
    %exp23A_4486 = math.exp2 %add3A_4485 : vector<128x128xf32>
    %swap3A_4487 = arith.constant 29952 : index
    %swap3A_4488 = arith.constant 0 : index
    %swap3A_4489 = vector.load %arg6[%swap3A_4487, %swap3A_4488] : memref<32000x128xf32, #tpu.memory_space<vmem>>, vector<128x128xf32>
    tpu.vector_store %arg6[%swap3A_4487, %swap3A_4488], %exp23A_4486 {strides = array<i32>} : memref<32000x128xf32, #tpu.memory_space<vmem>>, vector<128x128xf32>,
    %slice3A_4490 = vector.extract_strided_slice %transpose3A {offsets = [0, 235], sizes = [128, 1], strides = [1, 1]} : vector<128x250xf32> to vector<128x1xf32>
    %get3A_4491 = arith.constant 0 : index
    %get3A_4492 = arith.constant 0 : index
    %get3A_4493 = vector.load %arg4[%get3A_4491, %get3A_4492] : memref<1x128xf32, #tpu.memory_space<vmem>>, vector<1x128xf32>
    %sub3A_4494 = vector.broadcast %slice3A_4490 : vector<128x1xf32> to vector<128x128xf32>
    %sub3A_4495 = vector.broadcast %get3A_4493 : vector<1x128xf32> to vector<128x128xf32>
    %sub3A_4496 = arith.subf %sub3A_4494, %sub3A_4495 : vector<128x128xf32>
    %mul3A_4497 = vector.broadcast %div3A_21 : vector<1x128xf32> to vector<128x128xf32>
    %mul3A_4498 = arith.mulf %sub3A_4496, %mul3A_4497 : vector<128x128xf32>
    %mul3A_4499 = arith.mulf %mul3A_4498, %mul3A_4498 : vector<128x128xf32>
    %mul3A_4500 = arith.constant -0.72134751 : f32
    %mul3A_4501 = vector.broadcast %mul3A_4500 : f32 to vector<128x128xf32>
    %mul3A_4502 = arith.mulf %mul3A_4499, %mul3A_4501 : vector<128x128xf32>
    %add3A_4503 = vector.broadcast %div3A_28 : vector<1x128xf32> to vector<128x128xf32>
    %add3A_4504 = arith.addf %mul3A_4502, %add3A_4503 : vector<128x128xf32>
    %exp23A_4505 = math.exp2 %add3A_4504 : vector<128x128xf32>
    %swap3A_4506 = arith.constant 30080 : index
    %swap3A_4507 = arith.constant 0 : index
    %swap3A_4508 = vector.load %arg6[%swap3A_4506, %swap3A_4507] : memref<32000x128xf32, #tpu.memory_space<vmem>>, vector<128x128xf32>
    tpu.vector_store %arg6[%swap3A_4506, %swap3A_4507], %exp23A_4505 {strides = array<i32>} : memref<32000x128xf32, #tpu.memory_space<vmem>>, vector<128x128xf32>,
    %slice3A_4509 = vector.extract_strided_slice %transpose3A {offsets = [0, 236], sizes = [128, 1], strides = [1, 1]} : vector<128x250xf32> to vector<128x1xf32>
    %get3A_4510 = arith.constant 0 : index
    %get3A_4511 = arith.constant 0 : index
    %get3A_4512 = vector.load %arg4[%get3A_4510, %get3A_4511] : memref<1x128xf32, #tpu.memory_space<vmem>>, vector<1x128xf32>
    %sub3A_4513 = vector.broadcast %slice3A_4509 : vector<128x1xf32> to vector<128x128xf32>
    %sub3A_4514 = vector.broadcast %get3A_4512 : vector<1x128xf32> to vector<128x128xf32>
    %sub3A_4515 = arith.subf %sub3A_4513, %sub3A_4514 : vector<128x128xf32>
    %mul3A_4516 = vector.broadcast %div3A_21 : vector<1x128xf32> to vector<128x128xf32>
    %mul3A_4517 = arith.mulf %sub3A_4515, %mul3A_4516 : vector<128x128xf32>
    %mul3A_4518 = arith.mulf %mul3A_4517, %mul3A_4517 : vector<128x128xf32>
    %mul3A_4519 = arith.constant -0.72134751 : f32
    %mul3A_4520 = vector.broadcast %mul3A_4519 : f32 to vector<128x128xf32>
    %mul3A_4521 = arith.mulf %mul3A_4518, %mul3A_4520 : vector<128x128xf32>
    %add3A_4522 = vector.broadcast %div3A_28 : vector<1x128xf32> to vector<128x128xf32>
    %add3A_4523 = arith.addf %mul3A_4521, %add3A_4522 : vector<128x128xf32>
    %exp23A_4524 = math.exp2 %add3A_4523 : vector<128x128xf32>
    %swap3A_4525 = arith.constant 30208 : index
    %swap3A_4526 = arith.constant 0 : index
    %swap3A_4527 = vector.load %arg6[%swap3A_4525, %swap3A_4526] : memref<32000x128xf32, #tpu.memory_space<vmem>>, vector<128x128xf32>
    tpu.vector_store %arg6[%swap3A_4525, %swap3A_4526], %exp23A_4524 {strides = array<i32>} : memref<32000x128xf32, #tpu.memory_space<vmem>>, vector<128x128xf32>,
    %slice3A_4528 = vector.extract_strided_slice %transpose3A {offsets = [0, 237], sizes = [128, 1], strides = [1, 1]} : vector<128x250xf32> to vector<128x1xf32>
    %get3A_4529 = arith.constant 0 : index
    %get3A_4530 = arith.constant 0 : index
    %get3A_4531 = vector.load %arg4[%get3A_4529, %get3A_4530] : memref<1x128xf32, #tpu.memory_space<vmem>>, vector<1x128xf32>
    %sub3A_4532 = vector.broadcast %slice3A_4528 : vector<128x1xf32> to vector<128x128xf32>
    %sub3A_4533 = vector.broadcast %get3A_4531 : vector<1x128xf32> to vector<128x128xf32>
    %sub3A_4534 = arith.subf %sub3A_4532, %sub3A_4533 : vector<128x128xf32>
    %mul3A_4535 = vector.broadcast %div3A_21 : vector<1x128xf32> to vector<128x128xf32>
    %mul3A_4536 = arith.mulf %sub3A_4534, %mul3A_4535 : vector<128x128xf32>
    %mul3A_4537 = arith.mulf %mul3A_4536, %mul3A_4536 : vector<128x128xf32>
    %mul3A_4538 = arith.constant -0.72134751 : f32
    %mul3A_4539 = vector.broadcast %mul3A_4538 : f32 to vector<128x128xf32>
    %mul3A_4540 = arith.mulf %mul3A_4537, %mul3A_4539 : vector<128x128xf32>
    %add3A_4541 = vector.broadcast %div3A_28 : vector<1x128xf32> to vector<128x128xf32>
    %add3A_4542 = arith.addf %mul3A_4540, %add3A_4541 : vector<128x128xf32>
    %exp23A_4543 = math.exp2 %add3A_4542 : vector<128x128xf32>
    %swap3A_4544 = arith.constant 30336 : index
    %swap3A_4545 = arith.constant 0 : index
    %swap3A_4546 = vector.load %arg6[%swap3A_4544, %swap3A_4545] : memref<32000x128xf32, #tpu.memory_space<vmem>>, vector<128x128xf32>
    tpu.vector_store %arg6[%swap3A_4544, %swap3A_4545], %exp23A_4543 {strides = array<i32>} : memref<32000x128xf32, #tpu.memory_space<vmem>>, vector<128x128xf32>,
    %slice3A_4547 = vector.extract_strided_slice %transpose3A {offsets = [0, 238], sizes = [128, 1], strides = [1, 1]} : vector<128x250xf32> to vector<128x1xf32>
    %get3A_4548 = arith.constant 0 : index
    %get3A_4549 = arith.constant 0 : index
    %get3A_4550 = vector.load %arg4[%get3A_4548, %get3A_4549] : memref<1x128xf32, #tpu.memory_space<vmem>>, vector<1x128xf32>
    %sub3A_4551 = vector.broadcast %slice3A_4547 : vector<128x1xf32> to vector<128x128xf32>
    %sub3A_4552 = vector.broadcast %get3A_4550 : vector<1x128xf32> to vector<128x128xf32>
    %sub3A_4553 = arith.subf %sub3A_4551, %sub3A_4552 : vector<128x128xf32>
    %mul3A_4554 = vector.broadcast %div3A_21 : vector<1x128xf32> to vector<128x128xf32>
    %mul3A_4555 = arith.mulf %sub3A_4553, %mul3A_4554 : vector<128x128xf32>
    %mul3A_4556 = arith.mulf %mul3A_4555, %mul3A_4555 : vector<128x128xf32>
    %mul3A_4557 = arith.constant -0.72134751 : f32
    %mul3A_4558 = vector.broadcast %mul3A_4557 : f32 to vector<128x128xf32>
    %mul3A_4559 = arith.mulf %mul3A_4556, %mul3A_4558 : vector<128x128xf32>
    %add3A_4560 = vector.broadcast %div3A_28 : vector<1x128xf32> to vector<128x128xf32>
    %add3A_4561 = arith.addf %mul3A_4559, %add3A_4560 : vector<128x128xf32>
    %exp23A_4562 = math.exp2 %add3A_4561 : vector<128x128xf32>
    %swap3A_4563 = arith.constant 30464 : index
    %swap3A_4564 = arith.constant 0 : index
    %swap3A_4565 = vector.load %arg6[%swap3A_4563, %swap3A_4564] : memref<32000x128xf32, #tpu.memory_space<vmem>>, vector<128x128xf32>
    tpu.vector_store %arg6[%swap3A_4563, %swap3A_4564], %exp23A_4562 {strides = array<i32>} : memref<32000x128xf32, #tpu.memory_space<vmem>>, vector<128x128xf32>,
    %slice3A_4566 = vector.extract_strided_slice %transpose3A {offsets = [0, 239], sizes = [128, 1], strides = [1, 1]} : vector<128x250xf32> to vector<128x1xf32>
    %get3A_4567 = arith.constant 0 : index
    %get3A_4568 = arith.constant 0 : index
    %get3A_4569 = vector.load %arg4[%get3A_4567, %get3A_4568] : memref<1x128xf32, #tpu.memory_space<vmem>>, vector<1x128xf32>
    %sub3A_4570 = vector.broadcast %slice3A_4566 : vector<128x1xf32> to vector<128x128xf32>
    %sub3A_4571 = vector.broadcast %get3A_4569 : vector<1x128xf32> to vector<128x128xf32>
    %sub3A_4572 = arith.subf %sub3A_4570, %sub3A_4571 : vector<128x128xf32>
    %mul3A_4573 = vector.broadcast %div3A_21 : vector<1x128xf32> to vector<128x128xf32>
    %mul3A_4574 = arith.mulf %sub3A_4572, %mul3A_4573 : vector<128x128xf32>
    %mul3A_4575 = arith.mulf %mul3A_4574, %mul3A_4574 : vector<128x128xf32>
    %mul3A_4576 = arith.constant -0.72134751 : f32
    %mul3A_4577 = vector.broadcast %mul3A_4576 : f32 to vector<128x128xf32>
    %mul3A_4578 = arith.mulf %mul3A_4575, %mul3A_4577 : vector<128x128xf32>
    %add3A_4579 = vector.broadcast %div3A_28 : vector<1x128xf32> to vector<128x128xf32>
    %add3A_4580 = arith.addf %mul3A_4578, %add3A_4579 : vector<128x128xf32>
    %exp23A_4581 = math.exp2 %add3A_4580 : vector<128x128xf32>
    %swap3A_4582 = arith.constant 30592 : index
    %swap3A_4583 = arith.constant 0 : index
    %swap3A_4584 = vector.load %arg6[%swap3A_4582, %swap3A_4583] : memref<32000x128xf32, #tpu.memory_space<vmem>>, vector<128x128xf32>
    tpu.vector_store %arg6[%swap3A_4582, %swap3A_4583], %exp23A_4581 {strides = array<i32>} : memref<32000x128xf32, #tpu.memory_space<vmem>>, vector<128x128xf32>,
    %slice3A_4585 = vector.extract_strided_slice %transpose3A {offsets = [0, 240], sizes = [128, 1], strides = [1, 1]} : vector<128x250xf32> to vector<128x1xf32>
    %get3A_4586 = arith.constant 0 : index
    %get3A_4587 = arith.constant 0 : index
    %get3A_4588 = vector.load %arg4[%get3A_4586, %get3A_4587] : memref<1x128xf32, #tpu.memory_space<vmem>>, vector<1x128xf32>
    %sub3A_4589 = vector.broadcast %slice3A_4585 : vector<128x1xf32> to vector<128x128xf32>
    %sub3A_4590 = vector.broadcast %get3A_4588 : vector<1x128xf32> to vector<128x128xf32>
    %sub3A_4591 = arith.subf %sub3A_4589, %sub3A_4590 : vector<128x128xf32>
    %mul3A_4592 = vector.broadcast %div3A_21 : vector<1x128xf32> to vector<128x128xf32>
    %mul3A_4593 = arith.mulf %sub3A_4591, %mul3A_4592 : vector<128x128xf32>
    %mul3A_4594 = arith.mulf %mul3A_4593, %mul3A_4593 : vector<128x128xf32>
    %mul3A_4595 = arith.constant -0.72134751 : f32
    %mul3A_4596 = vector.broadcast %mul3A_4595 : f32 to vector<128x128xf32>
    %mul3A_4597 = arith.mulf %mul3A_4594, %mul3A_4596 : vector<128x128xf32>
    %add3A_4598 = vector.broadcast %div3A_28 : vector<1x128xf32> to vector<128x128xf32>
    %add3A_4599 = arith.addf %mul3A_4597, %add3A_4598 : vector<128x128xf32>
    %exp23A_4600 = math.exp2 %add3A_4599 : vector<128x128xf32>
    %swap3A_4601 = arith.constant 30720 : index
    %swap3A_4602 = arith.constant 0 : index
    %swap3A_4603 = vector.load %arg6[%swap3A_4601, %swap3A_4602] : memref<32000x128xf32, #tpu.memory_space<vmem>>, vector<128x128xf32>
    tpu.vector_store %arg6[%swap3A_4601, %swap3A_4602], %exp23A_4600 {strides = array<i32>} : memref<32000x128xf32, #tpu.memory_space<vmem>>, vector<128x128xf32>,
    %slice3A_4604 = vector.extract_strided_slice %transpose3A {offsets = [0, 241], sizes = [128, 1], strides = [1, 1]} : vector<128x250xf32> to vector<128x1xf32>
    %get3A_4605 = arith.constant 0 : index
    %get3A_4606 = arith.constant 0 : index
    %get3A_4607 = vector.load %arg4[%get3A_4605, %get3A_4606] : memref<1x128xf32, #tpu.memory_space<vmem>>, vector<1x128xf32>
    %sub3A_4608 = vector.broadcast %slice3A_4604 : vector<128x1xf32> to vector<128x128xf32>
    %sub3A_4609 = vector.broadcast %get3A_4607 : vector<1x128xf32> to vector<128x128xf32>
    %sub3A_4610 = arith.subf %sub3A_4608, %sub3A_4609 : vector<128x128xf32>
    %mul3A_4611 = vector.broadcast %div3A_21 : vector<1x128xf32> to vector<128x128xf32>
    %mul3A_4612 = arith.mulf %sub3A_4610, %mul3A_4611 : vector<128x128xf32>
    %mul3A_4613 = arith.mulf %mul3A_4612, %mul3A_4612 : vector<128x128xf32>
    %mul3A_4614 = arith.constant -0.72134751 : f32
    %mul3A_4615 = vector.broadcast %mul3A_4614 : f32 to vector<128x128xf32>
    %mul3A_4616 = arith.mulf %mul3A_4613, %mul3A_4615 : vector<128x128xf32>
    %add3A_4617 = vector.broadcast %div3A_28 : vector<1x128xf32> to vector<128x128xf32>
    %add3A_4618 = arith.addf %mul3A_4616, %add3A_4617 : vector<128x128xf32>
    %exp23A_4619 = math.exp2 %add3A_4618 : vector<128x128xf32>
    %swap3A_4620 = arith.constant 30848 : index
    %swap3A_4621 = arith.constant 0 : index
    %swap3A_4622 = vector.load %arg6[%swap3A_4620, %swap3A_4621] : memref<32000x128xf32, #tpu.memory_space<vmem>>, vector<128x128xf32>
    tpu.vector_store %arg6[%swap3A_4620, %swap3A_4621], %exp23A_4619 {strides = array<i32>} : memref<32000x128xf32, #tpu.memory_space<vmem>>, vector<128x128xf32>,
    %slice3A_4623 = vector.extract_strided_slice %transpose3A {offsets = [0, 242], sizes = [128, 1], strides = [1, 1]} : vector<128x250xf32> to vector<128x1xf32>
    %get3A_4624 = arith.constant 0 : index
    %get3A_4625 = arith.constant 0 : index
    %get3A_4626 = vector.load %arg4[%get3A_4624, %get3A_4625] : memref<1x128xf32, #tpu.memory_space<vmem>>, vector<1x128xf32>
    %sub3A_4627 = vector.broadcast %slice3A_4623 : vector<128x1xf32> to vector<128x128xf32>
    %sub3A_4628 = vector.broadcast %get3A_4626 : vector<1x128xf32> to vector<128x128xf32>
    %sub3A_4629 = arith.subf %sub3A_4627, %sub3A_4628 : vector<128x128xf32>
    %mul3A_4630 = vector.broadcast %div3A_21 : vector<1x128xf32> to vector<128x128xf32>
    %mul3A_4631 = arith.mulf %sub3A_4629, %mul3A_4630 : vector<128x128xf32>
    %mul3A_4632 = arith.mulf %mul3A_4631, %mul3A_4631 : vector<128x128xf32>
    %mul3A_4633 = arith.constant -0.72134751 : f32
    %mul3A_4634 = vector.broadcast %mul3A_4633 : f32 to vector<128x128xf32>
    %mul3A_4635 = arith.mulf %mul3A_4632, %mul3A_4634 : vector<128x128xf32>
    %add3A_4636 = vector.broadcast %div3A_28 : vector<1x128xf32> to vector<128x128xf32>
    %add3A_4637 = arith.addf %mul3A_4635, %add3A_4636 : vector<128x128xf32>
    %exp23A_4638 = math.exp2 %add3A_4637 : vector<128x128xf32>
    %swap3A_4639 = arith.constant 30976 : index
    %swap3A_4640 = arith.constant 0 : index
    %swap3A_4641 = vector.load %arg6[%swap3A_4639, %swap3A_4640] : memref<32000x128xf32, #tpu.memory_space<vmem>>, vector<128x128xf32>
    tpu.vector_store %arg6[%swap3A_4639, %swap3A_4640], %exp23A_4638 {strides = array<i32>} : memref<32000x128xf32, #tpu.memory_space<vmem>>, vector<128x128xf32>,
    %slice3A_4642 = vector.extract_strided_slice %transpose3A {offsets = [0, 243], sizes = [128, 1], strides = [1, 1]} : vector<128x250xf32> to vector<128x1xf32>
    %get3A_4643 = arith.constant 0 : index
    %get3A_4644 = arith.constant 0 : index
    %get3A_4645 = vector.load %arg4[%get3A_4643, %get3A_4644] : memref<1x128xf32, #tpu.memory_space<vmem>>, vector<1x128xf32>
    %sub3A_4646 = vector.broadcast %slice3A_4642 : vector<128x1xf32> to vector<128x128xf32>
    %sub3A_4647 = vector.broadcast %get3A_4645 : vector<1x128xf32> to vector<128x128xf32>
    %sub3A_4648 = arith.subf %sub3A_4646, %sub3A_4647 : vector<128x128xf32>
    %mul3A_4649 = vector.broadcast %div3A_21 : vector<1x128xf32> to vector<128x128xf32>
    %mul3A_4650 = arith.mulf %sub3A_4648, %mul3A_4649 : vector<128x128xf32>
    %mul3A_4651 = arith.mulf %mul3A_4650, %mul3A_4650 : vector<128x128xf32>
    %mul3A_4652 = arith.constant -0.72134751 : f32
    %mul3A_4653 = vector.broadcast %mul3A_4652 : f32 to vector<128x128xf32>
    %mul3A_4654 = arith.mulf %mul3A_4651, %mul3A_4653 : vector<128x128xf32>
    %add3A_4655 = vector.broadcast %div3A_28 : vector<1x128xf32> to vector<128x128xf32>
    %add3A_4656 = arith.addf %mul3A_4654, %add3A_4655 : vector<128x128xf32>
    %exp23A_4657 = math.exp2 %add3A_4656 : vector<128x128xf32>
    %swap3A_4658 = arith.constant 31104 : index
    %swap3A_4659 = arith.constant 0 : index
    %swap3A_4660 = vector.load %arg6[%swap3A_4658, %swap3A_4659] : memref<32000x128xf32, #tpu.memory_space<vmem>>, vector<128x128xf32>
    tpu.vector_store %arg6[%swap3A_4658, %swap3A_4659], %exp23A_4657 {strides = array<i32>} : memref<32000x128xf32, #tpu.memory_space<vmem>>, vector<128x128xf32>,
    %slice3A_4661 = vector.extract_strided_slice %transpose3A {offsets = [0, 244], sizes = [128, 1], strides = [1, 1]} : vector<128x250xf32> to vector<128x1xf32>
    %get3A_4662 = arith.constant 0 : index
    %get3A_4663 = arith.constant 0 : index
    %get3A_4664 = vector.load %arg4[%get3A_4662, %get3A_4663] : memref<1x128xf32, #tpu.memory_space<vmem>>, vector<1x128xf32>
    %sub3A_4665 = vector.broadcast %slice3A_4661 : vector<128x1xf32> to vector<128x128xf32>
    %sub3A_4666 = vector.broadcast %get3A_4664 : vector<1x128xf32> to vector<128x128xf32>
    %sub3A_4667 = arith.subf %sub3A_4665, %sub3A_4666 : vector<128x128xf32>
    %mul3A_4668 = vector.broadcast %div3A_21 : vector<1x128xf32> to vector<128x128xf32>
    %mul3A_4669 = arith.mulf %sub3A_4667, %mul3A_4668 : vector<128x128xf32>
    %mul3A_4670 = arith.mulf %mul3A_4669, %mul3A_4669 : vector<128x128xf32>
    %mul3A_4671 = arith.constant -0.72134751 : f32
    %mul3A_4672 = vector.broadcast %mul3A_4671 : f32 to vector<128x128xf32>
    %mul3A_4673 = arith.mulf %mul3A_4670, %mul3A_4672 : vector<128x128xf32>
    %add3A_4674 = vector.broadcast %div3A_28 : vector<1x128xf32> to vector<128x128xf32>
    %add3A_4675 = arith.addf %mul3A_4673, %add3A_4674 : vector<128x128xf32>
    %exp23A_4676 = math.exp2 %add3A_4675 : vector<128x128xf32>
    %swap3A_4677 = arith.constant 31232 : index
    %swap3A_4678 = arith.constant 0 : index
    %swap3A_4679 = vector.load %arg6[%swap3A_4677, %swap3A_4678] : memref<32000x128xf32, #tpu.memory_space<vmem>>, vector<128x128xf32>
    tpu.vector_store %arg6[%swap3A_4677, %swap3A_4678], %exp23A_4676 {strides = array<i32>} : memref<32000x128xf32, #tpu.memory_space<vmem>>, vector<128x128xf32>,
    %slice3A_4680 = vector.extract_strided_slice %transpose3A {offsets = [0, 245], sizes = [128, 1], strides = [1, 1]} : vector<128x250xf32> to vector<128x1xf32>
    %get3A_4681 = arith.constant 0 : index
    %get3A_4682 = arith.constant 0 : index
    %get3A_4683 = vector.load %arg4[%get3A_4681, %get3A_4682] : memref<1x128xf32, #tpu.memory_space<vmem>>, vector<1x128xf32>
    %sub3A_4684 = vector.broadcast %slice3A_4680 : vector<128x1xf32> to vector<128x128xf32>
    %sub3A_4685 = vector.broadcast %get3A_4683 : vector<1x128xf32> to vector<128x128xf32>
    %sub3A_4686 = arith.subf %sub3A_4684, %sub3A_4685 : vector<128x128xf32>
    %mul3A_4687 = vector.broadcast %div3A_21 : vector<1x128xf32> to vector<128x128xf32>
    %mul3A_4688 = arith.mulf %sub3A_4686, %mul3A_4687 : vector<128x128xf32>
    %mul3A_4689 = arith.mulf %mul3A_4688, %mul3A_4688 : vector<128x128xf32>
    %mul3A_4690 = arith.constant -0.72134751 : f32
    %mul3A_4691 = vector.broadcast %mul3A_4690 : f32 to vector<128x128xf32>
    %mul3A_4692 = arith.mulf %mul3A_4689, %mul3A_4691 : vector<128x128xf32>
    %add3A_4693 = vector.broadcast %div3A_28 : vector<1x128xf32> to vector<128x128xf32>
    %add3A_4694 = arith.addf %mul3A_4692, %add3A_4693 : vector<128x128xf32>
    %exp23A_4695 = math.exp2 %add3A_4694 : vector<128x128xf32>
    %swap3A_4696 = arith.constant 31360 : index
    %swap3A_4697 = arith.constant 0 : index
    %swap3A_4698 = vector.load %arg6[%swap3A_4696, %swap3A_4697] : memref<32000x128xf32, #tpu.memory_space<vmem>>, vector<128x128xf32>
    tpu.vector_store %arg6[%swap3A_4696, %swap3A_4697], %exp23A_4695 {strides = array<i32>} : memref<32000x128xf32, #tpu.memory_space<vmem>>, vector<128x128xf32>,
    %slice3A_4699 = vector.extract_strided_slice %transpose3A {offsets = [0, 246], sizes = [128, 1], strides = [1, 1]} : vector<128x250xf32> to vector<128x1xf32>
    %get3A_4700 = arith.constant 0 : index
    %get3A_4701 = arith.constant 0 : index
    %get3A_4702 = vector.load %arg4[%get3A_4700, %get3A_4701] : memref<1x128xf32, #tpu.memory_space<vmem>>, vector<1x128xf32>
    %sub3A_4703 = vector.broadcast %slice3A_4699 : vector<128x1xf32> to vector<128x128xf32>
    %sub3A_4704 = vector.broadcast %get3A_4702 : vector<1x128xf32> to vector<128x128xf32>
    %sub3A_4705 = arith.subf %sub3A_4703, %sub3A_4704 : vector<128x128xf32>
    %mul3A_4706 = vector.broadcast %div3A_21 : vector<1x128xf32> to vector<128x128xf32>
    %mul3A_4707 = arith.mulf %sub3A_4705, %mul3A_4706 : vector<128x128xf32>
    %mul3A_4708 = arith.mulf %mul3A_4707, %mul3A_4707 : vector<128x128xf32>
    %mul3A_4709 = arith.constant -0.72134751 : f32
    %mul3A_4710 = vector.broadcast %mul3A_4709 : f32 to vector<128x128xf32>
    %mul3A_4711 = arith.mulf %mul3A_4708, %mul3A_4710 : vector<128x128xf32>
    %add3A_4712 = vector.broadcast %div3A_28 : vector<1x128xf32> to vector<128x128xf32>
    %add3A_4713 = arith.addf %mul3A_4711, %add3A_4712 : vector<128x128xf32>
    %exp23A_4714 = math.exp2 %add3A_4713 : vector<128x128xf32>
    %swap3A_4715 = arith.constant 31488 : index
    %swap3A_4716 = arith.constant 0 : index
    %swap3A_4717 = vector.load %arg6[%swap3A_4715, %swap3A_4716] : memref<32000x128xf32, #tpu.memory_space<vmem>>, vector<128x128xf32>
    tpu.vector_store %arg6[%swap3A_4715, %swap3A_4716], %exp23A_4714 {strides = array<i32>} : memref<32000x128xf32, #tpu.memory_space<vmem>>, vector<128x128xf32>,
    %slice3A_4718 = vector.extract_strided_slice %transpose3A {offsets = [0, 247], sizes = [128, 1], strides = [1, 1]} : vector<128x250xf32> to vector<128x1xf32>
    %get3A_4719 = arith.constant 0 : index
    %get3A_4720 = arith.constant 0 : index
    %get3A_4721 = vector.load %arg4[%get3A_4719, %get3A_4720] : memref<1x128xf32, #tpu.memory_space<vmem>>, vector<1x128xf32>
    %sub3A_4722 = vector.broadcast %slice3A_4718 : vector<128x1xf32> to vector<128x128xf32>
    %sub3A_4723 = vector.broadcast %get3A_4721 : vector<1x128xf32> to vector<128x128xf32>
    %sub3A_4724 = arith.subf %sub3A_4722, %sub3A_4723 : vector<128x128xf32>
    %mul3A_4725 = vector.broadcast %div3A_21 : vector<1x128xf32> to vector<128x128xf32>
    %mul3A_4726 = arith.mulf %sub3A_4724, %mul3A_4725 : vector<128x128xf32>
    %mul3A_4727 = arith.mulf %mul3A_4726, %mul3A_4726 : vector<128x128xf32>
    %mul3A_4728 = arith.constant -0.72134751 : f32
    %mul3A_4729 = vector.broadcast %mul3A_4728 : f32 to vector<128x128xf32>
    %mul3A_4730 = arith.mulf %mul3A_4727, %mul3A_4729 : vector<128x128xf32>
    %add3A_4731 = vector.broadcast %div3A_28 : vector<1x128xf32> to vector<128x128xf32>
    %add3A_4732 = arith.addf %mul3A_4730, %add3A_4731 : vector<128x128xf32>
    %exp23A_4733 = math.exp2 %add3A_4732 : vector<128x128xf32>
    %swap3A_4734 = arith.constant 31616 : index
    %swap3A_4735 = arith.constant 0 : index
    %swap3A_4736 = vector.load %arg6[%swap3A_4734, %swap3A_4735] : memref<32000x128xf32, #tpu.memory_space<vmem>>, vector<128x128xf32>
    tpu.vector_store %arg6[%swap3A_4734, %swap3A_4735], %exp23A_4733 {strides = array<i32>} : memref<32000x128xf32, #tpu.memory_space<vmem>>, vector<128x128xf32>,
    %slice3A_4737 = vector.extract_strided_slice %transpose3A {offsets = [0, 248], sizes = [128, 1], strides = [1, 1]} : vector<128x250xf32> to vector<128x1xf32>
    %get3A_4738 = arith.constant 0 : index
    %get3A_4739 = arith.constant 0 : index
    %get3A_4740 = vector.load %arg4[%get3A_4738, %get3A_4739] : memref<1x128xf32, #tpu.memory_space<vmem>>, vector<1x128xf32>
    %sub3A_4741 = vector.broadcast %slice3A_4737 : vector<128x1xf32> to vector<128x128xf32>
    %sub3A_4742 = vector.broadcast %get3A_4740 : vector<1x128xf32> to vector<128x128xf32>
    %sub3A_4743 = arith.subf %sub3A_4741, %sub3A_4742 : vector<128x128xf32>
    %mul3A_4744 = vector.broadcast %div3A_21 : vector<1x128xf32> to vector<128x128xf32>
    %mul3A_4745 = arith.mulf %sub3A_4743, %mul3A_4744 : vector<128x128xf32>
    %mul3A_4746 = arith.mulf %mul3A_4745, %mul3A_4745 : vector<128x128xf32>
    %mul3A_4747 = arith.constant -0.72134751 : f32
    %mul3A_4748 = vector.broadcast %mul3A_4747 : f32 to vector<128x128xf32>
    %mul3A_4749 = arith.mulf %mul3A_4746, %mul3A_4748 : vector<128x128xf32>
    %add3A_4750 = vector.broadcast %div3A_28 : vector<1x128xf32> to vector<128x128xf32>
    %add3A_4751 = arith.addf %mul3A_4749, %add3A_4750 : vector<128x128xf32>
    %exp23A_4752 = math.exp2 %add3A_4751 : vector<128x128xf32>
    %swap3A_4753 = arith.constant 31744 : index
    %swap3A_4754 = arith.constant 0 : index
    %swap3A_4755 = vector.load %arg6[%swap3A_4753, %swap3A_4754] : memref<32000x128xf32, #tpu.memory_space<vmem>>, vector<128x128xf32>
    tpu.vector_store %arg6[%swap3A_4753, %swap3A_4754], %exp23A_4752 {strides = array<i32>} : memref<32000x128xf32, #tpu.memory_space<vmem>>, vector<128x128xf32>,
    %slice3A_4756 = vector.extract_strided_slice %transpose3A {offsets = [0, 249], sizes = [128, 1], strides = [1, 1]} : vector<128x250xf32> to vector<128x1xf32>
    %get3A_4757 = arith.constant 0 : index
    %get3A_4758 = arith.constant 0 : index
    %get3A_4759 = vector.load %arg4[%get3A_4757, %get3A_4758] : memref<1x128xf32, #tpu.memory_space<vmem>>, vector<1x128xf32>
    %sub3A_4760 = vector.broadcast %slice3A_4756 : vector<128x1xf32> to vector<128x128xf32>
    %sub3A_4761 = vector.broadcast %get3A_4759 : vector<1x128xf32> to vector<128x128xf32>
    %sub3A_4762 = arith.subf %sub3A_4760, %sub3A_4761 : vector<128x128xf32>
    %mul3A_4763 = vector.broadcast %div3A_21 : vector<1x128xf32> to vector<128x128xf32>
    %mul3A_4764 = arith.mulf %sub3A_4762, %mul3A_4763 : vector<128x128xf32>
    %mul3A_4765 = arith.mulf %mul3A_4764, %mul3A_4764 : vector<128x128xf32>
    %mul3A_4766 = arith.constant -0.72134751 : f32
    %mul3A_4767 = vector.broadcast %mul3A_4766 : f32 to vector<128x128xf32>
    %mul3A_4768 = arith.mulf %mul3A_4765, %mul3A_4767 : vector<128x128xf32>
    %add3A_4769 = vector.broadcast %div3A_28 : vector<1x128xf32> to vector<128x128xf32>
    %add3A_4770 = arith.addf %mul3A_4768, %add3A_4769 : vector<128x128xf32>
    %exp23A_4771 = math.exp2 %add3A_4770 : vector<128x128xf32>
    %swap3A_4772 = arith.constant 31872 : index
    %swap3A_4773 = arith.constant 0 : index
    %swap3A_4774 = vector.load %arg6[%swap3A_4772, %swap3A_4773] : memref<32000x128xf32, #tpu.memory_space<vmem>>, vector<128x128xf32>
    tpu.vector_store %arg6[%swap3A_4772, %swap3A_4773], %exp23A_4771 {strides = array<i32>} : memref<32000x128xf32, #tpu.memory_space<vmem>>, vector<128x128xf32>,
    %swap3A_4775 = arith.constant 0 : index
    %swap3A_4776 = arith.constant 0 : index
    %swap3A_4777 = arith.constant 0 : index
    %swap3A_4778 = vector.load %arg7[%swap3A_4775, %swap3A_4776, %swap3A_4777] : memref<1x250x128xf32, #tpu.memory_space<vmem>>, vector<1x250x128xf32>
    %swap3A_4779 = vector.shape_cast %swap3A_4778 : vector<1x250x128xf32> to vector<250x128xf32>
    %swap3A_4780 = vector.shape_cast %sqrt3A : vector<250x128xf32> to vector<1x250x128xf32>
    tpu.vector_store %arg7[%swap3A_4775, %swap3A_4776, %swap3A_4777], %swap3A_4780 {strides = array<i32>} : memref<1x250x128xf32, #tpu.memory_space<vmem>>, vector<1x250x128xf32>,
    return
  }
  func.func @transform_0(%arg0: i32) -> (i32, i32, i32) {
    %c0_i32 = arith.constant 0 : i32
    %c0_i32_0 = arith.constant 0 : i32
    %c0_i32_1 = arith.constant 0 : i32
    return %arg0, %c0_i32, %c0_i32_0 : i32, i32, i32
  }
  func.func @transform_1(%arg0: i32) -> (i32, i32, i32) {
    %c0_i32 = arith.constant 0 : i32
    %c0_i32_0 = arith.constant 0 : i32
    %c0_i32_1 = arith.constant 0 : i32
    return %arg0, %c0_i32, %c0_i32_0 : i32, i32, i32
  }
  func.func @transform_2(%arg0: i32) -> (i32, i32, i32) {
    %c0_i32 = arith.constant 0 : i32
    %c0_i32_0 = arith.constant 0 : i32
    %c0_i32_1 = arith.constant 0 : i32
    return %arg0, %c0_i32, %c0_i32_0 : i32, i32, i32
  }
  func.func @transform_3(%arg0: i32) -> (i32, i32) {
    %c0_i32 = arith.constant 0 : i32
    %c0_i32_0 = arith.constant 0 : i32
    %c0_i32_1 = arith.constant 0 : i32
    return %c0_i32, %c0_i32_0 : i32, i32
  }
  func.func @transform_4(%arg0: i32) -> (i32, i32) {
    %c0_i32 = arith.constant 0 : i32
    %c0_i32_0 = arith.constant 0 : i32
    %c0_i32_1 = arith.constant 0 : i32
    return %c0_i32, %c0_i32_0 : i32, i32
  }
  func.func @transform_5(%arg0: i32) -> (i32, i32) {
    %add3A = arith.constant 0 : i32
    %add3A_0 = arith.addi %arg0, %add3A : i32
    %c0_i32 = arith.constant 0 : i32
    %c0_i32_1 = arith.constant 0 : i32
    return %add3A_0, %c0_i32 : i32, i32
  }
  func.func @transform_6(%arg0: i32) -> (i32, i32, i32) {
    %add3A = arith.constant 0 : i32
    %add3A_0 = arith.addi %arg0, %add3A : i32
    %c0_i32 = arith.constant 0 : i32
    %c0_i32_1 = arith.constant 0 : i32
    %c0_i32_2 = arith.constant 0 : i32
    return %add3A_0, %c0_i32, %c0_i32_1 : i32, i32, i32
  }
}

</mosaic_0001>

<sc_bundles>
// kernel: kernel.4.cloned.1.call-start
scs
__scs_entry_jumppad:
0x0: {  	(pc) =	sbr.rel $0x88, $3  }
0x1: {  	(tag) =	ssettag $0x0;
	lr =	simm.s32 $0x1  }
0x2: {  	[smem:$0x3F9A] =	sst lr;
	_ =	strace $0xD0000000  }
0x3: {  	_ = 	snop  }
0x4: {  	_ = 	snop  }
0x5: {  	_ = 	snop  }
0x6: {  	_ = 	snop  }
0x7: {  	_ = 	snop  }
__scs_overlays_trampoline_lowered:
0x8: {  	[smem:$0x3FA9] =	sst s0  }
0x9: {  	[smem:$0x3FAA] =	sst s1  }
0xa: {  	[smem:$0x3FAB] =	sst s2  }
0xb: {  	[smem:$0x3FAC] =	sst s3  }
0xc: {  	[smem:$0x3FAD] =	sst s4  }
0xd: {  	[smem:$0x3FAE] =	sst s5  }
0xe: {  	[smem:$0x3FAF] =	sst s6  }
0xf: {  	[smem:$0x3FB0] =	sst s7  }
0x10: {  	[smem:$0x3FB1] =	sst s8  }
0x11: {  	[smem:$0x3FB2] =	sst s9;
	s0 =	simm.s32 @!p0 $0x0  }
0x12: {  	s1 =	sld [smem:$0x3F98];
	s0 =	simm.s32 @p0 $0x1  }
0x13: {  	[smem:$0x3FB3] =	sst s0;
	s0 =	simm.s32 @!p1 $0x0  }
0x14: {  	s2 =	sld [smem:$0x3F97];
	s0 =	simm.s32 @p1 $0x1  }
0x15: {  	[smem:$0x3FB4] =	sst s0;
	s0 =	simm.s32 @!p2 $0x0  }
0x16: {  	s3 =	sld [smem:$0x3FDB];
	s0 =	simm.s32 @p2 $0x1  }
0x17: {  	s4 =	simm.s32 $0x1BF5;
	[smem:$0x3FB6] =	sst s0  }
0x18: {  	s0 =	sld [smem:$0x3F99];
	_ =	swait.ge [sflag:s4], $0x0  }
0x19: {  	s7 =	sld [smem:$0x3F9A]  }
0x1a: {  	s8 =	sadd.s32 $0xFFFFE003, lr  }
0x1b: {  	s9 =	sadd.s32 $0xFFFFFEF7, lr;
	s5 =	simm.s32 $0xFFFFFFFF;
	p2 =	slt.u32 s8, $0xFFFFF086  }
0x1c: {  	p1 =	slt.u32 s9, $0xF7A;
	s5 =	simm.s32 @!p2 $0x0  }
0x1d: {  	s5 =	simm.s32 @p1 $0x1;
	p0 =	seq.s32 s7, s2  }
0x1e: {  	s7 =	smul.u32 @!p0 $0xF7A, s2;
	p2 =	seq.s32 @!p0 s5, $0x0  }
0x1f: {  	s9 =	smul.u32 $0xF7A, s1;
	s8 =	simm.s32 @!p0 $0x1BF5;
	p2 =	por !p2, p0  }
0x20: {  	[sflag:s8] =	ssyncset.s32 @!p0 $0xFFFFF086;
	s6 =	sadd.s32 @!p0 s3, s7;
	s7 =	simm.s32 @!p0 $0x108  }
0x21: {  	s3 =	sadd.s32 s3, s9;
	s6 =	sadd.s32 @!p0 $0x88, s6;
	s7 =	simm.s32 @p2 $0x1082  }
0x22: {  	[simem:s7], [sflag:s8] =	dma.local @!p0 [hbm:s6], $0xF7A  }
0x23: {  	s9 =	sor.u32 $0xD0000000, s2;
	s6 =	simm.s32 $0x108;
	_ =	swait.ge @!p0 [sflag:s8], $0x0  }
0x24: {  	s3 =	sadd.s32 $0x88, s3;
	s6 =	simm.s32 @!p1 $0x1082;
	[sflag:s4] =	ssyncset.s32 $0xFFFFF086  }
0x25: {  	[simem:s6], [sflag:s4] =	dma.local [hbm:s3], $0xF7A  }
0x26: {  	[smem:$0x3F9A] =	sst s1;
	(tag) =	ssettag s2;
	_ =	strace s9  }
0x27: {  	s1 =	sld [smem:$0x3FAA]  }
0x28: {  	s2 =	sld [smem:$0x3FAB]  }
0x29: {  	s4 =	sld [smem:$0x3FAD]  }
0x2a: {  	p0 =	seq.s32 s5, $0x0;
	s5 =	sld [smem:$0x3FAE]  }
0x2b: {  	s6 =	sld [smem:$0x3FAF]  }
0x2c: {  	s7 =	sld [smem:$0x3FB0]  }
0x2d: {  	s3 =	simm.s32 $0x108;
	s8 =	sld [smem:$0x3FB1]  }
0x2e: {  	s3 =	simm.s32 @!p0 $0x1082;
	s9 =	sld [smem:$0x3FB2]  }
0x2f: {  	lr =	sadd.s32 s0, s3;
	s0 =	sld [smem:$0x3FA9]  }
0x30: {  	s3 =	sld [smem:$0x3FAC]  }
0x31: {  	[smem:$0x3FB5] =	sst s10  }
0x32: {  	s10 =	sld [smem:$0x3FB3];
	_ =	sdelay $0x3  }
0x33: {  	p0 =	seq.s32 s10, $0x1;
	s10 =	sld [smem:$0x3FB5];
	_ =	sdelay $0x3  }
0x34: {  	[smem:$0x3FB5] =	sst s10  }
0x35: {  	s10 =	sld [smem:$0x3FB4];
	_ =	sdelay $0x3  }
0x36: {  	p1 =	seq.s32 s10, $0x1;
	s10 =	sld [smem:$0x3FB5];
	_ =	sdelay $0x3  }
0x37: {  	[smem:$0x3FB5] =	sst s10  }
0x38: {  	s10 =	sld [smem:$0x3FB6]  }
0x39: {  	_ = 	snop;
	(pc) =	sbr.ind lr, $3  }
0x3a: {  	_ = 	snop  }
0x3b: {  	_ = 	snop  }
0x3c: {  	p2 =	seq.s32 s10, $0x1;
	s10 =	sld [smem:$0x3FB5]  }
0x3d: {  	_ =	shalt  }
0x3e: {  	_ =	shalt  }
0x3f: {  	_ =	shalt  }
0x40: {  	_ =	shalt  }
0x41: {  	_ =	shalt  }
0x42: {  	_ =	shalt  }
0x43: {  	_ =	shalt  }
0x44: {  	_ =	shalt  }
0x45: {  	_ =	shalt  }
0x46: {  	_ =	shalt  }
0x47: {  	_ =	shalt  }
0x48: {  	_ =	shalt  }
0x49: {  	_ =	shalt  }
0x4a: {  	_ =	shalt  }
0x4b: {  	_ =	shalt  }
0x4c: {  	_ =	shalt  }
0x4d: {  	_ =	shalt  }
0x4e: {  	_ =	shalt  }
0x4f: {  	_ =	shalt  }
0x50: {  	_ =	shalt  }
0x51: {  	_ =	shalt  }
0x52: {  	_ =	shalt  }
0x53: {  	_ =	shalt  }
0x54: {  	_ =	shalt  }
0x55: {  	_ =	shalt  }
0x56: {  	_ =	shalt  }
0x57: {  	_ =	shalt  }
0x58: {  	_ =	shalt  }
0x59: {  	_ =	shalt  }
0x5a: {  	_ =	shalt  }
0x5b: {  	_ =	shalt  }
0x5c: {  	_ =	shalt  }
0x5d: {  	_ =	shalt  }
0x5e: {  	_ =	shalt  }
0x5f: {  	_ =	shalt  }
0x60: {  	_ =	shalt  }
0x61: {  	_ =	shalt  }
0x62: {  	_ =	shalt  }
0x63: {  	_ =	shalt  }
0x64: {  	_ =	shalt  }
0x65: {  	_ =	shalt  }
0x66: {  	_ =	shalt  }
0x67: {  	_ =	shalt  }
0x68: {  	_ =	shalt  }
0x69: {  	_ =	shalt  }
0x6a: {  	_ =	shalt  }
0x6b: {  	_ =	shalt  }
0x6c: {  	_ =	shalt  }
0x6d: {  	_ =	shalt  }
0x6e: {  	_ =	shalt  }
0x6f: {  	_ =	shalt  }
0x70: {  	_ =	shalt  }
0x71: {  	_ =	shalt  }
0x72: {  	_ =	shalt  }
0x73: {  	_ =	shalt  }
0x74: {  	_ =	shalt  }
0x75: {  	_ =	shalt  }
0x76: {  	_ =	shalt  }
0x77: {  	_ =	shalt  }
0x78: {  	_ =	shalt  }
0x79: {  	_ =	shalt  }
0x7a: {  	_ =	shalt  }
0x7b: {  	_ =	shalt  }
0x7c: {  	_ =	shalt  }
0x7d: {  	_ =	shalt  }
0x7e: {  	_ =	shalt  }
0x7f: {  	_ =	shalt  }
0x80: {  	_ =	shalt  }
0x81: {  	_ =	shalt  }
0x82: {  	_ =	shalt  }
0x83: {  	_ =	shalt  }
0x84: {  	_ =	shalt  }
0x85: {  	_ =	shalt  }
0x86: {  	_ =	shalt  }
0x87: {  	_ =	shalt  }
.Lfunc_end0:
.L_simem_size_0:
called_computation_lowered:
.L_overlay_start_0:
0x88: {  	s2 =	sld [smem:$0x3FD9]  }
0x89: {  	s3 =	sld [smem:$0x3FFE];
	_ =	sdelay $0x1  }
0x8a: {  	s1 =	srdreg.scid  }
0x8b: {  	s0 =	sand.u32 $0x1, s1  }
0x8c: {  	s14 =	sshll.u32 s0, $0xA;
	s2 =	sadd.s32 s3, s2  }
0x8d: {  	s2 =	sadd.s32 s2, s14  }
0x8e: {  	[smem:$0x3FC1] =	sst s2  }
0x8f: {  	_ = 	snop  }
0x90: {  	s2 =	sld [smem:$0x3FD0];
	_ =	sdelay $0x2  }
0x91: {  	s4 =	simm.s32 $0xA;
	s5 =	simm.s32 $0x10;
	s15 =	sld [smem:$0x3FC7]  }
0x92: {  	[smem:s5], [sflag:s4] =	dma.local [hbm:s2], $0x1  }
0x93: {  	_ =	swait.eq [sflag:s4], $0x1  }
0x94: {  	[sflag:s4] =	ssyncset.done $0x0  }
0x95: {  	s16 =	sld [smem:$0x10];
	[sflag:s4] =	ssyncadd.s32 $0xFFFFFFFF  }
0x96: {  	s17 =	sld [smem:$0x11];
	(tm) =	ssettm $0x1  }
0x97: {  	s18 =	sld [smem:$0x3FFB];
	_ =	sdelay $0x3  }
0x98: {  	_ =	strace s18  }
0x99: {  	s5 =	sld [smem:$0x3FFC];
	_ =	sdelay $0x3  }
0x9a: {  	_ =	strace s5  }
0x9b: {  	s5 =	sld [smem:$0x3FFD];
	_ =	sdelay $0x3  }
0x9c: {  	_ =	strace s5  }
0x9d: {  	_ =	strace $0x8FFFFFFF  }
0x9e: {  	s19 =	sld [smem:$0x3FDB];
	_ =	sdelay $0x1  }
0x9f: {  	s6 =	simm.s32 $_scs_section_size  }
0xa0: {  	s7 =	simm.s32 $_size__tile_overlayer_lowered;
	s8 =	simm.s32 $_tile_overlayer_lowered  }
0xa1: {  	s22 =	simm.s32 $0x1BFF;
	s21 =	sshll.u32 s8, $0x1;
	s5 =	sadd.s32 s6, s19  }
0xa2: {  	s9 =	simm.s32 $0x0;
	s20 =	sshll.u32 s7, $0x1;
	s7 =	sadd.s32 s21, s5  }
0xa3: {  	[timem:s9], [sflag:s22] =	dma.local [hbm:s7], s20  }
0xa4: {  	_ =	swait.ge [sflag:s22], s20  }
0xa5: {  	s6 =	ssub.s32 $0x0, s20;
	[sflag:s22] =	ssyncset.done $0x0  }
0xa6: {  	[sflag:s22] =	ssyncadd.s32 s6;
	_ =	sdelay $0x1  }
0xa7: {  	s23 =	simm.s32 $0x1B8B  }
0xa8: {  	_ =	swait.ge [sflag:s23], $0x1  }
0xa9: {  	[sflag:s23] =	ssyncset.done $0x0  }
0xaa: {  	s25 =	simm.s32 $0x1B8E;
	s24 =	sld [smem:$0x3FFE];
	[sflag:s23] =	ssyncadd.s32 $0xFFFFFFFF  }
0xab: {  	s26 =	simm.s32 $execute0_lowered;
	[smem:$0x3FD2] =	sst s25  }
0xac: {  	s7 =	sshll.u32 s26, $0x1;
	_ =	strace $0x80000046;
	[dreg:$0x1] =	wrdreg $0xFFFFFFFF  }
0xad: {  	s28 =	simm.s32 $_size_execute0_lowered;
	s5 =	sadd.s32 s5, s7;
	[dreg:$0x0] =	wrdreg $0x0  }
0xae: {  	s7 =	sshll.u32 s28, $0x1;
	[dreg:$0x2] =	wrdreg s5  }
0xaf: {  	[dreg:$0x3] =	wrdreg s7  }
0xb0: {  	[dreg:$0x4] =	wrdreg $0xC0  }
0xb1: {  	_ =	task [dreg:s9], $0x5FFFF  }
0xb2: {  	[dreg:$0x1] =	wrdreg $0xFFFFFFFF  }
0xb3: {  	[dreg:$0x0] =	wrdreg $0x60  }
0xb4: {  	[dreg:$0x2] =	wrdreg s24  }
0xb5: {  	[dreg:$0x3] =	wrdreg s17  }
0xb6: {  	[dreg:$0x4] =	wrdreg s15  }
0xb7: {  	[dreg:$0x5] =	wrdreg s16  }
0xb8: {  	[dreg:$0x6] =	wrdreg $0x9  }
0xb9: {  	_ =	task.clear_ibuf [dreg:s9], $0x7FFFF;
	_ =	strace $0x90000046  }
0xba: {  	s29 =	simm.s32 $0x9;
	_ =	strace $0x80000048  }
0xbb: {  	_ =	swait.ge [sflag:s29], $0x1  }
0xbc: {  	[sflag:s29] =	ssyncadd.s32 $0xFFFFFFFF  }
0xbd: {  	_ =	strace $0x90000048  }
0xbe: {  	_ =	sfence  }
0xbf: {  	s30 =	sld [smem:$0x0];
	_ =	sdelay $0x2  }
0xc0: {  	s31 =	sshll.u32 s1, $0xD;
	s1 =	sshrl.u32 s1, $0x2  }
0xc1: {  	s3 =	sand.u32 $0x4000, s31;
	s1 =	sadd.s32 s1, s30  }
0xc2: {  	s0 =	sor.u32 s3, s0;
	s1 =	sshll.u32 s1, $0x11  }
0xc3: {  	s0 =	sor.u32 s1, s0  }
0xc4: {  	s0 =	sadd.s32 $0x8F2B, s0  }
0xc5: {  	[sflag:s0] =	ssyncadd.remote.s32 $0x1  }
0xc6: {  	_ =	sfence.sel $0xFFFF  }
0xc7: {  	[dreg:$0x0] =	wrdreg $0xFFFFFFFF;
	(pc) =	sbr.abs _section_cstart, $3  }
0xc8: {  	[dreg:$0x1] =	wrdreg $0xFFFFFFFF  }
0xc9: {  	_ =	task.clear_ibuf [dreg:s9], $0x2FFFF;
	_ =	strace $0x9FFFFFFF  }
0xca: {  	(tm) =	ssettm $0x7FFFFFFF  }
0xcb: {  	_ =	shalt  }
tec
execute0_lowered:
.L_overlay_start_1:
0x0: {  	(tag) =	ssettag $0x1  }
0x1: {  	s1 =	rddreg [dreg:$0x0]  }
0x2: {  	s2 =	rddreg [dreg:$0x1]  }
0x3: {  	s4 =	rddreg [dreg:$0x2]  }
0x4: {  	s10 =	rddreg [dreg:$0x3]  }
0x5: {  	s0 =	rddreg [dreg:$0x4];
	s6 =	srdreg.scid  }
0x6: {  	s3 =	stileid.u32;
	s5 =	simm.s32 $0x0;
	s15 =	simm.s32 $0x2780  }
0x7: {  	s16 =	simm.s32 $0x4F00;
	s17 =	simm.s32 $0x7680;
	s18 =	simm.s32 $0x9E00  }
0x8: {  	s19 =	simm.s32 $0xC580;
	s20 =	simm.s32 $0xED00;
	s21 =	simm.s32 $0x11480  }
0x9: {  	s22 =	simm.s32 $0x1;
	s23 =	simm.s32 $0x13C00;
	s24 =	simm.s32 $0x16380  }
0xa: {  	s25 =	simm.s32 $0x18B00;
	s6 =	sand.u32 $0x1, s6;
	s7 =	sshll.u32 s3, $0x1  }
0xb: {  	s26 =	simm.s32 $0x0;
	[smem:$0x7FF] =	sst s5;
	s7 =	sor.u32 s6, s7  }
0xc: {  	s8 =	sadd.s32 $0x600, s1;
	s9 =	ssub.s32 $0x2, s6;
	s11 =	smul.u32 $0x4E2, s7  }
0xd: {  	_ =	strace $0x80000047;
	s6 =	sadd.s32 $0x1200, s1;
	s12 =	sshrl.u32 s9, $0x1  }
0xe: {  	s7 =	sadd.s32 $0xC00, s1;
	s14 =	ssub.s32 s9, s12;
	s13 =	sadd.s32 s11, s1  }
0xf: {  	s10 =	sadd.s32 s10, s11;
	s14 =	smax.u32 s14, $0x1;
	s9 =	sadd.s32 $0x1800, s13  }
0x10: {  	s11 =	sadd.s32 $0xB600, s13;
	s12 =	sadd.s32 $0x15400, s13;
	s13 =	sadd.s32 $0x1F200, s13  }
.LBB2_1:
0x11: {  	[tilespmem:s5], [sflag:$0x1] =	stream.linear.gather [hbm4b:s6+s5], $0x2780, $0x38;
	[tilespmem:$0x1B280] =	vst v63  }
0x12: {  	_ = 	snop  }
0x13: {  	[tilespmem:s15], [sflag:$0x1] =	stream.linear.gather [hbm4b:s7+s5], $0x2780, $0x38;
	[tilespmem:$0x1B280] =	vst v63  }
0x14: {  	_ = 	snop  }
0x15: {  	[tilespmem:s16], [sflag:$0x1] =	stream.linear.gather [hbm4b:s2+s5], $0x2780, $0x38;
	[tilespmem:$0x1B280] =	vst v63  }
0x16: {  	_ = 	snop  }
0x17: {  	[tilespmem:s17], [sflag:$0x1] =	stream.linear.gather [hbm4b:s4+s5], $0x2780, $0x38;
	[tilespmem:$0x1B280] =	vst v63  }
0x18: {  	_ = 	snop  }
0x19: {  	[tilespmem:s18], [sflag:$0x1] =	stream.linear.gather [hbm4b:s1+s5], $0x2780, $0x38;
	[tilespmem:$0x1B280] =	vst v63  }
0x1a: {  	_ = 	snop  }
0x1b: {  	[tilespmem:s19], [sflag:$0x1] =	stream.linear.gather [hbm4b:s8+s5], $0x2780, $0x38;
	[tilespmem:$0x1B280] =	vst v63  }
0x1c: {  	_ = 	snop  }
0x1d: {  	[tilespmem:s20], [sflag:$0x1] =	stream.linear.gather [hbm4b:s9+s5], $0x2710, $0x38;
	[tilespmem:$0x1B280] =	vst v63  }
0x1e: {  	_ = 	snop  }
0x1f: {  	[tilespmem:s21], [sflag:$0x1] =	stream.linear.gather [hbm4b:s10+s5], $0x2710, $0x38;
	[tilespmem:$0x1B280] =	vst v63  }
0x20: {  	_ =	swait.ge [sflag:s22], $0x2780  }
0x21: {  	[sflag:s22] =	ssyncset.done $0x0  }
0x22: {  	[sflag:s22] =	ssyncadd.s32 $0xFFFFD880  }
0x23: {  	_ =	swait.ge [sflag:s22], $0x2780  }
0x24: {  	[sflag:s22] =	ssyncset.done $0x0  }
0x25: {  	[sflag:s22] =	ssyncadd.s32 $0xFFFFD880  }
0x26: {  	_ =	swait.ge [sflag:s22], $0x2780  }
0x27: {  	[sflag:s22] =	ssyncset.done $0x0  }
0x28: {  	[sflag:s22] =	ssyncadd.s32 $0xFFFFD880  }
0x29: {  	_ =	swait.ge [sflag:s22], $0x2780  }
0x2a: {  	[sflag:s22] =	ssyncset.done $0x0  }
0x2b: {  	[sflag:s22] =	ssyncadd.s32 $0xFFFFD880  }
0x2c: {  	_ =	swait.ge [sflag:s22], $0x2780  }
0x2d: {  	[sflag:s22] =	ssyncset.done $0x0  }
0x2e: {  	[sflag:s22] =	ssyncadd.s32 $0xFFFFD880  }
0x2f: {  	_ =	swait.ge [sflag:s22], $0x2780  }
0x30: {  	[sflag:s22] =	ssyncset.done $0x0  }
0x31: {  	[sflag:s22] =	ssyncadd.s32 $0xFFFFD880  }
0x32: {  	_ =	swait.ge [sflag:s22], $0x2710  }
0x33: {  	[sflag:s22] =	ssyncset.done $0x0  }
0x34: {  	[sflag:s22] =	ssyncadd.s32 $0xFFFFD8F0  }
0x35: {  	_ =	swait.ge [sflag:s22], $0x2710  }
0x36: {  	[sflag:s22] =	ssyncset.done $0x0  }
0x37: {  	s28 =	simm.s32 $0x0;
	[sflag:s22] =	ssyncadd.s32 $0xFFFFD8F0  }
0x38: {  	v0 =	vld [tilespmem:s28+$0xED00];
	_ =	sdelay $0x1  }
0x39: {  	v1 =	vld [tilespmem:s28+$0x11480];
	_ =	sdelay $0x5  }
0x3a: {  	v2 =	vld.idx.msk [tilespmem:v0+s15+$0x0], $0xffff  }
0x3b: {  	v3 =	vld.idx.msk [tilespmem:v0+s17+$0x0], $0xffff  }
0x3c: {  	v4 =	vld.idx.msk [tilespmem:v1+s17+$0x0], $0xffff  }
0x3d: {  	v5 =	vld.idx.msk [tilespmem:v1+s15+$0x0], $0xffff  }
0x3e: {  	v6 =	vld.idx.msk [tilespmem:v1+s5+$0x0], $0xffff  }
0x3f: {  	v7 =	vld.idx.msk [tilespmem:v0+s5+$0x0], $0xffff  }
0x40: {  	v8 =	vld.idx.msk [tilespmem:v1+s16+$0x0], $0xffff;
	v1 =	vmul.u32 $0x64, v3  }
0x41: {  	v3 =	vld.idx.msk [tilespmem:v0+s16+$0x0], $0xffff  }
0x42: {  	v9 =	vadd.s32 v4, v1;
	_ =	sdelay $0x1  }
0x43: {  	s29 =	simm.s32 $0x10;
	v1 =	vsub.f32 v2, v5;
	v2 =	vsub.f32 v7, v6  }
0x44: {  	v0 =	vld [tilespmem:s29+$0x11480]  }
0x45: {  	v4 =	vmul.f32 v1, v1;
	v1 =	vld [tilespmem:s29+$0xED00];
	v5 =	vmul.f32 v2, v2;
	v3 =	vsub.f32 v3, v8  }
0x46: {  	v2 =	vld.idx.msk [tilespmem:v9+s18+$0x0], $0xffff  }
0x47: {  	s30 =	simm.s32 $0x80;
	v4 =	vadd.f32 v4, v5;
	v5 =	vmul.f32 v3, v3;
	v3 =	vld.idx.msk [tilespmem:v9+s19+$0x0], $0xffff  }
.LBB2_2:
0x48: {  	p0 =	sne.s32 s30, $0x9C00;
	s31 =	smov.u32 s30;
	s30 =	sadd.s32 $0x40, s30  }
0x49: {  	v4 =	vadd.f32 v5, v4;
	_ =	sdelay $0x1  }
0x4a: {  	[tilespmem:s28+$0x13C00] =	vst v4  }
0x4b: {  	[tilespmem:s28+$0x16380] =	vst v2  }
0x4c: {  	[tilespmem:s28+$0x18B00] =	vst v3;
	s28 =	smov.u32 s29  }
0x4d: {  	v2 =	vld.idx.msk [tilespmem:v1+s15+$0x0], $0xffff  }
0x4e: {  	v3 =	vld.idx.msk [tilespmem:v1+s17+$0x0], $0xffff  }
0x4f: {  	v4 =	vld.idx.msk [tilespmem:v0+s17+$0x0], $0xffff  }
0x50: {  	v5 =	vld.idx.msk [tilespmem:v0+s15+$0x0], $0xffff  }
0x51: {  	v6 =	vld.idx.msk [tilespmem:v0+s5+$0x0], $0xffff  }
0x52: {  	v7 =	vld.idx.msk [tilespmem:v1+s5+$0x0], $0xffff  }
0x53: {  	v8 =	vld.idx.msk [tilespmem:v0+s16+$0x0], $0xffff  }
0x54: {  	v0 =	vmul.u32 $0x64, v3;
	v9 =	vld.idx.msk [tilespmem:v1+s16+$0x0], $0xffff;
	_ =	sdelay $0x1  }
0x55: {  	v1 =	vsub.f32 v2, v5;
	v3 =	vadd.s32 v4, v0  }
0x56: {  	s29 =	sshra.s32 s31, $0x2  }
.Ltmp0:
0x57: {  	v2 =	vsub.f32 v7, v6;
	v4 =	vmul.f32 v1, v1;
	v0 =	vld [tilespmem:s29+$0x11480];
	(pc) =	sbr.rel @p0 .LBB2_2-.Ltmp0, $4  }
0x58: {  	_ = 	snop  }
0x59: {  	v5 =	vsub.f32 v9, v8;
	v6 =	vmul.f32 v2, v2;
	v1 =	vld [tilespmem:s29+$0xED00]  }
0x5a: {  	v2 =	vld.idx.msk [tilespmem:v3+s18+$0x0], $0xffff  }
0x5b: {  	v4 =	vadd.f32 v4, v6;
	v5 =	vmul.f32 v5, v5;
	v3 =	vld.idx.msk [tilespmem:v3+s19+$0x0], $0xffff  }
0x5c: {  	_ = 	snop  }
0x5d: {  	v4 =	vadd.f32 v5, v4;
	_ =	sdelay $0x1  }
0x5e: {  	[tilespmem:s28+$0x13C00] =	vst v4  }
0x5f: {  	[tilespmem:s28+$0x16380] =	vst v2  }
0x60: {  	[tilespmem:s28+$0x18B00] =	vst v3  }
0x61: {  	v2 =	vld.idx.msk [tilespmem:v1+s15+$0x0], $0xffff  }
0x62: {  	v3 =	vld.idx.msk [tilespmem:v1+s17+$0x0], $0xffff  }
0x63: {  	v4 =	vld.idx.msk [tilespmem:v0+s17+$0x0], $0xffff  }
0x64: {  	v57 =	vld.idx.msk [tilespmem:v0+s15+$0x0], $0xffff  }
0x65: {  	v6 =	vld.idx.msk [tilespmem:v0+s5+$0x0], $0xffff  }
0x66: {  	v7 =	vld.idx.msk [tilespmem:v1+s5+$0x0], $0xffff  }
0x67: {  	v58 =	vld.idx.msk [tilespmem:v0+s16+$0x0], $0xffff  }
0x68: {  	v59 =	vld.idx.msk [tilespmem:v1+s16+$0x0], $0xffff;
	v3 =	vmul.u32 $0x64, v3;
	_ =	sdelay $0x1  }
0x69: {  	v3 =	vadd.s32 v4, v3  }
0x6a: {  	v2 =	vsub.f32 v2, v57;
	v60 =	vsub.f32 v7, v6;
	_ =	sdelay $0x1  }
0x6b: {  	v0 =	vsub.f32 v59, v58;
	v2 =	vmul.f32 v2, v2;
	v61 =	vmul.f32 v60, v60;
	_ =	sdelay $0x1  }
0x6c: {  	v0 =	vmul.f32 v0, v0;
	v1 =	vadd.f32 v2, v61;
	v62 =	vld.idx.msk [tilespmem:v3+s18+$0x0], $0xffff  }
0x6d: {  	v63 =	vld.idx.msk [tilespmem:v3+s19+$0x0], $0xffff  }
0x6e: {  	v0 =	vadd.f32 v0, v1;
	_ =	sdelay $0x1  }
0x6f: {  	[tilespmem:s29+$0x13C00] =	vst v0  }
0x70: {  	[tilespmem:s29+$0x16380] =	vst v62  }
0x71: {  	[tilespmem:s29+$0x18B00] =	vst v63  }
0x72: {  	[hbm4b:s11+s5] =	stream.linear.scatter [tilespmem:s23], [sflag:$0x1], $0x2710, $0x38;
	[tilespmem:$0x1B280] =	vst v63  }
0x73: {  	_ = 	snop  }
0x74: {  	[hbm4b:s12+s5] =	stream.linear.scatter [tilespmem:s24], [sflag:$0x1], $0x2710, $0x38;
	[tilespmem:$0x1B280] =	vst v63  }
0x75: {  	_ = 	snop  }
0x76: {  	[hbm4b:s13+s5] =	stream.linear.scatter [tilespmem:s25], [sflag:$0x1], $0x2710, $0x38;
	[tilespmem:$0x1B280] =	vst v63  }
0x77: {  	_ =	swait.ge [sflag:s22], $0x2710  }
0x78: {  	[sflag:s22] =	ssyncset.done $0x0  }
0x79: {  	s26 =	sadd.s32 $0x1, s26;
	[sflag:s22] =	ssyncadd.s32 $0xFFFFD8F0  }
0x7a: {  	p0 =	sne.s32 s26, s14;
	_ =	swait.ge [sflag:s22], $0x2710  }
.Ltmp1:
0x7b: {  	[sflag:s22] =	ssyncset.done $0x0;
	(pc) =	sbr.rel @p0 .LBB2_1-.Ltmp1, $4  }
0x7c: {  	[sflag:s22] =	ssyncadd.s32 $0xFFFFD8F0  }
0x7d: {  	_ =	swait.ge [sflag:s22], $0x2710  }
0x7e: {  	[sflag:s22] =	ssyncset.done $0x0  }
0x7f: {  	[sflag:s22] =	ssyncadd.s32 $0xFFFFD8F0  }
0x80: {  	_ =	sfence.sel $0x180000  }
0x81: {  	[bflag:$0x0] =	sbarrier.arrive $0xFFFF  }
0x82: {  	p0 =	sne.s32 s3, $0x0;
	_ =	strace $0x90000047  }
0x83: {  	s0 =	sadd.s32 @!p0 $0x100000, s0;
	[bflag:$0x2] =	sbarrier.arrive $0xFFFF  }
0x84: {  	[sflag:s0] =	ssyncadd.tile.s32 @!p0 $0x1;
	_ =	shalt  }
.Lfunc_end2:
_tile_overlayer_lowered:
.L_overlay_start_2:
0x85: {  	(tag) =	ssettag $0x2  }
0x86: {  	s0 =	rddreg [dreg:$0x0];
	s2 =	stileid.u32  }
0x87: {  	s1 =	rddreg [dreg:$0x1];
	p0 =	sne.s32 s2, $0x0  }
0x88: {  	s3 =	rddreg [dreg:$0x2];
	[bflag:$0x3] =	sbarrier.arrive $0xFFFF;
	s2 =	simm.s32 @!p0 $0x1C02  }
0x89: {  	[timem:s3], [sflag:s2] =	dma.local @!p0 [hbm:s0], s1  }
0x8a: {  	s0 =	simm.s32 @!p0 $0x2  }
0x8b: {  	_ =	swait.ge @!p0 [sflag:s0], s1  }
0x8c: {  	s1 =	ssub.s32 @!p0 $0x0, s1;
	[sflag:s0] =	ssyncset.done @!p0 $0x0  }
0x8d: {  	[sflag:s0] =	ssyncadd.s32 @!p0 s1  }
0x8e: {  	[bflag:$0x3] =	sbarrier.arrive $0xFFFF  }
0x8f: {  	_ =	shalt  }

</sc_bundles>
